<compile_context>
chip_gen: v7x
topology: tpu7x:2x2x1
jax: 0.10.2.dev20260603
libtpu: 0.0.44.dev20260713+nightly
codegen_flags: <defaults>
</compile_context>

<pallas_src>
import functools

import jax
import jax.numpy as jnp
from jax import lax
from jax.experimental import pallas as pl
from jax.experimental.pallas import tpu as pltpu
from jax.experimental.pallas import tpu_sc as plsc

N = 10000
E = 320000
D = 128

NC = 2
NS = 16
NW = NC * NS

K = 64
CHUNKS = 160
IB = 16
NBUF = 4
EPT = K * CHUNKS
EPT_REAL = E // NW
FILL = EPT - EPT_REAL
N_PAD = 10240
ROWS_PT = N_PAD // NS

_mesh = plsc.VectorSubcoreMesh(
    core_axis_name="c", subcore_axis_name="s", num_cores=NC, num_subcores=NS)



@functools.partial(
    pl.kernel,
    out_type=jax.ShapeDtypeStruct((NC, N_PAD), jnp.float32),
    mesh=_mesh,
    scratch_types=[
        pltpu.VMEM((CHUNKS // 2, 2 * K), jnp.int32),
        pltpu.VMEM((2 * K,), jnp.float32),
        pltpu.VMEM((2 * K,), jnp.float32),
        pltpu.VMEM((ROWS_PT,), jnp.float32),
        pltpu.VMEM_SHARED((N_PAD,), jnp.float32),
    ],
)
def _sc_degree(dst_hbm, ones_hbm, zeros_hbm, deg_out, idx_v, ones_v, zeros_v,
               bounce_v, deg_sh):
    c = lax.axis_index("c")
    s = lax.axis_index("s")
    wid = s * NC + c
    row0 = s * ROWS_PT
    pltpu.sync_copy(ones_hbm, ones_v)
    pltpu.sync_copy(zeros_hbm, zeros_v)
    for j in range(ROWS_PT // (2 * K)):
        pltpu.sync_copy(zeros_v, deg_sh.at[pl.ds(row0 + j * 2 * K, 2 * K)])
    pltpu.sync_copy(dst_hbm.at[wid], idx_v)
    plsc.subcore_barrier()

    def body(j, _):
        pltpu.sync_copy(ones_v, deg_sh.at[idx_v.at[j]], add=True)
        return ()

    lax.fori_loop(0, CHUNKS // 2, body, ())
    plsc.subcore_barrier()
    pltpu.sync_copy(deg_sh.at[pl.ds(row0, ROWS_PT)], bounce_v)
    pltpu.sync_copy(bounce_v, deg_out.at[c, pl.ds(row0, ROWS_PT)])


@functools.partial(
    pl.kernel,
    out_type=jax.ShapeDtypeStruct((NC, N_PAD, D), jnp.float32),
    mesh=_mesh,
    scratch_types=[
        pltpu.VMEM((EPT,), jnp.int32),
        pltpu.VMEM((2, IB, K), jnp.int32),
        pltpu.VMEM((NBUF, K, D), jnp.float32),
        pltpu.VMEM_SHARED((N_PAD, D), jnp.float32),
        pltpu.SemaphoreType.DMA((NBUF,)),
        pltpu.SemaphoreType.DMA,
    ],
)
def _sc_scatter(hp_hbm, ei_hbm, dst_hbm, fill_hbm, zrows_hbm, out_hbm, src_v,
                dst_v, rows_v, acc_sh, sems, sem_d):
    c = lax.axis_index("c")
    s = lax.axis_index("s")
    wid = s * NC + c
    row0 = s * ROWS_PT

    def dst_block_copy(jb, bp):
        return pltpu.make_async_copy(
            dst_hbm.at[wid, pl.ds(jb * IB, IB)], dst_v.at[bp], sem_d)

    def gather(j, b):
        idx = src_v.at[pl.ds(j * K, K)]
        return pltpu.make_async_copy(
            hp_hbm.at[idx], rows_v.at[b], sems.at[b])

    pltpu.sync_copy(zrows_hbm, rows_v.at[0])
    zstores = [
        pltpu.make_async_copy(rows_v.at[0],
                              acc_sh.at[pl.ds(row0 + j * K, K)], sems.at[0])
        for j in range(ROWS_PT // K)
    ]
    for z in zstores:
        z.start()
    pltpu.sync_copy(ei_hbm.at[pl.ds(wid * EPT_REAL, EPT_REAL)],
                    src_v.at[pl.ds(0, EPT_REAL)])
    pltpu.sync_copy(fill_hbm, src_v.at[pl.ds(EPT_REAL, EPT - EPT_REAL)])
    dst_block_copy(0, 0).start()
    for z in zstores:
        z.wait()
    plsc.subcore_barrier()

    for b in range(NBUF - 1):
        gather(b, b).start()
    dst_block_copy(0, 0).wait()
    dst_block_copy(1, 1).start()

    def body(j, _):
        b = lax.rem(j, NBUF)
        jb = lax.div(j, IB)
        ji = lax.rem(j, IB)
        bp = lax.rem(jb, 2)

        @pl.when(j + NBUF - 1 < CHUNKS)
        def _():
            gather(j + NBUF - 1, lax.rem(j + NBUF - 1, NBUF)).start()

        gather(j, b).wait()

        @pl.when((ji == 0) & (jb >= 1))
        def _():
            dst_block_copy(jb, bp).wait()

            @pl.when(jb + 1 < CHUNKS // IB)
            def _():
                dst_block_copy(jb + 1, 1 - bp).start()

        pltpu.sync_copy(rows_v.at[b], acc_sh.at[dst_v.at[bp, ji]], add=True)
        return ()

    lax.fori_loop(0, CHUNKS, body, ())
    plsc.subcore_barrier()

    def w_st(j, sl):
        return pltpu.make_async_copy(
            acc_sh.at[pl.ds(row0 + j * K, K)], rows_v.at[sl], sems.at[sl])

    def w_th(j, sl):
        return pltpu.make_async_copy(
            rows_v.at[sl], out_hbm.at[c, pl.ds(row0 + j * K, K)],
            sems.at[2 + sl])

    n_wo = ROWS_PT // K
    w_st(0, 0).start()
    for j in range(n_wo):
        sl = j % 2
        w_st(j, sl).wait()
        if j + 1 < n_wo:
            if j >= 1:
                w_th(j - 1, (j - 1) % 2).wait()
            w_st(j + 1, (j + 1) % 2).start()
        w_th(j, sl).start()
    w_th(n_wo - 2, (n_wo - 2) % 2).wait()
    w_th(n_wo - 1, (n_wo - 1) % 2).wait()



BM = 2048


def _tc_mm_body(x_ref, w_ref, h_ref):
    h_ref[...] = jnp.dot(x_ref[...], w_ref[...],
                         preferred_element_type=jnp.float32)


def _tc_mm(x_p, w1):
    return pl.pallas_call(
        _tc_mm_body,
        grid=(N_PAD // BM,),
        in_specs=[
            pl.BlockSpec((BM, D), lambda i: (i, 0)),
            pl.BlockSpec((D, D), lambda i: (0, 0)),
        ],
        out_specs=pl.BlockSpec((BM, D), lambda i: (i, 0)),
        out_shape=jax.ShapeDtypeStruct((N_PAD, D), jnp.float32),
    )(x_p, w1)


def _tc1_body(h_ref, degp_ref, hp_ref, dinv_ref):
    deg = degp_ref[0, :] + degp_ref[1, :] + 1.0
    dinv = (1.0 / jnp.sqrt(deg))[:, None]
    hp_ref[...] = h_ref[...] * dinv
    dinv_ref[...] = dinv


def _tc1(h, degp):
    return pl.pallas_call(
        _tc1_body,
        grid=(N_PAD // BM,),
        in_specs=[
            pl.BlockSpec((BM, D), lambda i: (i, 0)),
            pl.BlockSpec((NC, BM), lambda i: (0, i)),
        ],
        out_specs=[
            pl.BlockSpec((BM, D), lambda i: (i, 0)),
            pl.BlockSpec((BM, 1), lambda i: (i, 0)),
        ],
        out_shape=[
            jax.ShapeDtypeStruct((N_PAD, D), jnp.float32),
            jax.ShapeDtypeStruct((N_PAD, 1), jnp.float32),
        ],
    )(h, degp)


def _tc2_body(part_ref, hp_ref, dinv_ref, b_ref, w_ref, out_ref):
    t = (part_ref[0] + part_ref[1] + hp_ref[...]) * dinv_ref[...] + b_ref[...]
    t = jnp.maximum(t, 0.0)
    h = jnp.dot(t, w_ref[...], preferred_element_type=jnp.float32)
    out_ref[...] = h * dinv_ref[...]


def _tc2(part, hp, dinv, b, w):
    return pl.pallas_call(
        _tc2_body,
        grid=(N_PAD // BM,),
        in_specs=[
            pl.BlockSpec((NC, BM, D), lambda i: (0, i, 0)),
            pl.BlockSpec((BM, D), lambda i: (i, 0)),
            pl.BlockSpec((BM, 1), lambda i: (i, 0)),
            pl.BlockSpec((1, D), lambda i: (0, 0)),
            pl.BlockSpec((D, D), lambda i: (0, 0)),
        ],
        out_specs=pl.BlockSpec((BM, D), lambda i: (i, 0)),
        out_shape=jax.ShapeDtypeStruct((N_PAD, D), jnp.float32),
    )(part, hp, dinv, b.reshape(1, D), w)


def _tc3_body(part_ref, hp_ref, dinv_ref, b_ref, out_ref):
    out_ref[...] = ((part_ref[0] + part_ref[1] + hp_ref[...]) * dinv_ref[...]
                    + b_ref[...])


def _tc3(part, hp, dinv, b):
    bm = 1000
    return pl.pallas_call(
        _tc3_body,
        grid=(N // bm,),
        in_specs=[
            pl.BlockSpec((NC, bm, D), lambda i: (0, i, 0)),
            pl.BlockSpec((bm, D), lambda i: (i, 0)),
            pl.BlockSpec((bm, 1), lambda i: (i, 0)),
            pl.BlockSpec((1, D), lambda i: (0, 0)),
        ],
        out_specs=pl.BlockSpec((bm, D), lambda i: (i, 0)),
        out_shape=jax.ShapeDtypeStruct((N, D), jnp.float32),
    )(part, hp, dinv, b.reshape(1, D))


def _tc_ques_body(q_ref, w_ref, b_ref, out_ref):
    out_ref[...] = jnp.dot(q_ref[...], w_ref[...],
                           preferred_element_type=jnp.float32) + b_ref[...]


def _tc_ques(q_emb, wq, bq):
    return pl.pallas_call(
        _tc_ques_body,
        out_shape=jax.ShapeDtypeStruct(q_emb.shape, jnp.float32),
    )(q_emb, wq, bq.reshape(1, D))



def kernel(x, edge_index, W1, b1, W2, b2, Wq, bq, q_emb):
    dst = edge_index[1]
    fill = N + jnp.arange(FILL, dtype=jnp.int32)
    dst_pad = jnp.concatenate(
        [dst.reshape(NW, EPT_REAL),
         jnp.broadcast_to(fill, (NW, FILL))], axis=1)
    dst_p = dst_pad.reshape(NW, CHUNKS, K)
    dst_p_wide = dst_pad.reshape(NW, CHUNKS // 2, 2 * K)
    x_p = jnp.pad(x, ((0, N_PAD - N), (0, 0)))

    ones_k = jnp.ones((2 * K,), jnp.float32)
    zeros_k = jnp.zeros((2 * K,), jnp.float32)
    zrows = jnp.zeros((K, D), jnp.float32)

    degp = _sc_degree(dst_p_wide, ones_k, zeros_k)
    h1 = _tc_mm(x_p, W1)
    hp1, dinv = _tc1(h1, degp)
    src_flat = edge_index[0]
    part1 = _sc_scatter(hp1, src_flat, dst_p, fill, zrows)
    hp2 = _tc2(part1, hp1, dinv, b1, W2)
    part2 = _sc_scatter(hp2, src_flat, dst_p, fill, zrows)
    h2 = _tc3(part2, hp2, dinv, b2)
    ques = _tc_ques(q_emb, Wq, bq)
    return (ques, h2)

# --- scband reference (transcript-rebuilt; emitter-appended) ---
"""Pipeline reference for scband-gcnmodel-16776142258488 (READ-ONLY COPY).

The authoritative reference and input builder live on the scoring server;
editing this copy changes nothing except your own understanding.
"""

import jax, jax.numpy as jnp
import numpy as np

N = 10000
E = 320000
D_IN = 128
D_OUT = 128
Q = 8


def gcn_conv(x, edge_index, W, b):
    n = x.shape[0]
    loop = jnp.arange(n, dtype=edge_index.dtype)
    src = jnp.concatenate([edge_index[0], loop])
    dst = jnp.concatenate([edge_index[1], loop])
    deg = jnp.zeros((n,), x.dtype).at[dst].add(1.0)
    dinv = jnp.where(deg > 0, 1.0 / jnp.sqrt(deg), 0.0)
    norm = dinv[src] * dinv[dst]
    h = x @ W
    msgs = h[src] * norm[:, None]
    out = jnp.zeros((n, W.shape[1]), x.dtype).at[dst].add(msgs)
    return out + b


def setup_inputs(seed: int = 0) -> dict:
    key = jax.random.key(seed)
    ks = jax.random.split(key, 8)
    x = jax.random.normal(ks[0], (N, D_IN), dtype=jnp.float32)
    edge_index = jax.random.randint(ks[1], (2, E), 0, N, dtype=jnp.int32)
    W1 = jax.random.normal(ks[2], (D_IN, D_OUT), dtype=jnp.float32) * (1.0 / np.sqrt(D_IN))
    b1 = jnp.zeros((D_OUT,), jnp.float32)
    W2 = jax.random.normal(ks[3], (D_OUT, D_OUT), dtype=jnp.float32) * (1.0 / np.sqrt(D_OUT))
    b2 = jnp.zeros((D_OUT,), jnp.float32)
    Wq = jax.random.normal(ks[4], (D_IN, D_OUT), dtype=jnp.float32) * (1.0 / np.sqrt(D_IN))
    bq = jnp.zeros((D_OUT,), jnp.float32)
    q_emb = jnp.ones((Q, D_IN), jnp.float32)
    return {"x": x, "edge_index": edge_index, "W1": W1, "b1": b1, "W2": W2, "b2": b2, "Wq": Wq, "bq": bq, "q_emb": q_emb}


def reference(x, edge_index, W1, b1, W2, b2, Wq, bq, q_emb):
    # dropout rates are 0.0 -> identity (eval-mode faithful)
    h1 = jax.nn.relu(gcn_conv(x, edge_index, W1, b1))
    h2 = gcn_conv(h1, edge_index, W2, b2)
    ques = q_emb @ Wq + bq
    return (ques, h2)

if __name__ == "__main__":
    import jax
    _d = setup_inputs()
    print(jax.jit(kernel)(*tuple(_d.values())))

</pallas_src>

<mosaic_0001>
#map = affine_map<(d0, d1) -> (0, 0, 0)>
#map1 = affine_map<(d0, d1) -> (0)>
#map2 = affine_map<(d0, d1) -> (0, 0)>
module attributes {stable_mosaic.version = 14 : i64} {
  func.func @_sc_degree(%arg0: i32, %arg1: i32, %arg2: memref<32x80x128xi32, #tpu.memory_space<hbm>>, %arg3: memref<128xf32, #tpu.memory_space<hbm>>, %arg4: memref<128xf32, #tpu.memory_space<hbm>>, %arg5: memref<2x10240xf32, #tpu.memory_space<hbm>>, %arg6: memref<80x128xi32, #tpu.memory_space<vmem>>, %arg7: memref<128xf32, #tpu.memory_space<vmem>>, %arg8: memref<128xf32, #tpu.memory_space<vmem>>, %arg9: memref<640xf32, #tpu.memory_space<vmem>>, %arg10: memref<10240xf32, #tpu.memory_space<vmem_shared>>) attributes {dimension_semantics = [#tpu.dimension_semantics<core_parallel>, #tpu.dimension_semantics<subcore_parallel>], iteration_bounds = array<i64: 2, 16>, scalar_prefetch = 0 : i64, scratch_operands = 5 : i64, tpu.core_type = #tpu.core_type<sc_vector_subcore>, window_params = [{transform_indices = #map}, {transform_indices = #map1}, {transform_indices = #map1}, {transform_indices = #map2}]} {
    %mul3A = arith.constant 2 : i32
    %mul3A_0 = arith.muli %arg1, %mul3A : i32
    %add3A = arith.addi %mul3A_0, %arg0 : i32
    %mul3A_1 = arith.constant 640 : i32
    %mul3A_2 = arith.muli %arg1, %mul3A_1 : i32
    "tpu.region"() ({
      %run_scoped3A = tpu.sem_alloc : memref<!tpu.dma_semaphore, #tpu.memory_space<semaphore_mem>>
      tpu.enqueue_dma source(%arg3 : memref<128xf32, #tpu.memory_space<hbm>>) target(%arg7 : memref<128xf32, #tpu.memory_space<vmem>>) target_semaphore(%run_scoped3A : memref<!tpu.dma_semaphore, #tpu.memory_space<semaphore_mem>>)
      tpu.wait_dma2 semaphore(%run_scoped3A : memref<!tpu.dma_semaphore, #tpu.memory_space<semaphore_mem>>) src(%arg3 : memref<128xf32, #tpu.memory_space<hbm>>) dst(%arg7 : memref<128xf32, #tpu.memory_space<vmem>>)
      tpu.yield
    }) : () -> ()
    "tpu.region"() ({
      %run_scoped3A = tpu.sem_alloc : memref<!tpu.dma_semaphore, #tpu.memory_space<semaphore_mem>>
      tpu.enqueue_dma source(%arg4 : memref<128xf32, #tpu.memory_space<hbm>>) target(%arg8 : memref<128xf32, #tpu.memory_space<vmem>>) target_semaphore(%run_scoped3A : memref<!tpu.dma_semaphore, #tpu.memory_space<semaphore_mem>>)
      tpu.wait_dma2 semaphore(%run_scoped3A : memref<!tpu.dma_semaphore, #tpu.memory_space<semaphore_mem>>) src(%arg4 : memref<128xf32, #tpu.memory_space<hbm>>) dst(%arg8 : memref<128xf32, #tpu.memory_space<vmem>>)
      tpu.yield
    }) : () -> ()
    %add3A_3 = arith.constant 0 : i32
    %add3A_4 = arith.addi %mul3A_2, %add3A_3 : i32
    "tpu.region"() ({
      %run_scoped3A = tpu.sem_alloc : memref<!tpu.dma_semaphore, #tpu.memory_space<semaphore_mem>>
      %dma_start3A = tpu.memref_slice %arg10[%add3A_4] : memref<10240xf32, #tpu.memory_space<vmem_shared>> -> memref<128xf32, #tpu.memory_space<vmem_shared>>
      %dma_start3A_18 = tpu.memref_slice %arg10[%add3A_4] : memref<10240xf32, #tpu.memory_space<vmem_shared>> -> memref<128xf32, #tpu.memory_space<vmem_shared>>
      tpu.enqueue_dma source(%arg8 : memref<128xf32, #tpu.memory_space<vmem>>) target(%dma_start3A_18 : memref<128xf32, #tpu.memory_space<vmem_shared>>) target_semaphore(%run_scoped3A : memref<!tpu.dma_semaphore, #tpu.memory_space<semaphore_mem>>)
      %dma_wait3A = tpu.memref_slice %arg10[%add3A_4] : memref<10240xf32, #tpu.memory_space<vmem_shared>> -> memref<128xf32, #tpu.memory_space<vmem_shared>>
      %dma_wait3A_19 = tpu.memref_slice %arg10[%add3A_4] : memref<10240xf32, #tpu.memory_space<vmem_shared>> -> memref<128xf32, #tpu.memory_space<vmem_shared>>
      tpu.wait_dma2 semaphore(%run_scoped3A : memref<!tpu.dma_semaphore, #tpu.memory_space<semaphore_mem>>) src(%arg8 : memref<128xf32, #tpu.memory_space<vmem>>) dst(%dma_wait3A_19 : memref<128xf32, #tpu.memory_space<vmem_shared>>)
      tpu.yield
    }) : () -> ()
    %add3A_5 = arith.constant 128 : i32
    %add3A_6 = arith.addi %mul3A_2, %add3A_5 : i32
    "tpu.region"() ({
      %run_scoped3A = tpu.sem_alloc : memref<!tpu.dma_semaphore, #tpu.memory_space<semaphore_mem>>
      %dma_start3A = tpu.memref_slice %arg10[%add3A_6] : memref<10240xf32, #tpu.memory_space<vmem_shared>> -> memref<128xf32, #tpu.memory_space<vmem_shared>>
      %dma_start3A_18 = tpu.memref_slice %arg10[%add3A_6] : memref<10240xf32, #tpu.memory_space<vmem_shared>> -> memref<128xf32, #tpu.memory_space<vmem_shared>>
      tpu.enqueue_dma source(%arg8 : memref<128xf32, #tpu.memory_space<vmem>>) target(%dma_start3A_18 : memref<128xf32, #tpu.memory_space<vmem_shared>>) target_semaphore(%run_scoped3A : memref<!tpu.dma_semaphore, #tpu.memory_space<semaphore_mem>>)
      %dma_wait3A = tpu.memref_slice %arg10[%add3A_6] : memref<10240xf32, #tpu.memory_space<vmem_shared>> -> memref<128xf32, #tpu.memory_space<vmem_shared>>
      %dma_wait3A_19 = tpu.memref_slice %arg10[%add3A_6] : memref<10240xf32, #tpu.memory_space<vmem_shared>> -> memref<128xf32, #tpu.memory_space<vmem_shared>>
      tpu.wait_dma2 semaphore(%run_scoped3A : memref<!tpu.dma_semaphore, #tpu.memory_space<semaphore_mem>>) src(%arg8 : memref<128xf32, #tpu.memory_space<vmem>>) dst(%dma_wait3A_19 : memref<128xf32, #tpu.memory_space<vmem_shared>>)
      tpu.yield
    }) : () -> ()
    %add3A_7 = arith.constant 256 : i32
    %add3A_8 = arith.addi %mul3A_2, %add3A_7 : i32
    "tpu.region"() ({
      %run_scoped3A = tpu.sem_alloc : memref<!tpu.dma_semaphore, #tpu.memory_space<semaphore_mem>>
      %dma_start3A = tpu.memref_slice %arg10[%add3A_8] : memref<10240xf32, #tpu.memory_space<vmem_shared>> -> memref<128xf32, #tpu.memory_space<vmem_shared>>
      %dma_start3A_18 = tpu.memref_slice %arg10[%add3A_8] : memref<10240xf32, #tpu.memory_space<vmem_shared>> -> memref<128xf32, #tpu.memory_space<vmem_shared>>
      tpu.enqueue_dma source(%arg8 : memref<128xf32, #tpu.memory_space<vmem>>) target(%dma_start3A_18 : memref<128xf32, #tpu.memory_space<vmem_shared>>) target_semaphore(%run_scoped3A : memref<!tpu.dma_semaphore, #tpu.memory_space<semaphore_mem>>)
      %dma_wait3A = tpu.memref_slice %arg10[%add3A_8] : memref<10240xf32, #tpu.memory_space<vmem_shared>> -> memref<128xf32, #tpu.memory_space<vmem_shared>>
      %dma_wait3A_19 = tpu.memref_slice %arg10[%add3A_8] : memref<10240xf32, #tpu.memory_space<vmem_shared>> -> memref<128xf32, #tpu.memory_space<vmem_shared>>
      tpu.wait_dma2 semaphore(%run_scoped3A : memref<!tpu.dma_semaphore, #tpu.memory_space<semaphore_mem>>) src(%arg8 : memref<128xf32, #tpu.memory_space<vmem>>) dst(%dma_wait3A_19 : memref<128xf32, #tpu.memory_space<vmem_shared>>)
      tpu.yield
    }) : () -> ()
    %add3A_9 = arith.constant 384 : i32
    %add3A_10 = arith.addi %mul3A_2, %add3A_9 : i32
    "tpu.region"() ({
      %run_scoped3A = tpu.sem_alloc : memref<!tpu.dma_semaphore, #tpu.memory_space<semaphore_mem>>
      %dma_start3A = tpu.memref_slice %arg10[%add3A_10] : memref<10240xf32, #tpu.memory_space<vmem_shared>> -> memref<128xf32, #tpu.memory_space<vmem_shared>>
      %dma_start3A_18 = tpu.memref_slice %arg10[%add3A_10] : memref<10240xf32, #tpu.memory_space<vmem_shared>> -> memref<128xf32, #tpu.memory_space<vmem_shared>>
      tpu.enqueue_dma source(%arg8 : memref<128xf32, #tpu.memory_space<vmem>>) target(%dma_start3A_18 : memref<128xf32, #tpu.memory_space<vmem_shared>>) target_semaphore(%run_scoped3A : memref<!tpu.dma_semaphore, #tpu.memory_space<semaphore_mem>>)
      %dma_wait3A = tpu.memref_slice %arg10[%add3A_10] : memref<10240xf32, #tpu.memory_space<vmem_shared>> -> memref<128xf32, #tpu.memory_space<vmem_shared>>
      %dma_wait3A_19 = tpu.memref_slice %arg10[%add3A_10] : memref<10240xf32, #tpu.memory_space<vmem_shared>> -> memref<128xf32, #tpu.memory_space<vmem_shared>>
      tpu.wait_dma2 semaphore(%run_scoped3A : memref<!tpu.dma_semaphore, #tpu.memory_space<semaphore_mem>>) src(%arg8 : memref<128xf32, #tpu.memory_space<vmem>>) dst(%dma_wait3A_19 : memref<128xf32, #tpu.memory_space<vmem_shared>>)
      tpu.yield
    }) : () -> ()
    %add3A_11 = arith.constant 512 : i32
    %add3A_12 = arith.addi %mul3A_2, %add3A_11 : i32
    "tpu.region"() ({
      %run_scoped3A = tpu.sem_alloc : memref<!tpu.dma_semaphore, #tpu.memory_space<semaphore_mem>>
      %dma_start3A = tpu.memref_slice %arg10[%add3A_12] : memref<10240xf32, #tpu.memory_space<vmem_shared>> -> memref<128xf32, #tpu.memory_space<vmem_shared>>
      %dma_start3A_18 = tpu.memref_slice %arg10[%add3A_12] : memref<10240xf32, #tpu.memory_space<vmem_shared>> -> memref<128xf32, #tpu.memory_space<vmem_shared>>
      tpu.enqueue_dma source(%arg8 : memref<128xf32, #tpu.memory_space<vmem>>) target(%dma_start3A_18 : memref<128xf32, #tpu.memory_space<vmem_shared>>) target_semaphore(%run_scoped3A : memref<!tpu.dma_semaphore, #tpu.memory_space<semaphore_mem>>)
      %dma_wait3A = tpu.memref_slice %arg10[%add3A_12] : memref<10240xf32, #tpu.memory_space<vmem_shared>> -> memref<128xf32, #tpu.memory_space<vmem_shared>>
      %dma_wait3A_19 = tpu.memref_slice %arg10[%add3A_12] : memref<10240xf32, #tpu.memory_space<vmem_shared>> -> memref<128xf32, #tpu.memory_space<vmem_shared>>
      tpu.wait_dma2 semaphore(%run_scoped3A : memref<!tpu.dma_semaphore, #tpu.memory_space<semaphore_mem>>) src(%arg8 : memref<128xf32, #tpu.memory_space<vmem>>) dst(%dma_wait3A_19 : memref<128xf32, #tpu.memory_space<vmem_shared>>)
      tpu.yield
    }) : () -> ()
    "tpu.region"() ({
      %run_scoped3A = tpu.sem_alloc : memref<!tpu.dma_semaphore, #tpu.memory_space<semaphore_mem>>
      %dma_start3A = arith.constant 0 : i32
      %dma_start3A_18 = arith.constant 0 : i32
      %dma_start3A_19 = tpu.memref_slice %arg2[%add3A, %dma_start3A, %dma_start3A_18] : memref<32x80x128xi32, #tpu.memory_space<hbm>> -> memref<1x80x128xi32, #tpu.memory_space<hbm>>
      %dma_start3A_20 = tpu.memref_squeeze %dma_start3A_19 : memref<1x80x128xi32, #tpu.memory_space<hbm>> -> memref<80x128xi32, #tpu.memory_space<hbm>>
      %dma_start3A_21 = arith.constant 0 : i32
      %dma_start3A_22 = arith.constant 0 : i32
      %dma_start3A_23 = tpu.memref_slice %arg2[%add3A, %dma_start3A_21, %dma_start3A_22] : memref<32x80x128xi32, #tpu.memory_space<hbm>> -> memref<1x80x128xi32, #tpu.memory_space<hbm>>
      %dma_start3A_24 = tpu.memref_squeeze %dma_start3A_23 : memref<1x80x128xi32, #tpu.memory_space<hbm>> -> memref<80x128xi32, #tpu.memory_space<hbm>>
      tpu.enqueue_dma source(%dma_start3A_24 : memref<80x128xi32, #tpu.memory_space<hbm>>) target(%arg6 : memref<80x128xi32, #tpu.memory_space<vmem>>) target_semaphore(%run_scoped3A : memref<!tpu.dma_semaphore, #tpu.memory_space<semaphore_mem>>)
      %dma_wait3A = arith.constant 0 : i32
      %dma_wait3A_25 = arith.constant 0 : i32
      %dma_wait3A_26 = tpu.memref_slice %arg2[%add3A, %dma_wait3A, %dma_wait3A_25] : memref<32x80x128xi32, #tpu.memory_space<hbm>> -> memref<1x80x128xi32, #tpu.memory_space<hbm>>
      %dma_wait3A_27 = tpu.memref_squeeze %dma_wait3A_26 : memref<1x80x128xi32, #tpu.memory_space<hbm>> -> memref<80x128xi32, #tpu.memory_space<hbm>>
      %dma_wait3A_28 = arith.constant 0 : i32
      %dma_wait3A_29 = arith.constant 0 : i32
      %dma_wait3A_30 = tpu.memref_slice %arg2[%add3A, %dma_wait3A_28, %dma_wait3A_29] : memref<32x80x128xi32, #tpu.memory_space<hbm>> -> memref<1x80x128xi32, #tpu.memory_space<hbm>>
      %dma_wait3A_31 = tpu.memref_squeeze %dma_wait3A_30 : memref<1x80x128xi32, #tpu.memory_space<hbm>> -> memref<80x128xi32, #tpu.memory_space<hbm>>
      tpu.wait_dma2 semaphore(%run_scoped3A : memref<!tpu.dma_semaphore, #tpu.memory_space<semaphore_mem>>) src(%dma_wait3A_31 : memref<80x128xi32, #tpu.memory_space<hbm>>) dst(%arg6 : memref<80x128xi32, #tpu.memory_space<vmem>>)
      tpu.yield
    }) : () -> ()
    %barrier3A = arith.constant 0 : index
    tpu.barrier barrier_id(%barrier3A)
    %scan3A = arith.constant 0 : i32
    %scan3A_13 = arith.constant 80 : i32
    %scan3A_14 = arith.addi %scan3A, %scan3A_13 : i32
    %scan3A_15 = arith.constant 1 : i32
    scf.for %scan3A_18 = %scan3A to %scan3A_14 step %scan3A_15  : i32 {
      "tpu.region"() ({
        %run_scoped3A = tpu.sem_alloc : memref<!tpu.dma_semaphore, #tpu.memory_space<semaphore_mem>>
        %dma_start3A = arith.constant 0 : i32
        %dma_start3A_19 = tpu.memref_slice %arg6[%scan3A_18, %dma_start3A] : memref<80x128xi32, #tpu.memory_space<vmem>> -> memref<1x128xi32, #tpu.memory_space<vmem>>
        %dma_start3A_20 = tpu.memref_squeeze %dma_start3A_19 : memref<1x128xi32, #tpu.memory_space<vmem>> -> memref<128xi32, #tpu.memory_space<vmem>>
        %dma_start3A_21 = arith.constant 0 : i32
        %dma_start3A_22 = tpu.memref_slice %arg10[%dma_start3A_21] : memref<10240xf32, #tpu.memory_space<vmem_shared>> -> memref<10240xf32, #tpu.memory_space<vmem_shared>>
        tpu.enqueue_indirect_dma source(%arg7 : memref<128xf32, #tpu.memory_space<vmem>>) target(%dma_start3A_22 : memref<10240xf32, #tpu.memory_space<vmem_shared>>) offsets(%dma_start3A_20 : memref<128xi32, #tpu.memory_space<vmem>>) semaphore(%run_scoped3A : memref<!tpu.dma_semaphore, #tpu.memory_space<semaphore_mem>>) {add = true}
        %dma_wait3A = arith.constant 0 : i32
        %dma_wait3A_23 = tpu.memref_slice %arg6[%scan3A_18, %dma_wait3A] : memref<80x128xi32, #tpu.memory_space<vmem>> -> memref<1x128xi32, #tpu.memory_space<vmem>>
        %dma_wait3A_24 = tpu.memref_squeeze %dma_wait3A_23 : memref<1x128xi32, #tpu.memory_space<vmem>> -> memref<128xi32, #tpu.memory_space<vmem>>
        %dma_wait3A_25 = arith.constant 0 : i32
        %dma_wait3A_26 = tpu.memref_slice %arg10[%dma_wait3A_25] : memref<10240xf32, #tpu.memory_space<vmem_shared>> -> memref<10240xf32, #tpu.memory_space<vmem_shared>>
        tpu.wait_indirect_dma semaphore(%run_scoped3A : memref<!tpu.dma_semaphore, #tpu.memory_space<semaphore_mem>>) src(%arg7 : memref<128xf32, #tpu.memory_space<vmem>>) dst(%dma_wait3A_26 : memref<10240xf32, #tpu.memory_space<vmem_shared>>)
        tpu.yield
      }) : () -> ()
    }
    %scan3A_16 = arith.constant 80 : i32
    %barrier3A_17 = arith.constant 0 : index
    tpu.barrier barrier_id(%barrier3A_17)
    "tpu.region"() ({
      %run_scoped3A = tpu.sem_alloc : memref<!tpu.dma_semaphore, #tpu.memory_space<semaphore_mem>>
      %dma_start3A = tpu.memref_slice %arg10[%mul3A_2] : memref<10240xf32, #tpu.memory_space<vmem_shared>> -> memref<640xf32, #tpu.memory_space<vmem_shared>>
      %dma_start3A_18 = tpu.memref_slice %arg10[%mul3A_2] : memref<10240xf32, #tpu.memory_space<vmem_shared>> -> memref<640xf32, #tpu.memory_space<vmem_shared>>
      tpu.enqueue_dma source(%dma_start3A_18 : memref<640xf32, #tpu.memory_space<vmem_shared>>) target(%arg9 : memref<640xf32, #tpu.memory_space<vmem>>) target_semaphore(%run_scoped3A : memref<!tpu.dma_semaphore, #tpu.memory_space<semaphore_mem>>)
      %dma_wait3A = tpu.memref_slice %arg10[%mul3A_2] : memref<10240xf32, #tpu.memory_space<vmem_shared>> -> memref<640xf32, #tpu.memory_space<vmem_shared>>
      %dma_wait3A_19 = tpu.memref_slice %arg10[%mul3A_2] : memref<10240xf32, #tpu.memory_space<vmem_shared>> -> memref<640xf32, #tpu.memory_space<vmem_shared>>
      tpu.wait_dma2 semaphore(%run_scoped3A : memref<!tpu.dma_semaphore, #tpu.memory_space<semaphore_mem>>) src(%dma_wait3A_19 : memref<640xf32, #tpu.memory_space<vmem_shared>>) dst(%arg9 : memref<640xf32, #tpu.memory_space<vmem>>)
      tpu.yield
    }) : () -> ()
    "tpu.region"() ({
      %run_scoped3A = tpu.sem_alloc : memref<!tpu.dma_semaphore, #tpu.memory_space<semaphore_mem>>
      %dma_start3A = tpu.memref_slice %arg5[%arg0, %mul3A_2] : memref<2x10240xf32, #tpu.memory_space<hbm>> -> memref<1x640xf32, #tpu.memory_space<hbm>>
      %dma_start3A_18 = tpu.memref_squeeze %dma_start3A : memref<1x640xf32, #tpu.memory_space<hbm>> -> memref<640xf32, #tpu.memory_space<hbm>>
      %dma_start3A_19 = tpu.memref_slice %arg5[%arg0, %mul3A_2] : memref<2x10240xf32, #tpu.memory_space<hbm>> -> memref<1x640xf32, #tpu.memory_space<hbm>>
      %dma_start3A_20 = tpu.memref_squeeze %dma_start3A_19 : memref<1x640xf32, #tpu.memory_space<hbm>> -> memref<640xf32, #tpu.memory_space<hbm>>
      tpu.enqueue_dma source(%arg9 : memref<640xf32, #tpu.memory_space<vmem>>) target(%dma_start3A_20 : memref<640xf32, #tpu.memory_space<hbm>>) target_semaphore(%run_scoped3A : memref<!tpu.dma_semaphore, #tpu.memory_space<semaphore_mem>>)
      %dma_wait3A = tpu.memref_slice %arg5[%arg0, %mul3A_2] : memref<2x10240xf32, #tpu.memory_space<hbm>> -> memref<1x640xf32, #tpu.memory_space<hbm>>
      %dma_wait3A_21 = tpu.memref_squeeze %dma_wait3A : memref<1x640xf32, #tpu.memory_space<hbm>> -> memref<640xf32, #tpu.memory_space<hbm>>
      %dma_wait3A_22 = tpu.memref_slice %arg5[%arg0, %mul3A_2] : memref<2x10240xf32, #tpu.memory_space<hbm>> -> memref<1x640xf32, #tpu.memory_space<hbm>>
      %dma_wait3A_23 = tpu.memref_squeeze %dma_wait3A_22 : memref<1x640xf32, #tpu.memory_space<hbm>> -> memref<640xf32, #tpu.memory_space<hbm>>
      tpu.wait_dma2 semaphore(%run_scoped3A : memref<!tpu.dma_semaphore, #tpu.memory_space<semaphore_mem>>) src(%arg9 : memref<640xf32, #tpu.memory_space<vmem>>) dst(%dma_wait3A_23 : memref<640xf32, #tpu.memory_space<hbm>>)
      tpu.yield
    }) : () -> ()
    return
  }
}

#map = affine_map<(d0, d1) -> (0, 0)>
#map1 = affine_map<(d0, d1) -> (0)>
#map2 = affine_map<(d0, d1) -> (0, 0, 0)>
module attributes {stable_mosaic.version = 14 : i64} {
  func.func @_sc_scatter(%arg0: i32, %arg1: i32, %arg2: memref<10240x128xf32, #tpu.memory_space<hbm>>, %arg3: memref<320000xi32, #tpu.memory_space<hbm>>, %arg4: memref<32x160x64xi32, #tpu.memory_space<hbm>>, %arg5: memref<240xi32, #tpu.memory_space<hbm>>, %arg6: memref<64x128xf32, #tpu.memory_space<hbm>>, %arg7: memref<2x10240x128xf32, #tpu.memory_space<hbm>>, %arg8: memref<10240xi32, #tpu.memory_space<vmem>>, %arg9: memref<2x16x64xi32, #tpu.memory_space<vmem>>, %arg10: memref<4x64x128xf32, #tpu.memory_space<vmem>>, %arg11: memref<10240x128xf32, #tpu.memory_space<vmem_shared>>, %arg12: memref<4x!tpu.dma_semaphore, #tpu.memory_space<semaphore_mem>>, %arg13: memref<!tpu.dma_semaphore, #tpu.memory_space<semaphore_mem>>) attributes {dimension_semantics = [#tpu.dimension_semantics<core_parallel>, #tpu.dimension_semantics<subcore_parallel>], iteration_bounds = array<i64: 2, 16>, scalar_prefetch = 0 : i64, scratch_operands = 6 : i64, tpu.core_type = #tpu.core_type<sc_vector_subcore>, window_params = [{transform_indices = #map}, {transform_indices = #map1}, {transform_indices = #map2}, {transform_indices = #map1}, {transform_indices = #map}, {transform_indices = #map2}]} {
    %mul3A = arith.constant 2 : i32
    %mul3A_0 = arith.muli %arg1, %mul3A : i32
    %add3A = arith.addi %mul3A_0, %arg0 : i32
    %mul3A_1 = arith.constant 640 : i32
    %mul3A_2 = arith.muli %arg1, %mul3A_1 : i32
    %run_scoped3A = arith.constant 0 : i32
    "tpu.region"() ({
      %run_scoped3A_1198 = tpu.sem_alloc : memref<!tpu.dma_semaphore, #tpu.memory_space<semaphore_mem>>
      %dma_start3A_1199 = arith.constant 0 : i32
      %dma_start3A_1200 = arith.constant 0 : i32
      %dma_start3A_1201 = tpu.memref_slice %arg10[%run_scoped3A, %dma_start3A_1199, %dma_start3A_1200] : memref<4x64x128xf32, #tpu.memory_space<vmem>> -> memref<1x64x128xf32, #tpu.memory_space<vmem>>
      %dma_start3A_1202 = tpu.memref_squeeze %dma_start3A_1201 : memref<1x64x128xf32, #tpu.memory_space<vmem>> -> memref<64x128xf32, #tpu.memory_space<vmem>>
      %dma_start3A_1203 = arith.constant 0 : i32
      %dma_start3A_1204 = arith.constant 0 : i32
      %dma_start3A_1205 = tpu.memref_slice %arg10[%run_scoped3A, %dma_start3A_1203, %dma_start3A_1204] : memref<4x64x128xf32, #tpu.memory_space<vmem>> -> memref<1x64x128xf32, #tpu.memory_space<vmem>>
      %dma_start3A_1206 = tpu.memref_squeeze %dma_start3A_1205 : memref<1x64x128xf32, #tpu.memory_space<vmem>> -> memref<64x128xf32, #tpu.memory_space<vmem>>
      tpu.enqueue_dma source(%arg6 : memref<64x128xf32, #tpu.memory_space<hbm>>) target(%dma_start3A_1206 : memref<64x128xf32, #tpu.memory_space<vmem>>) target_semaphore(%run_scoped3A_1198 : memref<!tpu.dma_semaphore, #tpu.memory_space<semaphore_mem>>)
      %dma_wait3A_1207 = arith.constant 0 : i32
      %dma_wait3A_1208 = arith.constant 0 : i32
      %dma_wait3A_1209 = tpu.memref_slice %arg10[%run_scoped3A, %dma_wait3A_1207, %dma_wait3A_1208] : memref<4x64x128xf32, #tpu.memory_space<vmem>> -> memref<1x64x128xf32, #tpu.memory_space<vmem>>
      %dma_wait3A_1210 = tpu.memref_squeeze %dma_wait3A_1209 : memref<1x64x128xf32, #tpu.memory_space<vmem>> -> memref<64x128xf32, #tpu.memory_space<vmem>>
      %dma_wait3A_1211 = arith.constant 0 : i32
      %dma_wait3A_1212 = arith.constant 0 : i32
      %dma_wait3A_1213 = tpu.memref_slice %arg10[%run_scoped3A, %dma_wait3A_1211, %dma_wait3A_1212] : memref<4x64x128xf32, #tpu.memory_space<vmem>> -> memref<1x64x128xf32, #tpu.memory_space<vmem>>
      %dma_wait3A_1214 = tpu.memref_squeeze %dma_wait3A_1213 : memref<1x64x128xf32, #tpu.memory_space<vmem>> -> memref<64x128xf32, #tpu.memory_space<vmem>>
      tpu.wait_dma2 semaphore(%run_scoped3A_1198 : memref<!tpu.dma_semaphore, #tpu.memory_space<semaphore_mem>>) src(%arg6 : memref<64x128xf32, #tpu.memory_space<hbm>>) dst(%dma_wait3A_1214 : memref<64x128xf32, #tpu.memory_space<vmem>>)
      tpu.yield
    }) : () -> ()
    %add3A_3 = arith.constant 0 : i32
    %add3A_4 = arith.addi %mul3A_2, %add3A_3 : i32
    %add3A_5 = arith.constant 64 : i32
    %add3A_6 = arith.addi %mul3A_2, %add3A_5 : i32
    %add3A_7 = arith.constant 128 : i32
    %add3A_8 = arith.addi %mul3A_2, %add3A_7 : i32
    %add3A_9 = arith.constant 192 : i32
    %add3A_10 = arith.addi %mul3A_2, %add3A_9 : i32
    %add3A_11 = arith.constant 256 : i32
    %add3A_12 = arith.addi %mul3A_2, %add3A_11 : i32
    %add3A_13 = arith.constant 320 : i32
    %add3A_14 = arith.addi %mul3A_2, %add3A_13 : i32
    %add3A_15 = arith.constant 384 : i32
    %add3A_16 = arith.addi %mul3A_2, %add3A_15 : i32
    %add3A_17 = arith.constant 448 : i32
    %add3A_18 = arith.addi %mul3A_2, %add3A_17 : i32
    %add3A_19 = arith.constant 512 : i32
    %add3A_20 = arith.addi %mul3A_2, %add3A_19 : i32
    %add3A_21 = arith.constant 576 : i32
    %add3A_22 = arith.addi %mul3A_2, %add3A_21 : i32
    %dma_start3A = arith.constant 0 : i32
    %dma_start3A_23 = arith.constant 0 : i32
    %dma_start3A_24 = arith.constant 0 : i32
    %dma_start3A_25 = arith.constant 0 : i32
    %dma_start3A_26 = tpu.memref_slice %arg10[%dma_start3A, %dma_start3A_24, %dma_start3A_25] : memref<4x64x128xf32, #tpu.memory_space<vmem>> -> memref<1x64x128xf32, #tpu.memory_space<vmem>>
    %dma_start3A_27 = tpu.memref_squeeze %dma_start3A_26 : memref<1x64x128xf32, #tpu.memory_space<vmem>> -> memref<64x128xf32, #tpu.memory_space<vmem>>
    %dma_start3A_28 = arith.constant 0 : i32
    %dma_start3A_29 = tpu.memref_slice %arg11[%add3A_4, %dma_start3A_28] : memref<10240x128xf32, #tpu.memory_space<vmem_shared>> -> memref<64x128xf32, #tpu.memory_space<vmem_shared>>
    %dma_start3A_30 = tpu.memref_slice %arg12[%dma_start3A_23] : memref<4x!tpu.dma_semaphore, #tpu.memory_space<semaphore_mem>> -> memref<1x!tpu.dma_semaphore, #tpu.memory_space<semaphore_mem>>
    %dma_start3A_31 = tpu.memref_squeeze %dma_start3A_30 : memref<1x!tpu.dma_semaphore, #tpu.memory_space<semaphore_mem>> -> memref<!tpu.dma_semaphore, #tpu.memory_space<semaphore_mem>>
    %dma_start3A_32 = arith.constant 0 : i32
    %dma_start3A_33 = tpu.memref_slice %arg11[%add3A_4, %dma_start3A_32] : memref<10240x128xf32, #tpu.memory_space<vmem_shared>> -> memref<64x128xf32, #tpu.memory_space<vmem_shared>>
    %dma_start3A_34 = arith.constant 0 : i32
    %dma_start3A_35 = arith.constant 0 : i32
    %dma_start3A_36 = tpu.memref_slice %arg10[%dma_start3A, %dma_start3A_34, %dma_start3A_35] : memref<4x64x128xf32, #tpu.memory_space<vmem>> -> memref<1x64x128xf32, #tpu.memory_space<vmem>>
    %dma_start3A_37 = tpu.memref_squeeze %dma_start3A_36 : memref<1x64x128xf32, #tpu.memory_space<vmem>> -> memref<64x128xf32, #tpu.memory_space<vmem>>
    tpu.enqueue_dma source(%dma_start3A_37 : memref<64x128xf32, #tpu.memory_space<vmem>>) target(%dma_start3A_33 : memref<64x128xf32, #tpu.memory_space<vmem_shared>>) target_semaphore(%dma_start3A_31 : memref<!tpu.dma_semaphore, #tpu.memory_space<semaphore_mem>>)
    %dma_start3A_38 = arith.constant 0 : i32
    %dma_start3A_39 = arith.constant 0 : i32
    %dma_start3A_40 = arith.constant 0 : i32
    %dma_start3A_41 = arith.constant 0 : i32
    %dma_start3A_42 = tpu.memref_slice %arg10[%dma_start3A_38, %dma_start3A_40, %dma_start3A_41] : memref<4x64x128xf32, #tpu.memory_space<vmem>> -> memref<1x64x128xf32, #tpu.memory_space<vmem>>
    %dma_start3A_43 = tpu.memref_squeeze %dma_start3A_42 : memref<1x64x128xf32, #tpu.memory_space<vmem>> -> memref<64x128xf32, #tpu.memory_space<vmem>>
    %dma_start3A_44 = arith.constant 0 : i32
    %dma_start3A_45 = tpu.memref_slice %arg11[%add3A_6, %dma_start3A_44] : memref<10240x128xf32, #tpu.memory_space<vmem_shared>> -> memref<64x128xf32, #tpu.memory_space<vmem_shared>>
    %dma_start3A_46 = tpu.memref_slice %arg12[%dma_start3A_39] : memref<4x!tpu.dma_semaphore, #tpu.memory_space<semaphore_mem>> -> memref<1x!tpu.dma_semaphore, #tpu.memory_space<semaphore_mem>>
    %dma_start3A_47 = tpu.memref_squeeze %dma_start3A_46 : memref<1x!tpu.dma_semaphore, #tpu.memory_space<semaphore_mem>> -> memref<!tpu.dma_semaphore, #tpu.memory_space<semaphore_mem>>
    %dma_start3A_48 = arith.constant 0 : i32
    %dma_start3A_49 = tpu.memref_slice %arg11[%add3A_6, %dma_start3A_48] : memref<10240x128xf32, #tpu.memory_space<vmem_shared>> -> memref<64x128xf32, #tpu.memory_space<vmem_shared>>
    %dma_start3A_50 = arith.constant 0 : i32
    %dma_start3A_51 = arith.constant 0 : i32
    %dma_start3A_52 = tpu.memref_slice %arg10[%dma_start3A_38, %dma_start3A_50, %dma_start3A_51] : memref<4x64x128xf32, #tpu.memory_space<vmem>> -> memref<1x64x128xf32, #tpu.memory_space<vmem>>
    %dma_start3A_53 = tpu.memref_squeeze %dma_start3A_52 : memref<1x64x128xf32, #tpu.memory_space<vmem>> -> memref<64x128xf32, #tpu.memory_space<vmem>>
    tpu.enqueue_dma source(%dma_start3A_53 : memref<64x128xf32, #tpu.memory_space<vmem>>) target(%dma_start3A_49 : memref<64x128xf32, #tpu.memory_space<vmem_shared>>) target_semaphore(%dma_start3A_47 : memref<!tpu.dma_semaphore, #tpu.memory_space<semaphore_mem>>)
    %dma_start3A_54 = arith.constant 0 : i32
    %dma_start3A_55 = arith.constant 0 : i32
    %dma_start3A_56 = arith.constant 0 : i32
    %dma_start3A_57 = arith.constant 0 : i32
    %dma_start3A_58 = tpu.memref_slice %arg10[%dma_start3A_54, %dma_start3A_56, %dma_start3A_57] : memref<4x64x128xf32, #tpu.memory_space<vmem>> -> memref<1x64x128xf32, #tpu.memory_space<vmem>>
    %dma_start3A_59 = tpu.memref_squeeze %dma_start3A_58 : memref<1x64x128xf32, #tpu.memory_space<vmem>> -> memref<64x128xf32, #tpu.memory_space<vmem>>
    %dma_start3A_60 = arith.constant 0 : i32
    %dma_start3A_61 = tpu.memref_slice %arg11[%add3A_8, %dma_start3A_60] : memref<10240x128xf32, #tpu.memory_space<vmem_shared>> -> memref<64x128xf32, #tpu.memory_space<vmem_shared>>
    %dma_start3A_62 = tpu.memref_slice %arg12[%dma_start3A_55] : memref<4x!tpu.dma_semaphore, #tpu.memory_space<semaphore_mem>> -> memref<1x!tpu.dma_semaphore, #tpu.memory_space<semaphore_mem>>
    %dma_start3A_63 = tpu.memref_squeeze %dma_start3A_62 : memref<1x!tpu.dma_semaphore, #tpu.memory_space<semaphore_mem>> -> memref<!tpu.dma_semaphore, #tpu.memory_space<semaphore_mem>>
    %dma_start3A_64 = arith.constant 0 : i32
    %dma_start3A_65 = tpu.memref_slice %arg11[%add3A_8, %dma_start3A_64] : memref<10240x128xf32, #tpu.memory_space<vmem_shared>> -> memref<64x128xf32, #tpu.memory_space<vmem_shared>>
    %dma_start3A_66 = arith.constant 0 : i32
    %dma_start3A_67 = arith.constant 0 : i32
    %dma_start3A_68 = tpu.memref_slice %arg10[%dma_start3A_54, %dma_start3A_66, %dma_start3A_67] : memref<4x64x128xf32, #tpu.memory_space<vmem>> -> memref<1x64x128xf32, #tpu.memory_space<vmem>>
    %dma_start3A_69 = tpu.memref_squeeze %dma_start3A_68 : memref<1x64x128xf32, #tpu.memory_space<vmem>> -> memref<64x128xf32, #tpu.memory_space<vmem>>
    tpu.enqueue_dma source(%dma_start3A_69 : memref<64x128xf32, #tpu.memory_space<vmem>>) target(%dma_start3A_65 : memref<64x128xf32, #tpu.memory_space<vmem_shared>>) target_semaphore(%dma_start3A_63 : memref<!tpu.dma_semaphore, #tpu.memory_space<semaphore_mem>>)
    %dma_start3A_70 = arith.constant 0 : i32
    %dma_start3A_71 = arith.constant 0 : i32
    %dma_start3A_72 = arith.constant 0 : i32
    %dma_start3A_73 = arith.constant 0 : i32
    %dma_start3A_74 = tpu.memref_slice %arg10[%dma_start3A_70, %dma_start3A_72, %dma_start3A_73] : memref<4x64x128xf32, #tpu.memory_space<vmem>> -> memref<1x64x128xf32, #tpu.memory_space<vmem>>
    %dma_start3A_75 = tpu.memref_squeeze %dma_start3A_74 : memref<1x64x128xf32, #tpu.memory_space<vmem>> -> memref<64x128xf32, #tpu.memory_space<vmem>>
    %dma_start3A_76 = arith.constant 0 : i32
    %dma_start3A_77 = tpu.memref_slice %arg11[%add3A_10, %dma_start3A_76] : memref<10240x128xf32, #tpu.memory_space<vmem_shared>> -> memref<64x128xf32, #tpu.memory_space<vmem_shared>>
    %dma_start3A_78 = tpu.memref_slice %arg12[%dma_start3A_71] : memref<4x!tpu.dma_semaphore, #tpu.memory_space<semaphore_mem>> -> memref<1x!tpu.dma_semaphore, #tpu.memory_space<semaphore_mem>>
    %dma_start3A_79 = tpu.memref_squeeze %dma_start3A_78 : memref<1x!tpu.dma_semaphore, #tpu.memory_space<semaphore_mem>> -> memref<!tpu.dma_semaphore, #tpu.memory_space<semaphore_mem>>
    %dma_start3A_80 = arith.constant 0 : i32
    %dma_start3A_81 = tpu.memref_slice %arg11[%add3A_10, %dma_start3A_80] : memref<10240x128xf32, #tpu.memory_space<vmem_shared>> -> memref<64x128xf32, #tpu.memory_space<vmem_shared>>
    %dma_start3A_82 = arith.constant 0 : i32
    %dma_start3A_83 = arith.constant 0 : i32
    %dma_start3A_84 = tpu.memref_slice %arg10[%dma_start3A_70, %dma_start3A_82, %dma_start3A_83] : memref<4x64x128xf32, #tpu.memory_space<vmem>> -> memref<1x64x128xf32, #tpu.memory_space<vmem>>
    %dma_start3A_85 = tpu.memref_squeeze %dma_start3A_84 : memref<1x64x128xf32, #tpu.memory_space<vmem>> -> memref<64x128xf32, #tpu.memory_space<vmem>>
    tpu.enqueue_dma source(%dma_start3A_85 : memref<64x128xf32, #tpu.memory_space<vmem>>) target(%dma_start3A_81 : memref<64x128xf32, #tpu.memory_space<vmem_shared>>) target_semaphore(%dma_start3A_79 : memref<!tpu.dma_semaphore, #tpu.memory_space<semaphore_mem>>)
    %dma_start3A_86 = arith.constant 0 : i32
    %dma_start3A_87 = arith.constant 0 : i32
    %dma_start3A_88 = arith.constant 0 : i32
    %dma_start3A_89 = arith.constant 0 : i32
    %dma_start3A_90 = tpu.memref_slice %arg10[%dma_start3A_86, %dma_start3A_88, %dma_start3A_89] : memref<4x64x128xf32, #tpu.memory_space<vmem>> -> memref<1x64x128xf32, #tpu.memory_space<vmem>>
    %dma_start3A_91 = tpu.memref_squeeze %dma_start3A_90 : memref<1x64x128xf32, #tpu.memory_space<vmem>> -> memref<64x128xf32, #tpu.memory_space<vmem>>
    %dma_start3A_92 = arith.constant 0 : i32
    %dma_start3A_93 = tpu.memref_slice %arg11[%add3A_12, %dma_start3A_92] : memref<10240x128xf32, #tpu.memory_space<vmem_shared>> -> memref<64x128xf32, #tpu.memory_space<vmem_shared>>
    %dma_start3A_94 = tpu.memref_slice %arg12[%dma_start3A_87] : memref<4x!tpu.dma_semaphore, #tpu.memory_space<semaphore_mem>> -> memref<1x!tpu.dma_semaphore, #tpu.memory_space<semaphore_mem>>
    %dma_start3A_95 = tpu.memref_squeeze %dma_start3A_94 : memref<1x!tpu.dma_semaphore, #tpu.memory_space<semaphore_mem>> -> memref<!tpu.dma_semaphore, #tpu.memory_space<semaphore_mem>>
    %dma_start3A_96 = arith.constant 0 : i32
    %dma_start3A_97 = tpu.memref_slice %arg11[%add3A_12, %dma_start3A_96] : memref<10240x128xf32, #tpu.memory_space<vmem_shared>> -> memref<64x128xf32, #tpu.memory_space<vmem_shared>>
    %dma_start3A_98 = arith.constant 0 : i32
    %dma_start3A_99 = arith.constant 0 : i32
    %dma_start3A_100 = tpu.memref_slice %arg10[%dma_start3A_86, %dma_start3A_98, %dma_start3A_99] : memref<4x64x128xf32, #tpu.memory_space<vmem>> -> memref<1x64x128xf32, #tpu.memory_space<vmem>>
    %dma_start3A_101 = tpu.memref_squeeze %dma_start3A_100 : memref<1x64x128xf32, #tpu.memory_space<vmem>> -> memref<64x128xf32, #tpu.memory_space<vmem>>
    tpu.enqueue_dma source(%dma_start3A_101 : memref<64x128xf32, #tpu.memory_space<vmem>>) target(%dma_start3A_97 : memref<64x128xf32, #tpu.memory_space<vmem_shared>>) target_semaphore(%dma_start3A_95 : memref<!tpu.dma_semaphore, #tpu.memory_space<semaphore_mem>>)
    %dma_start3A_102 = arith.constant 0 : i32
    %dma_start3A_103 = arith.constant 0 : i32
    %dma_start3A_104 = arith.constant 0 : i32
    %dma_start3A_105 = arith.constant 0 : i32
    %dma_start3A_106 = tpu.memref_slice %arg10[%dma_start3A_102, %dma_start3A_104, %dma_start3A_105] : memref<4x64x128xf32, #tpu.memory_space<vmem>> -> memref<1x64x128xf32, #tpu.memory_space<vmem>>
    %dma_start3A_107 = tpu.memref_squeeze %dma_start3A_106 : memref<1x64x128xf32, #tpu.memory_space<vmem>> -> memref<64x128xf32, #tpu.memory_space<vmem>>
    %dma_start3A_108 = arith.constant 0 : i32
    %dma_start3A_109 = tpu.memref_slice %arg11[%add3A_14, %dma_start3A_108] : memref<10240x128xf32, #tpu.memory_space<vmem_shared>> -> memref<64x128xf32, #tpu.memory_space<vmem_shared>>
    %dma_start3A_110 = tpu.memref_slice %arg12[%dma_start3A_103] : memref<4x!tpu.dma_semaphore, #tpu.memory_space<semaphore_mem>> -> memref<1x!tpu.dma_semaphore, #tpu.memory_space<semaphore_mem>>
    %dma_start3A_111 = tpu.memref_squeeze %dma_start3A_110 : memref<1x!tpu.dma_semaphore, #tpu.memory_space<semaphore_mem>> -> memref<!tpu.dma_semaphore, #tpu.memory_space<semaphore_mem>>
    %dma_start3A_112 = arith.constant 0 : i32
    %dma_start3A_113 = tpu.memref_slice %arg11[%add3A_14, %dma_start3A_112] : memref<10240x128xf32, #tpu.memory_space<vmem_shared>> -> memref<64x128xf32, #tpu.memory_space<vmem_shared>>
    %dma_start3A_114 = arith.constant 0 : i32
    %dma_start3A_115 = arith.constant 0 : i32
    %dma_start3A_116 = tpu.memref_slice %arg10[%dma_start3A_102, %dma_start3A_114, %dma_start3A_115] : memref<4x64x128xf32, #tpu.memory_space<vmem>> -> memref<1x64x128xf32, #tpu.memory_space<vmem>>
    %dma_start3A_117 = tpu.memref_squeeze %dma_start3A_116 : memref<1x64x128xf32, #tpu.memory_space<vmem>> -> memref<64x128xf32, #tpu.memory_space<vmem>>
    tpu.enqueue_dma source(%dma_start3A_117 : memref<64x128xf32, #tpu.memory_space<vmem>>) target(%dma_start3A_113 : memref<64x128xf32, #tpu.memory_space<vmem_shared>>) target_semaphore(%dma_start3A_111 : memref<!tpu.dma_semaphore, #tpu.memory_space<semaphore_mem>>)
    %dma_start3A_118 = arith.constant 0 : i32
    %dma_start3A_119 = arith.constant 0 : i32
    %dma_start3A_120 = arith.constant 0 : i32
    %dma_start3A_121 = arith.constant 0 : i32
    %dma_start3A_122 = tpu.memref_slice %arg10[%dma_start3A_118, %dma_start3A_120, %dma_start3A_121] : memref<4x64x128xf32, #tpu.memory_space<vmem>> -> memref<1x64x128xf32, #tpu.memory_space<vmem>>
    %dma_start3A_123 = tpu.memref_squeeze %dma_start3A_122 : memref<1x64x128xf32, #tpu.memory_space<vmem>> -> memref<64x128xf32, #tpu.memory_space<vmem>>
    %dma_start3A_124 = arith.constant 0 : i32
    %dma_start3A_125 = tpu.memref_slice %arg11[%add3A_16, %dma_start3A_124] : memref<10240x128xf32, #tpu.memory_space<vmem_shared>> -> memref<64x128xf32, #tpu.memory_space<vmem_shared>>
    %dma_start3A_126 = tpu.memref_slice %arg12[%dma_start3A_119] : memref<4x!tpu.dma_semaphore, #tpu.memory_space<semaphore_mem>> -> memref<1x!tpu.dma_semaphore, #tpu.memory_space<semaphore_mem>>
    %dma_start3A_127 = tpu.memref_squeeze %dma_start3A_126 : memref<1x!tpu.dma_semaphore, #tpu.memory_space<semaphore_mem>> -> memref<!tpu.dma_semaphore, #tpu.memory_space<semaphore_mem>>
    %dma_start3A_128 = arith.constant 0 : i32
    %dma_start3A_129 = tpu.memref_slice %arg11[%add3A_16, %dma_start3A_128] : memref<10240x128xf32, #tpu.memory_space<vmem_shared>> -> memref<64x128xf32, #tpu.memory_space<vmem_shared>>
    %dma_start3A_130 = arith.constant 0 : i32
    %dma_start3A_131 = arith.constant 0 : i32
    %dma_start3A_132 = tpu.memref_slice %arg10[%dma_start3A_118, %dma_start3A_130, %dma_start3A_131] : memref<4x64x128xf32, #tpu.memory_space<vmem>> -> memref<1x64x128xf32, #tpu.memory_space<vmem>>
    %dma_start3A_133 = tpu.memref_squeeze %dma_start3A_132 : memref<1x64x128xf32, #tpu.memory_space<vmem>> -> memref<64x128xf32, #tpu.memory_space<vmem>>
    tpu.enqueue_dma source(%dma_start3A_133 : memref<64x128xf32, #tpu.memory_space<vmem>>) target(%dma_start3A_129 : memref<64x128xf32, #tpu.memory_space<vmem_shared>>) target_semaphore(%dma_start3A_127 : memref<!tpu.dma_semaphore, #tpu.memory_space<semaphore_mem>>)
    %dma_start3A_134 = arith.constant 0 : i32
    %dma_start3A_135 = arith.constant 0 : i32
    %dma_start3A_136 = arith.constant 0 : i32
    %dma_start3A_137 = arith.constant 0 : i32
    %dma_start3A_138 = tpu.memref_slice %arg10[%dma_start3A_134, %dma_start3A_136, %dma_start3A_137] : memref<4x64x128xf32, #tpu.memory_space<vmem>> -> memref<1x64x128xf32, #tpu.memory_space<vmem>>
    %dma_start3A_139 = tpu.memref_squeeze %dma_start3A_138 : memref<1x64x128xf32, #tpu.memory_space<vmem>> -> memref<64x128xf32, #tpu.memory_space<vmem>>
    %dma_start3A_140 = arith.constant 0 : i32
    %dma_start3A_141 = tpu.memref_slice %arg11[%add3A_18, %dma_start3A_140] : memref<10240x128xf32, #tpu.memory_space<vmem_shared>> -> memref<64x128xf32, #tpu.memory_space<vmem_shared>>
    %dma_start3A_142 = tpu.memref_slice %arg12[%dma_start3A_135] : memref<4x!tpu.dma_semaphore, #tpu.memory_space<semaphore_mem>> -> memref<1x!tpu.dma_semaphore, #tpu.memory_space<semaphore_mem>>
    %dma_start3A_143 = tpu.memref_squeeze %dma_start3A_142 : memref<1x!tpu.dma_semaphore, #tpu.memory_space<semaphore_mem>> -> memref<!tpu.dma_semaphore, #tpu.memory_space<semaphore_mem>>
    %dma_start3A_144 = arith.constant 0 : i32
    %dma_start3A_145 = tpu.memref_slice %arg11[%add3A_18, %dma_start3A_144] : memref<10240x128xf32, #tpu.memory_space<vmem_shared>> -> memref<64x128xf32, #tpu.memory_space<vmem_shared>>
    %dma_start3A_146 = arith.constant 0 : i32
    %dma_start3A_147 = arith.constant 0 : i32
    %dma_start3A_148 = tpu.memref_slice %arg10[%dma_start3A_134, %dma_start3A_146, %dma_start3A_147] : memref<4x64x128xf32, #tpu.memory_space<vmem>> -> memref<1x64x128xf32, #tpu.memory_space<vmem>>
    %dma_start3A_149 = tpu.memref_squeeze %dma_start3A_148 : memref<1x64x128xf32, #tpu.memory_space<vmem>> -> memref<64x128xf32, #tpu.memory_space<vmem>>
    tpu.enqueue_dma source(%dma_start3A_149 : memref<64x128xf32, #tpu.memory_space<vmem>>) target(%dma_start3A_145 : memref<64x128xf32, #tpu.memory_space<vmem_shared>>) target_semaphore(%dma_start3A_143 : memref<!tpu.dma_semaphore, #tpu.memory_space<semaphore_mem>>)
    %dma_start3A_150 = arith.constant 0 : i32
    %dma_start3A_151 = arith.constant 0 : i32
    %dma_start3A_152 = arith.constant 0 : i32
    %dma_start3A_153 = arith.constant 0 : i32
    %dma_start3A_154 = tpu.memref_slice %arg10[%dma_start3A_150, %dma_start3A_152, %dma_start3A_153] : memref<4x64x128xf32, #tpu.memory_space<vmem>> -> memref<1x64x128xf32, #tpu.memory_space<vmem>>
    %dma_start3A_155 = tpu.memref_squeeze %dma_start3A_154 : memref<1x64x128xf32, #tpu.memory_space<vmem>> -> memref<64x128xf32, #tpu.memory_space<vmem>>
    %dma_start3A_156 = arith.constant 0 : i32
    %dma_start3A_157 = tpu.memref_slice %arg11[%add3A_20, %dma_start3A_156] : memref<10240x128xf32, #tpu.memory_space<vmem_shared>> -> memref<64x128xf32, #tpu.memory_space<vmem_shared>>
    %dma_start3A_158 = tpu.memref_slice %arg12[%dma_start3A_151] : memref<4x!tpu.dma_semaphore, #tpu.memory_space<semaphore_mem>> -> memref<1x!tpu.dma_semaphore, #tpu.memory_space<semaphore_mem>>
    %dma_start3A_159 = tpu.memref_squeeze %dma_start3A_158 : memref<1x!tpu.dma_semaphore, #tpu.memory_space<semaphore_mem>> -> memref<!tpu.dma_semaphore, #tpu.memory_space<semaphore_mem>>
    %dma_start3A_160 = arith.constant 0 : i32
    %dma_start3A_161 = tpu.memref_slice %arg11[%add3A_20, %dma_start3A_160] : memref<10240x128xf32, #tpu.memory_space<vmem_shared>> -> memref<64x128xf32, #tpu.memory_space<vmem_shared>>
    %dma_start3A_162 = arith.constant 0 : i32
    %dma_start3A_163 = arith.constant 0 : i32
    %dma_start3A_164 = tpu.memref_slice %arg10[%dma_start3A_150, %dma_start3A_162, %dma_start3A_163] : memref<4x64x128xf32, #tpu.memory_space<vmem>> -> memref<1x64x128xf32, #tpu.memory_space<vmem>>
    %dma_start3A_165 = tpu.memref_squeeze %dma_start3A_164 : memref<1x64x128xf32, #tpu.memory_space<vmem>> -> memref<64x128xf32, #tpu.memory_space<vmem>>
    tpu.enqueue_dma source(%dma_start3A_165 : memref<64x128xf32, #tpu.memory_space<vmem>>) target(%dma_start3A_161 : memref<64x128xf32, #tpu.memory_space<vmem_shared>>) target_semaphore(%dma_start3A_159 : memref<!tpu.dma_semaphore, #tpu.memory_space<semaphore_mem>>)
    %dma_start3A_166 = arith.constant 0 : i32
    %dma_start3A_167 = arith.constant 0 : i32
    %dma_start3A_168 = arith.constant 0 : i32
    %dma_start3A_169 = arith.constant 0 : i32
    %dma_start3A_170 = tpu.memref_slice %arg10[%dma_start3A_166, %dma_start3A_168, %dma_start3A_169] : memref<4x64x128xf32, #tpu.memory_space<vmem>> -> memref<1x64x128xf32, #tpu.memory_space<vmem>>
    %dma_start3A_171 = tpu.memref_squeeze %dma_start3A_170 : memref<1x64x128xf32, #tpu.memory_space<vmem>> -> memref<64x128xf32, #tpu.memory_space<vmem>>
    %dma_start3A_172 = arith.constant 0 : i32
    %dma_start3A_173 = tpu.memref_slice %arg11[%add3A_22, %dma_start3A_172] : memref<10240x128xf32, #tpu.memory_space<vmem_shared>> -> memref<64x128xf32, #tpu.memory_space<vmem_shared>>
    %dma_start3A_174 = tpu.memref_slice %arg12[%dma_start3A_167] : memref<4x!tpu.dma_semaphore, #tpu.memory_space<semaphore_mem>> -> memref<1x!tpu.dma_semaphore, #tpu.memory_space<semaphore_mem>>
    %dma_start3A_175 = tpu.memref_squeeze %dma_start3A_174 : memref<1x!tpu.dma_semaphore, #tpu.memory_space<semaphore_mem>> -> memref<!tpu.dma_semaphore, #tpu.memory_space<semaphore_mem>>
    %dma_start3A_176 = arith.constant 0 : i32
    %dma_start3A_177 = tpu.memref_slice %arg11[%add3A_22, %dma_start3A_176] : memref<10240x128xf32, #tpu.memory_space<vmem_shared>> -> memref<64x128xf32, #tpu.memory_space<vmem_shared>>
    %dma_start3A_178 = arith.constant 0 : i32
    %dma_start3A_179 = arith.constant 0 : i32
    %dma_start3A_180 = tpu.memref_slice %arg10[%dma_start3A_166, %dma_start3A_178, %dma_start3A_179] : memref<4x64x128xf32, #tpu.memory_space<vmem>> -> memref<1x64x128xf32, #tpu.memory_space<vmem>>
    %dma_start3A_181 = tpu.memref_squeeze %dma_start3A_180 : memref<1x64x128xf32, #tpu.memory_space<vmem>> -> memref<64x128xf32, #tpu.memory_space<vmem>>
    tpu.enqueue_dma source(%dma_start3A_181 : memref<64x128xf32, #tpu.memory_space<vmem>>) target(%dma_start3A_177 : memref<64x128xf32, #tpu.memory_space<vmem_shared>>) target_semaphore(%dma_start3A_175 : memref<!tpu.dma_semaphore, #tpu.memory_space<semaphore_mem>>)
    %mul3A_182 = arith.constant 10000 : i32
    %mul3A_183 = arith.muli %add3A, %mul3A_182 : i32
    "tpu.region"() ({
      %run_scoped3A_1198 = tpu.sem_alloc : memref<!tpu.dma_semaphore, #tpu.memory_space<semaphore_mem>>
      %dma_start3A_1199 = arith.constant 0 : i32
      %dma_start3A_1200 = tpu.memref_slice %arg8[%dma_start3A_1199] : memref<10240xi32, #tpu.memory_space<vmem>> -> memref<10000xi32, #tpu.memory_space<vmem>>
      %dma_start3A_1201 = tpu.memref_slice %arg3[%mul3A_183] : memref<320000xi32, #tpu.memory_space<hbm>> -> memref<10000xi32, #tpu.memory_space<hbm>>
      %dma_start3A_1202 = arith.constant 0 : i32
      %dma_start3A_1203 = tpu.memref_slice %arg8[%dma_start3A_1202] : memref<10240xi32, #tpu.memory_space<vmem>> -> memref<10000xi32, #tpu.memory_space<vmem>>
      %dma_start3A_1204 = tpu.memref_slice %arg3[%mul3A_183] : memref<320000xi32, #tpu.memory_space<hbm>> -> memref<10000xi32, #tpu.memory_space<hbm>>
      tpu.enqueue_dma source(%dma_start3A_1204 : memref<10000xi32, #tpu.memory_space<hbm>>) target(%dma_start3A_1203 : memref<10000xi32, #tpu.memory_space<vmem>>) target_semaphore(%run_scoped3A_1198 : memref<!tpu.dma_semaphore, #tpu.memory_space<semaphore_mem>>)
      %dma_wait3A_1205 = arith.constant 0 : i32
      %dma_wait3A_1206 = tpu.memref_slice %arg8[%dma_wait3A_1205] : memref<10240xi32, #tpu.memory_space<vmem>> -> memref<10000xi32, #tpu.memory_space<vmem>>
      %dma_wait3A_1207 = tpu.memref_slice %arg3[%mul3A_183] : memref<320000xi32, #tpu.memory_space<hbm>> -> memref<10000xi32, #tpu.memory_space<hbm>>
      %dma_wait3A_1208 = arith.constant 0 : i32
      %dma_wait3A_1209 = tpu.memref_slice %arg8[%dma_wait3A_1208] : memref<10240xi32, #tpu.memory_space<vmem>> -> memref<10000xi32, #tpu.memory_space<vmem>>
      %dma_wait3A_1210 = tpu.memref_slice %arg3[%mul3A_183] : memref<320000xi32, #tpu.memory_space<hbm>> -> memref<10000xi32, #tpu.memory_space<hbm>>
      tpu.wait_dma2 semaphore(%run_scoped3A_1198 : memref<!tpu.dma_semaphore, #tpu.memory_space<semaphore_mem>>) src(%dma_wait3A_1210 : memref<10000xi32, #tpu.memory_space<hbm>>) dst(%dma_wait3A_1209 : memref<10000xi32, #tpu.memory_space<vmem>>)
      tpu.yield
    }) : () -> ()
    "tpu.region"() ({
      %run_scoped3A_1198 = tpu.sem_alloc : memref<!tpu.dma_semaphore, #tpu.memory_space<semaphore_mem>>
      %dma_start3A_1199 = arith.constant 10000 : i32
      %dma_start3A_1200 = tpu.memref_slice %arg8[%dma_start3A_1199] : memref<10240xi32, #tpu.memory_space<vmem>> -> memref<240xi32, #tpu.memory_space<vmem>>
      %dma_start3A_1201 = arith.constant 10000 : i32
      %dma_start3A_1202 = tpu.memref_slice %arg8[%dma_start3A_1201] : memref<10240xi32, #tpu.memory_space<vmem>> -> memref<240xi32, #tpu.memory_space<vmem>>
      tpu.enqueue_dma source(%arg5 : memref<240xi32, #tpu.memory_space<hbm>>) target(%dma_start3A_1202 : memref<240xi32, #tpu.memory_space<vmem>>) target_semaphore(%run_scoped3A_1198 : memref<!tpu.dma_semaphore, #tpu.memory_space<semaphore_mem>>)
      %dma_wait3A_1203 = arith.constant 10000 : i32
      %dma_wait3A_1204 = tpu.memref_slice %arg8[%dma_wait3A_1203] : memref<10240xi32, #tpu.memory_space<vmem>> -> memref<240xi32, #tpu.memory_space<vmem>>
      %dma_wait3A_1205 = arith.constant 10000 : i32
      %dma_wait3A_1206 = tpu.memref_slice %arg8[%dma_wait3A_1205] : memref<10240xi32, #tpu.memory_space<vmem>> -> memref<240xi32, #tpu.memory_space<vmem>>
      tpu.wait_dma2 semaphore(%run_scoped3A_1198 : memref<!tpu.dma_semaphore, #tpu.memory_space<semaphore_mem>>) src(%arg5 : memref<240xi32, #tpu.memory_space<hbm>>) dst(%dma_wait3A_1206 : memref<240xi32, #tpu.memory_space<vmem>>)
      tpu.yield
    }) : () -> ()
    %dma_start3A_184 = arith.constant 0 : i32
    %dma_start3A_185 = arith.constant 0 : i32
    %dma_start3A_186 = arith.constant 0 : i32
    %dma_start3A_187 = tpu.memref_slice %arg9[%dma_start3A_184, %dma_start3A_185, %dma_start3A_186] : memref<2x16x64xi32, #tpu.memory_space<vmem>> -> memref<1x16x64xi32, #tpu.memory_space<vmem>>
    %dma_start3A_188 = tpu.memref_squeeze %dma_start3A_187 : memref<1x16x64xi32, #tpu.memory_space<vmem>> -> memref<16x64xi32, #tpu.memory_space<vmem>>
    %dma_start3A_189 = arith.constant 0 : i32
    %dma_start3A_190 = arith.constant 0 : i32
    %dma_start3A_191 = tpu.memref_slice %arg4[%add3A, %dma_start3A_189, %dma_start3A_190] : memref<32x160x64xi32, #tpu.memory_space<hbm>> -> memref<1x16x64xi32, #tpu.memory_space<hbm>>
    %dma_start3A_192 = tpu.memref_squeeze %dma_start3A_191 : memref<1x16x64xi32, #tpu.memory_space<hbm>> -> memref<16x64xi32, #tpu.memory_space<hbm>>
    %dma_start3A_193 = arith.constant 0 : i32
    %dma_start3A_194 = arith.constant 0 : i32
    %dma_start3A_195 = tpu.memref_slice %arg9[%dma_start3A_184, %dma_start3A_193, %dma_start3A_194] : memref<2x16x64xi32, #tpu.memory_space<vmem>> -> memref<1x16x64xi32, #tpu.memory_space<vmem>>
    %dma_start3A_196 = tpu.memref_squeeze %dma_start3A_195 : memref<1x16x64xi32, #tpu.memory_space<vmem>> -> memref<16x64xi32, #tpu.memory_space<vmem>>
    %dma_start3A_197 = arith.constant 0 : i32
    %dma_start3A_198 = arith.constant 0 : i32
    %dma_start3A_199 = tpu.memref_slice %arg4[%add3A, %dma_start3A_197, %dma_start3A_198] : memref<32x160x64xi32, #tpu.memory_space<hbm>> -> memref<1x16x64xi32, #tpu.memory_space<hbm>>
    %dma_start3A_200 = tpu.memref_squeeze %dma_start3A_199 : memref<1x16x64xi32, #tpu.memory_space<hbm>> -> memref<16x64xi32, #tpu.memory_space<hbm>>
    tpu.enqueue_dma source(%dma_start3A_200 : memref<16x64xi32, #tpu.memory_space<hbm>>) target(%dma_start3A_196 : memref<16x64xi32, #tpu.memory_space<vmem>>) target_semaphore(%arg13 : memref<!tpu.dma_semaphore, #tpu.memory_space<semaphore_mem>>)
    %dma_wait3A = arith.constant 0 : i32
    %dma_wait3A_201 = arith.constant 0 : i32
    %dma_wait3A_202 = arith.constant 0 : i32
    %dma_wait3A_203 = arith.constant 0 : i32
    %dma_wait3A_204 = tpu.memref_slice %arg10[%dma_wait3A, %dma_wait3A_202, %dma_wait3A_203] : memref<4x64x128xf32, #tpu.memory_space<vmem>> -> memref<1x64x128xf32, #tpu.memory_space<vmem>>
    %dma_wait3A_205 = tpu.memref_squeeze %dma_wait3A_204 : memref<1x64x128xf32, #tpu.memory_space<vmem>> -> memref<64x128xf32, #tpu.memory_space<vmem>>
    %dma_wait3A_206 = arith.constant 0 : i32
    %dma_wait3A_207 = tpu.memref_slice %arg11[%add3A_4, %dma_wait3A_206] : memref<10240x128xf32, #tpu.memory_space<vmem_shared>> -> memref<64x128xf32, #tpu.memory_space<vmem_shared>>
    %dma_wait3A_208 = tpu.memref_slice %arg12[%dma_wait3A_201] : memref<4x!tpu.dma_semaphore, #tpu.memory_space<semaphore_mem>> -> memref<1x!tpu.dma_semaphore, #tpu.memory_space<semaphore_mem>>
    %dma_wait3A_209 = tpu.memref_squeeze %dma_wait3A_208 : memref<1x!tpu.dma_semaphore, #tpu.memory_space<semaphore_mem>> -> memref<!tpu.dma_semaphore, #tpu.memory_space<semaphore_mem>>
    %dma_wait3A_210 = arith.constant 0 : i32
    %dma_wait3A_211 = tpu.memref_slice %arg11[%add3A_4, %dma_wait3A_210] : memref<10240x128xf32, #tpu.memory_space<vmem_shared>> -> memref<64x128xf32, #tpu.memory_space<vmem_shared>>
    %dma_wait3A_212 = arith.constant 0 : i32
    %dma_wait3A_213 = arith.constant 0 : i32
    %dma_wait3A_214 = tpu.memref_slice %arg10[%dma_wait3A, %dma_wait3A_212, %dma_wait3A_213] : memref<4x64x128xf32, #tpu.memory_space<vmem>> -> memref<1x64x128xf32, #tpu.memory_space<vmem>>
    %dma_wait3A_215 = tpu.memref_squeeze %dma_wait3A_214 : memref<1x64x128xf32, #tpu.memory_space<vmem>> -> memref<64x128xf32, #tpu.memory_space<vmem>>
    tpu.wait_dma2 semaphore(%dma_wait3A_209 : memref<!tpu.dma_semaphore, #tpu.memory_space<semaphore_mem>>) src(%dma_wait3A_215 : memref<64x128xf32, #tpu.memory_space<vmem>>) dst(%dma_wait3A_211 : memref<64x128xf32, #tpu.memory_space<vmem_shared>>)
    %dma_wait3A_216 = arith.constant 0 : i32
    %dma_wait3A_217 = arith.constant 0 : i32
    %dma_wait3A_218 = arith.constant 0 : i32
    %dma_wait3A_219 = arith.constant 0 : i32
    %dma_wait3A_220 = tpu.memref_slice %arg10[%dma_wait3A_216, %dma_wait3A_218, %dma_wait3A_219] : memref<4x64x128xf32, #tpu.memory_space<vmem>> -> memref<1x64x128xf32, #tpu.memory_space<vmem>>
    %dma_wait3A_221 = tpu.memref_squeeze %dma_wait3A_220 : memref<1x64x128xf32, #tpu.memory_space<vmem>> -> memref<64x128xf32, #tpu.memory_space<vmem>>
    %dma_wait3A_222 = arith.constant 0 : i32
    %dma_wait3A_223 = tpu.memref_slice %arg11[%add3A_6, %dma_wait3A_222] : memref<10240x128xf32, #tpu.memory_space<vmem_shared>> -> memref<64x128xf32, #tpu.memory_space<vmem_shared>>
    %dma_wait3A_224 = tpu.memref_slice %arg12[%dma_wait3A_217] : memref<4x!tpu.dma_semaphore, #tpu.memory_space<semaphore_mem>> -> memref<1x!tpu.dma_semaphore, #tpu.memory_space<semaphore_mem>>
    %dma_wait3A_225 = tpu.memref_squeeze %dma_wait3A_224 : memref<1x!tpu.dma_semaphore, #tpu.memory_space<semaphore_mem>> -> memref<!tpu.dma_semaphore, #tpu.memory_space<semaphore_mem>>
    %dma_wait3A_226 = arith.constant 0 : i32
    %dma_wait3A_227 = tpu.memref_slice %arg11[%add3A_6, %dma_wait3A_226] : memref<10240x128xf32, #tpu.memory_space<vmem_shared>> -> memref<64x128xf32, #tpu.memory_space<vmem_shared>>
    %dma_wait3A_228 = arith.constant 0 : i32
    %dma_wait3A_229 = arith.constant 0 : i32
    %dma_wait3A_230 = tpu.memref_slice %arg10[%dma_wait3A_216, %dma_wait3A_228, %dma_wait3A_229] : memref<4x64x128xf32, #tpu.memory_space<vmem>> -> memref<1x64x128xf32, #tpu.memory_space<vmem>>
    %dma_wait3A_231 = tpu.memref_squeeze %dma_wait3A_230 : memref<1x64x128xf32, #tpu.memory_space<vmem>> -> memref<64x128xf32, #tpu.memory_space<vmem>>
    tpu.wait_dma2 semaphore(%dma_wait3A_225 : memref<!tpu.dma_semaphore, #tpu.memory_space<semaphore_mem>>) src(%dma_wait3A_231 : memref<64x128xf32, #tpu.memory_space<vmem>>) dst(%dma_wait3A_227 : memref<64x128xf32, #tpu.memory_space<vmem_shared>>)
    %dma_wait3A_232 = arith.constant 0 : i32
    %dma_wait3A_233 = arith.constant 0 : i32
    %dma_wait3A_234 = arith.constant 0 : i32
    %dma_wait3A_235 = arith.constant 0 : i32
    %dma_wait3A_236 = tpu.memref_slice %arg10[%dma_wait3A_232, %dma_wait3A_234, %dma_wait3A_235] : memref<4x64x128xf32, #tpu.memory_space<vmem>> -> memref<1x64x128xf32, #tpu.memory_space<vmem>>
    %dma_wait3A_237 = tpu.memref_squeeze %dma_wait3A_236 : memref<1x64x128xf32, #tpu.memory_space<vmem>> -> memref<64x128xf32, #tpu.memory_space<vmem>>
    %dma_wait3A_238 = arith.constant 0 : i32
    %dma_wait3A_239 = tpu.memref_slice %arg11[%add3A_8, %dma_wait3A_238] : memref<10240x128xf32, #tpu.memory_space<vmem_shared>> -> memref<64x128xf32, #tpu.memory_space<vmem_shared>>
    %dma_wait3A_240 = tpu.memref_slice %arg12[%dma_wait3A_233] : memref<4x!tpu.dma_semaphore, #tpu.memory_space<semaphore_mem>> -> memref<1x!tpu.dma_semaphore, #tpu.memory_space<semaphore_mem>>
    %dma_wait3A_241 = tpu.memref_squeeze %dma_wait3A_240 : memref<1x!tpu.dma_semaphore, #tpu.memory_space<semaphore_mem>> -> memref<!tpu.dma_semaphore, #tpu.memory_space<semaphore_mem>>
    %dma_wait3A_242 = arith.constant 0 : i32
    %dma_wait3A_243 = tpu.memref_slice %arg11[%add3A_8, %dma_wait3A_242] : memref<10240x128xf32, #tpu.memory_space<vmem_shared>> -> memref<64x128xf32, #tpu.memory_space<vmem_shared>>
    %dma_wait3A_244 = arith.constant 0 : i32
    %dma_wait3A_245 = arith.constant 0 : i32
    %dma_wait3A_246 = tpu.memref_slice %arg10[%dma_wait3A_232, %dma_wait3A_244, %dma_wait3A_245] : memref<4x64x128xf32, #tpu.memory_space<vmem>> -> memref<1x64x128xf32, #tpu.memory_space<vmem>>
    %dma_wait3A_247 = tpu.memref_squeeze %dma_wait3A_246 : memref<1x64x128xf32, #tpu.memory_space<vmem>> -> memref<64x128xf32, #tpu.memory_space<vmem>>
    tpu.wait_dma2 semaphore(%dma_wait3A_241 : memref<!tpu.dma_semaphore, #tpu.memory_space<semaphore_mem>>) src(%dma_wait3A_247 : memref<64x128xf32, #tpu.memory_space<vmem>>) dst(%dma_wait3A_243 : memref<64x128xf32, #tpu.memory_space<vmem_shared>>)
    %dma_wait3A_248 = arith.constant 0 : i32
    %dma_wait3A_249 = arith.constant 0 : i32
    %dma_wait3A_250 = arith.constant 0 : i32
    %dma_wait3A_251 = arith.constant 0 : i32
    %dma_wait3A_252 = tpu.memref_slice %arg10[%dma_wait3A_248, %dma_wait3A_250, %dma_wait3A_251] : memref<4x64x128xf32, #tpu.memory_space<vmem>> -> memref<1x64x128xf32, #tpu.memory_space<vmem>>
    %dma_wait3A_253 = tpu.memref_squeeze %dma_wait3A_252 : memref<1x64x128xf32, #tpu.memory_space<vmem>> -> memref<64x128xf32, #tpu.memory_space<vmem>>
    %dma_wait3A_254 = arith.constant 0 : i32
    %dma_wait3A_255 = tpu.memref_slice %arg11[%add3A_10, %dma_wait3A_254] : memref<10240x128xf32, #tpu.memory_space<vmem_shared>> -> memref<64x128xf32, #tpu.memory_space<vmem_shared>>
    %dma_wait3A_256 = tpu.memref_slice %arg12[%dma_wait3A_249] : memref<4x!tpu.dma_semaphore, #tpu.memory_space<semaphore_mem>> -> memref<1x!tpu.dma_semaphore, #tpu.memory_space<semaphore_mem>>
    %dma_wait3A_257 = tpu.memref_squeeze %dma_wait3A_256 : memref<1x!tpu.dma_semaphore, #tpu.memory_space<semaphore_mem>> -> memref<!tpu.dma_semaphore, #tpu.memory_space<semaphore_mem>>
    %dma_wait3A_258 = arith.constant 0 : i32
    %dma_wait3A_259 = tpu.memref_slice %arg11[%add3A_10, %dma_wait3A_258] : memref<10240x128xf32, #tpu.memory_space<vmem_shared>> -> memref<64x128xf32, #tpu.memory_space<vmem_shared>>
    %dma_wait3A_260 = arith.constant 0 : i32
    %dma_wait3A_261 = arith.constant 0 : i32
    %dma_wait3A_262 = tpu.memref_slice %arg10[%dma_wait3A_248, %dma_wait3A_260, %dma_wait3A_261] : memref<4x64x128xf32, #tpu.memory_space<vmem>> -> memref<1x64x128xf32, #tpu.memory_space<vmem>>
    %dma_wait3A_263 = tpu.memref_squeeze %dma_wait3A_262 : memref<1x64x128xf32, #tpu.memory_space<vmem>> -> memref<64x128xf32, #tpu.memory_space<vmem>>
    tpu.wait_dma2 semaphore(%dma_wait3A_257 : memref<!tpu.dma_semaphore, #tpu.memory_space<semaphore_mem>>) src(%dma_wait3A_263 : memref<64x128xf32, #tpu.memory_space<vmem>>) dst(%dma_wait3A_259 : memref<64x128xf32, #tpu.memory_space<vmem_shared>>)
    %dma_wait3A_264 = arith.constant 0 : i32
    %dma_wait3A_265 = arith.constant 0 : i32
    %dma_wait3A_266 = arith.constant 0 : i32
    %dma_wait3A_267 = arith.constant 0 : i32
    %dma_wait3A_268 = tpu.memref_slice %arg10[%dma_wait3A_264, %dma_wait3A_266, %dma_wait3A_267] : memref<4x64x128xf32, #tpu.memory_space<vmem>> -> memref<1x64x128xf32, #tpu.memory_space<vmem>>
    %dma_wait3A_269 = tpu.memref_squeeze %dma_wait3A_268 : memref<1x64x128xf32, #tpu.memory_space<vmem>> -> memref<64x128xf32, #tpu.memory_space<vmem>>
    %dma_wait3A_270 = arith.constant 0 : i32
    %dma_wait3A_271 = tpu.memref_slice %arg11[%add3A_12, %dma_wait3A_270] : memref<10240x128xf32, #tpu.memory_space<vmem_shared>> -> memref<64x128xf32, #tpu.memory_space<vmem_shared>>
    %dma_wait3A_272 = tpu.memref_slice %arg12[%dma_wait3A_265] : memref<4x!tpu.dma_semaphore, #tpu.memory_space<semaphore_mem>> -> memref<1x!tpu.dma_semaphore, #tpu.memory_space<semaphore_mem>>
    %dma_wait3A_273 = tpu.memref_squeeze %dma_wait3A_272 : memref<1x!tpu.dma_semaphore, #tpu.memory_space<semaphore_mem>> -> memref<!tpu.dma_semaphore, #tpu.memory_space<semaphore_mem>>
    %dma_wait3A_274 = arith.constant 0 : i32
    %dma_wait3A_275 = tpu.memref_slice %arg11[%add3A_12, %dma_wait3A_274] : memref<10240x128xf32, #tpu.memory_space<vmem_shared>> -> memref<64x128xf32, #tpu.memory_space<vmem_shared>>
    %dma_wait3A_276 = arith.constant 0 : i32
    %dma_wait3A_277 = arith.constant 0 : i32
    %dma_wait3A_278 = tpu.memref_slice %arg10[%dma_wait3A_264, %dma_wait3A_276, %dma_wait3A_277] : memref<4x64x128xf32, #tpu.memory_space<vmem>> -> memref<1x64x128xf32, #tpu.memory_space<vmem>>
    %dma_wait3A_279 = tpu.memref_squeeze %dma_wait3A_278 : memref<1x64x128xf32, #tpu.memory_space<vmem>> -> memref<64x128xf32, #tpu.memory_space<vmem>>
    tpu.wait_dma2 semaphore(%dma_wait3A_273 : memref<!tpu.dma_semaphore, #tpu.memory_space<semaphore_mem>>) src(%dma_wait3A_279 : memref<64x128xf32, #tpu.memory_space<vmem>>) dst(%dma_wait3A_275 : memref<64x128xf32, #tpu.memory_space<vmem_shared>>)
    %dma_wait3A_280 = arith.constant 0 : i32
    %dma_wait3A_281 = arith.constant 0 : i32
    %dma_wait3A_282 = arith.constant 0 : i32
    %dma_wait3A_283 = arith.constant 0 : i32
    %dma_wait3A_284 = tpu.memref_slice %arg10[%dma_wait3A_280, %dma_wait3A_282, %dma_wait3A_283] : memref<4x64x128xf32, #tpu.memory_space<vmem>> -> memref<1x64x128xf32, #tpu.memory_space<vmem>>
    %dma_wait3A_285 = tpu.memref_squeeze %dma_wait3A_284 : memref<1x64x128xf32, #tpu.memory_space<vmem>> -> memref<64x128xf32, #tpu.memory_space<vmem>>
    %dma_wait3A_286 = arith.constant 0 : i32
    %dma_wait3A_287 = tpu.memref_slice %arg11[%add3A_14, %dma_wait3A_286] : memref<10240x128xf32, #tpu.memory_space<vmem_shared>> -> memref<64x128xf32, #tpu.memory_space<vmem_shared>>
    %dma_wait3A_288 = tpu.memref_slice %arg12[%dma_wait3A_281] : memref<4x!tpu.dma_semaphore, #tpu.memory_space<semaphore_mem>> -> memref<1x!tpu.dma_semaphore, #tpu.memory_space<semaphore_mem>>
    %dma_wait3A_289 = tpu.memref_squeeze %dma_wait3A_288 : memref<1x!tpu.dma_semaphore, #tpu.memory_space<semaphore_mem>> -> memref<!tpu.dma_semaphore, #tpu.memory_space<semaphore_mem>>
    %dma_wait3A_290 = arith.constant 0 : i32
    %dma_wait3A_291 = tpu.memref_slice %arg11[%add3A_14, %dma_wait3A_290] : memref<10240x128xf32, #tpu.memory_space<vmem_shared>> -> memref<64x128xf32, #tpu.memory_space<vmem_shared>>
    %dma_wait3A_292 = arith.constant 0 : i32
    %dma_wait3A_293 = arith.constant 0 : i32
    %dma_wait3A_294 = tpu.memref_slice %arg10[%dma_wait3A_280, %dma_wait3A_292, %dma_wait3A_293] : memref<4x64x128xf32, #tpu.memory_space<vmem>> -> memref<1x64x128xf32, #tpu.memory_space<vmem>>
    %dma_wait3A_295 = tpu.memref_squeeze %dma_wait3A_294 : memref<1x64x128xf32, #tpu.memory_space<vmem>> -> memref<64x128xf32, #tpu.memory_space<vmem>>
    tpu.wait_dma2 semaphore(%dma_wait3A_289 : memref<!tpu.dma_semaphore, #tpu.memory_space<semaphore_mem>>) src(%dma_wait3A_295 : memref<64x128xf32, #tpu.memory_space<vmem>>) dst(%dma_wait3A_291 : memref<64x128xf32, #tpu.memory_space<vmem_shared>>)
    %dma_wait3A_296 = arith.constant 0 : i32
    %dma_wait3A_297 = arith.constant 0 : i32
    %dma_wait3A_298 = arith.constant 0 : i32
    %dma_wait3A_299 = arith.constant 0 : i32
    %dma_wait3A_300 = tpu.memref_slice %arg10[%dma_wait3A_296, %dma_wait3A_298, %dma_wait3A_299] : memref<4x64x128xf32, #tpu.memory_space<vmem>> -> memref<1x64x128xf32, #tpu.memory_space<vmem>>
    %dma_wait3A_301 = tpu.memref_squeeze %dma_wait3A_300 : memref<1x64x128xf32, #tpu.memory_space<vmem>> -> memref<64x128xf32, #tpu.memory_space<vmem>>
    %dma_wait3A_302 = arith.constant 0 : i32
    %dma_wait3A_303 = tpu.memref_slice %arg11[%add3A_16, %dma_wait3A_302] : memref<10240x128xf32, #tpu.memory_space<vmem_shared>> -> memref<64x128xf32, #tpu.memory_space<vmem_shared>>
    %dma_wait3A_304 = tpu.memref_slice %arg12[%dma_wait3A_297] : memref<4x!tpu.dma_semaphore, #tpu.memory_space<semaphore_mem>> -> memref<1x!tpu.dma_semaphore, #tpu.memory_space<semaphore_mem>>
    %dma_wait3A_305 = tpu.memref_squeeze %dma_wait3A_304 : memref<1x!tpu.dma_semaphore, #tpu.memory_space<semaphore_mem>> -> memref<!tpu.dma_semaphore, #tpu.memory_space<semaphore_mem>>
    %dma_wait3A_306 = arith.constant 0 : i32
    %dma_wait3A_307 = tpu.memref_slice %arg11[%add3A_16, %dma_wait3A_306] : memref<10240x128xf32, #tpu.memory_space<vmem_shared>> -> memref<64x128xf32, #tpu.memory_space<vmem_shared>>
    %dma_wait3A_308 = arith.constant 0 : i32
    %dma_wait3A_309 = arith.constant 0 : i32
    %dma_wait3A_310 = tpu.memref_slice %arg10[%dma_wait3A_296, %dma_wait3A_308, %dma_wait3A_309] : memref<4x64x128xf32, #tpu.memory_space<vmem>> -> memref<1x64x128xf32, #tpu.memory_space<vmem>>
    %dma_wait3A_311 = tpu.memref_squeeze %dma_wait3A_310 : memref<1x64x128xf32, #tpu.memory_space<vmem>> -> memref<64x128xf32, #tpu.memory_space<vmem>>
    tpu.wait_dma2 semaphore(%dma_wait3A_305 : memref<!tpu.dma_semaphore, #tpu.memory_space<semaphore_mem>>) src(%dma_wait3A_311 : memref<64x128xf32, #tpu.memory_space<vmem>>) dst(%dma_wait3A_307 : memref<64x128xf32, #tpu.memory_space<vmem_shared>>)
    %dma_wait3A_312 = arith.constant 0 : i32
    %dma_wait3A_313 = arith.constant 0 : i32
    %dma_wait3A_314 = arith.constant 0 : i32
    %dma_wait3A_315 = arith.constant 0 : i32
    %dma_wait3A_316 = tpu.memref_slice %arg10[%dma_wait3A_312, %dma_wait3A_314, %dma_wait3A_315] : memref<4x64x128xf32, #tpu.memory_space<vmem>> -> memref<1x64x128xf32, #tpu.memory_space<vmem>>
    %dma_wait3A_317 = tpu.memref_squeeze %dma_wait3A_316 : memref<1x64x128xf32, #tpu.memory_space<vmem>> -> memref<64x128xf32, #tpu.memory_space<vmem>>
    %dma_wait3A_318 = arith.constant 0 : i32
    %dma_wait3A_319 = tpu.memref_slice %arg11[%add3A_18, %dma_wait3A_318] : memref<10240x128xf32, #tpu.memory_space<vmem_shared>> -> memref<64x128xf32, #tpu.memory_space<vmem_shared>>
    %dma_wait3A_320 = tpu.memref_slice %arg12[%dma_wait3A_313] : memref<4x!tpu.dma_semaphore, #tpu.memory_space<semaphore_mem>> -> memref<1x!tpu.dma_semaphore, #tpu.memory_space<semaphore_mem>>
    %dma_wait3A_321 = tpu.memref_squeeze %dma_wait3A_320 : memref<1x!tpu.dma_semaphore, #tpu.memory_space<semaphore_mem>> -> memref<!tpu.dma_semaphore, #tpu.memory_space<semaphore_mem>>
    %dma_wait3A_322 = arith.constant 0 : i32
    %dma_wait3A_323 = tpu.memref_slice %arg11[%add3A_18, %dma_wait3A_322] : memref<10240x128xf32, #tpu.memory_space<vmem_shared>> -> memref<64x128xf32, #tpu.memory_space<vmem_shared>>
    %dma_wait3A_324 = arith.constant 0 : i32
    %dma_wait3A_325 = arith.constant 0 : i32
    %dma_wait3A_326 = tpu.memref_slice %arg10[%dma_wait3A_312, %dma_wait3A_324, %dma_wait3A_325] : memref<4x64x128xf32, #tpu.memory_space<vmem>> -> memref<1x64x128xf32, #tpu.memory_space<vmem>>
    %dma_wait3A_327 = tpu.memref_squeeze %dma_wait3A_326 : memref<1x64x128xf32, #tpu.memory_space<vmem>> -> memref<64x128xf32, #tpu.memory_space<vmem>>
    tpu.wait_dma2 semaphore(%dma_wait3A_321 : memref<!tpu.dma_semaphore, #tpu.memory_space<semaphore_mem>>) src(%dma_wait3A_327 : memref<64x128xf32, #tpu.memory_space<vmem>>) dst(%dma_wait3A_323 : memref<64x128xf32, #tpu.memory_space<vmem_shared>>)
    %dma_wait3A_328 = arith.constant 0 : i32
    %dma_wait3A_329 = arith.constant 0 : i32
    %dma_wait3A_330 = arith.constant 0 : i32
    %dma_wait3A_331 = arith.constant 0 : i32
    %dma_wait3A_332 = tpu.memref_slice %arg10[%dma_wait3A_328, %dma_wait3A_330, %dma_wait3A_331] : memref<4x64x128xf32, #tpu.memory_space<vmem>> -> memref<1x64x128xf32, #tpu.memory_space<vmem>>
    %dma_wait3A_333 = tpu.memref_squeeze %dma_wait3A_332 : memref<1x64x128xf32, #tpu.memory_space<vmem>> -> memref<64x128xf32, #tpu.memory_space<vmem>>
    %dma_wait3A_334 = arith.constant 0 : i32
    %dma_wait3A_335 = tpu.memref_slice %arg11[%add3A_20, %dma_wait3A_334] : memref<10240x128xf32, #tpu.memory_space<vmem_shared>> -> memref<64x128xf32, #tpu.memory_space<vmem_shared>>
    %dma_wait3A_336 = tpu.memref_slice %arg12[%dma_wait3A_329] : memref<4x!tpu.dma_semaphore, #tpu.memory_space<semaphore_mem>> -> memref<1x!tpu.dma_semaphore, #tpu.memory_space<semaphore_mem>>
    %dma_wait3A_337 = tpu.memref_squeeze %dma_wait3A_336 : memref<1x!tpu.dma_semaphore, #tpu.memory_space<semaphore_mem>> -> memref<!tpu.dma_semaphore, #tpu.memory_space<semaphore_mem>>
    %dma_wait3A_338 = arith.constant 0 : i32
    %dma_wait3A_339 = tpu.memref_slice %arg11[%add3A_20, %dma_wait3A_338] : memref<10240x128xf32, #tpu.memory_space<vmem_shared>> -> memref<64x128xf32, #tpu.memory_space<vmem_shared>>
    %dma_wait3A_340 = arith.constant 0 : i32
    %dma_wait3A_341 = arith.constant 0 : i32
    %dma_wait3A_342 = tpu.memref_slice %arg10[%dma_wait3A_328, %dma_wait3A_340, %dma_wait3A_341] : memref<4x64x128xf32, #tpu.memory_space<vmem>> -> memref<1x64x128xf32, #tpu.memory_space<vmem>>
    %dma_wait3A_343 = tpu.memref_squeeze %dma_wait3A_342 : memref<1x64x128xf32, #tpu.memory_space<vmem>> -> memref<64x128xf32, #tpu.memory_space<vmem>>
    tpu.wait_dma2 semaphore(%dma_wait3A_337 : memref<!tpu.dma_semaphore, #tpu.memory_space<semaphore_mem>>) src(%dma_wait3A_343 : memref<64x128xf32, #tpu.memory_space<vmem>>) dst(%dma_wait3A_339 : memref<64x128xf32, #tpu.memory_space<vmem_shared>>)
    %dma_wait3A_344 = arith.constant 0 : i32
    %dma_wait3A_345 = arith.constant 0 : i32
    %dma_wait3A_346 = arith.constant 0 : i32
    %dma_wait3A_347 = arith.constant 0 : i32
    %dma_wait3A_348 = tpu.memref_slice %arg10[%dma_wait3A_344, %dma_wait3A_346, %dma_wait3A_347] : memref<4x64x128xf32, #tpu.memory_space<vmem>> -> memref<1x64x128xf32, #tpu.memory_space<vmem>>
    %dma_wait3A_349 = tpu.memref_squeeze %dma_wait3A_348 : memref<1x64x128xf32, #tpu.memory_space<vmem>> -> memref<64x128xf32, #tpu.memory_space<vmem>>
    %dma_wait3A_350 = arith.constant 0 : i32
    %dma_wait3A_351 = tpu.memref_slice %arg11[%add3A_22, %dma_wait3A_350] : memref<10240x128xf32, #tpu.memory_space<vmem_shared>> -> memref<64x128xf32, #tpu.memory_space<vmem_shared>>
    %dma_wait3A_352 = tpu.memref_slice %arg12[%dma_wait3A_345] : memref<4x!tpu.dma_semaphore, #tpu.memory_space<semaphore_mem>> -> memref<1x!tpu.dma_semaphore, #tpu.memory_space<semaphore_mem>>
    %dma_wait3A_353 = tpu.memref_squeeze %dma_wait3A_352 : memref<1x!tpu.dma_semaphore, #tpu.memory_space<semaphore_mem>> -> memref<!tpu.dma_semaphore, #tpu.memory_space<semaphore_mem>>
    %dma_wait3A_354 = arith.constant 0 : i32
    %dma_wait3A_355 = tpu.memref_slice %arg11[%add3A_22, %dma_wait3A_354] : memref<10240x128xf32, #tpu.memory_space<vmem_shared>> -> memref<64x128xf32, #tpu.memory_space<vmem_shared>>
    %dma_wait3A_356 = arith.constant 0 : i32
    %dma_wait3A_357 = arith.constant 0 : i32
    %dma_wait3A_358 = tpu.memref_slice %arg10[%dma_wait3A_344, %dma_wait3A_356, %dma_wait3A_357] : memref<4x64x128xf32, #tpu.memory_space<vmem>> -> memref<1x64x128xf32, #tpu.memory_space<vmem>>
    %dma_wait3A_359 = tpu.memref_squeeze %dma_wait3A_358 : memref<1x64x128xf32, #tpu.memory_space<vmem>> -> memref<64x128xf32, #tpu.memory_space<vmem>>
    tpu.wait_dma2 semaphore(%dma_wait3A_353 : memref<!tpu.dma_semaphore, #tpu.memory_space<semaphore_mem>>) src(%dma_wait3A_359 : memref<64x128xf32, #tpu.memory_space<vmem>>) dst(%dma_wait3A_355 : memref<64x128xf32, #tpu.memory_space<vmem_shared>>)
    %barrier3A = arith.constant 0 : index
    tpu.barrier barrier_id(%barrier3A)
    %dma_start3A_360 = arith.constant 0 : i32
    %dma_start3A_361 = arith.constant 0 : i32
    %dma_start3A_362 = arith.constant 0 : i32
    %dma_start3A_363 = arith.constant 0 : i32
    %dma_start3A_364 = tpu.memref_slice %arg10[%dma_start3A_360, %dma_start3A_362, %dma_start3A_363] : memref<4x64x128xf32, #tpu.memory_space<vmem>> -> memref<1x64x128xf32, #tpu.memory_space<vmem>>
    %dma_start3A_365 = tpu.memref_squeeze %dma_start3A_364 : memref<1x64x128xf32, #tpu.memory_space<vmem>> -> memref<64x128xf32, #tpu.memory_space<vmem>>
    %dma_start3A_366 = arith.constant 0 : i32
    %dma_start3A_367 = tpu.memref_slice %arg8[%dma_start3A_366] : memref<10240xi32, #tpu.memory_space<vmem>> -> memref<64xi32, #tpu.memory_space<vmem>>
    %dma_start3A_368 = arith.constant 0 : i32
    %dma_start3A_369 = arith.constant 0 : i32
    %dma_start3A_370 = tpu.memref_slice %arg2[%dma_start3A_368, %dma_start3A_369] : memref<10240x128xf32, #tpu.memory_space<hbm>> -> memref<10240x128xf32, #tpu.memory_space<hbm>>
    %dma_start3A_371 = tpu.memref_slice %arg12[%dma_start3A_361] : memref<4x!tpu.dma_semaphore, #tpu.memory_space<semaphore_mem>> -> memref<1x!tpu.dma_semaphore, #tpu.memory_space<semaphore_mem>>
    %dma_start3A_372 = tpu.memref_squeeze %dma_start3A_371 : memref<1x!tpu.dma_semaphore, #tpu.memory_space<semaphore_mem>> -> memref<!tpu.dma_semaphore, #tpu.memory_space<semaphore_mem>>
    tpu.enqueue_indirect_dma source(%dma_start3A_370 : memref<10240x128xf32, #tpu.memory_space<hbm>>) target(%dma_start3A_365 : memref<64x128xf32, #tpu.memory_space<vmem>>) offsets(%dma_start3A_367 : memref<64xi32, #tpu.memory_space<vmem>>) semaphore(%dma_start3A_372 : memref<!tpu.dma_semaphore, #tpu.memory_space<semaphore_mem>>)
    %dma_start3A_373 = arith.constant 1 : i32
    %dma_start3A_374 = arith.constant 1 : i32
    %dma_start3A_375 = arith.constant 0 : i32
    %dma_start3A_376 = arith.constant 0 : i32
    %dma_start3A_377 = tpu.memref_slice %arg10[%dma_start3A_373, %dma_start3A_375, %dma_start3A_376] : memref<4x64x128xf32, #tpu.memory_space<vmem>> -> memref<1x64x128xf32, #tpu.memory_space<vmem>>
    %dma_start3A_378 = tpu.memref_squeeze %dma_start3A_377 : memref<1x64x128xf32, #tpu.memory_space<vmem>> -> memref<64x128xf32, #tpu.memory_space<vmem>>
    %dma_start3A_379 = arith.constant 64 : i32
    %dma_start3A_380 = tpu.memref_slice %arg8[%dma_start3A_379] : memref<10240xi32, #tpu.memory_space<vmem>> -> memref<64xi32, #tpu.memory_space<vmem>>
    %dma_start3A_381 = arith.constant 0 : i32
    %dma_start3A_382 = arith.constant 0 : i32
    %dma_start3A_383 = tpu.memref_slice %arg2[%dma_start3A_381, %dma_start3A_382] : memref<10240x128xf32, #tpu.memory_space<hbm>> -> memref<10240x128xf32, #tpu.memory_space<hbm>>
    %dma_start3A_384 = tpu.memref_slice %arg12[%dma_start3A_374] : memref<4x!tpu.dma_semaphore, #tpu.memory_space<semaphore_mem>> -> memref<1x!tpu.dma_semaphore, #tpu.memory_space<semaphore_mem>>
    %dma_start3A_385 = tpu.memref_squeeze %dma_start3A_384 : memref<1x!tpu.dma_semaphore, #tpu.memory_space<semaphore_mem>> -> memref<!tpu.dma_semaphore, #tpu.memory_space<semaphore_mem>>
    tpu.enqueue_indirect_dma source(%dma_start3A_383 : memref<10240x128xf32, #tpu.memory_space<hbm>>) target(%dma_start3A_378 : memref<64x128xf32, #tpu.memory_space<vmem>>) offsets(%dma_start3A_380 : memref<64xi32, #tpu.memory_space<vmem>>) semaphore(%dma_start3A_385 : memref<!tpu.dma_semaphore, #tpu.memory_space<semaphore_mem>>)
    %dma_start3A_386 = arith.constant 2 : i32
    %dma_start3A_387 = arith.constant 2 : i32
    %dma_start3A_388 = arith.constant 0 : i32
    %dma_start3A_389 = arith.constant 0 : i32
    %dma_start3A_390 = tpu.memref_slice %arg10[%dma_start3A_386, %dma_start3A_388, %dma_start3A_389] : memref<4x64x128xf32, #tpu.memory_space<vmem>> -> memref<1x64x128xf32, #tpu.memory_space<vmem>>
    %dma_start3A_391 = tpu.memref_squeeze %dma_start3A_390 : memref<1x64x128xf32, #tpu.memory_space<vmem>> -> memref<64x128xf32, #tpu.memory_space<vmem>>
    %dma_start3A_392 = arith.constant 128 : i32
    %dma_start3A_393 = tpu.memref_slice %arg8[%dma_start3A_392] : memref<10240xi32, #tpu.memory_space<vmem>> -> memref<64xi32, #tpu.memory_space<vmem>>
    %dma_start3A_394 = arith.constant 0 : i32
    %dma_start3A_395 = arith.constant 0 : i32
    %dma_start3A_396 = tpu.memref_slice %arg2[%dma_start3A_394, %dma_start3A_395] : memref<10240x128xf32, #tpu.memory_space<hbm>> -> memref<10240x128xf32, #tpu.memory_space<hbm>>
    %dma_start3A_397 = tpu.memref_slice %arg12[%dma_start3A_387] : memref<4x!tpu.dma_semaphore, #tpu.memory_space<semaphore_mem>> -> memref<1x!tpu.dma_semaphore, #tpu.memory_space<semaphore_mem>>
    %dma_start3A_398 = tpu.memref_squeeze %dma_start3A_397 : memref<1x!tpu.dma_semaphore, #tpu.memory_space<semaphore_mem>> -> memref<!tpu.dma_semaphore, #tpu.memory_space<semaphore_mem>>
    tpu.enqueue_indirect_dma source(%dma_start3A_396 : memref<10240x128xf32, #tpu.memory_space<hbm>>) target(%dma_start3A_391 : memref<64x128xf32, #tpu.memory_space<vmem>>) offsets(%dma_start3A_393 : memref<64xi32, #tpu.memory_space<vmem>>) semaphore(%dma_start3A_398 : memref<!tpu.dma_semaphore, #tpu.memory_space<semaphore_mem>>)
    %dma_wait3A_399 = arith.constant 0 : i32
    %dma_wait3A_400 = arith.constant 0 : i32
    %dma_wait3A_401 = arith.constant 0 : i32
    %dma_wait3A_402 = tpu.memref_slice %arg9[%dma_wait3A_399, %dma_wait3A_400, %dma_wait3A_401] : memref<2x16x64xi32, #tpu.memory_space<vmem>> -> memref<1x16x64xi32, #tpu.memory_space<vmem>>
    %dma_wait3A_403 = tpu.memref_squeeze %dma_wait3A_402 : memref<1x16x64xi32, #tpu.memory_space<vmem>> -> memref<16x64xi32, #tpu.memory_space<vmem>>
    %dma_wait3A_404 = arith.constant 0 : i32
    %dma_wait3A_405 = arith.constant 0 : i32
    %dma_wait3A_406 = tpu.memref_slice %arg4[%add3A, %dma_wait3A_404, %dma_wait3A_405] : memref<32x160x64xi32, #tpu.memory_space<hbm>> -> memref<1x16x64xi32, #tpu.memory_space<hbm>>
    %dma_wait3A_407 = tpu.memref_squeeze %dma_wait3A_406 : memref<1x16x64xi32, #tpu.memory_space<hbm>> -> memref<16x64xi32, #tpu.memory_space<hbm>>
    %dma_wait3A_408 = arith.constant 0 : i32
    %dma_wait3A_409 = arith.constant 0 : i32
    %dma_wait3A_410 = tpu.memref_slice %arg9[%dma_wait3A_399, %dma_wait3A_408, %dma_wait3A_409] : memref<2x16x64xi32, #tpu.memory_space<vmem>> -> memref<1x16x64xi32, #tpu.memory_space<vmem>>
    %dma_wait3A_411 = tpu.memref_squeeze %dma_wait3A_410 : memref<1x16x64xi32, #tpu.memory_space<vmem>> -> memref<16x64xi32, #tpu.memory_space<vmem>>
    %dma_wait3A_412 = arith.constant 0 : i32
    %dma_wait3A_413 = arith.constant 0 : i32
    %dma_wait3A_414 = tpu.memref_slice %arg4[%add3A, %dma_wait3A_412, %dma_wait3A_413] : memref<32x160x64xi32, #tpu.memory_space<hbm>> -> memref<1x16x64xi32, #tpu.memory_space<hbm>>
    %dma_wait3A_415 = tpu.memref_squeeze %dma_wait3A_414 : memref<1x16x64xi32, #tpu.memory_space<hbm>> -> memref<16x64xi32, #tpu.memory_space<hbm>>
    tpu.wait_dma2 semaphore(%arg13 : memref<!tpu.dma_semaphore, #tpu.memory_space<semaphore_mem>>) src(%dma_wait3A_415 : memref<16x64xi32, #tpu.memory_space<hbm>>) dst(%dma_wait3A_411 : memref<16x64xi32, #tpu.memory_space<vmem>>)
    %dma_start3A_416 = arith.constant 1 : i32
    %dma_start3A_417 = arith.constant 0 : i32
    %dma_start3A_418 = arith.constant 0 : i32
    %dma_start3A_419 = tpu.memref_slice %arg9[%dma_start3A_416, %dma_start3A_417, %dma_start3A_418] : memref<2x16x64xi32, #tpu.memory_space<vmem>> -> memref<1x16x64xi32, #tpu.memory_space<vmem>>
    %dma_start3A_420 = tpu.memref_squeeze %dma_start3A_419 : memref<1x16x64xi32, #tpu.memory_space<vmem>> -> memref<16x64xi32, #tpu.memory_space<vmem>>
    %dma_start3A_421 = arith.constant 16 : i32
    %dma_start3A_422 = arith.constant 0 : i32
    %dma_start3A_423 = tpu.memref_slice %arg4[%add3A, %dma_start3A_421, %dma_start3A_422] : memref<32x160x64xi32, #tpu.memory_space<hbm>> -> memref<1x16x64xi32, #tpu.memory_space<hbm>>
    %dma_start3A_424 = tpu.memref_squeeze %dma_start3A_423 : memref<1x16x64xi32, #tpu.memory_space<hbm>> -> memref<16x64xi32, #tpu.memory_space<hbm>>
    %dma_start3A_425 = arith.constant 0 : i32
    %dma_start3A_426 = arith.constant 0 : i32
    %dma_start3A_427 = tpu.memref_slice %arg9[%dma_start3A_416, %dma_start3A_425, %dma_start3A_426] : memref<2x16x64xi32, #tpu.memory_space<vmem>> -> memref<1x16x64xi32, #tpu.memory_space<vmem>>
    %dma_start3A_428 = tpu.memref_squeeze %dma_start3A_427 : memref<1x16x64xi32, #tpu.memory_space<vmem>> -> memref<16x64xi32, #tpu.memory_space<vmem>>
    %dma_start3A_429 = arith.constant 16 : i32
    %dma_start3A_430 = arith.constant 0 : i32
    %dma_start3A_431 = tpu.memref_slice %arg4[%add3A, %dma_start3A_429, %dma_start3A_430] : memref<32x160x64xi32, #tpu.memory_space<hbm>> -> memref<1x16x64xi32, #tpu.memory_space<hbm>>
    %dma_start3A_432 = tpu.memref_squeeze %dma_start3A_431 : memref<1x16x64xi32, #tpu.memory_space<hbm>> -> memref<16x64xi32, #tpu.memory_space<hbm>>
    tpu.enqueue_dma source(%dma_start3A_432 : memref<16x64xi32, #tpu.memory_space<hbm>>) target(%dma_start3A_428 : memref<16x64xi32, #tpu.memory_space<vmem>>) target_semaphore(%arg13 : memref<!tpu.dma_semaphore, #tpu.memory_space<semaphore_mem>>)
    %scan3A = arith.constant 0 : i32
    %scan3A_433 = arith.constant 160 : i32
    %scan3A_434 = arith.addi %scan3A, %scan3A_433 : i32
    %scan3A_435 = arith.constant 1 : i32
    scf.for %scan3A_1198 = %scan3A to %scan3A_434 step %scan3A_435  : i32 {
      %rem3A = arith.constant 4 : i32
      %rem3A_1199 = arith.remsi %scan3A_1198, %rem3A : i32
      %div3A = arith.constant 16 : i32
      %div3A_1200 = arith.divsi %scan3A_1198, %div3A : i32
      %rem3A_1201 = arith.constant 16 : i32
      %rem3A_1202 = arith.remsi %scan3A_1198, %rem3A_1201 : i32
      %rem3A_1203 = arith.constant 2 : i32
      %rem3A_1204 = arith.remsi %div3A_1200, %rem3A_1203 : i32
      %add3A_1205 = arith.constant 4 : i32
      %add3A_1206 = arith.addi %scan3A_1198, %add3A_1205 : i32
      %sub3A = arith.constant 1 : i32
      %sub3A_1207 = arith.subi %add3A_1206, %sub3A : i32
      %lt3A = arith.constant 160 : i32
      %lt3A_1208 = arith.cmpi slt, %sub3A_1207, %lt3A : i32
      %convert_element_type3A = arith.extui %lt3A_1208 : i1 to i32
      %cond3A = arith.constant 0 : i32
      %cond3A_1209 = arith.cmpi ne, %convert_element_type3A, %cond3A : i32
      scf.if %cond3A_1209 {
        %add3A_1227 = arith.constant 4 : i32
        %add3A_1228 = arith.addi %scan3A_1198, %add3A_1227 : i32
        %sub3A_1229 = arith.constant 1 : i32
        %sub3A_1230 = arith.subi %add3A_1228, %sub3A_1229 : i32
        %add3A_1231 = arith.constant 4 : i32
        %add3A_1232 = arith.addi %scan3A_1198, %add3A_1231 : i32
        %sub3A_1233 = arith.constant 1 : i32
        %sub3A_1234 = arith.subi %add3A_1232, %sub3A_1233 : i32
        %rem3A_1235 = arith.constant 4 : i32
        %rem3A_1236 = arith.remsi %sub3A_1234, %rem3A_1235 : i32
        %mul3A_1237 = arith.constant 64 : i32
        %mul3A_1238 = arith.muli %sub3A_1230, %mul3A_1237 : i32
        %dma_start3A_1239 = arith.constant 0 : i32
        %dma_start3A_1240 = arith.constant 0 : i32
        %dma_start3A_1241 = tpu.memref_slice %arg10[%rem3A_1236, %dma_start3A_1239, %dma_start3A_1240] : memref<4x64x128xf32, #tpu.memory_space<vmem>> -> memref<1x64x128xf32, #tpu.memory_space<vmem>>
        %dma_start3A_1242 = tpu.memref_squeeze %dma_start3A_1241 : memref<1x64x128xf32, #tpu.memory_space<vmem>> -> memref<64x128xf32, #tpu.memory_space<vmem>>
        %dma_start3A_1243 = tpu.memref_slice %arg8[%mul3A_1238] : memref<10240xi32, #tpu.memory_space<vmem>> -> memref<64xi32, #tpu.memory_space<vmem>>
        %dma_start3A_1244 = arith.constant 0 : i32
        %dma_start3A_1245 = arith.constant 0 : i32
        %dma_start3A_1246 = tpu.memref_slice %arg2[%dma_start3A_1244, %dma_start3A_1245] : memref<10240x128xf32, #tpu.memory_space<hbm>> -> memref<10240x128xf32, #tpu.memory_space<hbm>>
        %dma_start3A_1247 = tpu.memref_slice %arg12[%rem3A_1236] : memref<4x!tpu.dma_semaphore, #tpu.memory_space<semaphore_mem>> -> memref<1x!tpu.dma_semaphore, #tpu.memory_space<semaphore_mem>>
        %dma_start3A_1248 = tpu.memref_squeeze %dma_start3A_1247 : memref<1x!tpu.dma_semaphore, #tpu.memory_space<semaphore_mem>> -> memref<!tpu.dma_semaphore, #tpu.memory_space<semaphore_mem>>
        tpu.enqueue_indirect_dma source(%dma_start3A_1246 : memref<10240x128xf32, #tpu.memory_space<hbm>>) target(%dma_start3A_1242 : memref<64x128xf32, #tpu.memory_space<vmem>>) offsets(%dma_start3A_1243 : memref<64xi32, #tpu.memory_space<vmem>>) semaphore(%dma_start3A_1248 : memref<!tpu.dma_semaphore, #tpu.memory_space<semaphore_mem>>)
      } else {
      }
      %mul3A_1210 = arith.constant 64 : i32
      %mul3A_1211 = arith.muli %scan3A_1198, %mul3A_1210 : i32
      %dma_wait3A_1212 = arith.constant 0 : i32
      %dma_wait3A_1213 = arith.constant 0 : i32
      %dma_wait3A_1214 = tpu.memref_slice %arg10[%rem3A_1199, %dma_wait3A_1212, %dma_wait3A_1213] : memref<4x64x128xf32, #tpu.memory_space<vmem>> -> memref<1x64x128xf32, #tpu.memory_space<vmem>>
      %dma_wait3A_1215 = tpu.memref_squeeze %dma_wait3A_1214 : memref<1x64x128xf32, #tpu.memory_space<vmem>> -> memref<64x128xf32, #tpu.memory_space<vmem>>
      %dma_wait3A_1216 = tpu.memref_slice %arg8[%mul3A_1211] : memref<10240xi32, #tpu.memory_space<vmem>> -> memref<64xi32, #tpu.memory_space<vmem>>
      %dma_wait3A_1217 = arith.constant 0 : i32
      %dma_wait3A_1218 = arith.constant 0 : i32
      %dma_wait3A_1219 = tpu.memref_slice %arg2[%dma_wait3A_1217, %dma_wait3A_1218] : memref<10240x128xf32, #tpu.memory_space<hbm>> -> memref<10240x128xf32, #tpu.memory_space<hbm>>
      %dma_wait3A_1220 = tpu.memref_slice %arg12[%rem3A_1199] : memref<4x!tpu.dma_semaphore, #tpu.memory_space<semaphore_mem>> -> memref<1x!tpu.dma_semaphore, #tpu.memory_space<semaphore_mem>>
      %dma_wait3A_1221 = tpu.memref_squeeze %dma_wait3A_1220 : memref<1x!tpu.dma_semaphore, #tpu.memory_space<semaphore_mem>> -> memref<!tpu.dma_semaphore, #tpu.memory_space<semaphore_mem>>
      tpu.wait_indirect_dma semaphore(%dma_wait3A_1221 : memref<!tpu.dma_semaphore, #tpu.memory_space<semaphore_mem>>) src(%dma_wait3A_1219 : memref<10240x128xf32, #tpu.memory_space<hbm>>) dst(%dma_wait3A_1215 : memref<64x128xf32, #tpu.memory_space<vmem>>)
      %eq3A = arith.constant 0 : i32
      %eq3A_1222 = arith.cmpi eq, %rem3A_1202, %eq3A : i32
      %ge3A = arith.constant 1 : i32
      %ge3A_1223 = arith.cmpi sge, %div3A_1200, %ge3A : i32
      %and3A = arith.andi %eq3A_1222, %ge3A_1223 : i1
      %convert_element_type3A_1224 = arith.extui %and3A : i1 to i32
      %cond3A_1225 = arith.constant 0 : i32
      %cond3A_1226 = arith.cmpi ne, %convert_element_type3A_1224, %cond3A_1225 : i32
      scf.if %cond3A_1226 {
        %mul3A_1227 = arith.constant 16 : i32
        %mul3A_1228 = arith.muli %div3A_1200, %mul3A_1227 : i32
        %dma_wait3A_1229 = arith.constant 0 : i32
        %dma_wait3A_1230 = arith.constant 0 : i32
        %dma_wait3A_1231 = tpu.memref_slice %arg9[%rem3A_1204, %dma_wait3A_1229, %dma_wait3A_1230] : memref<2x16x64xi32, #tpu.memory_space<vmem>> -> memref<1x16x64xi32, #tpu.memory_space<vmem>>
        %dma_wait3A_1232 = tpu.memref_squeeze %dma_wait3A_1231 : memref<1x16x64xi32, #tpu.memory_space<vmem>> -> memref<16x64xi32, #tpu.memory_space<vmem>>
        %dma_wait3A_1233 = arith.constant 0 : i32
        %dma_wait3A_1234 = tpu.memref_slice %arg4[%add3A, %mul3A_1228, %dma_wait3A_1233] : memref<32x160x64xi32, #tpu.memory_space<hbm>> -> memref<1x16x64xi32, #tpu.memory_space<hbm>>
        %dma_wait3A_1235 = tpu.memref_squeeze %dma_wait3A_1234 : memref<1x16x64xi32, #tpu.memory_space<hbm>> -> memref<16x64xi32, #tpu.memory_space<hbm>>
        %dma_wait3A_1236 = arith.constant 0 : i32
        %dma_wait3A_1237 = arith.constant 0 : i32
        %dma_wait3A_1238 = tpu.memref_slice %arg9[%rem3A_1204, %dma_wait3A_1236, %dma_wait3A_1237] : memref<2x16x64xi32, #tpu.memory_space<vmem>> -> memref<1x16x64xi32, #tpu.memory_space<vmem>>
        %dma_wait3A_1239 = tpu.memref_squeeze %dma_wait3A_1238 : memref<1x16x64xi32, #tpu.memory_space<vmem>> -> memref<16x64xi32, #tpu.memory_space<vmem>>
        %dma_wait3A_1240 = arith.constant 0 : i32
        %dma_wait3A_1241 = tpu.memref_slice %arg4[%add3A, %mul3A_1228, %dma_wait3A_1240] : memref<32x160x64xi32, #tpu.memory_space<hbm>> -> memref<1x16x64xi32, #tpu.memory_space<hbm>>
        %dma_wait3A_1242 = tpu.memref_squeeze %dma_wait3A_1241 : memref<1x16x64xi32, #tpu.memory_space<hbm>> -> memref<16x64xi32, #tpu.memory_space<hbm>>
        tpu.wait_dma2 semaphore(%arg13 : memref<!tpu.dma_semaphore, #tpu.memory_space<semaphore_mem>>) src(%dma_wait3A_1242 : memref<16x64xi32, #tpu.memory_space<hbm>>) dst(%dma_wait3A_1239 : memref<16x64xi32, #tpu.memory_space<vmem>>)
        %add3A_1243 = arith.constant 1 : i32
        %add3A_1244 = arith.addi %div3A_1200, %add3A_1243 : i32
        %lt3A_1245 = arith.constant 10 : i32
        %lt3A_1246 = arith.cmpi slt, %add3A_1244, %lt3A_1245 : i32
        %convert_element_type3A_1247 = arith.extui %lt3A_1246 : i1 to i32
        %cond3A_1248 = arith.constant 0 : i32
        %cond3A_1249 = arith.cmpi ne, %convert_element_type3A_1247, %cond3A_1248 : i32
        scf.if %cond3A_1249 {
          %add3A_1250 = arith.constant 1 : i32
          %add3A_1251 = arith.addi %div3A_1200, %add3A_1250 : i32
          %sub3A_1252 = arith.constant 1 : i32
          %sub3A_1253 = arith.subi %sub3A_1252, %rem3A_1204 : i32
          %mul3A_1254 = arith.constant 16 : i32
          %mul3A_1255 = arith.muli %add3A_1251, %mul3A_1254 : i32
          %dma_start3A_1256 = arith.constant 0 : i32
          %dma_start3A_1257 = arith.constant 0 : i32
          %dma_start3A_1258 = tpu.memref_slice %arg9[%sub3A_1253, %dma_start3A_1256, %dma_start3A_1257] : memref<2x16x64xi32, #tpu.memory_space<vmem>> -> memref<1x16x64xi32, #tpu.memory_space<vmem>>
          %dma_start3A_1259 = tpu.memref_squeeze %dma_start3A_1258 : memref<1x16x64xi32, #tpu.memory_space<vmem>> -> memref<16x64xi32, #tpu.memory_space<vmem>>
          %dma_start3A_1260 = arith.constant 0 : i32
          %dma_start3A_1261 = tpu.memref_slice %arg4[%add3A, %mul3A_1255, %dma_start3A_1260] : memref<32x160x64xi32, #tpu.memory_space<hbm>> -> memref<1x16x64xi32, #tpu.memory_space<hbm>>
          %dma_start3A_1262 = tpu.memref_squeeze %dma_start3A_1261 : memref<1x16x64xi32, #tpu.memory_space<hbm>> -> memref<16x64xi32, #tpu.memory_space<hbm>>
          %dma_start3A_1263 = arith.constant 0 : i32
          %dma_start3A_1264 = arith.constant 0 : i32
          %dma_start3A_1265 = tpu.memref_slice %arg9[%sub3A_1253, %dma_start3A_1263, %dma_start3A_1264] : memref<2x16x64xi32, #tpu.memory_space<vmem>> -> memref<1x16x64xi32, #tpu.memory_space<vmem>>
          %dma_start3A_1266 = tpu.memref_squeeze %dma_start3A_1265 : memref<1x16x64xi32, #tpu.memory_space<vmem>> -> memref<16x64xi32, #tpu.memory_space<vmem>>
          %dma_start3A_1267 = arith.constant 0 : i32
          %dma_start3A_1268 = tpu.memref_slice %arg4[%add3A, %mul3A_1255, %dma_start3A_1267] : memref<32x160x64xi32, #tpu.memory_space<hbm>> -> memref<1x16x64xi32, #tpu.memory_space<hbm>>
          %dma_start3A_1269 = tpu.memref_squeeze %dma_start3A_1268 : memref<1x16x64xi32, #tpu.memory_space<hbm>> -> memref<16x64xi32, #tpu.memory_space<hbm>>
          tpu.enqueue_dma source(%dma_start3A_1269 : memref<16x64xi32, #tpu.memory_space<hbm>>) target(%dma_start3A_1266 : memref<16x64xi32, #tpu.memory_space<vmem>>) target_semaphore(%arg13 : memref<!tpu.dma_semaphore, #tpu.memory_space<semaphore_mem>>)
        } else {
        }
      } else {
      }
      "tpu.region"() ({
        %run_scoped3A_1227 = tpu.sem_alloc : memref<!tpu.dma_semaphore, #tpu.memory_space<semaphore_mem>>
        %dma_start3A_1228 = arith.constant 0 : i32
        %dma_start3A_1229 = arith.constant 0 : i32
        %dma_start3A_1230 = tpu.memref_slice %arg10[%rem3A_1199, %dma_start3A_1228, %dma_start3A_1229] : memref<4x64x128xf32, #tpu.memory_space<vmem>> -> memref<1x64x128xf32, #tpu.memory_space<vmem>>
        %dma_start3A_1231 = tpu.memref_squeeze %dma_start3A_1230 : memref<1x64x128xf32, #tpu.memory_space<vmem>> -> memref<64x128xf32, #tpu.memory_space<vmem>>
        %dma_start3A_1232 = arith.constant 0 : i32
        %dma_start3A_1233 = tpu.memref_slice %arg9[%rem3A_1204, %rem3A_1202, %dma_start3A_1232] : memref<2x16x64xi32, #tpu.memory_space<vmem>> -> memref<1x1x64xi32, #tpu.memory_space<vmem>>
        %dma_start3A_1234 = tpu.memref_squeeze %dma_start3A_1233 : memref<1x1x64xi32, #tpu.memory_space<vmem>> -> memref<64xi32, #tpu.memory_space<vmem>>
        %dma_start3A_1235 = arith.constant 0 : i32
        %dma_start3A_1236 = arith.constant 0 : i32
        %dma_start3A_1237 = tpu.memref_slice %arg11[%dma_start3A_1235, %dma_start3A_1236] : memref<10240x128xf32, #tpu.memory_space<vmem_shared>> -> memref<10240x128xf32, #tpu.memory_space<vmem_shared>>
        tpu.enqueue_indirect_dma source(%dma_start3A_1231 : memref<64x128xf32, #tpu.memory_space<vmem>>) target(%dma_start3A_1237 : memref<10240x128xf32, #tpu.memory_space<vmem_shared>>) offsets(%dma_start3A_1234 : memref<64xi32, #tpu.memory_space<vmem>>) semaphore(%run_scoped3A_1227 : memref<!tpu.dma_semaphore, #tpu.memory_space<semaphore_mem>>) {add = true}
        %dma_wait3A_1238 = arith.constant 0 : i32
        %dma_wait3A_1239 = arith.constant 0 : i32
        %dma_wait3A_1240 = tpu.memref_slice %arg10[%rem3A_1199, %dma_wait3A_1238, %dma_wait3A_1239] : memref<4x64x128xf32, #tpu.memory_space<vmem>> -> memref<1x64x128xf32, #tpu.memory_space<vmem>>
        %dma_wait3A_1241 = tpu.memref_squeeze %dma_wait3A_1240 : memref<1x64x128xf32, #tpu.memory_space<vmem>> -> memref<64x128xf32, #tpu.memory_space<vmem>>
        %dma_wait3A_1242 = arith.constant 0 : i32
        %dma_wait3A_1243 = tpu.memref_slice %arg9[%rem3A_1204, %rem3A_1202, %dma_wait3A_1242] : memref<2x16x64xi32, #tpu.memory_space<vmem>> -> memref<1x1x64xi32, #tpu.memory_space<vmem>>
        %dma_wait3A_1244 = tpu.memref_squeeze %dma_wait3A_1243 : memref<1x1x64xi32, #tpu.memory_space<vmem>> -> memref<64xi32, #tpu.memory_space<vmem>>
        %dma_wait3A_1245 = arith.constant 0 : i32
        %dma_wait3A_1246 = arith.constant 0 : i32
        %dma_wait3A_1247 = tpu.memref_slice %arg11[%dma_wait3A_1245, %dma_wait3A_1246] : memref<10240x128xf32, #tpu.memory_space<vmem_shared>> -> memref<10240x128xf32, #tpu.memory_space<vmem_shared>>
        tpu.wait_indirect_dma semaphore(%run_scoped3A_1227 : memref<!tpu.dma_semaphore, #tpu.memory_space<semaphore_mem>>) src(%dma_wait3A_1241 : memref<64x128xf32, #tpu.memory_space<vmem>>) dst(%dma_wait3A_1247 : memref<10240x128xf32, #tpu.memory_space<vmem_shared>>)
        tpu.yield
      }) : () -> ()
    }
    %scan3A_436 = arith.constant 160 : i32
    %barrier3A_437 = arith.constant 0 : index
    tpu.barrier barrier_id(%barrier3A_437)
    %add3A_438 = arith.constant 0 : i32
    %add3A_439 = arith.addi %mul3A_2, %add3A_438 : i32
    %dma_start3A_440 = arith.constant 0 : i32
    %dma_start3A_441 = arith.constant 0 : i32
    %dma_start3A_442 = arith.constant 0 : i32
    %dma_start3A_443 = arith.constant 0 : i32
    %dma_start3A_444 = tpu.memref_slice %arg10[%dma_start3A_440, %dma_start3A_442, %dma_start3A_443] : memref<4x64x128xf32, #tpu.memory_space<vmem>> -> memref<1x64x128xf32, #tpu.memory_space<vmem>>
    %dma_start3A_445 = tpu.memref_squeeze %dma_start3A_444 : memref<1x64x128xf32, #tpu.memory_space<vmem>> -> memref<64x128xf32, #tpu.memory_space<vmem>>
    %dma_start3A_446 = arith.constant 0 : i32
    %dma_start3A_447 = tpu.memref_slice %arg11[%add3A_439, %dma_start3A_446] : memref<10240x128xf32, #tpu.memory_space<vmem_shared>> -> memref<64x128xf32, #tpu.memory_space<vmem_shared>>
    %dma_start3A_448 = tpu.memref_slice %arg12[%dma_start3A_441] : memref<4x!tpu.dma_semaphore, #tpu.memory_space<semaphore_mem>> -> memref<1x!tpu.dma_semaphore, #tpu.memory_space<semaphore_mem>>
    %dma_start3A_449 = tpu.memref_squeeze %dma_start3A_448 : memref<1x!tpu.dma_semaphore, #tpu.memory_space<semaphore_mem>> -> memref<!tpu.dma_semaphore, #tpu.memory_space<semaphore_mem>>
    %dma_start3A_450 = arith.constant 0 : i32
    %dma_start3A_451 = arith.constant 0 : i32
    %dma_start3A_452 = tpu.memref_slice %arg10[%dma_start3A_440, %dma_start3A_450, %dma_start3A_451] : memref<4x64x128xf32, #tpu.memory_space<vmem>> -> memref<1x64x128xf32, #tpu.memory_space<vmem>>
    %dma_start3A_453 = tpu.memref_squeeze %dma_start3A_452 : memref<1x64x128xf32, #tpu.memory_space<vmem>> -> memref<64x128xf32, #tpu.memory_space<vmem>>
    %dma_start3A_454 = arith.constant 0 : i32
    %dma_start3A_455 = tpu.memref_slice %arg11[%add3A_439, %dma_start3A_454] : memref<10240x128xf32, #tpu.memory_space<vmem_shared>> -> memref<64x128xf32, #tpu.memory_space<vmem_shared>>
    tpu.enqueue_dma source(%dma_start3A_455 : memref<64x128xf32, #tpu.memory_space<vmem_shared>>) target(%dma_start3A_453 : memref<64x128xf32, #tpu.memory_space<vmem>>) target_semaphore(%dma_start3A_449 : memref<!tpu.dma_semaphore, #tpu.memory_space<semaphore_mem>>)
    %add3A_456 = arith.constant 0 : i32
    %add3A_457 = arith.addi %mul3A_2, %add3A_456 : i32
    %dma_wait3A_458 = arith.constant 0 : i32
    %dma_wait3A_459 = arith.constant 0 : i32
    %dma_wait3A_460 = arith.constant 0 : i32
    %dma_wait3A_461 = arith.constant 0 : i32
    %dma_wait3A_462 = tpu.memref_slice %arg10[%dma_wait3A_458, %dma_wait3A_460, %dma_wait3A_461] : memref<4x64x128xf32, #tpu.memory_space<vmem>> -> memref<1x64x128xf32, #tpu.memory_space<vmem>>
    %dma_wait3A_463 = tpu.memref_squeeze %dma_wait3A_462 : memref<1x64x128xf32, #tpu.memory_space<vmem>> -> memref<64x128xf32, #tpu.memory_space<vmem>>
    %dma_wait3A_464 = arith.constant 0 : i32
    %dma_wait3A_465 = tpu.memref_slice %arg11[%add3A_457, %dma_wait3A_464] : memref<10240x128xf32, #tpu.memory_space<vmem_shared>> -> memref<64x128xf32, #tpu.memory_space<vmem_shared>>
    %dma_wait3A_466 = tpu.memref_slice %arg12[%dma_wait3A_459] : memref<4x!tpu.dma_semaphore, #tpu.memory_space<semaphore_mem>> -> memref<1x!tpu.dma_semaphore, #tpu.memory_space<semaphore_mem>>
    %dma_wait3A_467 = tpu.memref_squeeze %dma_wait3A_466 : memref<1x!tpu.dma_semaphore, #tpu.memory_space<semaphore_mem>> -> memref<!tpu.dma_semaphore, #tpu.memory_space<semaphore_mem>>
    %dma_wait3A_468 = arith.constant 0 : i32
    %dma_wait3A_469 = arith.constant 0 : i32
    %dma_wait3A_470 = tpu.memref_slice %arg10[%dma_wait3A_458, %dma_wait3A_468, %dma_wait3A_469] : memref<4x64x128xf32, #tpu.memory_space<vmem>> -> memref<1x64x128xf32, #tpu.memory_space<vmem>>
    %dma_wait3A_471 = tpu.memref_squeeze %dma_wait3A_470 : memref<1x64x128xf32, #tpu.memory_space<vmem>> -> memref<64x128xf32, #tpu.memory_space<vmem>>
    %dma_wait3A_472 = arith.constant 0 : i32
    %dma_wait3A_473 = tpu.memref_slice %arg11[%add3A_457, %dma_wait3A_472] : memref<10240x128xf32, #tpu.memory_space<vmem_shared>> -> memref<64x128xf32, #tpu.memory_space<vmem_shared>>
    tpu.wait_dma2 semaphore(%dma_wait3A_467 : memref<!tpu.dma_semaphore, #tpu.memory_space<semaphore_mem>>) src(%dma_wait3A_473 : memref<64x128xf32, #tpu.memory_space<vmem_shared>>) dst(%dma_wait3A_471 : memref<64x128xf32, #tpu.memory_space<vmem>>)
    %add3A_474 = arith.constant 64 : i32
    %add3A_475 = arith.addi %mul3A_2, %add3A_474 : i32
    %dma_start3A_476 = arith.constant 1 : i32
    %dma_start3A_477 = arith.constant 1 : i32
    %dma_start3A_478 = arith.constant 0 : i32
    %dma_start3A_479 = arith.constant 0 : i32
    %dma_start3A_480 = tpu.memref_slice %arg10[%dma_start3A_476, %dma_start3A_478, %dma_start3A_479] : memref<4x64x128xf32, #tpu.memory_space<vmem>> -> memref<1x64x128xf32, #tpu.memory_space<vmem>>
    %dma_start3A_481 = tpu.memref_squeeze %dma_start3A_480 : memref<1x64x128xf32, #tpu.memory_space<vmem>> -> memref<64x128xf32, #tpu.memory_space<vmem>>
    %dma_start3A_482 = arith.constant 0 : i32
    %dma_start3A_483 = tpu.memref_slice %arg11[%add3A_475, %dma_start3A_482] : memref<10240x128xf32, #tpu.memory_space<vmem_shared>> -> memref<64x128xf32, #tpu.memory_space<vmem_shared>>
    %dma_start3A_484 = tpu.memref_slice %arg12[%dma_start3A_477] : memref<4x!tpu.dma_semaphore, #tpu.memory_space<semaphore_mem>> -> memref<1x!tpu.dma_semaphore, #tpu.memory_space<semaphore_mem>>
    %dma_start3A_485 = tpu.memref_squeeze %dma_start3A_484 : memref<1x!tpu.dma_semaphore, #tpu.memory_space<semaphore_mem>> -> memref<!tpu.dma_semaphore, #tpu.memory_space<semaphore_mem>>
    %dma_start3A_486 = arith.constant 0 : i32
    %dma_start3A_487 = arith.constant 0 : i32
    %dma_start3A_488 = tpu.memref_slice %arg10[%dma_start3A_476, %dma_start3A_486, %dma_start3A_487] : memref<4x64x128xf32, #tpu.memory_space<vmem>> -> memref<1x64x128xf32, #tpu.memory_space<vmem>>
    %dma_start3A_489 = tpu.memref_squeeze %dma_start3A_488 : memref<1x64x128xf32, #tpu.memory_space<vmem>> -> memref<64x128xf32, #tpu.memory_space<vmem>>
    %dma_start3A_490 = arith.constant 0 : i32
    %dma_start3A_491 = tpu.memref_slice %arg11[%add3A_475, %dma_start3A_490] : memref<10240x128xf32, #tpu.memory_space<vmem_shared>> -> memref<64x128xf32, #tpu.memory_space<vmem_shared>>
    tpu.enqueue_dma source(%dma_start3A_491 : memref<64x128xf32, #tpu.memory_space<vmem_shared>>) target(%dma_start3A_489 : memref<64x128xf32, #tpu.memory_space<vmem>>) target_semaphore(%dma_start3A_485 : memref<!tpu.dma_semaphore, #tpu.memory_space<semaphore_mem>>)
    %add3A_492 = arith.constant 0 : i32
    %add3A_493 = arith.addi %mul3A_2, %add3A_492 : i32
    %dma_start3A_494 = arith.constant 0 : i32
    %dma_start3A_495 = arith.constant 2 : i32
    %dma_start3A_496 = arith.constant 0 : i32
    %dma_start3A_497 = arith.constant 0 : i32
    %dma_start3A_498 = tpu.memref_slice %arg10[%dma_start3A_494, %dma_start3A_496, %dma_start3A_497] : memref<4x64x128xf32, #tpu.memory_space<vmem>> -> memref<1x64x128xf32, #tpu.memory_space<vmem>>
    %dma_start3A_499 = tpu.memref_squeeze %dma_start3A_498 : memref<1x64x128xf32, #tpu.memory_space<vmem>> -> memref<64x128xf32, #tpu.memory_space<vmem>>
    %dma_start3A_500 = arith.constant 0 : i32
    %dma_start3A_501 = tpu.memref_slice %arg7[%arg0, %add3A_493, %dma_start3A_500] : memref<2x10240x128xf32, #tpu.memory_space<hbm>> -> memref<1x64x128xf32, #tpu.memory_space<hbm>>
    %dma_start3A_502 = tpu.memref_squeeze %dma_start3A_501 : memref<1x64x128xf32, #tpu.memory_space<hbm>> -> memref<64x128xf32, #tpu.memory_space<hbm>>
    %dma_start3A_503 = tpu.memref_slice %arg12[%dma_start3A_495] : memref<4x!tpu.dma_semaphore, #tpu.memory_space<semaphore_mem>> -> memref<1x!tpu.dma_semaphore, #tpu.memory_space<semaphore_mem>>
    %dma_start3A_504 = tpu.memref_squeeze %dma_start3A_503 : memref<1x!tpu.dma_semaphore, #tpu.memory_space<semaphore_mem>> -> memref<!tpu.dma_semaphore, #tpu.memory_space<semaphore_mem>>
    %dma_start3A_505 = arith.constant 0 : i32
    %dma_start3A_506 = tpu.memref_slice %arg7[%arg0, %add3A_493, %dma_start3A_505] : memref<2x10240x128xf32, #tpu.memory_space<hbm>> -> memref<1x64x128xf32, #tpu.memory_space<hbm>>
    %dma_start3A_507 = tpu.memref_squeeze %dma_start3A_506 : memref<1x64x128xf32, #tpu.memory_space<hbm>> -> memref<64x128xf32, #tpu.memory_space<hbm>>
    %dma_start3A_508 = arith.constant 0 : i32
    %dma_start3A_509 = arith.constant 0 : i32
    %dma_start3A_510 = tpu.memref_slice %arg10[%dma_start3A_494, %dma_start3A_508, %dma_start3A_509] : memref<4x64x128xf32, #tpu.memory_space<vmem>> -> memref<1x64x128xf32, #tpu.memory_space<vmem>>
    %dma_start3A_511 = tpu.memref_squeeze %dma_start3A_510 : memref<1x64x128xf32, #tpu.memory_space<vmem>> -> memref<64x128xf32, #tpu.memory_space<vmem>>
    tpu.enqueue_dma source(%dma_start3A_511 : memref<64x128xf32, #tpu.memory_space<vmem>>) target(%dma_start3A_507 : memref<64x128xf32, #tpu.memory_space<hbm>>) target_semaphore(%dma_start3A_504 : memref<!tpu.dma_semaphore, #tpu.memory_space<semaphore_mem>>)
    %add3A_512 = arith.constant 64 : i32
    %add3A_513 = arith.addi %mul3A_2, %add3A_512 : i32
    %dma_wait3A_514 = arith.constant 1 : i32
    %dma_wait3A_515 = arith.constant 1 : i32
    %dma_wait3A_516 = arith.constant 0 : i32
    %dma_wait3A_517 = arith.constant 0 : i32
    %dma_wait3A_518 = tpu.memref_slice %arg10[%dma_wait3A_514, %dma_wait3A_516, %dma_wait3A_517] : memref<4x64x128xf32, #tpu.memory_space<vmem>> -> memref<1x64x128xf32, #tpu.memory_space<vmem>>
    %dma_wait3A_519 = tpu.memref_squeeze %dma_wait3A_518 : memref<1x64x128xf32, #tpu.memory_space<vmem>> -> memref<64x128xf32, #tpu.memory_space<vmem>>
    %dma_wait3A_520 = arith.constant 0 : i32
    %dma_wait3A_521 = tpu.memref_slice %arg11[%add3A_513, %dma_wait3A_520] : memref<10240x128xf32, #tpu.memory_space<vmem_shared>> -> memref<64x128xf32, #tpu.memory_space<vmem_shared>>
    %dma_wait3A_522 = tpu.memref_slice %arg12[%dma_wait3A_515] : memref<4x!tpu.dma_semaphore, #tpu.memory_space<semaphore_mem>> -> memref<1x!tpu.dma_semaphore, #tpu.memory_space<semaphore_mem>>
    %dma_wait3A_523 = tpu.memref_squeeze %dma_wait3A_522 : memref<1x!tpu.dma_semaphore, #tpu.memory_space<semaphore_mem>> -> memref<!tpu.dma_semaphore, #tpu.memory_space<semaphore_mem>>
    %dma_wait3A_524 = arith.constant 0 : i32
    %dma_wait3A_525 = arith.constant 0 : i32
    %dma_wait3A_526 = tpu.memref_slice %arg10[%dma_wait3A_514, %dma_wait3A_524, %dma_wait3A_525] : memref<4x64x128xf32, #tpu.memory_space<vmem>> -> memref<1x64x128xf32, #tpu.memory_space<vmem>>
    %dma_wait3A_527 = tpu.memref_squeeze %dma_wait3A_526 : memref<1x64x128xf32, #tpu.memory_space<vmem>> -> memref<64x128xf32, #tpu.memory_space<vmem>>
    %dma_wait3A_528 = arith.constant 0 : i32
    %dma_wait3A_529 = tpu.memref_slice %arg11[%add3A_513, %dma_wait3A_528] : memref<10240x128xf32, #tpu.memory_space<vmem_shared>> -> memref<64x128xf32, #tpu.memory_space<vmem_shared>>
    tpu.wait_dma2 semaphore(%dma_wait3A_523 : memref<!tpu.dma_semaphore, #tpu.memory_space<semaphore_mem>>) src(%dma_wait3A_529 : memref<64x128xf32, #tpu.memory_space<vmem_shared>>) dst(%dma_wait3A_527 : memref<64x128xf32, #tpu.memory_space<vmem>>)
    %add3A_530 = arith.constant 0 : i32
    %add3A_531 = arith.addi %mul3A_2, %add3A_530 : i32
    %dma_wait3A_532 = arith.constant 0 : i32
    %dma_wait3A_533 = arith.constant 2 : i32
    %dma_wait3A_534 = arith.constant 0 : i32
    %dma_wait3A_535 = arith.constant 0 : i32
    %dma_wait3A_536 = tpu.memref_slice %arg10[%dma_wait3A_532, %dma_wait3A_534, %dma_wait3A_535] : memref<4x64x128xf32, #tpu.memory_space<vmem>> -> memref<1x64x128xf32, #tpu.memory_space<vmem>>
    %dma_wait3A_537 = tpu.memref_squeeze %dma_wait3A_536 : memref<1x64x128xf32, #tpu.memory_space<vmem>> -> memref<64x128xf32, #tpu.memory_space<vmem>>
    %dma_wait3A_538 = arith.constant 0 : i32
    %dma_wait3A_539 = tpu.memref_slice %arg7[%arg0, %add3A_531, %dma_wait3A_538] : memref<2x10240x128xf32, #tpu.memory_space<hbm>> -> memref<1x64x128xf32, #tpu.memory_space<hbm>>
    %dma_wait3A_540 = tpu.memref_squeeze %dma_wait3A_539 : memref<1x64x128xf32, #tpu.memory_space<hbm>> -> memref<64x128xf32, #tpu.memory_space<hbm>>
    %dma_wait3A_541 = tpu.memref_slice %arg12[%dma_wait3A_533] : memref<4x!tpu.dma_semaphore, #tpu.memory_space<semaphore_mem>> -> memref<1x!tpu.dma_semaphore, #tpu.memory_space<semaphore_mem>>
    %dma_wait3A_542 = tpu.memref_squeeze %dma_wait3A_541 : memref<1x!tpu.dma_semaphore, #tpu.memory_space<semaphore_mem>> -> memref<!tpu.dma_semaphore, #tpu.memory_space<semaphore_mem>>
    %dma_wait3A_543 = arith.constant 0 : i32
    %dma_wait3A_544 = tpu.memref_slice %arg7[%arg0, %add3A_531, %dma_wait3A_543] : memref<2x10240x128xf32, #tpu.memory_space<hbm>> -> memref<1x64x128xf32, #tpu.memory_space<hbm>>
    %dma_wait3A_545 = tpu.memref_squeeze %dma_wait3A_544 : memref<1x64x128xf32, #tpu.memory_space<hbm>> -> memref<64x128xf32, #tpu.memory_space<hbm>>
    %dma_wait3A_546 = arith.constant 0 : i32
    %dma_wait3A_547 = arith.constant 0 : i32
    %dma_wait3A_548 = tpu.memref_slice %arg10[%dma_wait3A_532, %dma_wait3A_546, %dma_wait3A_547] : memref<4x64x128xf32, #tpu.memory_space<vmem>> -> memref<1x64x128xf32, #tpu.memory_space<vmem>>
    %dma_wait3A_549 = tpu.memref_squeeze %dma_wait3A_548 : memref<1x64x128xf32, #tpu.memory_space<vmem>> -> memref<64x128xf32, #tpu.memory_space<vmem>>
    tpu.wait_dma2 semaphore(%dma_wait3A_542 : memref<!tpu.dma_semaphore, #tpu.memory_space<semaphore_mem>>) src(%dma_wait3A_549 : memref<64x128xf32, #tpu.memory_space<vmem>>) dst(%dma_wait3A_545 : memref<64x128xf32, #tpu.memory_space<hbm>>)
    %add3A_550 = arith.constant 128 : i32
    %add3A_551 = arith.addi %mul3A_2, %add3A_550 : i32
    %dma_start3A_552 = arith.constant 0 : i32
    %dma_start3A_553 = arith.constant 0 : i32
    %dma_start3A_554 = arith.constant 0 : i32
    %dma_start3A_555 = arith.constant 0 : i32
    %dma_start3A_556 = tpu.memref_slice %arg10[%dma_start3A_552, %dma_start3A_554, %dma_start3A_555] : memref<4x64x128xf32, #tpu.memory_space<vmem>> -> memref<1x64x128xf32, #tpu.memory_space<vmem>>
    %dma_start3A_557 = tpu.memref_squeeze %dma_start3A_556 : memref<1x64x128xf32, #tpu.memory_space<vmem>> -> memref<64x128xf32, #tpu.memory_space<vmem>>
    %dma_start3A_558 = arith.constant 0 : i32
    %dma_start3A_559 = tpu.memref_slice %arg11[%add3A_551, %dma_start3A_558] : memref<10240x128xf32, #tpu.memory_space<vmem_shared>> -> memref<64x128xf32, #tpu.memory_space<vmem_shared>>
    %dma_start3A_560 = tpu.memref_slice %arg12[%dma_start3A_553] : memref<4x!tpu.dma_semaphore, #tpu.memory_space<semaphore_mem>> -> memref<1x!tpu.dma_semaphore, #tpu.memory_space<semaphore_mem>>
    %dma_start3A_561 = tpu.memref_squeeze %dma_start3A_560 : memref<1x!tpu.dma_semaphore, #tpu.memory_space<semaphore_mem>> -> memref<!tpu.dma_semaphore, #tpu.memory_space<semaphore_mem>>
    %dma_start3A_562 = arith.constant 0 : i32
    %dma_start3A_563 = arith.constant 0 : i32
    %dma_start3A_564 = tpu.memref_slice %arg10[%dma_start3A_552, %dma_start3A_562, %dma_start3A_563] : memref<4x64x128xf32, #tpu.memory_space<vmem>> -> memref<1x64x128xf32, #tpu.memory_space<vmem>>
    %dma_start3A_565 = tpu.memref_squeeze %dma_start3A_564 : memref<1x64x128xf32, #tpu.memory_space<vmem>> -> memref<64x128xf32, #tpu.memory_space<vmem>>
    %dma_start3A_566 = arith.constant 0 : i32
    %dma_start3A_567 = tpu.memref_slice %arg11[%add3A_551, %dma_start3A_566] : memref<10240x128xf32, #tpu.memory_space<vmem_shared>> -> memref<64x128xf32, #tpu.memory_space<vmem_shared>>
    tpu.enqueue_dma source(%dma_start3A_567 : memref<64x128xf32, #tpu.memory_space<vmem_shared>>) target(%dma_start3A_565 : memref<64x128xf32, #tpu.memory_space<vmem>>) target_semaphore(%dma_start3A_561 : memref<!tpu.dma_semaphore, #tpu.memory_space<semaphore_mem>>)
    %add3A_568 = arith.constant 64 : i32
    %add3A_569 = arith.addi %mul3A_2, %add3A_568 : i32
    %dma_start3A_570 = arith.constant 1 : i32
    %dma_start3A_571 = arith.constant 3 : i32
    %dma_start3A_572 = arith.constant 0 : i32
    %dma_start3A_573 = arith.constant 0 : i32
    %dma_start3A_574 = tpu.memref_slice %arg10[%dma_start3A_570, %dma_start3A_572, %dma_start3A_573] : memref<4x64x128xf32, #tpu.memory_space<vmem>> -> memref<1x64x128xf32, #tpu.memory_space<vmem>>
    %dma_start3A_575 = tpu.memref_squeeze %dma_start3A_574 : memref<1x64x128xf32, #tpu.memory_space<vmem>> -> memref<64x128xf32, #tpu.memory_space<vmem>>
    %dma_start3A_576 = arith.constant 0 : i32
    %dma_start3A_577 = tpu.memref_slice %arg7[%arg0, %add3A_569, %dma_start3A_576] : memref<2x10240x128xf32, #tpu.memory_space<hbm>> -> memref<1x64x128xf32, #tpu.memory_space<hbm>>
    %dma_start3A_578 = tpu.memref_squeeze %dma_start3A_577 : memref<1x64x128xf32, #tpu.memory_space<hbm>> -> memref<64x128xf32, #tpu.memory_space<hbm>>
    %dma_start3A_579 = tpu.memref_slice %arg12[%dma_start3A_571] : memref<4x!tpu.dma_semaphore, #tpu.memory_space<semaphore_mem>> -> memref<1x!tpu.dma_semaphore, #tpu.memory_space<semaphore_mem>>
    %dma_start3A_580 = tpu.memref_squeeze %dma_start3A_579 : memref<1x!tpu.dma_semaphore, #tpu.memory_space<semaphore_mem>> -> memref<!tpu.dma_semaphore, #tpu.memory_space<semaphore_mem>>
    %dma_start3A_581 = arith.constant 0 : i32
    %dma_start3A_582 = tpu.memref_slice %arg7[%arg0, %add3A_569, %dma_start3A_581] : memref<2x10240x128xf32, #tpu.memory_space<hbm>> -> memref<1x64x128xf32, #tpu.memory_space<hbm>>
    %dma_start3A_583 = tpu.memref_squeeze %dma_start3A_582 : memref<1x64x128xf32, #tpu.memory_space<hbm>> -> memref<64x128xf32, #tpu.memory_space<hbm>>
    %dma_start3A_584 = arith.constant 0 : i32
    %dma_start3A_585 = arith.constant 0 : i32
    %dma_start3A_586 = tpu.memref_slice %arg10[%dma_start3A_570, %dma_start3A_584, %dma_start3A_585] : memref<4x64x128xf32, #tpu.memory_space<vmem>> -> memref<1x64x128xf32, #tpu.memory_space<vmem>>
    %dma_start3A_587 = tpu.memref_squeeze %dma_start3A_586 : memref<1x64x128xf32, #tpu.memory_space<vmem>> -> memref<64x128xf32, #tpu.memory_space<vmem>>
    tpu.enqueue_dma source(%dma_start3A_587 : memref<64x128xf32, #tpu.memory_space<vmem>>) target(%dma_start3A_583 : memref<64x128xf32, #tpu.memory_space<hbm>>) target_semaphore(%dma_start3A_580 : memref<!tpu.dma_semaphore, #tpu.memory_space<semaphore_mem>>)
    %add3A_588 = arith.constant 128 : i32
    %add3A_589 = arith.addi %mul3A_2, %add3A_588 : i32
    %dma_wait3A_590 = arith.constant 0 : i32
    %dma_wait3A_591 = arith.constant 0 : i32
    %dma_wait3A_592 = arith.constant 0 : i32
    %dma_wait3A_593 = arith.constant 0 : i32
    %dma_wait3A_594 = tpu.memref_slice %arg10[%dma_wait3A_590, %dma_wait3A_592, %dma_wait3A_593] : memref<4x64x128xf32, #tpu.memory_space<vmem>> -> memref<1x64x128xf32, #tpu.memory_space<vmem>>
    %dma_wait3A_595 = tpu.memref_squeeze %dma_wait3A_594 : memref<1x64x128xf32, #tpu.memory_space<vmem>> -> memref<64x128xf32, #tpu.memory_space<vmem>>
    %dma_wait3A_596 = arith.constant 0 : i32
    %dma_wait3A_597 = tpu.memref_slice %arg11[%add3A_589, %dma_wait3A_596] : memref<10240x128xf32, #tpu.memory_space<vmem_shared>> -> memref<64x128xf32, #tpu.memory_space<vmem_shared>>
    %dma_wait3A_598 = tpu.memref_slice %arg12[%dma_wait3A_591] : memref<4x!tpu.dma_semaphore, #tpu.memory_space<semaphore_mem>> -> memref<1x!tpu.dma_semaphore, #tpu.memory_space<semaphore_mem>>
    %dma_wait3A_599 = tpu.memref_squeeze %dma_wait3A_598 : memref<1x!tpu.dma_semaphore, #tpu.memory_space<semaphore_mem>> -> memref<!tpu.dma_semaphore, #tpu.memory_space<semaphore_mem>>
    %dma_wait3A_600 = arith.constant 0 : i32
    %dma_wait3A_601 = arith.constant 0 : i32
    %dma_wait3A_602 = tpu.memref_slice %arg10[%dma_wait3A_590, %dma_wait3A_600, %dma_wait3A_601] : memref<4x64x128xf32, #tpu.memory_space<vmem>> -> memref<1x64x128xf32, #tpu.memory_space<vmem>>
    %dma_wait3A_603 = tpu.memref_squeeze %dma_wait3A_602 : memref<1x64x128xf32, #tpu.memory_space<vmem>> -> memref<64x128xf32, #tpu.memory_space<vmem>>
    %dma_wait3A_604 = arith.constant 0 : i32
    %dma_wait3A_605 = tpu.memref_slice %arg11[%add3A_589, %dma_wait3A_604] : memref<10240x128xf32, #tpu.memory_space<vmem_shared>> -> memref<64x128xf32, #tpu.memory_space<vmem_shared>>
    tpu.wait_dma2 semaphore(%dma_wait3A_599 : memref<!tpu.dma_semaphore, #tpu.memory_space<semaphore_mem>>) src(%dma_wait3A_605 : memref<64x128xf32, #tpu.memory_space<vmem_shared>>) dst(%dma_wait3A_603 : memref<64x128xf32, #tpu.memory_space<vmem>>)
    %add3A_606 = arith.constant 64 : i32
    %add3A_607 = arith.addi %mul3A_2, %add3A_606 : i32
    %dma_wait3A_608 = arith.constant 1 : i32
    %dma_wait3A_609 = arith.constant 3 : i32
    %dma_wait3A_610 = arith.constant 0 : i32
    %dma_wait3A_611 = arith.constant 0 : i32
    %dma_wait3A_612 = tpu.memref_slice %arg10[%dma_wait3A_608, %dma_wait3A_610, %dma_wait3A_611] : memref<4x64x128xf32, #tpu.memory_space<vmem>> -> memref<1x64x128xf32, #tpu.memory_space<vmem>>
    %dma_wait3A_613 = tpu.memref_squeeze %dma_wait3A_612 : memref<1x64x128xf32, #tpu.memory_space<vmem>> -> memref<64x128xf32, #tpu.memory_space<vmem>>
    %dma_wait3A_614 = arith.constant 0 : i32
    %dma_wait3A_615 = tpu.memref_slice %arg7[%arg0, %add3A_607, %dma_wait3A_614] : memref<2x10240x128xf32, #tpu.memory_space<hbm>> -> memref<1x64x128xf32, #tpu.memory_space<hbm>>
    %dma_wait3A_616 = tpu.memref_squeeze %dma_wait3A_615 : memref<1x64x128xf32, #tpu.memory_space<hbm>> -> memref<64x128xf32, #tpu.memory_space<hbm>>
    %dma_wait3A_617 = tpu.memref_slice %arg12[%dma_wait3A_609] : memref<4x!tpu.dma_semaphore, #tpu.memory_space<semaphore_mem>> -> memref<1x!tpu.dma_semaphore, #tpu.memory_space<semaphore_mem>>
    %dma_wait3A_618 = tpu.memref_squeeze %dma_wait3A_617 : memref<1x!tpu.dma_semaphore, #tpu.memory_space<semaphore_mem>> -> memref<!tpu.dma_semaphore, #tpu.memory_space<semaphore_mem>>
    %dma_wait3A_619 = arith.constant 0 : i32
    %dma_wait3A_620 = tpu.memref_slice %arg7[%arg0, %add3A_607, %dma_wait3A_619] : memref<2x10240x128xf32, #tpu.memory_space<hbm>> -> memref<1x64x128xf32, #tpu.memory_space<hbm>>
    %dma_wait3A_621 = tpu.memref_squeeze %dma_wait3A_620 : memref<1x64x128xf32, #tpu.memory_space<hbm>> -> memref<64x128xf32, #tpu.memory_space<hbm>>
    %dma_wait3A_622 = arith.constant 0 : i32
    %dma_wait3A_623 = arith.constant 0 : i32
    %dma_wait3A_624 = tpu.memref_slice %arg10[%dma_wait3A_608, %dma_wait3A_622, %dma_wait3A_623] : memref<4x64x128xf32, #tpu.memory_space<vmem>> -> memref<1x64x128xf32, #tpu.memory_space<vmem>>
    %dma_wait3A_625 = tpu.memref_squeeze %dma_wait3A_624 : memref<1x64x128xf32, #tpu.memory_space<vmem>> -> memref<64x128xf32, #tpu.memory_space<vmem>>
    tpu.wait_dma2 semaphore(%dma_wait3A_618 : memref<!tpu.dma_semaphore, #tpu.memory_space<semaphore_mem>>) src(%dma_wait3A_625 : memref<64x128xf32, #tpu.memory_space<vmem>>) dst(%dma_wait3A_621 : memref<64x128xf32, #tpu.memory_space<hbm>>)
    %add3A_626 = arith.constant 192 : i32
    %add3A_627 = arith.addi %mul3A_2, %add3A_626 : i32
    %dma_start3A_628 = arith.constant 1 : i32
    %dma_start3A_629 = arith.constant 1 : i32
    %dma_start3A_630 = arith.constant 0 : i32
    %dma_start3A_631 = arith.constant 0 : i32
    %dma_start3A_632 = tpu.memref_slice %arg10[%dma_start3A_628, %dma_start3A_630, %dma_start3A_631] : memref<4x64x128xf32, #tpu.memory_space<vmem>> -> memref<1x64x128xf32, #tpu.memory_space<vmem>>
    %dma_start3A_633 = tpu.memref_squeeze %dma_start3A_632 : memref<1x64x128xf32, #tpu.memory_space<vmem>> -> memref<64x128xf32, #tpu.memory_space<vmem>>
    %dma_start3A_634 = arith.constant 0 : i32
    %dma_start3A_635 = tpu.memref_slice %arg11[%add3A_627, %dma_start3A_634] : memref<10240x128xf32, #tpu.memory_space<vmem_shared>> -> memref<64x128xf32, #tpu.memory_space<vmem_shared>>
    %dma_start3A_636 = tpu.memref_slice %arg12[%dma_start3A_629] : memref<4x!tpu.dma_semaphore, #tpu.memory_space<semaphore_mem>> -> memref<1x!tpu.dma_semaphore, #tpu.memory_space<semaphore_mem>>
    %dma_start3A_637 = tpu.memref_squeeze %dma_start3A_636 : memref<1x!tpu.dma_semaphore, #tpu.memory_space<semaphore_mem>> -> memref<!tpu.dma_semaphore, #tpu.memory_space<semaphore_mem>>
    %dma_start3A_638 = arith.constant 0 : i32
    %dma_start3A_639 = arith.constant 0 : i32
    %dma_start3A_640 = tpu.memref_slice %arg10[%dma_start3A_628, %dma_start3A_638, %dma_start3A_639] : memref<4x64x128xf32, #tpu.memory_space<vmem>> -> memref<1x64x128xf32, #tpu.memory_space<vmem>>
    %dma_start3A_641 = tpu.memref_squeeze %dma_start3A_640 : memref<1x64x128xf32, #tpu.memory_space<vmem>> -> memref<64x128xf32, #tpu.memory_space<vmem>>
    %dma_start3A_642 = arith.constant 0 : i32
    %dma_start3A_643 = tpu.memref_slice %arg11[%add3A_627, %dma_start3A_642] : memref<10240x128xf32, #tpu.memory_space<vmem_shared>> -> memref<64x128xf32, #tpu.memory_space<vmem_shared>>
    tpu.enqueue_dma source(%dma_start3A_643 : memref<64x128xf32, #tpu.memory_space<vmem_shared>>) target(%dma_start3A_641 : memref<64x128xf32, #tpu.memory_space<vmem>>) target_semaphore(%dma_start3A_637 : memref<!tpu.dma_semaphore, #tpu.memory_space<semaphore_mem>>)
    %add3A_644 = arith.constant 128 : i32
    %add3A_645 = arith.addi %mul3A_2, %add3A_644 : i32
    %dma_start3A_646 = arith.constant 0 : i32
    %dma_start3A_647 = arith.constant 2 : i32
    %dma_start3A_648 = arith.constant 0 : i32
    %dma_start3A_649 = arith.constant 0 : i32
    %dma_start3A_650 = tpu.memref_slice %arg10[%dma_start3A_646, %dma_start3A_648, %dma_start3A_649] : memref<4x64x128xf32, #tpu.memory_space<vmem>> -> memref<1x64x128xf32, #tpu.memory_space<vmem>>
    %dma_start3A_651 = tpu.memref_squeeze %dma_start3A_650 : memref<1x64x128xf32, #tpu.memory_space<vmem>> -> memref<64x128xf32, #tpu.memory_space<vmem>>
    %dma_start3A_652 = arith.constant 0 : i32
    %dma_start3A_653 = tpu.memref_slice %arg7[%arg0, %add3A_645, %dma_start3A_652] : memref<2x10240x128xf32, #tpu.memory_space<hbm>> -> memref<1x64x128xf32, #tpu.memory_space<hbm>>
    %dma_start3A_654 = tpu.memref_squeeze %dma_start3A_653 : memref<1x64x128xf32, #tpu.memory_space<hbm>> -> memref<64x128xf32, #tpu.memory_space<hbm>>
    %dma_start3A_655 = tpu.memref_slice %arg12[%dma_start3A_647] : memref<4x!tpu.dma_semaphore, #tpu.memory_space<semaphore_mem>> -> memref<1x!tpu.dma_semaphore, #tpu.memory_space<semaphore_mem>>
    %dma_start3A_656 = tpu.memref_squeeze %dma_start3A_655 : memref<1x!tpu.dma_semaphore, #tpu.memory_space<semaphore_mem>> -> memref<!tpu.dma_semaphore, #tpu.memory_space<semaphore_mem>>
    %dma_start3A_657 = arith.constant 0 : i32
    %dma_start3A_658 = tpu.memref_slice %arg7[%arg0, %add3A_645, %dma_start3A_657] : memref<2x10240x128xf32, #tpu.memory_space<hbm>> -> memref<1x64x128xf32, #tpu.memory_space<hbm>>
    %dma_start3A_659 = tpu.memref_squeeze %dma_start3A_658 : memref<1x64x128xf32, #tpu.memory_space<hbm>> -> memref<64x128xf32, #tpu.memory_space<hbm>>
    %dma_start3A_660 = arith.constant 0 : i32
    %dma_start3A_661 = arith.constant 0 : i32
    %dma_start3A_662 = tpu.memref_slice %arg10[%dma_start3A_646, %dma_start3A_660, %dma_start3A_661] : memref<4x64x128xf32, #tpu.memory_space<vmem>> -> memref<1x64x128xf32, #tpu.memory_space<vmem>>
    %dma_start3A_663 = tpu.memref_squeeze %dma_start3A_662 : memref<1x64x128xf32, #tpu.memory_space<vmem>> -> memref<64x128xf32, #tpu.memory_space<vmem>>
    tpu.enqueue_dma source(%dma_start3A_663 : memref<64x128xf32, #tpu.memory_space<vmem>>) target(%dma_start3A_659 : memref<64x128xf32, #tpu.memory_space<hbm>>) target_semaphore(%dma_start3A_656 : memref<!tpu.dma_semaphore, #tpu.memory_space<semaphore_mem>>)
    %add3A_664 = arith.constant 192 : i32
    %add3A_665 = arith.addi %mul3A_2, %add3A_664 : i32
    %dma_wait3A_666 = arith.constant 1 : i32
    %dma_wait3A_667 = arith.constant 1 : i32
    %dma_wait3A_668 = arith.constant 0 : i32
    %dma_wait3A_669 = arith.constant 0 : i32
    %dma_wait3A_670 = tpu.memref_slice %arg10[%dma_wait3A_666, %dma_wait3A_668, %dma_wait3A_669] : memref<4x64x128xf32, #tpu.memory_space<vmem>> -> memref<1x64x128xf32, #tpu.memory_space<vmem>>
    %dma_wait3A_671 = tpu.memref_squeeze %dma_wait3A_670 : memref<1x64x128xf32, #tpu.memory_space<vmem>> -> memref<64x128xf32, #tpu.memory_space<vmem>>
    %dma_wait3A_672 = arith.constant 0 : i32
    %dma_wait3A_673 = tpu.memref_slice %arg11[%add3A_665, %dma_wait3A_672] : memref<10240x128xf32, #tpu.memory_space<vmem_shared>> -> memref<64x128xf32, #tpu.memory_space<vmem_shared>>
    %dma_wait3A_674 = tpu.memref_slice %arg12[%dma_wait3A_667] : memref<4x!tpu.dma_semaphore, #tpu.memory_space<semaphore_mem>> -> memref<1x!tpu.dma_semaphore, #tpu.memory_space<semaphore_mem>>
    %dma_wait3A_675 = tpu.memref_squeeze %dma_wait3A_674 : memref<1x!tpu.dma_semaphore, #tpu.memory_space<semaphore_mem>> -> memref<!tpu.dma_semaphore, #tpu.memory_space<semaphore_mem>>
    %dma_wait3A_676 = arith.constant 0 : i32
    %dma_wait3A_677 = arith.constant 0 : i32
    %dma_wait3A_678 = tpu.memref_slice %arg10[%dma_wait3A_666, %dma_wait3A_676, %dma_wait3A_677] : memref<4x64x128xf32, #tpu.memory_space<vmem>> -> memref<1x64x128xf32, #tpu.memory_space<vmem>>
    %dma_wait3A_679 = tpu.memref_squeeze %dma_wait3A_678 : memref<1x64x128xf32, #tpu.memory_space<vmem>> -> memref<64x128xf32, #tpu.memory_space<vmem>>
    %dma_wait3A_680 = arith.constant 0 : i32
    %dma_wait3A_681 = tpu.memref_slice %arg11[%add3A_665, %dma_wait3A_680] : memref<10240x128xf32, #tpu.memory_space<vmem_shared>> -> memref<64x128xf32, #tpu.memory_space<vmem_shared>>
    tpu.wait_dma2 semaphore(%dma_wait3A_675 : memref<!tpu.dma_semaphore, #tpu.memory_space<semaphore_mem>>) src(%dma_wait3A_681 : memref<64x128xf32, #tpu.memory_space<vmem_shared>>) dst(%dma_wait3A_679 : memref<64x128xf32, #tpu.memory_space<vmem>>)
    %add3A_682 = arith.constant 128 : i32
    %add3A_683 = arith.addi %mul3A_2, %add3A_682 : i32
    %dma_wait3A_684 = arith.constant 0 : i32
    %dma_wait3A_685 = arith.constant 2 : i32
    %dma_wait3A_686 = arith.constant 0 : i32
    %dma_wait3A_687 = arith.constant 0 : i32
    %dma_wait3A_688 = tpu.memref_slice %arg10[%dma_wait3A_684, %dma_wait3A_686, %dma_wait3A_687] : memref<4x64x128xf32, #tpu.memory_space<vmem>> -> memref<1x64x128xf32, #tpu.memory_space<vmem>>
    %dma_wait3A_689 = tpu.memref_squeeze %dma_wait3A_688 : memref<1x64x128xf32, #tpu.memory_space<vmem>> -> memref<64x128xf32, #tpu.memory_space<vmem>>
    %dma_wait3A_690 = arith.constant 0 : i32
    %dma_wait3A_691 = tpu.memref_slice %arg7[%arg0, %add3A_683, %dma_wait3A_690] : memref<2x10240x128xf32, #tpu.memory_space<hbm>> -> memref<1x64x128xf32, #tpu.memory_space<hbm>>
    %dma_wait3A_692 = tpu.memref_squeeze %dma_wait3A_691 : memref<1x64x128xf32, #tpu.memory_space<hbm>> -> memref<64x128xf32, #tpu.memory_space<hbm>>
    %dma_wait3A_693 = tpu.memref_slice %arg12[%dma_wait3A_685] : memref<4x!tpu.dma_semaphore, #tpu.memory_space<semaphore_mem>> -> memref<1x!tpu.dma_semaphore, #tpu.memory_space<semaphore_mem>>
    %dma_wait3A_694 = tpu.memref_squeeze %dma_wait3A_693 : memref<1x!tpu.dma_semaphore, #tpu.memory_space<semaphore_mem>> -> memref<!tpu.dma_semaphore, #tpu.memory_space<semaphore_mem>>
    %dma_wait3A_695 = arith.constant 0 : i32
    %dma_wait3A_696 = tpu.memref_slice %arg7[%arg0, %add3A_683, %dma_wait3A_695] : memref<2x10240x128xf32, #tpu.memory_space<hbm>> -> memref<1x64x128xf32, #tpu.memory_space<hbm>>
    %dma_wait3A_697 = tpu.memref_squeeze %dma_wait3A_696 : memref<1x64x128xf32, #tpu.memory_space<hbm>> -> memref<64x128xf32, #tpu.memory_space<hbm>>
    %dma_wait3A_698 = arith.constant 0 : i32
    %dma_wait3A_699 = arith.constant 0 : i32
    %dma_wait3A_700 = tpu.memref_slice %arg10[%dma_wait3A_684, %dma_wait3A_698, %dma_wait3A_699] : memref<4x64x128xf32, #tpu.memory_space<vmem>> -> memref<1x64x128xf32, #tpu.memory_space<vmem>>
    %dma_wait3A_701 = tpu.memref_squeeze %dma_wait3A_700 : memref<1x64x128xf32, #tpu.memory_space<vmem>> -> memref<64x128xf32, #tpu.memory_space<vmem>>
    tpu.wait_dma2 semaphore(%dma_wait3A_694 : memref<!tpu.dma_semaphore, #tpu.memory_space<semaphore_mem>>) src(%dma_wait3A_701 : memref<64x128xf32, #tpu.memory_space<vmem>>) dst(%dma_wait3A_697 : memref<64x128xf32, #tpu.memory_space<hbm>>)
    %add3A_702 = arith.constant 256 : i32
    %add3A_703 = arith.addi %mul3A_2, %add3A_702 : i32
    %dma_start3A_704 = arith.constant 0 : i32
    %dma_start3A_705 = arith.constant 0 : i32
    %dma_start3A_706 = arith.constant 0 : i32
    %dma_start3A_707 = arith.constant 0 : i32
    %dma_start3A_708 = tpu.memref_slice %arg10[%dma_start3A_704, %dma_start3A_706, %dma_start3A_707] : memref<4x64x128xf32, #tpu.memory_space<vmem>> -> memref<1x64x128xf32, #tpu.memory_space<vmem>>
    %dma_start3A_709 = tpu.memref_squeeze %dma_start3A_708 : memref<1x64x128xf32, #tpu.memory_space<vmem>> -> memref<64x128xf32, #tpu.memory_space<vmem>>
    %dma_start3A_710 = arith.constant 0 : i32
    %dma_start3A_711 = tpu.memref_slice %arg11[%add3A_703, %dma_start3A_710] : memref<10240x128xf32, #tpu.memory_space<vmem_shared>> -> memref<64x128xf32, #tpu.memory_space<vmem_shared>>
    %dma_start3A_712 = tpu.memref_slice %arg12[%dma_start3A_705] : memref<4x!tpu.dma_semaphore, #tpu.memory_space<semaphore_mem>> -> memref<1x!tpu.dma_semaphore, #tpu.memory_space<semaphore_mem>>
    %dma_start3A_713 = tpu.memref_squeeze %dma_start3A_712 : memref<1x!tpu.dma_semaphore, #tpu.memory_space<semaphore_mem>> -> memref<!tpu.dma_semaphore, #tpu.memory_space<semaphore_mem>>
    %dma_start3A_714 = arith.constant 0 : i32
    %dma_start3A_715 = arith.constant 0 : i32
    %dma_start3A_716 = tpu.memref_slice %arg10[%dma_start3A_704, %dma_start3A_714, %dma_start3A_715] : memref<4x64x128xf32, #tpu.memory_space<vmem>> -> memref<1x64x128xf32, #tpu.memory_space<vmem>>
    %dma_start3A_717 = tpu.memref_squeeze %dma_start3A_716 : memref<1x64x128xf32, #tpu.memory_space<vmem>> -> memref<64x128xf32, #tpu.memory_space<vmem>>
    %dma_start3A_718 = arith.constant 0 : i32
    %dma_start3A_719 = tpu.memref_slice %arg11[%add3A_703, %dma_start3A_718] : memref<10240x128xf32, #tpu.memory_space<vmem_shared>> -> memref<64x128xf32, #tpu.memory_space<vmem_shared>>
    tpu.enqueue_dma source(%dma_start3A_719 : memref<64x128xf32, #tpu.memory_space<vmem_shared>>) target(%dma_start3A_717 : memref<64x128xf32, #tpu.memory_space<vmem>>) target_semaphore(%dma_start3A_713 : memref<!tpu.dma_semaphore, #tpu.memory_space<semaphore_mem>>)
    %add3A_720 = arith.constant 192 : i32
    %add3A_721 = arith.addi %mul3A_2, %add3A_720 : i32
    %dma_start3A_722 = arith.constant 1 : i32
    %dma_start3A_723 = arith.constant 3 : i32
    %dma_start3A_724 = arith.constant 0 : i32
    %dma_start3A_725 = arith.constant 0 : i32
    %dma_start3A_726 = tpu.memref_slice %arg10[%dma_start3A_722, %dma_start3A_724, %dma_start3A_725] : memref<4x64x128xf32, #tpu.memory_space<vmem>> -> memref<1x64x128xf32, #tpu.memory_space<vmem>>
    %dma_start3A_727 = tpu.memref_squeeze %dma_start3A_726 : memref<1x64x128xf32, #tpu.memory_space<vmem>> -> memref<64x128xf32, #tpu.memory_space<vmem>>
    %dma_start3A_728 = arith.constant 0 : i32
    %dma_start3A_729 = tpu.memref_slice %arg7[%arg0, %add3A_721, %dma_start3A_728] : memref<2x10240x128xf32, #tpu.memory_space<hbm>> -> memref<1x64x128xf32, #tpu.memory_space<hbm>>
    %dma_start3A_730 = tpu.memref_squeeze %dma_start3A_729 : memref<1x64x128xf32, #tpu.memory_space<hbm>> -> memref<64x128xf32, #tpu.memory_space<hbm>>
    %dma_start3A_731 = tpu.memref_slice %arg12[%dma_start3A_723] : memref<4x!tpu.dma_semaphore, #tpu.memory_space<semaphore_mem>> -> memref<1x!tpu.dma_semaphore, #tpu.memory_space<semaphore_mem>>
    %dma_start3A_732 = tpu.memref_squeeze %dma_start3A_731 : memref<1x!tpu.dma_semaphore, #tpu.memory_space<semaphore_mem>> -> memref<!tpu.dma_semaphore, #tpu.memory_space<semaphore_mem>>
    %dma_start3A_733 = arith.constant 0 : i32
    %dma_start3A_734 = tpu.memref_slice %arg7[%arg0, %add3A_721, %dma_start3A_733] : memref<2x10240x128xf32, #tpu.memory_space<hbm>> -> memref<1x64x128xf32, #tpu.memory_space<hbm>>
    %dma_start3A_735 = tpu.memref_squeeze %dma_start3A_734 : memref<1x64x128xf32, #tpu.memory_space<hbm>> -> memref<64x128xf32, #tpu.memory_space<hbm>>
    %dma_start3A_736 = arith.constant 0 : i32
    %dma_start3A_737 = arith.constant 0 : i32
    %dma_start3A_738 = tpu.memref_slice %arg10[%dma_start3A_722, %dma_start3A_736, %dma_start3A_737] : memref<4x64x128xf32, #tpu.memory_space<vmem>> -> memref<1x64x128xf32, #tpu.memory_space<vmem>>
    %dma_start3A_739 = tpu.memref_squeeze %dma_start3A_738 : memref<1x64x128xf32, #tpu.memory_space<vmem>> -> memref<64x128xf32, #tpu.memory_space<vmem>>
    tpu.enqueue_dma source(%dma_start3A_739 : memref<64x128xf32, #tpu.memory_space<vmem>>) target(%dma_start3A_735 : memref<64x128xf32, #tpu.memory_space<hbm>>) target_semaphore(%dma_start3A_732 : memref<!tpu.dma_semaphore, #tpu.memory_space<semaphore_mem>>)
    %add3A_740 = arith.constant 256 : i32
    %add3A_741 = arith.addi %mul3A_2, %add3A_740 : i32
    %dma_wait3A_742 = arith.constant 0 : i32
    %dma_wait3A_743 = arith.constant 0 : i32
    %dma_wait3A_744 = arith.constant 0 : i32
    %dma_wait3A_745 = arith.constant 0 : i32
    %dma_wait3A_746 = tpu.memref_slice %arg10[%dma_wait3A_742, %dma_wait3A_744, %dma_wait3A_745] : memref<4x64x128xf32, #tpu.memory_space<vmem>> -> memref<1x64x128xf32, #tpu.memory_space<vmem>>
    %dma_wait3A_747 = tpu.memref_squeeze %dma_wait3A_746 : memref<1x64x128xf32, #tpu.memory_space<vmem>> -> memref<64x128xf32, #tpu.memory_space<vmem>>
    %dma_wait3A_748 = arith.constant 0 : i32
    %dma_wait3A_749 = tpu.memref_slice %arg11[%add3A_741, %dma_wait3A_748] : memref<10240x128xf32, #tpu.memory_space<vmem_shared>> -> memref<64x128xf32, #tpu.memory_space<vmem_shared>>
    %dma_wait3A_750 = tpu.memref_slice %arg12[%dma_wait3A_743] : memref<4x!tpu.dma_semaphore, #tpu.memory_space<semaphore_mem>> -> memref<1x!tpu.dma_semaphore, #tpu.memory_space<semaphore_mem>>
    %dma_wait3A_751 = tpu.memref_squeeze %dma_wait3A_750 : memref<1x!tpu.dma_semaphore, #tpu.memory_space<semaphore_mem>> -> memref<!tpu.dma_semaphore, #tpu.memory_space<semaphore_mem>>
    %dma_wait3A_752 = arith.constant 0 : i32
    %dma_wait3A_753 = arith.constant 0 : i32
    %dma_wait3A_754 = tpu.memref_slice %arg10[%dma_wait3A_742, %dma_wait3A_752, %dma_wait3A_753] : memref<4x64x128xf32, #tpu.memory_space<vmem>> -> memref<1x64x128xf32, #tpu.memory_space<vmem>>
    %dma_wait3A_755 = tpu.memref_squeeze %dma_wait3A_754 : memref<1x64x128xf32, #tpu.memory_space<vmem>> -> memref<64x128xf32, #tpu.memory_space<vmem>>
    %dma_wait3A_756 = arith.constant 0 : i32
    %dma_wait3A_757 = tpu.memref_slice %arg11[%add3A_741, %dma_wait3A_756] : memref<10240x128xf32, #tpu.memory_space<vmem_shared>> -> memref<64x128xf32, #tpu.memory_space<vmem_shared>>
    tpu.wait_dma2 semaphore(%dma_wait3A_751 : memref<!tpu.dma_semaphore, #tpu.memory_space<semaphore_mem>>) src(%dma_wait3A_757 : memref<64x128xf32, #tpu.memory_space<vmem_shared>>) dst(%dma_wait3A_755 : memref<64x128xf32, #tpu.memory_space<vmem>>)
    %add3A_758 = arith.constant 192 : i32
    %add3A_759 = arith.addi %mul3A_2, %add3A_758 : i32
    %dma_wait3A_760 = arith.constant 1 : i32
    %dma_wait3A_761 = arith.constant 3 : i32
    %dma_wait3A_762 = arith.constant 0 : i32
    %dma_wait3A_763 = arith.constant 0 : i32
    %dma_wait3A_764 = tpu.memref_slice %arg10[%dma_wait3A_760, %dma_wait3A_762, %dma_wait3A_763] : memref<4x64x128xf32, #tpu.memory_space<vmem>> -> memref<1x64x128xf32, #tpu.memory_space<vmem>>
    %dma_wait3A_765 = tpu.memref_squeeze %dma_wait3A_764 : memref<1x64x128xf32, #tpu.memory_space<vmem>> -> memref<64x128xf32, #tpu.memory_space<vmem>>
    %dma_wait3A_766 = arith.constant 0 : i32
    %dma_wait3A_767 = tpu.memref_slice %arg7[%arg0, %add3A_759, %dma_wait3A_766] : memref<2x10240x128xf32, #tpu.memory_space<hbm>> -> memref<1x64x128xf32, #tpu.memory_space<hbm>>
    %dma_wait3A_768 = tpu.memref_squeeze %dma_wait3A_767 : memref<1x64x128xf32, #tpu.memory_space<hbm>> -> memref<64x128xf32, #tpu.memory_space<hbm>>
    %dma_wait3A_769 = tpu.memref_slice %arg12[%dma_wait3A_761] : memref<4x!tpu.dma_semaphore, #tpu.memory_space<semaphore_mem>> -> memref<1x!tpu.dma_semaphore, #tpu.memory_space<semaphore_mem>>
    %dma_wait3A_770 = tpu.memref_squeeze %dma_wait3A_769 : memref<1x!tpu.dma_semaphore, #tpu.memory_space<semaphore_mem>> -> memref<!tpu.dma_semaphore, #tpu.memory_space<semaphore_mem>>
    %dma_wait3A_771 = arith.constant 0 : i32
    %dma_wait3A_772 = tpu.memref_slice %arg7[%arg0, %add3A_759, %dma_wait3A_771] : memref<2x10240x128xf32, #tpu.memory_space<hbm>> -> memref<1x64x128xf32, #tpu.memory_space<hbm>>
    %dma_wait3A_773 = tpu.memref_squeeze %dma_wait3A_772 : memref<1x64x128xf32, #tpu.memory_space<hbm>> -> memref<64x128xf32, #tpu.memory_space<hbm>>
    %dma_wait3A_774 = arith.constant 0 : i32
    %dma_wait3A_775 = arith.constant 0 : i32
    %dma_wait3A_776 = tpu.memref_slice %arg10[%dma_wait3A_760, %dma_wait3A_774, %dma_wait3A_775] : memref<4x64x128xf32, #tpu.memory_space<vmem>> -> memref<1x64x128xf32, #tpu.memory_space<vmem>>
    %dma_wait3A_777 = tpu.memref_squeeze %dma_wait3A_776 : memref<1x64x128xf32, #tpu.memory_space<vmem>> -> memref<64x128xf32, #tpu.memory_space<vmem>>
    tpu.wait_dma2 semaphore(%dma_wait3A_770 : memref<!tpu.dma_semaphore, #tpu.memory_space<semaphore_mem>>) src(%dma_wait3A_777 : memref<64x128xf32, #tpu.memory_space<vmem>>) dst(%dma_wait3A_773 : memref<64x128xf32, #tpu.memory_space<hbm>>)
    %add3A_778 = arith.constant 320 : i32
    %add3A_779 = arith.addi %mul3A_2, %add3A_778 : i32
    %dma_start3A_780 = arith.constant 1 : i32
    %dma_start3A_781 = arith.constant 1 : i32
    %dma_start3A_782 = arith.constant 0 : i32
    %dma_start3A_783 = arith.constant 0 : i32
    %dma_start3A_784 = tpu.memref_slice %arg10[%dma_start3A_780, %dma_start3A_782, %dma_start3A_783] : memref<4x64x128xf32, #tpu.memory_space<vmem>> -> memref<1x64x128xf32, #tpu.memory_space<vmem>>
    %dma_start3A_785 = tpu.memref_squeeze %dma_start3A_784 : memref<1x64x128xf32, #tpu.memory_space<vmem>> -> memref<64x128xf32, #tpu.memory_space<vmem>>
    %dma_start3A_786 = arith.constant 0 : i32
    %dma_start3A_787 = tpu.memref_slice %arg11[%add3A_779, %dma_start3A_786] : memref<10240x128xf32, #tpu.memory_space<vmem_shared>> -> memref<64x128xf32, #tpu.memory_space<vmem_shared>>
    %dma_start3A_788 = tpu.memref_slice %arg12[%dma_start3A_781] : memref<4x!tpu.dma_semaphore, #tpu.memory_space<semaphore_mem>> -> memref<1x!tpu.dma_semaphore, #tpu.memory_space<semaphore_mem>>
    %dma_start3A_789 = tpu.memref_squeeze %dma_start3A_788 : memref<1x!tpu.dma_semaphore, #tpu.memory_space<semaphore_mem>> -> memref<!tpu.dma_semaphore, #tpu.memory_space<semaphore_mem>>
    %dma_start3A_790 = arith.constant 0 : i32
    %dma_start3A_791 = arith.constant 0 : i32
    %dma_start3A_792 = tpu.memref_slice %arg10[%dma_start3A_780, %dma_start3A_790, %dma_start3A_791] : memref<4x64x128xf32, #tpu.memory_space<vmem>> -> memref<1x64x128xf32, #tpu.memory_space<vmem>>
    %dma_start3A_793 = tpu.memref_squeeze %dma_start3A_792 : memref<1x64x128xf32, #tpu.memory_space<vmem>> -> memref<64x128xf32, #tpu.memory_space<vmem>>
    %dma_start3A_794 = arith.constant 0 : i32
    %dma_start3A_795 = tpu.memref_slice %arg11[%add3A_779, %dma_start3A_794] : memref<10240x128xf32, #tpu.memory_space<vmem_shared>> -> memref<64x128xf32, #tpu.memory_space<vmem_shared>>
    tpu.enqueue_dma source(%dma_start3A_795 : memref<64x128xf32, #tpu.memory_space<vmem_shared>>) target(%dma_start3A_793 : memref<64x128xf32, #tpu.memory_space<vmem>>) target_semaphore(%dma_start3A_789 : memref<!tpu.dma_semaphore, #tpu.memory_space<semaphore_mem>>)
    %add3A_796 = arith.constant 256 : i32
    %add3A_797 = arith.addi %mul3A_2, %add3A_796 : i32
    %dma_start3A_798 = arith.constant 0 : i32
    %dma_start3A_799 = arith.constant 2 : i32
    %dma_start3A_800 = arith.constant 0 : i32
    %dma_start3A_801 = arith.constant 0 : i32
    %dma_start3A_802 = tpu.memref_slice %arg10[%dma_start3A_798, %dma_start3A_800, %dma_start3A_801] : memref<4x64x128xf32, #tpu.memory_space<vmem>> -> memref<1x64x128xf32, #tpu.memory_space<vmem>>
    %dma_start3A_803 = tpu.memref_squeeze %dma_start3A_802 : memref<1x64x128xf32, #tpu.memory_space<vmem>> -> memref<64x128xf32, #tpu.memory_space<vmem>>
    %dma_start3A_804 = arith.constant 0 : i32
    %dma_start3A_805 = tpu.memref_slice %arg7[%arg0, %add3A_797, %dma_start3A_804] : memref<2x10240x128xf32, #tpu.memory_space<hbm>> -> memref<1x64x128xf32, #tpu.memory_space<hbm>>
    %dma_start3A_806 = tpu.memref_squeeze %dma_start3A_805 : memref<1x64x128xf32, #tpu.memory_space<hbm>> -> memref<64x128xf32, #tpu.memory_space<hbm>>
    %dma_start3A_807 = tpu.memref_slice %arg12[%dma_start3A_799] : memref<4x!tpu.dma_semaphore, #tpu.memory_space<semaphore_mem>> -> memref<1x!tpu.dma_semaphore, #tpu.memory_space<semaphore_mem>>
    %dma_start3A_808 = tpu.memref_squeeze %dma_start3A_807 : memref<1x!tpu.dma_semaphore, #tpu.memory_space<semaphore_mem>> -> memref<!tpu.dma_semaphore, #tpu.memory_space<semaphore_mem>>
    %dma_start3A_809 = arith.constant 0 : i32
    %dma_start3A_810 = tpu.memref_slice %arg7[%arg0, %add3A_797, %dma_start3A_809] : memref<2x10240x128xf32, #tpu.memory_space<hbm>> -> memref<1x64x128xf32, #tpu.memory_space<hbm>>
    %dma_start3A_811 = tpu.memref_squeeze %dma_start3A_810 : memref<1x64x128xf32, #tpu.memory_space<hbm>> -> memref<64x128xf32, #tpu.memory_space<hbm>>
    %dma_start3A_812 = arith.constant 0 : i32
    %dma_start3A_813 = arith.constant 0 : i32
    %dma_start3A_814 = tpu.memref_slice %arg10[%dma_start3A_798, %dma_start3A_812, %dma_start3A_813] : memref<4x64x128xf32, #tpu.memory_space<vmem>> -> memref<1x64x128xf32, #tpu.memory_space<vmem>>
    %dma_start3A_815 = tpu.memref_squeeze %dma_start3A_814 : memref<1x64x128xf32, #tpu.memory_space<vmem>> -> memref<64x128xf32, #tpu.memory_space<vmem>>
    tpu.enqueue_dma source(%dma_start3A_815 : memref<64x128xf32, #tpu.memory_space<vmem>>) target(%dma_start3A_811 : memref<64x128xf32, #tpu.memory_space<hbm>>) target_semaphore(%dma_start3A_808 : memref<!tpu.dma_semaphore, #tpu.memory_space<semaphore_mem>>)
    %add3A_816 = arith.constant 320 : i32
    %add3A_817 = arith.addi %mul3A_2, %add3A_816 : i32
    %dma_wait3A_818 = arith.constant 1 : i32
    %dma_wait3A_819 = arith.constant 1 : i32
    %dma_wait3A_820 = arith.constant 0 : i32
    %dma_wait3A_821 = arith.constant 0 : i32
    %dma_wait3A_822 = tpu.memref_slice %arg10[%dma_wait3A_818, %dma_wait3A_820, %dma_wait3A_821] : memref<4x64x128xf32, #tpu.memory_space<vmem>> -> memref<1x64x128xf32, #tpu.memory_space<vmem>>
    %dma_wait3A_823 = tpu.memref_squeeze %dma_wait3A_822 : memref<1x64x128xf32, #tpu.memory_space<vmem>> -> memref<64x128xf32, #tpu.memory_space<vmem>>
    %dma_wait3A_824 = arith.constant 0 : i32
    %dma_wait3A_825 = tpu.memref_slice %arg11[%add3A_817, %dma_wait3A_824] : memref<10240x128xf32, #tpu.memory_space<vmem_shared>> -> memref<64x128xf32, #tpu.memory_space<vmem_shared>>
    %dma_wait3A_826 = tpu.memref_slice %arg12[%dma_wait3A_819] : memref<4x!tpu.dma_semaphore, #tpu.memory_space<semaphore_mem>> -> memref<1x!tpu.dma_semaphore, #tpu.memory_space<semaphore_mem>>
    %dma_wait3A_827 = tpu.memref_squeeze %dma_wait3A_826 : memref<1x!tpu.dma_semaphore, #tpu.memory_space<semaphore_mem>> -> memref<!tpu.dma_semaphore, #tpu.memory_space<semaphore_mem>>
    %dma_wait3A_828 = arith.constant 0 : i32
    %dma_wait3A_829 = arith.constant 0 : i32
    %dma_wait3A_830 = tpu.memref_slice %arg10[%dma_wait3A_818, %dma_wait3A_828, %dma_wait3A_829] : memref<4x64x128xf32, #tpu.memory_space<vmem>> -> memref<1x64x128xf32, #tpu.memory_space<vmem>>
    %dma_wait3A_831 = tpu.memref_squeeze %dma_wait3A_830 : memref<1x64x128xf32, #tpu.memory_space<vmem>> -> memref<64x128xf32, #tpu.memory_space<vmem>>
    %dma_wait3A_832 = arith.constant 0 : i32
    %dma_wait3A_833 = tpu.memref_slice %arg11[%add3A_817, %dma_wait3A_832] : memref<10240x128xf32, #tpu.memory_space<vmem_shared>> -> memref<64x128xf32, #tpu.memory_space<vmem_shared>>
    tpu.wait_dma2 semaphore(%dma_wait3A_827 : memref<!tpu.dma_semaphore, #tpu.memory_space<semaphore_mem>>) src(%dma_wait3A_833 : memref<64x128xf32, #tpu.memory_space<vmem_shared>>) dst(%dma_wait3A_831 : memref<64x128xf32, #tpu.memory_space<vmem>>)
    %add3A_834 = arith.constant 256 : i32
    %add3A_835 = arith.addi %mul3A_2, %add3A_834 : i32
    %dma_wait3A_836 = arith.constant 0 : i32
    %dma_wait3A_837 = arith.constant 2 : i32
    %dma_wait3A_838 = arith.constant 0 : i32
    %dma_wait3A_839 = arith.constant 0 : i32
    %dma_wait3A_840 = tpu.memref_slice %arg10[%dma_wait3A_836, %dma_wait3A_838, %dma_wait3A_839] : memref<4x64x128xf32, #tpu.memory_space<vmem>> -> memref<1x64x128xf32, #tpu.memory_space<vmem>>
    %dma_wait3A_841 = tpu.memref_squeeze %dma_wait3A_840 : memref<1x64x128xf32, #tpu.memory_space<vmem>> -> memref<64x128xf32, #tpu.memory_space<vmem>>
    %dma_wait3A_842 = arith.constant 0 : i32
    %dma_wait3A_843 = tpu.memref_slice %arg7[%arg0, %add3A_835, %dma_wait3A_842] : memref<2x10240x128xf32, #tpu.memory_space<hbm>> -> memref<1x64x128xf32, #tpu.memory_space<hbm>>
    %dma_wait3A_844 = tpu.memref_squeeze %dma_wait3A_843 : memref<1x64x128xf32, #tpu.memory_space<hbm>> -> memref<64x128xf32, #tpu.memory_space<hbm>>
    %dma_wait3A_845 = tpu.memref_slice %arg12[%dma_wait3A_837] : memref<4x!tpu.dma_semaphore, #tpu.memory_space<semaphore_mem>> -> memref<1x!tpu.dma_semaphore, #tpu.memory_space<semaphore_mem>>
    %dma_wait3A_846 = tpu.memref_squeeze %dma_wait3A_845 : memref<1x!tpu.dma_semaphore, #tpu.memory_space<semaphore_mem>> -> memref<!tpu.dma_semaphore, #tpu.memory_space<semaphore_mem>>
    %dma_wait3A_847 = arith.constant 0 : i32
    %dma_wait3A_848 = tpu.memref_slice %arg7[%arg0, %add3A_835, %dma_wait3A_847] : memref<2x10240x128xf32, #tpu.memory_space<hbm>> -> memref<1x64x128xf32, #tpu.memory_space<hbm>>
    %dma_wait3A_849 = tpu.memref_squeeze %dma_wait3A_848 : memref<1x64x128xf32, #tpu.memory_space<hbm>> -> memref<64x128xf32, #tpu.memory_space<hbm>>
    %dma_wait3A_850 = arith.constant 0 : i32
    %dma_wait3A_851 = arith.constant 0 : i32
    %dma_wait3A_852 = tpu.memref_slice %arg10[%dma_wait3A_836, %dma_wait3A_850, %dma_wait3A_851] : memref<4x64x128xf32, #tpu.memory_space<vmem>> -> memref<1x64x128xf32, #tpu.memory_space<vmem>>
    %dma_wait3A_853 = tpu.memref_squeeze %dma_wait3A_852 : memref<1x64x128xf32, #tpu.memory_space<vmem>> -> memref<64x128xf32, #tpu.memory_space<vmem>>
    tpu.wait_dma2 semaphore(%dma_wait3A_846 : memref<!tpu.dma_semaphore, #tpu.memory_space<semaphore_mem>>) src(%dma_wait3A_853 : memref<64x128xf32, #tpu.memory_space<vmem>>) dst(%dma_wait3A_849 : memref<64x128xf32, #tpu.memory_space<hbm>>)
    %add3A_854 = arith.constant 384 : i32
    %add3A_855 = arith.addi %mul3A_2, %add3A_854 : i32
    %dma_start3A_856 = arith.constant 0 : i32
    %dma_start3A_857 = arith.constant 0 : i32
    %dma_start3A_858 = arith.constant 0 : i32
    %dma_start3A_859 = arith.constant 0 : i32
    %dma_start3A_860 = tpu.memref_slice %arg10[%dma_start3A_856, %dma_start3A_858, %dma_start3A_859] : memref<4x64x128xf32, #tpu.memory_space<vmem>> -> memref<1x64x128xf32, #tpu.memory_space<vmem>>
    %dma_start3A_861 = tpu.memref_squeeze %dma_start3A_860 : memref<1x64x128xf32, #tpu.memory_space<vmem>> -> memref<64x128xf32, #tpu.memory_space<vmem>>
    %dma_start3A_862 = arith.constant 0 : i32
    %dma_start3A_863 = tpu.memref_slice %arg11[%add3A_855, %dma_start3A_862] : memref<10240x128xf32, #tpu.memory_space<vmem_shared>> -> memref<64x128xf32, #tpu.memory_space<vmem_shared>>
    %dma_start3A_864 = tpu.memref_slice %arg12[%dma_start3A_857] : memref<4x!tpu.dma_semaphore, #tpu.memory_space<semaphore_mem>> -> memref<1x!tpu.dma_semaphore, #tpu.memory_space<semaphore_mem>>
    %dma_start3A_865 = tpu.memref_squeeze %dma_start3A_864 : memref<1x!tpu.dma_semaphore, #tpu.memory_space<semaphore_mem>> -> memref<!tpu.dma_semaphore, #tpu.memory_space<semaphore_mem>>
    %dma_start3A_866 = arith.constant 0 : i32
    %dma_start3A_867 = arith.constant 0 : i32
    %dma_start3A_868 = tpu.memref_slice %arg10[%dma_start3A_856, %dma_start3A_866, %dma_start3A_867] : memref<4x64x128xf32, #tpu.memory_space<vmem>> -> memref<1x64x128xf32, #tpu.memory_space<vmem>>
    %dma_start3A_869 = tpu.memref_squeeze %dma_start3A_868 : memref<1x64x128xf32, #tpu.memory_space<vmem>> -> memref<64x128xf32, #tpu.memory_space<vmem>>
    %dma_start3A_870 = arith.constant 0 : i32
    %dma_start3A_871 = tpu.memref_slice %arg11[%add3A_855, %dma_start3A_870] : memref<10240x128xf32, #tpu.memory_space<vmem_shared>> -> memref<64x128xf32, #tpu.memory_space<vmem_shared>>
    tpu.enqueue_dma source(%dma_start3A_871 : memref<64x128xf32, #tpu.memory_space<vmem_shared>>) target(%dma_start3A_869 : memref<64x128xf32, #tpu.memory_space<vmem>>) target_semaphore(%dma_start3A_865 : memref<!tpu.dma_semaphore, #tpu.memory_space<semaphore_mem>>)
    %add3A_872 = arith.constant 320 : i32
    %add3A_873 = arith.addi %mul3A_2, %add3A_872 : i32
    %dma_start3A_874 = arith.constant 1 : i32
    %dma_start3A_875 = arith.constant 3 : i32
    %dma_start3A_876 = arith.constant 0 : i32
    %dma_start3A_877 = arith.constant 0 : i32
    %dma_start3A_878 = tpu.memref_slice %arg10[%dma_start3A_874, %dma_start3A_876, %dma_start3A_877] : memref<4x64x128xf32, #tpu.memory_space<vmem>> -> memref<1x64x128xf32, #tpu.memory_space<vmem>>
    %dma_start3A_879 = tpu.memref_squeeze %dma_start3A_878 : memref<1x64x128xf32, #tpu.memory_space<vmem>> -> memref<64x128xf32, #tpu.memory_space<vmem>>
    %dma_start3A_880 = arith.constant 0 : i32
    %dma_start3A_881 = tpu.memref_slice %arg7[%arg0, %add3A_873, %dma_start3A_880] : memref<2x10240x128xf32, #tpu.memory_space<hbm>> -> memref<1x64x128xf32, #tpu.memory_space<hbm>>
    %dma_start3A_882 = tpu.memref_squeeze %dma_start3A_881 : memref<1x64x128xf32, #tpu.memory_space<hbm>> -> memref<64x128xf32, #tpu.memory_space<hbm>>
    %dma_start3A_883 = tpu.memref_slice %arg12[%dma_start3A_875] : memref<4x!tpu.dma_semaphore, #tpu.memory_space<semaphore_mem>> -> memref<1x!tpu.dma_semaphore, #tpu.memory_space<semaphore_mem>>
    %dma_start3A_884 = tpu.memref_squeeze %dma_start3A_883 : memref<1x!tpu.dma_semaphore, #tpu.memory_space<semaphore_mem>> -> memref<!tpu.dma_semaphore, #tpu.memory_space<semaphore_mem>>
    %dma_start3A_885 = arith.constant 0 : i32
    %dma_start3A_886 = tpu.memref_slice %arg7[%arg0, %add3A_873, %dma_start3A_885] : memref<2x10240x128xf32, #tpu.memory_space<hbm>> -> memref<1x64x128xf32, #tpu.memory_space<hbm>>
    %dma_start3A_887 = tpu.memref_squeeze %dma_start3A_886 : memref<1x64x128xf32, #tpu.memory_space<hbm>> -> memref<64x128xf32, #tpu.memory_space<hbm>>
    %dma_start3A_888 = arith.constant 0 : i32
    %dma_start3A_889 = arith.constant 0 : i32
    %dma_start3A_890 = tpu.memref_slice %arg10[%dma_start3A_874, %dma_start3A_888, %dma_start3A_889] : memref<4x64x128xf32, #tpu.memory_space<vmem>> -> memref<1x64x128xf32, #tpu.memory_space<vmem>>
    %dma_start3A_891 = tpu.memref_squeeze %dma_start3A_890 : memref<1x64x128xf32, #tpu.memory_space<vmem>> -> memref<64x128xf32, #tpu.memory_space<vmem>>
    tpu.enqueue_dma source(%dma_start3A_891 : memref<64x128xf32, #tpu.memory_space<vmem>>) target(%dma_start3A_887 : memref<64x128xf32, #tpu.memory_space<hbm>>) target_semaphore(%dma_start3A_884 : memref<!tpu.dma_semaphore, #tpu.memory_space<semaphore_mem>>)
    %add3A_892 = arith.constant 384 : i32
    %add3A_893 = arith.addi %mul3A_2, %add3A_892 : i32
    %dma_wait3A_894 = arith.constant 0 : i32
    %dma_wait3A_895 = arith.constant 0 : i32
    %dma_wait3A_896 = arith.constant 0 : i32
    %dma_wait3A_897 = arith.constant 0 : i32
    %dma_wait3A_898 = tpu.memref_slice %arg10[%dma_wait3A_894, %dma_wait3A_896, %dma_wait3A_897] : memref<4x64x128xf32, #tpu.memory_space<vmem>> -> memref<1x64x128xf32, #tpu.memory_space<vmem>>
    %dma_wait3A_899 = tpu.memref_squeeze %dma_wait3A_898 : memref<1x64x128xf32, #tpu.memory_space<vmem>> -> memref<64x128xf32, #tpu.memory_space<vmem>>
    %dma_wait3A_900 = arith.constant 0 : i32
    %dma_wait3A_901 = tpu.memref_slice %arg11[%add3A_893, %dma_wait3A_900] : memref<10240x128xf32, #tpu.memory_space<vmem_shared>> -> memref<64x128xf32, #tpu.memory_space<vmem_shared>>
    %dma_wait3A_902 = tpu.memref_slice %arg12[%dma_wait3A_895] : memref<4x!tpu.dma_semaphore, #tpu.memory_space<semaphore_mem>> -> memref<1x!tpu.dma_semaphore, #tpu.memory_space<semaphore_mem>>
    %dma_wait3A_903 = tpu.memref_squeeze %dma_wait3A_902 : memref<1x!tpu.dma_semaphore, #tpu.memory_space<semaphore_mem>> -> memref<!tpu.dma_semaphore, #tpu.memory_space<semaphore_mem>>
    %dma_wait3A_904 = arith.constant 0 : i32
    %dma_wait3A_905 = arith.constant 0 : i32
    %dma_wait3A_906 = tpu.memref_slice %arg10[%dma_wait3A_894, %dma_wait3A_904, %dma_wait3A_905] : memref<4x64x128xf32, #tpu.memory_space<vmem>> -> memref<1x64x128xf32, #tpu.memory_space<vmem>>
    %dma_wait3A_907 = tpu.memref_squeeze %dma_wait3A_906 : memref<1x64x128xf32, #tpu.memory_space<vmem>> -> memref<64x128xf32, #tpu.memory_space<vmem>>
    %dma_wait3A_908 = arith.constant 0 : i32
    %dma_wait3A_909 = tpu.memref_slice %arg11[%add3A_893, %dma_wait3A_908] : memref<10240x128xf32, #tpu.memory_space<vmem_shared>> -> memref<64x128xf32, #tpu.memory_space<vmem_shared>>
    tpu.wait_dma2 semaphore(%dma_wait3A_903 : memref<!tpu.dma_semaphore, #tpu.memory_space<semaphore_mem>>) src(%dma_wait3A_909 : memref<64x128xf32, #tpu.memory_space<vmem_shared>>) dst(%dma_wait3A_907 : memref<64x128xf32, #tpu.memory_space<vmem>>)
    %add3A_910 = arith.constant 320 : i32
    %add3A_911 = arith.addi %mul3A_2, %add3A_910 : i32
    %dma_wait3A_912 = arith.constant 1 : i32
    %dma_wait3A_913 = arith.constant 3 : i32
    %dma_wait3A_914 = arith.constant 0 : i32
    %dma_wait3A_915 = arith.constant 0 : i32
    %dma_wait3A_916 = tpu.memref_slice %arg10[%dma_wait3A_912, %dma_wait3A_914, %dma_wait3A_915] : memref<4x64x128xf32, #tpu.memory_space<vmem>> -> memref<1x64x128xf32, #tpu.memory_space<vmem>>
    %dma_wait3A_917 = tpu.memref_squeeze %dma_wait3A_916 : memref<1x64x128xf32, #tpu.memory_space<vmem>> -> memref<64x128xf32, #tpu.memory_space<vmem>>
    %dma_wait3A_918 = arith.constant 0 : i32
    %dma_wait3A_919 = tpu.memref_slice %arg7[%arg0, %add3A_911, %dma_wait3A_918] : memref<2x10240x128xf32, #tpu.memory_space<hbm>> -> memref<1x64x128xf32, #tpu.memory_space<hbm>>
    %dma_wait3A_920 = tpu.memref_squeeze %dma_wait3A_919 : memref<1x64x128xf32, #tpu.memory_space<hbm>> -> memref<64x128xf32, #tpu.memory_space<hbm>>
    %dma_wait3A_921 = tpu.memref_slice %arg12[%dma_wait3A_913] : memref<4x!tpu.dma_semaphore, #tpu.memory_space<semaphore_mem>> -> memref<1x!tpu.dma_semaphore, #tpu.memory_space<semaphore_mem>>
    %dma_wait3A_922 = tpu.memref_squeeze %dma_wait3A_921 : memref<1x!tpu.dma_semaphore, #tpu.memory_space<semaphore_mem>> -> memref<!tpu.dma_semaphore, #tpu.memory_space<semaphore_mem>>
    %dma_wait3A_923 = arith.constant 0 : i32
    %dma_wait3A_924 = tpu.memref_slice %arg7[%arg0, %add3A_911, %dma_wait3A_923] : memref<2x10240x128xf32, #tpu.memory_space<hbm>> -> memref<1x64x128xf32, #tpu.memory_space<hbm>>
    %dma_wait3A_925 = tpu.memref_squeeze %dma_wait3A_924 : memref<1x64x128xf32, #tpu.memory_space<hbm>> -> memref<64x128xf32, #tpu.memory_space<hbm>>
    %dma_wait3A_926 = arith.constant 0 : i32
    %dma_wait3A_927 = arith.constant 0 : i32
    %dma_wait3A_928 = tpu.memref_slice %arg10[%dma_wait3A_912, %dma_wait3A_926, %dma_wait3A_927] : memref<4x64x128xf32, #tpu.memory_space<vmem>> -> memref<1x64x128xf32, #tpu.memory_space<vmem>>
    %dma_wait3A_929 = tpu.memref_squeeze %dma_wait3A_928 : memref<1x64x128xf32, #tpu.memory_space<vmem>> -> memref<64x128xf32, #tpu.memory_space<vmem>>
    tpu.wait_dma2 semaphore(%dma_wait3A_922 : memref<!tpu.dma_semaphore, #tpu.memory_space<semaphore_mem>>) src(%dma_wait3A_929 : memref<64x128xf32, #tpu.memory_space<vmem>>) dst(%dma_wait3A_925 : memref<64x128xf32, #tpu.memory_space<hbm>>)
    %add3A_930 = arith.constant 448 : i32
    %add3A_931 = arith.addi %mul3A_2, %add3A_930 : i32
    %dma_start3A_932 = arith.constant 1 : i32
    %dma_start3A_933 = arith.constant 1 : i32
    %dma_start3A_934 = arith.constant 0 : i32
    %dma_start3A_935 = arith.constant 0 : i32
    %dma_start3A_936 = tpu.memref_slice %arg10[%dma_start3A_932, %dma_start3A_934, %dma_start3A_935] : memref<4x64x128xf32, #tpu.memory_space<vmem>> -> memref<1x64x128xf32, #tpu.memory_space<vmem>>
    %dma_start3A_937 = tpu.memref_squeeze %dma_start3A_936 : memref<1x64x128xf32, #tpu.memory_space<vmem>> -> memref<64x128xf32, #tpu.memory_space<vmem>>
    %dma_start3A_938 = arith.constant 0 : i32
    %dma_start3A_939 = tpu.memref_slice %arg11[%add3A_931, %dma_start3A_938] : memref<10240x128xf32, #tpu.memory_space<vmem_shared>> -> memref<64x128xf32, #tpu.memory_space<vmem_shared>>
    %dma_start3A_940 = tpu.memref_slice %arg12[%dma_start3A_933] : memref<4x!tpu.dma_semaphore, #tpu.memory_space<semaphore_mem>> -> memref<1x!tpu.dma_semaphore, #tpu.memory_space<semaphore_mem>>
    %dma_start3A_941 = tpu.memref_squeeze %dma_start3A_940 : memref<1x!tpu.dma_semaphore, #tpu.memory_space<semaphore_mem>> -> memref<!tpu.dma_semaphore, #tpu.memory_space<semaphore_mem>>
    %dma_start3A_942 = arith.constant 0 : i32
    %dma_start3A_943 = arith.constant 0 : i32
    %dma_start3A_944 = tpu.memref_slice %arg10[%dma_start3A_932, %dma_start3A_942, %dma_start3A_943] : memref<4x64x128xf32, #tpu.memory_space<vmem>> -> memref<1x64x128xf32, #tpu.memory_space<vmem>>
    %dma_start3A_945 = tpu.memref_squeeze %dma_start3A_944 : memref<1x64x128xf32, #tpu.memory_space<vmem>> -> memref<64x128xf32, #tpu.memory_space<vmem>>
    %dma_start3A_946 = arith.constant 0 : i32
    %dma_start3A_947 = tpu.memref_slice %arg11[%add3A_931, %dma_start3A_946] : memref<10240x128xf32, #tpu.memory_space<vmem_shared>> -> memref<64x128xf32, #tpu.memory_space<vmem_shared>>
    tpu.enqueue_dma source(%dma_start3A_947 : memref<64x128xf32, #tpu.memory_space<vmem_shared>>) target(%dma_start3A_945 : memref<64x128xf32, #tpu.memory_space<vmem>>) target_semaphore(%dma_start3A_941 : memref<!tpu.dma_semaphore, #tpu.memory_space<semaphore_mem>>)
    %add3A_948 = arith.constant 384 : i32
    %add3A_949 = arith.addi %mul3A_2, %add3A_948 : i32
    %dma_start3A_950 = arith.constant 0 : i32
    %dma_start3A_951 = arith.constant 2 : i32
    %dma_start3A_952 = arith.constant 0 : i32
    %dma_start3A_953 = arith.constant 0 : i32
    %dma_start3A_954 = tpu.memref_slice %arg10[%dma_start3A_950, %dma_start3A_952, %dma_start3A_953] : memref<4x64x128xf32, #tpu.memory_space<vmem>> -> memref<1x64x128xf32, #tpu.memory_space<vmem>>
    %dma_start3A_955 = tpu.memref_squeeze %dma_start3A_954 : memref<1x64x128xf32, #tpu.memory_space<vmem>> -> memref<64x128xf32, #tpu.memory_space<vmem>>
    %dma_start3A_956 = arith.constant 0 : i32
    %dma_start3A_957 = tpu.memref_slice %arg7[%arg0, %add3A_949, %dma_start3A_956] : memref<2x10240x128xf32, #tpu.memory_space<hbm>> -> memref<1x64x128xf32, #tpu.memory_space<hbm>>
    %dma_start3A_958 = tpu.memref_squeeze %dma_start3A_957 : memref<1x64x128xf32, #tpu.memory_space<hbm>> -> memref<64x128xf32, #tpu.memory_space<hbm>>
    %dma_start3A_959 = tpu.memref_slice %arg12[%dma_start3A_951] : memref<4x!tpu.dma_semaphore, #tpu.memory_space<semaphore_mem>> -> memref<1x!tpu.dma_semaphore, #tpu.memory_space<semaphore_mem>>
    %dma_start3A_960 = tpu.memref_squeeze %dma_start3A_959 : memref<1x!tpu.dma_semaphore, #tpu.memory_space<semaphore_mem>> -> memref<!tpu.dma_semaphore, #tpu.memory_space<semaphore_mem>>
    %dma_start3A_961 = arith.constant 0 : i32
    %dma_start3A_962 = tpu.memref_slice %arg7[%arg0, %add3A_949, %dma_start3A_961] : memref<2x10240x128xf32, #tpu.memory_space<hbm>> -> memref<1x64x128xf32, #tpu.memory_space<hbm>>
    %dma_start3A_963 = tpu.memref_squeeze %dma_start3A_962 : memref<1x64x128xf32, #tpu.memory_space<hbm>> -> memref<64x128xf32, #tpu.memory_space<hbm>>
    %dma_start3A_964 = arith.constant 0 : i32
    %dma_start3A_965 = arith.constant 0 : i32
    %dma_start3A_966 = tpu.memref_slice %arg10[%dma_start3A_950, %dma_start3A_964, %dma_start3A_965] : memref<4x64x128xf32, #tpu.memory_space<vmem>> -> memref<1x64x128xf32, #tpu.memory_space<vmem>>
    %dma_start3A_967 = tpu.memref_squeeze %dma_start3A_966 : memref<1x64x128xf32, #tpu.memory_space<vmem>> -> memref<64x128xf32, #tpu.memory_space<vmem>>
    tpu.enqueue_dma source(%dma_start3A_967 : memref<64x128xf32, #tpu.memory_space<vmem>>) target(%dma_start3A_963 : memref<64x128xf32, #tpu.memory_space<hbm>>) target_semaphore(%dma_start3A_960 : memref<!tpu.dma_semaphore, #tpu.memory_space<semaphore_mem>>)
    %add3A_968 = arith.constant 448 : i32
    %add3A_969 = arith.addi %mul3A_2, %add3A_968 : i32
    %dma_wait3A_970 = arith.constant 1 : i32
    %dma_wait3A_971 = arith.constant 1 : i32
    %dma_wait3A_972 = arith.constant 0 : i32
    %dma_wait3A_973 = arith.constant 0 : i32
    %dma_wait3A_974 = tpu.memref_slice %arg10[%dma_wait3A_970, %dma_wait3A_972, %dma_wait3A_973] : memref<4x64x128xf32, #tpu.memory_space<vmem>> -> memref<1x64x128xf32, #tpu.memory_space<vmem>>
    %dma_wait3A_975 = tpu.memref_squeeze %dma_wait3A_974 : memref<1x64x128xf32, #tpu.memory_space<vmem>> -> memref<64x128xf32, #tpu.memory_space<vmem>>
    %dma_wait3A_976 = arith.constant 0 : i32
    %dma_wait3A_977 = tpu.memref_slice %arg11[%add3A_969, %dma_wait3A_976] : memref<10240x128xf32, #tpu.memory_space<vmem_shared>> -> memref<64x128xf32, #tpu.memory_space<vmem_shared>>
    %dma_wait3A_978 = tpu.memref_slice %arg12[%dma_wait3A_971] : memref<4x!tpu.dma_semaphore, #tpu.memory_space<semaphore_mem>> -> memref<1x!tpu.dma_semaphore, #tpu.memory_space<semaphore_mem>>
    %dma_wait3A_979 = tpu.memref_squeeze %dma_wait3A_978 : memref<1x!tpu.dma_semaphore, #tpu.memory_space<semaphore_mem>> -> memref<!tpu.dma_semaphore, #tpu.memory_space<semaphore_mem>>
    %dma_wait3A_980 = arith.constant 0 : i32
    %dma_wait3A_981 = arith.constant 0 : i32
    %dma_wait3A_982 = tpu.memref_slice %arg10[%dma_wait3A_970, %dma_wait3A_980, %dma_wait3A_981] : memref<4x64x128xf32, #tpu.memory_space<vmem>> -> memref<1x64x128xf32, #tpu.memory_space<vmem>>
    %dma_wait3A_983 = tpu.memref_squeeze %dma_wait3A_982 : memref<1x64x128xf32, #tpu.memory_space<vmem>> -> memref<64x128xf32, #tpu.memory_space<vmem>>
    %dma_wait3A_984 = arith.constant 0 : i32
    %dma_wait3A_985 = tpu.memref_slice %arg11[%add3A_969, %dma_wait3A_984] : memref<10240x128xf32, #tpu.memory_space<vmem_shared>> -> memref<64x128xf32, #tpu.memory_space<vmem_shared>>
    tpu.wait_dma2 semaphore(%dma_wait3A_979 : memref<!tpu.dma_semaphore, #tpu.memory_space<semaphore_mem>>) src(%dma_wait3A_985 : memref<64x128xf32, #tpu.memory_space<vmem_shared>>) dst(%dma_wait3A_983 : memref<64x128xf32, #tpu.memory_space<vmem>>)
    %add3A_986 = arith.constant 384 : i32
    %add3A_987 = arith.addi %mul3A_2, %add3A_986 : i32
    %dma_wait3A_988 = arith.constant 0 : i32
    %dma_wait3A_989 = arith.constant 2 : i32
    %dma_wait3A_990 = arith.constant 0 : i32
    %dma_wait3A_991 = arith.constant 0 : i32
    %dma_wait3A_992 = tpu.memref_slice %arg10[%dma_wait3A_988, %dma_wait3A_990, %dma_wait3A_991] : memref<4x64x128xf32, #tpu.memory_space<vmem>> -> memref<1x64x128xf32, #tpu.memory_space<vmem>>
    %dma_wait3A_993 = tpu.memref_squeeze %dma_wait3A_992 : memref<1x64x128xf32, #tpu.memory_space<vmem>> -> memref<64x128xf32, #tpu.memory_space<vmem>>
    %dma_wait3A_994 = arith.constant 0 : i32
    %dma_wait3A_995 = tpu.memref_slice %arg7[%arg0, %add3A_987, %dma_wait3A_994] : memref<2x10240x128xf32, #tpu.memory_space<hbm>> -> memref<1x64x128xf32, #tpu.memory_space<hbm>>
    %dma_wait3A_996 = tpu.memref_squeeze %dma_wait3A_995 : memref<1x64x128xf32, #tpu.memory_space<hbm>> -> memref<64x128xf32, #tpu.memory_space<hbm>>
    %dma_wait3A_997 = tpu.memref_slice %arg12[%dma_wait3A_989] : memref<4x!tpu.dma_semaphore, #tpu.memory_space<semaphore_mem>> -> memref<1x!tpu.dma_semaphore, #tpu.memory_space<semaphore_mem>>
    %dma_wait3A_998 = tpu.memref_squeeze %dma_wait3A_997 : memref<1x!tpu.dma_semaphore, #tpu.memory_space<semaphore_mem>> -> memref<!tpu.dma_semaphore, #tpu.memory_space<semaphore_mem>>
    %dma_wait3A_999 = arith.constant 0 : i32
    %dma_wait3A_1000 = tpu.memref_slice %arg7[%arg0, %add3A_987, %dma_wait3A_999] : memref<2x10240x128xf32, #tpu.memory_space<hbm>> -> memref<1x64x128xf32, #tpu.memory_space<hbm>>
    %dma_wait3A_1001 = tpu.memref_squeeze %dma_wait3A_1000 : memref<1x64x128xf32, #tpu.memory_space<hbm>> -> memref<64x128xf32, #tpu.memory_space<hbm>>
    %dma_wait3A_1002 = arith.constant 0 : i32
    %dma_wait3A_1003 = arith.constant 0 : i32
    %dma_wait3A_1004 = tpu.memref_slice %arg10[%dma_wait3A_988, %dma_wait3A_1002, %dma_wait3A_1003] : memref<4x64x128xf32, #tpu.memory_space<vmem>> -> memref<1x64x128xf32, #tpu.memory_space<vmem>>
    %dma_wait3A_1005 = tpu.memref_squeeze %dma_wait3A_1004 : memref<1x64x128xf32, #tpu.memory_space<vmem>> -> memref<64x128xf32, #tpu.memory_space<vmem>>
    tpu.wait_dma2 semaphore(%dma_wait3A_998 : memref<!tpu.dma_semaphore, #tpu.memory_space<semaphore_mem>>) src(%dma_wait3A_1005 : memref<64x128xf32, #tpu.memory_space<vmem>>) dst(%dma_wait3A_1001 : memref<64x128xf32, #tpu.memory_space<hbm>>)
    %add3A_1006 = arith.constant 512 : i32
    %add3A_1007 = arith.addi %mul3A_2, %add3A_1006 : i32
    %dma_start3A_1008 = arith.constant 0 : i32
    %dma_start3A_1009 = arith.constant 0 : i32
    %dma_start3A_1010 = arith.constant 0 : i32
    %dma_start3A_1011 = arith.constant 0 : i32
    %dma_start3A_1012 = tpu.memref_slice %arg10[%dma_start3A_1008, %dma_start3A_1010, %dma_start3A_1011] : memref<4x64x128xf32, #tpu.memory_space<vmem>> -> memref<1x64x128xf32, #tpu.memory_space<vmem>>
    %dma_start3A_1013 = tpu.memref_squeeze %dma_start3A_1012 : memref<1x64x128xf32, #tpu.memory_space<vmem>> -> memref<64x128xf32, #tpu.memory_space<vmem>>
    %dma_start3A_1014 = arith.constant 0 : i32
    %dma_start3A_1015 = tpu.memref_slice %arg11[%add3A_1007, %dma_start3A_1014] : memref<10240x128xf32, #tpu.memory_space<vmem_shared>> -> memref<64x128xf32, #tpu.memory_space<vmem_shared>>
    %dma_start3A_1016 = tpu.memref_slice %arg12[%dma_start3A_1009] : memref<4x!tpu.dma_semaphore, #tpu.memory_space<semaphore_mem>> -> memref<1x!tpu.dma_semaphore, #tpu.memory_space<semaphore_mem>>
    %dma_start3A_1017 = tpu.memref_squeeze %dma_start3A_1016 : memref<1x!tpu.dma_semaphore, #tpu.memory_space<semaphore_mem>> -> memref<!tpu.dma_semaphore, #tpu.memory_space<semaphore_mem>>
    %dma_start3A_1018 = arith.constant 0 : i32
    %dma_start3A_1019 = arith.constant 0 : i32
    %dma_start3A_1020 = tpu.memref_slice %arg10[%dma_start3A_1008, %dma_start3A_1018, %dma_start3A_1019] : memref<4x64x128xf32, #tpu.memory_space<vmem>> -> memref<1x64x128xf32, #tpu.memory_space<vmem>>
    %dma_start3A_1021 = tpu.memref_squeeze %dma_start3A_1020 : memref<1x64x128xf32, #tpu.memory_space<vmem>> -> memref<64x128xf32, #tpu.memory_space<vmem>>
    %dma_start3A_1022 = arith.constant 0 : i32
    %dma_start3A_1023 = tpu.memref_slice %arg11[%add3A_1007, %dma_start3A_1022] : memref<10240x128xf32, #tpu.memory_space<vmem_shared>> -> memref<64x128xf32, #tpu.memory_space<vmem_shared>>
    tpu.enqueue_dma source(%dma_start3A_1023 : memref<64x128xf32, #tpu.memory_space<vmem_shared>>) target(%dma_start3A_1021 : memref<64x128xf32, #tpu.memory_space<vmem>>) target_semaphore(%dma_start3A_1017 : memref<!tpu.dma_semaphore, #tpu.memory_space<semaphore_mem>>)
    %add3A_1024 = arith.constant 448 : i32
    %add3A_1025 = arith.addi %mul3A_2, %add3A_1024 : i32
    %dma_start3A_1026 = arith.constant 1 : i32
    %dma_start3A_1027 = arith.constant 3 : i32
    %dma_start3A_1028 = arith.constant 0 : i32
    %dma_start3A_1029 = arith.constant 0 : i32
    %dma_start3A_1030 = tpu.memref_slice %arg10[%dma_start3A_1026, %dma_start3A_1028, %dma_start3A_1029] : memref<4x64x128xf32, #tpu.memory_space<vmem>> -> memref<1x64x128xf32, #tpu.memory_space<vmem>>
    %dma_start3A_1031 = tpu.memref_squeeze %dma_start3A_1030 : memref<1x64x128xf32, #tpu.memory_space<vmem>> -> memref<64x128xf32, #tpu.memory_space<vmem>>
    %dma_start3A_1032 = arith.constant 0 : i32
    %dma_start3A_1033 = tpu.memref_slice %arg7[%arg0, %add3A_1025, %dma_start3A_1032] : memref<2x10240x128xf32, #tpu.memory_space<hbm>> -> memref<1x64x128xf32, #tpu.memory_space<hbm>>
    %dma_start3A_1034 = tpu.memref_squeeze %dma_start3A_1033 : memref<1x64x128xf32, #tpu.memory_space<hbm>> -> memref<64x128xf32, #tpu.memory_space<hbm>>
    %dma_start3A_1035 = tpu.memref_slice %arg12[%dma_start3A_1027] : memref<4x!tpu.dma_semaphore, #tpu.memory_space<semaphore_mem>> -> memref<1x!tpu.dma_semaphore, #tpu.memory_space<semaphore_mem>>
    %dma_start3A_1036 = tpu.memref_squeeze %dma_start3A_1035 : memref<1x!tpu.dma_semaphore, #tpu.memory_space<semaphore_mem>> -> memref<!tpu.dma_semaphore, #tpu.memory_space<semaphore_mem>>
    %dma_start3A_1037 = arith.constant 0 : i32
    %dma_start3A_1038 = tpu.memref_slice %arg7[%arg0, %add3A_1025, %dma_start3A_1037] : memref<2x10240x128xf32, #tpu.memory_space<hbm>> -> memref<1x64x128xf32, #tpu.memory_space<hbm>>
    %dma_start3A_1039 = tpu.memref_squeeze %dma_start3A_1038 : memref<1x64x128xf32, #tpu.memory_space<hbm>> -> memref<64x128xf32, #tpu.memory_space<hbm>>
    %dma_start3A_1040 = arith.constant 0 : i32
    %dma_start3A_1041 = arith.constant 0 : i32
    %dma_start3A_1042 = tpu.memref_slice %arg10[%dma_start3A_1026, %dma_start3A_1040, %dma_start3A_1041] : memref<4x64x128xf32, #tpu.memory_space<vmem>> -> memref<1x64x128xf32, #tpu.memory_space<vmem>>
    %dma_start3A_1043 = tpu.memref_squeeze %dma_start3A_1042 : memref<1x64x128xf32, #tpu.memory_space<vmem>> -> memref<64x128xf32, #tpu.memory_space<vmem>>
    tpu.enqueue_dma source(%dma_start3A_1043 : memref<64x128xf32, #tpu.memory_space<vmem>>) target(%dma_start3A_1039 : memref<64x128xf32, #tpu.memory_space<hbm>>) target_semaphore(%dma_start3A_1036 : memref<!tpu.dma_semaphore, #tpu.memory_space<semaphore_mem>>)
    %add3A_1044 = arith.constant 512 : i32
    %add3A_1045 = arith.addi %mul3A_2, %add3A_1044 : i32
    %dma_wait3A_1046 = arith.constant 0 : i32
    %dma_wait3A_1047 = arith.constant 0 : i32
    %dma_wait3A_1048 = arith.constant 0 : i32
    %dma_wait3A_1049 = arith.constant 0 : i32
    %dma_wait3A_1050 = tpu.memref_slice %arg10[%dma_wait3A_1046, %dma_wait3A_1048, %dma_wait3A_1049] : memref<4x64x128xf32, #tpu.memory_space<vmem>> -> memref<1x64x128xf32, #tpu.memory_space<vmem>>
    %dma_wait3A_1051 = tpu.memref_squeeze %dma_wait3A_1050 : memref<1x64x128xf32, #tpu.memory_space<vmem>> -> memref<64x128xf32, #tpu.memory_space<vmem>>
    %dma_wait3A_1052 = arith.constant 0 : i32
    %dma_wait3A_1053 = tpu.memref_slice %arg11[%add3A_1045, %dma_wait3A_1052] : memref<10240x128xf32, #tpu.memory_space<vmem_shared>> -> memref<64x128xf32, #tpu.memory_space<vmem_shared>>
    %dma_wait3A_1054 = tpu.memref_slice %arg12[%dma_wait3A_1047] : memref<4x!tpu.dma_semaphore, #tpu.memory_space<semaphore_mem>> -> memref<1x!tpu.dma_semaphore, #tpu.memory_space<semaphore_mem>>
    %dma_wait3A_1055 = tpu.memref_squeeze %dma_wait3A_1054 : memref<1x!tpu.dma_semaphore, #tpu.memory_space<semaphore_mem>> -> memref<!tpu.dma_semaphore, #tpu.memory_space<semaphore_mem>>
    %dma_wait3A_1056 = arith.constant 0 : i32
    %dma_wait3A_1057 = arith.constant 0 : i32
    %dma_wait3A_1058 = tpu.memref_slice %arg10[%dma_wait3A_1046, %dma_wait3A_1056, %dma_wait3A_1057] : memref<4x64x128xf32, #tpu.memory_space<vmem>> -> memref<1x64x128xf32, #tpu.memory_space<vmem>>
    %dma_wait3A_1059 = tpu.memref_squeeze %dma_wait3A_1058 : memref<1x64x128xf32, #tpu.memory_space<vmem>> -> memref<64x128xf32, #tpu.memory_space<vmem>>
    %dma_wait3A_1060 = arith.constant 0 : i32
    %dma_wait3A_1061 = tpu.memref_slice %arg11[%add3A_1045, %dma_wait3A_1060] : memref<10240x128xf32, #tpu.memory_space<vmem_shared>> -> memref<64x128xf32, #tpu.memory_space<vmem_shared>>
    tpu.wait_dma2 semaphore(%dma_wait3A_1055 : memref<!tpu.dma_semaphore, #tpu.memory_space<semaphore_mem>>) src(%dma_wait3A_1061 : memref<64x128xf32, #tpu.memory_space<vmem_shared>>) dst(%dma_wait3A_1059 : memref<64x128xf32, #tpu.memory_space<vmem>>)
    %add3A_1062 = arith.constant 448 : i32
    %add3A_1063 = arith.addi %mul3A_2, %add3A_1062 : i32
    %dma_wait3A_1064 = arith.constant 1 : i32
    %dma_wait3A_1065 = arith.constant 3 : i32
    %dma_wait3A_1066 = arith.constant 0 : i32
    %dma_wait3A_1067 = arith.constant 0 : i32
    %dma_wait3A_1068 = tpu.memref_slice %arg10[%dma_wait3A_1064, %dma_wait3A_1066, %dma_wait3A_1067] : memref<4x64x128xf32, #tpu.memory_space<vmem>> -> memref<1x64x128xf32, #tpu.memory_space<vmem>>
    %dma_wait3A_1069 = tpu.memref_squeeze %dma_wait3A_1068 : memref<1x64x128xf32, #tpu.memory_space<vmem>> -> memref<64x128xf32, #tpu.memory_space<vmem>>
    %dma_wait3A_1070 = arith.constant 0 : i32
    %dma_wait3A_1071 = tpu.memref_slice %arg7[%arg0, %add3A_1063, %dma_wait3A_1070] : memref<2x10240x128xf32, #tpu.memory_space<hbm>> -> memref<1x64x128xf32, #tpu.memory_space<hbm>>
    %dma_wait3A_1072 = tpu.memref_squeeze %dma_wait3A_1071 : memref<1x64x128xf32, #tpu.memory_space<hbm>> -> memref<64x128xf32, #tpu.memory_space<hbm>>
    %dma_wait3A_1073 = tpu.memref_slice %arg12[%dma_wait3A_1065] : memref<4x!tpu.dma_semaphore, #tpu.memory_space<semaphore_mem>> -> memref<1x!tpu.dma_semaphore, #tpu.memory_space<semaphore_mem>>
    %dma_wait3A_1074 = tpu.memref_squeeze %dma_wait3A_1073 : memref<1x!tpu.dma_semaphore, #tpu.memory_space<semaphore_mem>> -> memref<!tpu.dma_semaphore, #tpu.memory_space<semaphore_mem>>
    %dma_wait3A_1075 = arith.constant 0 : i32
    %dma_wait3A_1076 = tpu.memref_slice %arg7[%arg0, %add3A_1063, %dma_wait3A_1075] : memref<2x10240x128xf32, #tpu.memory_space<hbm>> -> memref<1x64x128xf32, #tpu.memory_space<hbm>>
    %dma_wait3A_1077 = tpu.memref_squeeze %dma_wait3A_1076 : memref<1x64x128xf32, #tpu.memory_space<hbm>> -> memref<64x128xf32, #tpu.memory_space<hbm>>
    %dma_wait3A_1078 = arith.constant 0 : i32
    %dma_wait3A_1079 = arith.constant 0 : i32
    %dma_wait3A_1080 = tpu.memref_slice %arg10[%dma_wait3A_1064, %dma_wait3A_1078, %dma_wait3A_1079] : memref<4x64x128xf32, #tpu.memory_space<vmem>> -> memref<1x64x128xf32, #tpu.memory_space<vmem>>
    %dma_wait3A_1081 = tpu.memref_squeeze %dma_wait3A_1080 : memref<1x64x128xf32, #tpu.memory_space<vmem>> -> memref<64x128xf32, #tpu.memory_space<vmem>>
    tpu.wait_dma2 semaphore(%dma_wait3A_1074 : memref<!tpu.dma_semaphore, #tpu.memory_space<semaphore_mem>>) src(%dma_wait3A_1081 : memref<64x128xf32, #tpu.memory_space<vmem>>) dst(%dma_wait3A_1077 : memref<64x128xf32, #tpu.memory_space<hbm>>)
    %add3A_1082 = arith.constant 576 : i32
    %add3A_1083 = arith.addi %mul3A_2, %add3A_1082 : i32
    %dma_start3A_1084 = arith.constant 1 : i32
    %dma_start3A_1085 = arith.constant 1 : i32
    %dma_start3A_1086 = arith.constant 0 : i32
    %dma_start3A_1087 = arith.constant 0 : i32
    %dma_start3A_1088 = tpu.memref_slice %arg10[%dma_start3A_1084, %dma_start3A_1086, %dma_start3A_1087] : memref<4x64x128xf32, #tpu.memory_space<vmem>> -> memref<1x64x128xf32, #tpu.memory_space<vmem>>
    %dma_start3A_1089 = tpu.memref_squeeze %dma_start3A_1088 : memref<1x64x128xf32, #tpu.memory_space<vmem>> -> memref<64x128xf32, #tpu.memory_space<vmem>>
    %dma_start3A_1090 = arith.constant 0 : i32
    %dma_start3A_1091 = tpu.memref_slice %arg11[%add3A_1083, %dma_start3A_1090] : memref<10240x128xf32, #tpu.memory_space<vmem_shared>> -> memref<64x128xf32, #tpu.memory_space<vmem_shared>>
    %dma_start3A_1092 = tpu.memref_slice %arg12[%dma_start3A_1085] : memref<4x!tpu.dma_semaphore, #tpu.memory_space<semaphore_mem>> -> memref<1x!tpu.dma_semaphore, #tpu.memory_space<semaphore_mem>>
    %dma_start3A_1093 = tpu.memref_squeeze %dma_start3A_1092 : memref<1x!tpu.dma_semaphore, #tpu.memory_space<semaphore_mem>> -> memref<!tpu.dma_semaphore, #tpu.memory_space<semaphore_mem>>
    %dma_start3A_1094 = arith.constant 0 : i32
    %dma_start3A_1095 = arith.constant 0 : i32
    %dma_start3A_1096 = tpu.memref_slice %arg10[%dma_start3A_1084, %dma_start3A_1094, %dma_start3A_1095] : memref<4x64x128xf32, #tpu.memory_space<vmem>> -> memref<1x64x128xf32, #tpu.memory_space<vmem>>
    %dma_start3A_1097 = tpu.memref_squeeze %dma_start3A_1096 : memref<1x64x128xf32, #tpu.memory_space<vmem>> -> memref<64x128xf32, #tpu.memory_space<vmem>>
    %dma_start3A_1098 = arith.constant 0 : i32
    %dma_start3A_1099 = tpu.memref_slice %arg11[%add3A_1083, %dma_start3A_1098] : memref<10240x128xf32, #tpu.memory_space<vmem_shared>> -> memref<64x128xf32, #tpu.memory_space<vmem_shared>>
    tpu.enqueue_dma source(%dma_start3A_1099 : memref<64x128xf32, #tpu.memory_space<vmem_shared>>) target(%dma_start3A_1097 : memref<64x128xf32, #tpu.memory_space<vmem>>) target_semaphore(%dma_start3A_1093 : memref<!tpu.dma_semaphore, #tpu.memory_space<semaphore_mem>>)
    %add3A_1100 = arith.constant 512 : i32
    %add3A_1101 = arith.addi %mul3A_2, %add3A_1100 : i32
    %dma_start3A_1102 = arith.constant 0 : i32
    %dma_start3A_1103 = arith.constant 2 : i32
    %dma_start3A_1104 = arith.constant 0 : i32
    %dma_start3A_1105 = arith.constant 0 : i32
    %dma_start3A_1106 = tpu.memref_slice %arg10[%dma_start3A_1102, %dma_start3A_1104, %dma_start3A_1105] : memref<4x64x128xf32, #tpu.memory_space<vmem>> -> memref<1x64x128xf32, #tpu.memory_space<vmem>>
    %dma_start3A_1107 = tpu.memref_squeeze %dma_start3A_1106 : memref<1x64x128xf32, #tpu.memory_space<vmem>> -> memref<64x128xf32, #tpu.memory_space<vmem>>
    %dma_start3A_1108 = arith.constant 0 : i32
    %dma_start3A_1109 = tpu.memref_slice %arg7[%arg0, %add3A_1101, %dma_start3A_1108] : memref<2x10240x128xf32, #tpu.memory_space<hbm>> -> memref<1x64x128xf32, #tpu.memory_space<hbm>>
    %dma_start3A_1110 = tpu.memref_squeeze %dma_start3A_1109 : memref<1x64x128xf32, #tpu.memory_space<hbm>> -> memref<64x128xf32, #tpu.memory_space<hbm>>
    %dma_start3A_1111 = tpu.memref_slice %arg12[%dma_start3A_1103] : memref<4x!tpu.dma_semaphore, #tpu.memory_space<semaphore_mem>> -> memref<1x!tpu.dma_semaphore, #tpu.memory_space<semaphore_mem>>
    %dma_start3A_1112 = tpu.memref_squeeze %dma_start3A_1111 : memref<1x!tpu.dma_semaphore, #tpu.memory_space<semaphore_mem>> -> memref<!tpu.dma_semaphore, #tpu.memory_space<semaphore_mem>>
    %dma_start3A_1113 = arith.constant 0 : i32
    %dma_start3A_1114 = tpu.memref_slice %arg7[%arg0, %add3A_1101, %dma_start3A_1113] : memref<2x10240x128xf32, #tpu.memory_space<hbm>> -> memref<1x64x128xf32, #tpu.memory_space<hbm>>
    %dma_start3A_1115 = tpu.memref_squeeze %dma_start3A_1114 : memref<1x64x128xf32, #tpu.memory_space<hbm>> -> memref<64x128xf32, #tpu.memory_space<hbm>>
    %dma_start3A_1116 = arith.constant 0 : i32
    %dma_start3A_1117 = arith.constant 0 : i32
    %dma_start3A_1118 = tpu.memref_slice %arg10[%dma_start3A_1102, %dma_start3A_1116, %dma_start3A_1117] : memref<4x64x128xf32, #tpu.memory_space<vmem>> -> memref<1x64x128xf32, #tpu.memory_space<vmem>>
    %dma_start3A_1119 = tpu.memref_squeeze %dma_start3A_1118 : memref<1x64x128xf32, #tpu.memory_space<vmem>> -> memref<64x128xf32, #tpu.memory_space<vmem>>
    tpu.enqueue_dma source(%dma_start3A_1119 : memref<64x128xf32, #tpu.memory_space<vmem>>) target(%dma_start3A_1115 : memref<64x128xf32, #tpu.memory_space<hbm>>) target_semaphore(%dma_start3A_1112 : memref<!tpu.dma_semaphore, #tpu.memory_space<semaphore_mem>>)
    %add3A_1120 = arith.constant 576 : i32
    %add3A_1121 = arith.addi %mul3A_2, %add3A_1120 : i32
    %dma_wait3A_1122 = arith.constant 1 : i32
    %dma_wait3A_1123 = arith.constant 1 : i32
    %dma_wait3A_1124 = arith.constant 0 : i32
    %dma_wait3A_1125 = arith.constant 0 : i32
    %dma_wait3A_1126 = tpu.memref_slice %arg10[%dma_wait3A_1122, %dma_wait3A_1124, %dma_wait3A_1125] : memref<4x64x128xf32, #tpu.memory_space<vmem>> -> memref<1x64x128xf32, #tpu.memory_space<vmem>>
    %dma_wait3A_1127 = tpu.memref_squeeze %dma_wait3A_1126 : memref<1x64x128xf32, #tpu.memory_space<vmem>> -> memref<64x128xf32, #tpu.memory_space<vmem>>
    %dma_wait3A_1128 = arith.constant 0 : i32
    %dma_wait3A_1129 = tpu.memref_slice %arg11[%add3A_1121, %dma_wait3A_1128] : memref<10240x128xf32, #tpu.memory_space<vmem_shared>> -> memref<64x128xf32, #tpu.memory_space<vmem_shared>>
    %dma_wait3A_1130 = tpu.memref_slice %arg12[%dma_wait3A_1123] : memref<4x!tpu.dma_semaphore, #tpu.memory_space<semaphore_mem>> -> memref<1x!tpu.dma_semaphore, #tpu.memory_space<semaphore_mem>>
    %dma_wait3A_1131 = tpu.memref_squeeze %dma_wait3A_1130 : memref<1x!tpu.dma_semaphore, #tpu.memory_space<semaphore_mem>> -> memref<!tpu.dma_semaphore, #tpu.memory_space<semaphore_mem>>
    %dma_wait3A_1132 = arith.constant 0 : i32
    %dma_wait3A_1133 = arith.constant 0 : i32
    %dma_wait3A_1134 = tpu.memref_slice %arg10[%dma_wait3A_1122, %dma_wait3A_1132, %dma_wait3A_1133] : memref<4x64x128xf32, #tpu.memory_space<vmem>> -> memref<1x64x128xf32, #tpu.memory_space<vmem>>
    %dma_wait3A_1135 = tpu.memref_squeeze %dma_wait3A_1134 : memref<1x64x128xf32, #tpu.memory_space<vmem>> -> memref<64x128xf32, #tpu.memory_space<vmem>>
    %dma_wait3A_1136 = arith.constant 0 : i32
    %dma_wait3A_1137 = tpu.memref_slice %arg11[%add3A_1121, %dma_wait3A_1136] : memref<10240x128xf32, #tpu.memory_space<vmem_shared>> -> memref<64x128xf32, #tpu.memory_space<vmem_shared>>
    tpu.wait_dma2 semaphore(%dma_wait3A_1131 : memref<!tpu.dma_semaphore, #tpu.memory_space<semaphore_mem>>) src(%dma_wait3A_1137 : memref<64x128xf32, #tpu.memory_space<vmem_shared>>) dst(%dma_wait3A_1135 : memref<64x128xf32, #tpu.memory_space<vmem>>)
    %add3A_1138 = arith.constant 576 : i32
    %add3A_1139 = arith.addi %mul3A_2, %add3A_1138 : i32
    %dma_start3A_1140 = arith.constant 1 : i32
    %dma_start3A_1141 = arith.constant 3 : i32
    %dma_start3A_1142 = arith.constant 0 : i32
    %dma_start3A_1143 = arith.constant 0 : i32
    %dma_start3A_1144 = tpu.memref_slice %arg10[%dma_start3A_1140, %dma_start3A_1142, %dma_start3A_1143] : memref<4x64x128xf32, #tpu.memory_space<vmem>> -> memref<1x64x128xf32, #tpu.memory_space<vmem>>
    %dma_start3A_1145 = tpu.memref_squeeze %dma_start3A_1144 : memref<1x64x128xf32, #tpu.memory_space<vmem>> -> memref<64x128xf32, #tpu.memory_space<vmem>>
    %dma_start3A_1146 = arith.constant 0 : i32
    %dma_start3A_1147 = tpu.memref_slice %arg7[%arg0, %add3A_1139, %dma_start3A_1146] : memref<2x10240x128xf32, #tpu.memory_space<hbm>> -> memref<1x64x128xf32, #tpu.memory_space<hbm>>
    %dma_start3A_1148 = tpu.memref_squeeze %dma_start3A_1147 : memref<1x64x128xf32, #tpu.memory_space<hbm>> -> memref<64x128xf32, #tpu.memory_space<hbm>>
    %dma_start3A_1149 = tpu.memref_slice %arg12[%dma_start3A_1141] : memref<4x!tpu.dma_semaphore, #tpu.memory_space<semaphore_mem>> -> memref<1x!tpu.dma_semaphore, #tpu.memory_space<semaphore_mem>>
    %dma_start3A_1150 = tpu.memref_squeeze %dma_start3A_1149 : memref<1x!tpu.dma_semaphore, #tpu.memory_space<semaphore_mem>> -> memref<!tpu.dma_semaphore, #tpu.memory_space<semaphore_mem>>
    %dma_start3A_1151 = arith.constant 0 : i32
    %dma_start3A_1152 = tpu.memref_slice %arg7[%arg0, %add3A_1139, %dma_start3A_1151] : memref<2x10240x128xf32, #tpu.memory_space<hbm>> -> memref<1x64x128xf32, #tpu.memory_space<hbm>>
    %dma_start3A_1153 = tpu.memref_squeeze %dma_start3A_1152 : memref<1x64x128xf32, #tpu.memory_space<hbm>> -> memref<64x128xf32, #tpu.memory_space<hbm>>
    %dma_start3A_1154 = arith.constant 0 : i32
    %dma_start3A_1155 = arith.constant 0 : i32
    %dma_start3A_1156 = tpu.memref_slice %arg10[%dma_start3A_1140, %dma_start3A_1154, %dma_start3A_1155] : memref<4x64x128xf32, #tpu.memory_space<vmem>> -> memref<1x64x128xf32, #tpu.memory_space<vmem>>
    %dma_start3A_1157 = tpu.memref_squeeze %dma_start3A_1156 : memref<1x64x128xf32, #tpu.memory_space<vmem>> -> memref<64x128xf32, #tpu.memory_space<vmem>>
    tpu.enqueue_dma source(%dma_start3A_1157 : memref<64x128xf32, #tpu.memory_space<vmem>>) target(%dma_start3A_1153 : memref<64x128xf32, #tpu.memory_space<hbm>>) target_semaphore(%dma_start3A_1150 : memref<!tpu.dma_semaphore, #tpu.memory_space<semaphore_mem>>)
    %add3A_1158 = arith.constant 512 : i32
    %add3A_1159 = arith.addi %mul3A_2, %add3A_1158 : i32
    %dma_wait3A_1160 = arith.constant 0 : i32
    %dma_wait3A_1161 = arith.constant 2 : i32
    %dma_wait3A_1162 = arith.constant 0 : i32
    %dma_wait3A_1163 = arith.constant 0 : i32
    %dma_wait3A_1164 = tpu.memref_slice %arg10[%dma_wait3A_1160, %dma_wait3A_1162, %dma_wait3A_1163] : memref<4x64x128xf32, #tpu.memory_space<vmem>> -> memref<1x64x128xf32, #tpu.memory_space<vmem>>
    %dma_wait3A_1165 = tpu.memref_squeeze %dma_wait3A_1164 : memref<1x64x128xf32, #tpu.memory_space<vmem>> -> memref<64x128xf32, #tpu.memory_space<vmem>>
    %dma_wait3A_1166 = arith.constant 0 : i32
    %dma_wait3A_1167 = tpu.memref_slice %arg7[%arg0, %add3A_1159, %dma_wait3A_1166] : memref<2x10240x128xf32, #tpu.memory_space<hbm>> -> memref<1x64x128xf32, #tpu.memory_space<hbm>>
    %dma_wait3A_1168 = tpu.memref_squeeze %dma_wait3A_1167 : memref<1x64x128xf32, #tpu.memory_space<hbm>> -> memref<64x128xf32, #tpu.memory_space<hbm>>
    %dma_wait3A_1169 = tpu.memref_slice %arg12[%dma_wait3A_1161] : memref<4x!tpu.dma_semaphore, #tpu.memory_space<semaphore_mem>> -> memref<1x!tpu.dma_semaphore, #tpu.memory_space<semaphore_mem>>
    %dma_wait3A_1170 = tpu.memref_squeeze %dma_wait3A_1169 : memref<1x!tpu.dma_semaphore, #tpu.memory_space<semaphore_mem>> -> memref<!tpu.dma_semaphore, #tpu.memory_space<semaphore_mem>>
    %dma_wait3A_1171 = arith.constant 0 : i32
    %dma_wait3A_1172 = tpu.memref_slice %arg7[%arg0, %add3A_1159, %dma_wait3A_1171] : memref<2x10240x128xf32, #tpu.memory_space<hbm>> -> memref<1x64x128xf32, #tpu.memory_space<hbm>>
    %dma_wait3A_1173 = tpu.memref_squeeze %dma_wait3A_1172 : memref<1x64x128xf32, #tpu.memory_space<hbm>> -> memref<64x128xf32, #tpu.memory_space<hbm>>
    %dma_wait3A_1174 = arith.constant 0 : i32
    %dma_wait3A_1175 = arith.constant 0 : i32
    %dma_wait3A_1176 = tpu.memref_slice %arg10[%dma_wait3A_1160, %dma_wait3A_1174, %dma_wait3A_1175] : memref<4x64x128xf32, #tpu.memory_space<vmem>> -> memref<1x64x128xf32, #tpu.memory_space<vmem>>
    %dma_wait3A_1177 = tpu.memref_squeeze %dma_wait3A_1176 : memref<1x64x128xf32, #tpu.memory_space<vmem>> -> memref<64x128xf32, #tpu.memory_space<vmem>>
    tpu.wait_dma2 semaphore(%dma_wait3A_1170 : memref<!tpu.dma_semaphore, #tpu.memory_space<semaphore_mem>>) src(%dma_wait3A_1177 : memref<64x128xf32, #tpu.memory_space<vmem>>) dst(%dma_wait3A_1173 : memref<64x128xf32, #tpu.memory_space<hbm>>)
    %add3A_1178 = arith.constant 576 : i32
    %add3A_1179 = arith.addi %mul3A_2, %add3A_1178 : i32
    %dma_wait3A_1180 = arith.constant 1 : i32
    %dma_wait3A_1181 = arith.constant 3 : i32
    %dma_wait3A_1182 = arith.constant 0 : i32
    %dma_wait3A_1183 = arith.constant 0 : i32
    %dma_wait3A_1184 = tpu.memref_slice %arg10[%dma_wait3A_1180, %dma_wait3A_1182, %dma_wait3A_1183] : memref<4x64x128xf32, #tpu.memory_space<vmem>> -> memref<1x64x128xf32, #tpu.memory_space<vmem>>
    %dma_wait3A_1185 = tpu.memref_squeeze %dma_wait3A_1184 : memref<1x64x128xf32, #tpu.memory_space<vmem>> -> memref<64x128xf32, #tpu.memory_space<vmem>>
    %dma_wait3A_1186 = arith.constant 0 : i32
    %dma_wait3A_1187 = tpu.memref_slice %arg7[%arg0, %add3A_1179, %dma_wait3A_1186] : memref<2x10240x128xf32, #tpu.memory_space<hbm>> -> memref<1x64x128xf32, #tpu.memory_space<hbm>>
    %dma_wait3A_1188 = tpu.memref_squeeze %dma_wait3A_1187 : memref<1x64x128xf32, #tpu.memory_space<hbm>> -> memref<64x128xf32, #tpu.memory_space<hbm>>
    %dma_wait3A_1189 = tpu.memref_slice %arg12[%dma_wait3A_1181] : memref<4x!tpu.dma_semaphore, #tpu.memory_space<semaphore_mem>> -> memref<1x!tpu.dma_semaphore, #tpu.memory_space<semaphore_mem>>
    %dma_wait3A_1190 = tpu.memref_squeeze %dma_wait3A_1189 : memref<1x!tpu.dma_semaphore, #tpu.memory_space<semaphore_mem>> -> memref<!tpu.dma_semaphore, #tpu.memory_space<semaphore_mem>>
    %dma_wait3A_1191 = arith.constant 0 : i32
    %dma_wait3A_1192 = tpu.memref_slice %arg7[%arg0, %add3A_1179, %dma_wait3A_1191] : memref<2x10240x128xf32, #tpu.memory_space<hbm>> -> memref<1x64x128xf32, #tpu.memory_space<hbm>>
    %dma_wait3A_1193 = tpu.memref_squeeze %dma_wait3A_1192 : memref<1x64x128xf32, #tpu.memory_space<hbm>> -> memref<64x128xf32, #tpu.memory_space<hbm>>
    %dma_wait3A_1194 = arith.constant 0 : i32
    %dma_wait3A_1195 = arith.constant 0 : i32
    %dma_wait3A_1196 = tpu.memref_slice %arg10[%dma_wait3A_1180, %dma_wait3A_1194, %dma_wait3A_1195] : memref<4x64x128xf32, #tpu.memory_space<vmem>> -> memref<1x64x128xf32, #tpu.memory_space<vmem>>
    %dma_wait3A_1197 = tpu.memref_squeeze %dma_wait3A_1196 : memref<1x64x128xf32, #tpu.memory_space<vmem>> -> memref<64x128xf32, #tpu.memory_space<vmem>>
    tpu.wait_dma2 semaphore(%dma_wait3A_1190 : memref<!tpu.dma_semaphore, #tpu.memory_space<semaphore_mem>>) src(%dma_wait3A_1197 : memref<64x128xf32, #tpu.memory_space<vmem>>) dst(%dma_wait3A_1193 : memref<64x128xf32, #tpu.memory_space<hbm>>)
    return
  }
}

#map = affine_map<(d0, d1) -> (0, 0)>
#map1 = affine_map<(d0, d1) -> (0)>
#map2 = affine_map<(d0, d1) -> (0, 0, 0)>
module attributes {stable_mosaic.version = 14 : i64} {
  func.func @_sc_scatter(%arg0: i32, %arg1: i32, %arg2: memref<10240x128xf32, #tpu.memory_space<hbm>>, %arg3: memref<320000xi32, #tpu.memory_space<hbm>>, %arg4: memref<32x160x64xi32, #tpu.memory_space<hbm>>, %arg5: memref<240xi32, #tpu.memory_space<hbm>>, %arg6: memref<64x128xf32, #tpu.memory_space<hbm>>, %arg7: memref<2x10240x128xf32, #tpu.memory_space<hbm>>, %arg8: memref<10240xi32, #tpu.memory_space<vmem>>, %arg9: memref<2x16x64xi32, #tpu.memory_space<vmem>>, %arg10: memref<4x64x128xf32, #tpu.memory_space<vmem>>, %arg11: memref<10240x128xf32, #tpu.memory_space<vmem_shared>>, %arg12: memref<4x!tpu.dma_semaphore, #tpu.memory_space<semaphore_mem>>, %arg13: memref<!tpu.dma_semaphore, #tpu.memory_space<semaphore_mem>>) attributes {dimension_semantics = [#tpu.dimension_semantics<core_parallel>, #tpu.dimension_semantics<subcore_parallel>], iteration_bounds = array<i64: 2, 16>, scalar_prefetch = 0 : i64, scratch_operands = 6 : i64, tpu.core_type = #tpu.core_type<sc_vector_subcore>, window_params = [{transform_indices = #map}, {transform_indices = #map1}, {transform_indices = #map2}, {transform_indices = #map1}, {transform_indices = #map}, {transform_indices = #map2}]} {
    %mul3A = arith.constant 2 : i32
    %mul3A_0 = arith.muli %arg1, %mul3A : i32
    %add3A = arith.addi %mul3A_0, %arg0 : i32
    %mul3A_1 = arith.constant 640 : i32
    %mul3A_2 = arith.muli %arg1, %mul3A_1 : i32
    %run_scoped3A = arith.constant 0 : i32
    "tpu.region"() ({
      %run_scoped3A_1198 = tpu.sem_alloc : memref<!tpu.dma_semaphore, #tpu.memory_space<semaphore_mem>>
      %dma_start3A_1199 = arith.constant 0 : i32
      %dma_start3A_1200 = arith.constant 0 : i32
      %dma_start3A_1201 = tpu.memref_slice %arg10[%run_scoped3A, %dma_start3A_1199, %dma_start3A_1200] : memref<4x64x128xf32, #tpu.memory_space<vmem>> -> memref<1x64x128xf32, #tpu.memory_space<vmem>>
      %dma_start3A_1202 = tpu.memref_squeeze %dma_start3A_1201 : memref<1x64x128xf32, #tpu.memory_space<vmem>> -> memref<64x128xf32, #tpu.memory_space<vmem>>
      %dma_start3A_1203 = arith.constant 0 : i32
      %dma_start3A_1204 = arith.constant 0 : i32
      %dma_start3A_1205 = tpu.memref_slice %arg10[%run_scoped3A, %dma_start3A_1203, %dma_start3A_1204] : memref<4x64x128xf32, #tpu.memory_space<vmem>> -> memref<1x64x128xf32, #tpu.memory_space<vmem>>
      %dma_start3A_1206 = tpu.memref_squeeze %dma_start3A_1205 : memref<1x64x128xf32, #tpu.memory_space<vmem>> -> memref<64x128xf32, #tpu.memory_space<vmem>>
      tpu.enqueue_dma source(%arg6 : memref<64x128xf32, #tpu.memory_space<hbm>>) target(%dma_start3A_1206 : memref<64x128xf32, #tpu.memory_space<vmem>>) target_semaphore(%run_scoped3A_1198 : memref<!tpu.dma_semaphore, #tpu.memory_space<semaphore_mem>>)
      %dma_wait3A_1207 = arith.constant 0 : i32
      %dma_wait3A_1208 = arith.constant 0 : i32
      %dma_wait3A_1209 = tpu.memref_slice %arg10[%run_scoped3A, %dma_wait3A_1207, %dma_wait3A_1208] : memref<4x64x128xf32, #tpu.memory_space<vmem>> -> memref<1x64x128xf32, #tpu.memory_space<vmem>>
      %dma_wait3A_1210 = tpu.memref_squeeze %dma_wait3A_1209 : memref<1x64x128xf32, #tpu.memory_space<vmem>> -> memref<64x128xf32, #tpu.memory_space<vmem>>
      %dma_wait3A_1211 = arith.constant 0 : i32
      %dma_wait3A_1212 = arith.constant 0 : i32
      %dma_wait3A_1213 = tpu.memref_slice %arg10[%run_scoped3A, %dma_wait3A_1211, %dma_wait3A_1212] : memref<4x64x128xf32, #tpu.memory_space<vmem>> -> memref<1x64x128xf32, #tpu.memory_space<vmem>>
      %dma_wait3A_1214 = tpu.memref_squeeze %dma_wait3A_1213 : memref<1x64x128xf32, #tpu.memory_space<vmem>> -> memref<64x128xf32, #tpu.memory_space<vmem>>
      tpu.wait_dma2 semaphore(%run_scoped3A_1198 : memref<!tpu.dma_semaphore, #tpu.memory_space<semaphore_mem>>) src(%arg6 : memref<64x128xf32, #tpu.memory_space<hbm>>) dst(%dma_wait3A_1214 : memref<64x128xf32, #tpu.memory_space<vmem>>)
      tpu.yield
    }) : () -> ()
    %add3A_3 = arith.constant 0 : i32
    %add3A_4 = arith.addi %mul3A_2, %add3A_3 : i32
    %add3A_5 = arith.constant 64 : i32
    %add3A_6 = arith.addi %mul3A_2, %add3A_5 : i32
    %add3A_7 = arith.constant 128 : i32
    %add3A_8 = arith.addi %mul3A_2, %add3A_7 : i32
    %add3A_9 = arith.constant 192 : i32
    %add3A_10 = arith.addi %mul3A_2, %add3A_9 : i32
    %add3A_11 = arith.constant 256 : i32
    %add3A_12 = arith.addi %mul3A_2, %add3A_11 : i32
    %add3A_13 = arith.constant 320 : i32
    %add3A_14 = arith.addi %mul3A_2, %add3A_13 : i32
    %add3A_15 = arith.constant 384 : i32
    %add3A_16 = arith.addi %mul3A_2, %add3A_15 : i32
    %add3A_17 = arith.constant 448 : i32
    %add3A_18 = arith.addi %mul3A_2, %add3A_17 : i32
    %add3A_19 = arith.constant 512 : i32
    %add3A_20 = arith.addi %mul3A_2, %add3A_19 : i32
    %add3A_21 = arith.constant 576 : i32
    %add3A_22 = arith.addi %mul3A_2, %add3A_21 : i32
    %dma_start3A = arith.constant 0 : i32
    %dma_start3A_23 = arith.constant 0 : i32
    %dma_start3A_24 = arith.constant 0 : i32
    %dma_start3A_25 = arith.constant 0 : i32
    %dma_start3A_26 = tpu.memref_slice %arg10[%dma_start3A, %dma_start3A_24, %dma_start3A_25] : memref<4x64x128xf32, #tpu.memory_space<vmem>> -> memref<1x64x128xf32, #tpu.memory_space<vmem>>
    %dma_start3A_27 = tpu.memref_squeeze %dma_start3A_26 : memref<1x64x128xf32, #tpu.memory_space<vmem>> -> memref<64x128xf32, #tpu.memory_space<vmem>>
    %dma_start3A_28 = arith.constant 0 : i32
    %dma_start3A_29 = tpu.memref_slice %arg11[%add3A_4, %dma_start3A_28] : memref<10240x128xf32, #tpu.memory_space<vmem_shared>> -> memref<64x128xf32, #tpu.memory_space<vmem_shared>>
    %dma_start3A_30 = tpu.memref_slice %arg12[%dma_start3A_23] : memref<4x!tpu.dma_semaphore, #tpu.memory_space<semaphore_mem>> -> memref<1x!tpu.dma_semaphore, #tpu.memory_space<semaphore_mem>>
    %dma_start3A_31 = tpu.memref_squeeze %dma_start3A_30 : memref<1x!tpu.dma_semaphore, #tpu.memory_space<semaphore_mem>> -> memref<!tpu.dma_semaphore, #tpu.memory_space<semaphore_mem>>
    %dma_start3A_32 = arith.constant 0 : i32
    %dma_start3A_33 = tpu.memref_slice %arg11[%add3A_4, %dma_start3A_32] : memref<10240x128xf32, #tpu.memory_space<vmem_shared>> -> memref<64x128xf32, #tpu.memory_space<vmem_shared>>
    %dma_start3A_34 = arith.constant 0 : i32
    %dma_start3A_35 = arith.constant 0 : i32
    %dma_start3A_36 = tpu.memref_slice %arg10[%dma_start3A, %dma_start3A_34, %dma_start3A_35] : memref<4x64x128xf32, #tpu.memory_space<vmem>> -> memref<1x64x128xf32, #tpu.memory_space<vmem>>
    %dma_start3A_37 = tpu.memref_squeeze %dma_start3A_36 : memref<1x64x128xf32, #tpu.memory_space<vmem>> -> memref<64x128xf32, #tpu.memory_space<vmem>>
    tpu.enqueue_dma source(%dma_start3A_37 : memref<64x128xf32, #tpu.memory_space<vmem>>) target(%dma_start3A_33 : memref<64x128xf32, #tpu.memory_space<vmem_shared>>) target_semaphore(%dma_start3A_31 : memref<!tpu.dma_semaphore, #tpu.memory_space<semaphore_mem>>)
    %dma_start3A_38 = arith.constant 0 : i32
    %dma_start3A_39 = arith.constant 0 : i32
    %dma_start3A_40 = arith.constant 0 : i32
    %dma_start3A_41 = arith.constant 0 : i32
    %dma_start3A_42 = tpu.memref_slice %arg10[%dma_start3A_38, %dma_start3A_40, %dma_start3A_41] : memref<4x64x128xf32, #tpu.memory_space<vmem>> -> memref<1x64x128xf32, #tpu.memory_space<vmem>>
    %dma_start3A_43 = tpu.memref_squeeze %dma_start3A_42 : memref<1x64x128xf32, #tpu.memory_space<vmem>> -> memref<64x128xf32, #tpu.memory_space<vmem>>
    %dma_start3A_44 = arith.constant 0 : i32
    %dma_start3A_45 = tpu.memref_slice %arg11[%add3A_6, %dma_start3A_44] : memref<10240x128xf32, #tpu.memory_space<vmem_shared>> -> memref<64x128xf32, #tpu.memory_space<vmem_shared>>
    %dma_start3A_46 = tpu.memref_slice %arg12[%dma_start3A_39] : memref<4x!tpu.dma_semaphore, #tpu.memory_space<semaphore_mem>> -> memref<1x!tpu.dma_semaphore, #tpu.memory_space<semaphore_mem>>
    %dma_start3A_47 = tpu.memref_squeeze %dma_start3A_46 : memref<1x!tpu.dma_semaphore, #tpu.memory_space<semaphore_mem>> -> memref<!tpu.dma_semaphore, #tpu.memory_space<semaphore_mem>>
    %dma_start3A_48 = arith.constant 0 : i32
    %dma_start3A_49 = tpu.memref_slice %arg11[%add3A_6, %dma_start3A_48] : memref<10240x128xf32, #tpu.memory_space<vmem_shared>> -> memref<64x128xf32, #tpu.memory_space<vmem_shared>>
    %dma_start3A_50 = arith.constant 0 : i32
    %dma_start3A_51 = arith.constant 0 : i32
    %dma_start3A_52 = tpu.memref_slice %arg10[%dma_start3A_38, %dma_start3A_50, %dma_start3A_51] : memref<4x64x128xf32, #tpu.memory_space<vmem>> -> memref<1x64x128xf32, #tpu.memory_space<vmem>>
    %dma_start3A_53 = tpu.memref_squeeze %dma_start3A_52 : memref<1x64x128xf32, #tpu.memory_space<vmem>> -> memref<64x128xf32, #tpu.memory_space<vmem>>
    tpu.enqueue_dma source(%dma_start3A_53 : memref<64x128xf32, #tpu.memory_space<vmem>>) target(%dma_start3A_49 : memref<64x128xf32, #tpu.memory_space<vmem_shared>>) target_semaphore(%dma_start3A_47 : memref<!tpu.dma_semaphore, #tpu.memory_space<semaphore_mem>>)
    %dma_start3A_54 = arith.constant 0 : i32
    %dma_start3A_55 = arith.constant 0 : i32
    %dma_start3A_56 = arith.constant 0 : i32
    %dma_start3A_57 = arith.constant 0 : i32
    %dma_start3A_58 = tpu.memref_slice %arg10[%dma_start3A_54, %dma_start3A_56, %dma_start3A_57] : memref<4x64x128xf32, #tpu.memory_space<vmem>> -> memref<1x64x128xf32, #tpu.memory_space<vmem>>
    %dma_start3A_59 = tpu.memref_squeeze %dma_start3A_58 : memref<1x64x128xf32, #tpu.memory_space<vmem>> -> memref<64x128xf32, #tpu.memory_space<vmem>>
    %dma_start3A_60 = arith.constant 0 : i32
    %dma_start3A_61 = tpu.memref_slice %arg11[%add3A_8, %dma_start3A_60] : memref<10240x128xf32, #tpu.memory_space<vmem_shared>> -> memref<64x128xf32, #tpu.memory_space<vmem_shared>>
    %dma_start3A_62 = tpu.memref_slice %arg12[%dma_start3A_55] : memref<4x!tpu.dma_semaphore, #tpu.memory_space<semaphore_mem>> -> memref<1x!tpu.dma_semaphore, #tpu.memory_space<semaphore_mem>>
    %dma_start3A_63 = tpu.memref_squeeze %dma_start3A_62 : memref<1x!tpu.dma_semaphore, #tpu.memory_space<semaphore_mem>> -> memref<!tpu.dma_semaphore, #tpu.memory_space<semaphore_mem>>
    %dma_start3A_64 = arith.constant 0 : i32
    %dma_start3A_65 = tpu.memref_slice %arg11[%add3A_8, %dma_start3A_64] : memref<10240x128xf32, #tpu.memory_space<vmem_shared>> -> memref<64x128xf32, #tpu.memory_space<vmem_shared>>
    %dma_start3A_66 = arith.constant 0 : i32
    %dma_start3A_67 = arith.constant 0 : i32
    %dma_start3A_68 = tpu.memref_slice %arg10[%dma_start3A_54, %dma_start3A_66, %dma_start3A_67] : memref<4x64x128xf32, #tpu.memory_space<vmem>> -> memref<1x64x128xf32, #tpu.memory_space<vmem>>
    %dma_start3A_69 = tpu.memref_squeeze %dma_start3A_68 : memref<1x64x128xf32, #tpu.memory_space<vmem>> -> memref<64x128xf32, #tpu.memory_space<vmem>>
    tpu.enqueue_dma source(%dma_start3A_69 : memref<64x128xf32, #tpu.memory_space<vmem>>) target(%dma_start3A_65 : memref<64x128xf32, #tpu.memory_space<vmem_shared>>) target_semaphore(%dma_start3A_63 : memref<!tpu.dma_semaphore, #tpu.memory_space<semaphore_mem>>)
    %dma_start3A_70 = arith.constant 0 : i32
    %dma_start3A_71 = arith.constant 0 : i32
    %dma_start3A_72 = arith.constant 0 : i32
    %dma_start3A_73 = arith.constant 0 : i32
    %dma_start3A_74 = tpu.memref_slice %arg10[%dma_start3A_70, %dma_start3A_72, %dma_start3A_73] : memref<4x64x128xf32, #tpu.memory_space<vmem>> -> memref<1x64x128xf32, #tpu.memory_space<vmem>>
    %dma_start3A_75 = tpu.memref_squeeze %dma_start3A_74 : memref<1x64x128xf32, #tpu.memory_space<vmem>> -> memref<64x128xf32, #tpu.memory_space<vmem>>
    %dma_start3A_76 = arith.constant 0 : i32
    %dma_start3A_77 = tpu.memref_slice %arg11[%add3A_10, %dma_start3A_76] : memref<10240x128xf32, #tpu.memory_space<vmem_shared>> -> memref<64x128xf32, #tpu.memory_space<vmem_shared>>
    %dma_start3A_78 = tpu.memref_slice %arg12[%dma_start3A_71] : memref<4x!tpu.dma_semaphore, #tpu.memory_space<semaphore_mem>> -> memref<1x!tpu.dma_semaphore, #tpu.memory_space<semaphore_mem>>
    %dma_start3A_79 = tpu.memref_squeeze %dma_start3A_78 : memref<1x!tpu.dma_semaphore, #tpu.memory_space<semaphore_mem>> -> memref<!tpu.dma_semaphore, #tpu.memory_space<semaphore_mem>>
    %dma_start3A_80 = arith.constant 0 : i32
    %dma_start3A_81 = tpu.memref_slice %arg11[%add3A_10, %dma_start3A_80] : memref<10240x128xf32, #tpu.memory_space<vmem_shared>> -> memref<64x128xf32, #tpu.memory_space<vmem_shared>>
    %dma_start3A_82 = arith.constant 0 : i32
    %dma_start3A_83 = arith.constant 0 : i32
    %dma_start3A_84 = tpu.memref_slice %arg10[%dma_start3A_70, %dma_start3A_82, %dma_start3A_83] : memref<4x64x128xf32, #tpu.memory_space<vmem>> -> memref<1x64x128xf32, #tpu.memory_space<vmem>>
    %dma_start3A_85 = tpu.memref_squeeze %dma_start3A_84 : memref<1x64x128xf32, #tpu.memory_space<vmem>> -> memref<64x128xf32, #tpu.memory_space<vmem>>
    tpu.enqueue_dma source(%dma_start3A_85 : memref<64x128xf32, #tpu.memory_space<vmem>>) target(%dma_start3A_81 : memref<64x128xf32, #tpu.memory_space<vmem_shared>>) target_semaphore(%dma_start3A_79 : memref<!tpu.dma_semaphore, #tpu.memory_space<semaphore_mem>>)
    %dma_start3A_86 = arith.constant 0 : i32
    %dma_start3A_87 = arith.constant 0 : i32
    %dma_start3A_88 = arith.constant 0 : i32
    %dma_start3A_89 = arith.constant 0 : i32
    %dma_start3A_90 = tpu.memref_slice %arg10[%dma_start3A_86, %dma_start3A_88, %dma_start3A_89] : memref<4x64x128xf32, #tpu.memory_space<vmem>> -> memref<1x64x128xf32, #tpu.memory_space<vmem>>
    %dma_start3A_91 = tpu.memref_squeeze %dma_start3A_90 : memref<1x64x128xf32, #tpu.memory_space<vmem>> -> memref<64x128xf32, #tpu.memory_space<vmem>>
    %dma_start3A_92 = arith.constant 0 : i32
    %dma_start3A_93 = tpu.memref_slice %arg11[%add3A_12, %dma_start3A_92] : memref<10240x128xf32, #tpu.memory_space<vmem_shared>> -> memref<64x128xf32, #tpu.memory_space<vmem_shared>>
    %dma_start3A_94 = tpu.memref_slice %arg12[%dma_start3A_87] : memref<4x!tpu.dma_semaphore, #tpu.memory_space<semaphore_mem>> -> memref<1x!tpu.dma_semaphore, #tpu.memory_space<semaphore_mem>>
    %dma_start3A_95 = tpu.memref_squeeze %dma_start3A_94 : memref<1x!tpu.dma_semaphore, #tpu.memory_space<semaphore_mem>> -> memref<!tpu.dma_semaphore, #tpu.memory_space<semaphore_mem>>
    %dma_start3A_96 = arith.constant 0 : i32
    %dma_start3A_97 = tpu.memref_slice %arg11[%add3A_12, %dma_start3A_96] : memref<10240x128xf32, #tpu.memory_space<vmem_shared>> -> memref<64x128xf32, #tpu.memory_space<vmem_shared>>
    %dma_start3A_98 = arith.constant 0 : i32
    %dma_start3A_99 = arith.constant 0 : i32
    %dma_start3A_100 = tpu.memref_slice %arg10[%dma_start3A_86, %dma_start3A_98, %dma_start3A_99] : memref<4x64x128xf32, #tpu.memory_space<vmem>> -> memref<1x64x128xf32, #tpu.memory_space<vmem>>
    %dma_start3A_101 = tpu.memref_squeeze %dma_start3A_100 : memref<1x64x128xf32, #tpu.memory_space<vmem>> -> memref<64x128xf32, #tpu.memory_space<vmem>>
    tpu.enqueue_dma source(%dma_start3A_101 : memref<64x128xf32, #tpu.memory_space<vmem>>) target(%dma_start3A_97 : memref<64x128xf32, #tpu.memory_space<vmem_shared>>) target_semaphore(%dma_start3A_95 : memref<!tpu.dma_semaphore, #tpu.memory_space<semaphore_mem>>)
    %dma_start3A_102 = arith.constant 0 : i32
    %dma_start3A_103 = arith.constant 0 : i32
    %dma_start3A_104 = arith.constant 0 : i32
    %dma_start3A_105 = arith.constant 0 : i32
    %dma_start3A_106 = tpu.memref_slice %arg10[%dma_start3A_102, %dma_start3A_104, %dma_start3A_105] : memref<4x64x128xf32, #tpu.memory_space<vmem>> -> memref<1x64x128xf32, #tpu.memory_space<vmem>>
    %dma_start3A_107 = tpu.memref_squeeze %dma_start3A_106 : memref<1x64x128xf32, #tpu.memory_space<vmem>> -> memref<64x128xf32, #tpu.memory_space<vmem>>
    %dma_start3A_108 = arith.constant 0 : i32
    %dma_start3A_109 = tpu.memref_slice %arg11[%add3A_14, %dma_start3A_108] : memref<10240x128xf32, #tpu.memory_space<vmem_shared>> -> memref<64x128xf32, #tpu.memory_space<vmem_shared>>
    %dma_start3A_110 = tpu.memref_slice %arg12[%dma_start3A_103] : memref<4x!tpu.dma_semaphore, #tpu.memory_space<semaphore_mem>> -> memref<1x!tpu.dma_semaphore, #tpu.memory_space<semaphore_mem>>
    %dma_start3A_111 = tpu.memref_squeeze %dma_start3A_110 : memref<1x!tpu.dma_semaphore, #tpu.memory_space<semaphore_mem>> -> memref<!tpu.dma_semaphore, #tpu.memory_space<semaphore_mem>>
    %dma_start3A_112 = arith.constant 0 : i32
    %dma_start3A_113 = tpu.memref_slice %arg11[%add3A_14, %dma_start3A_112] : memref<10240x128xf32, #tpu.memory_space<vmem_shared>> -> memref<64x128xf32, #tpu.memory_space<vmem_shared>>
    %dma_start3A_114 = arith.constant 0 : i32
    %dma_start3A_115 = arith.constant 0 : i32
    %dma_start3A_116 = tpu.memref_slice %arg10[%dma_start3A_102, %dma_start3A_114, %dma_start3A_115] : memref<4x64x128xf32, #tpu.memory_space<vmem>> -> memref<1x64x128xf32, #tpu.memory_space<vmem>>
    %dma_start3A_117 = tpu.memref_squeeze %dma_start3A_116 : memref<1x64x128xf32, #tpu.memory_space<vmem>> -> memref<64x128xf32, #tpu.memory_space<vmem>>
    tpu.enqueue_dma source(%dma_start3A_117 : memref<64x128xf32, #tpu.memory_space<vmem>>) target(%dma_start3A_113 : memref<64x128xf32, #tpu.memory_space<vmem_shared>>) target_semaphore(%dma_start3A_111 : memref<!tpu.dma_semaphore, #tpu.memory_space<semaphore_mem>>)
    %dma_start3A_118 = arith.constant 0 : i32
    %dma_start3A_119 = arith.constant 0 : i32
    %dma_start3A_120 = arith.constant 0 : i32
    %dma_start3A_121 = arith.constant 0 : i32
    %dma_start3A_122 = tpu.memref_slice %arg10[%dma_start3A_118, %dma_start3A_120, %dma_start3A_121] : memref<4x64x128xf32, #tpu.memory_space<vmem>> -> memref<1x64x128xf32, #tpu.memory_space<vmem>>
    %dma_start3A_123 = tpu.memref_squeeze %dma_start3A_122 : memref<1x64x128xf32, #tpu.memory_space<vmem>> -> memref<64x128xf32, #tpu.memory_space<vmem>>
    %dma_start3A_124 = arith.constant 0 : i32
    %dma_start3A_125 = tpu.memref_slice %arg11[%add3A_16, %dma_start3A_124] : memref<10240x128xf32, #tpu.memory_space<vmem_shared>> -> memref<64x128xf32, #tpu.memory_space<vmem_shared>>
    %dma_start3A_126 = tpu.memref_slice %arg12[%dma_start3A_119] : memref<4x!tpu.dma_semaphore, #tpu.memory_space<semaphore_mem>> -> memref<1x!tpu.dma_semaphore, #tpu.memory_space<semaphore_mem>>
    %dma_start3A_127 = tpu.memref_squeeze %dma_start3A_126 : memref<1x!tpu.dma_semaphore, #tpu.memory_space<semaphore_mem>> -> memref<!tpu.dma_semaphore, #tpu.memory_space<semaphore_mem>>
    %dma_start3A_128 = arith.constant 0 : i32
    %dma_start3A_129 = tpu.memref_slice %arg11[%add3A_16, %dma_start3A_128] : memref<10240x128xf32, #tpu.memory_space<vmem_shared>> -> memref<64x128xf32, #tpu.memory_space<vmem_shared>>
    %dma_start3A_130 = arith.constant 0 : i32
    %dma_start3A_131 = arith.constant 0 : i32
    %dma_start3A_132 = tpu.memref_slice %arg10[%dma_start3A_118, %dma_start3A_130, %dma_start3A_131] : memref<4x64x128xf32, #tpu.memory_space<vmem>> -> memref<1x64x128xf32, #tpu.memory_space<vmem>>
    %dma_start3A_133 = tpu.memref_squeeze %dma_start3A_132 : memref<1x64x128xf32, #tpu.memory_space<vmem>> -> memref<64x128xf32, #tpu.memory_space<vmem>>
    tpu.enqueue_dma source(%dma_start3A_133 : memref<64x128xf32, #tpu.memory_space<vmem>>) target(%dma_start3A_129 : memref<64x128xf32, #tpu.memory_space<vmem_shared>>) target_semaphore(%dma_start3A_127 : memref<!tpu.dma_semaphore, #tpu.memory_space<semaphore_mem>>)
    %dma_start3A_134 = arith.constant 0 : i32
    %dma_start3A_135 = arith.constant 0 : i32
    %dma_start3A_136 = arith.constant 0 : i32
    %dma_start3A_137 = arith.constant 0 : i32
    %dma_start3A_138 = tpu.memref_slice %arg10[%dma_start3A_134, %dma_start3A_136, %dma_start3A_137] : memref<4x64x128xf32, #tpu.memory_space<vmem>> -> memref<1x64x128xf32, #tpu.memory_space<vmem>>
    %dma_start3A_139 = tpu.memref_squeeze %dma_start3A_138 : memref<1x64x128xf32, #tpu.memory_space<vmem>> -> memref<64x128xf32, #tpu.memory_space<vmem>>
    %dma_start3A_140 = arith.constant 0 : i32
    %dma_start3A_141 = tpu.memref_slice %arg11[%add3A_18, %dma_start3A_140] : memref<10240x128xf32, #tpu.memory_space<vmem_shared>> -> memref<64x128xf32, #tpu.memory_space<vmem_shared>>
    %dma_start3A_142 = tpu.memref_slice %arg12[%dma_start3A_135] : memref<4x!tpu.dma_semaphore, #tpu.memory_space<semaphore_mem>> -> memref<1x!tpu.dma_semaphore, #tpu.memory_space<semaphore_mem>>
    %dma_start3A_143 = tpu.memref_squeeze %dma_start3A_142 : memref<1x!tpu.dma_semaphore, #tpu.memory_space<semaphore_mem>> -> memref<!tpu.dma_semaphore, #tpu.memory_space<semaphore_mem>>
    %dma_start3A_144 = arith.constant 0 : i32
    %dma_start3A_145 = tpu.memref_slice %arg11[%add3A_18, %dma_start3A_144] : memref<10240x128xf32, #tpu.memory_space<vmem_shared>> -> memref<64x128xf32, #tpu.memory_space<vmem_shared>>
    %dma_start3A_146 = arith.constant 0 : i32
    %dma_start3A_147 = arith.constant 0 : i32
    %dma_start3A_148 = tpu.memref_slice %arg10[%dma_start3A_134, %dma_start3A_146, %dma_start3A_147] : memref<4x64x128xf32, #tpu.memory_space<vmem>> -> memref<1x64x128xf32, #tpu.memory_space<vmem>>
    %dma_start3A_149 = tpu.memref_squeeze %dma_start3A_148 : memref<1x64x128xf32, #tpu.memory_space<vmem>> -> memref<64x128xf32, #tpu.memory_space<vmem>>
    tpu.enqueue_dma source(%dma_start3A_149 : memref<64x128xf32, #tpu.memory_space<vmem>>) target(%dma_start3A_145 : memref<64x128xf32, #tpu.memory_space<vmem_shared>>) target_semaphore(%dma_start3A_143 : memref<!tpu.dma_semaphore, #tpu.memory_space<semaphore_mem>>)
    %dma_start3A_150 = arith.constant 0 : i32
    %dma_start3A_151 = arith.constant 0 : i32
    %dma_start3A_152 = arith.constant 0 : i32
    %dma_start3A_153 = arith.constant 0 : i32
    %dma_start3A_154 = tpu.memref_slice %arg10[%dma_start3A_150, %dma_start3A_152, %dma_start3A_153] : memref<4x64x128xf32, #tpu.memory_space<vmem>> -> memref<1x64x128xf32, #tpu.memory_space<vmem>>
    %dma_start3A_155 = tpu.memref_squeeze %dma_start3A_154 : memref<1x64x128xf32, #tpu.memory_space<vmem>> -> memref<64x128xf32, #tpu.memory_space<vmem>>
    %dma_start3A_156 = arith.constant 0 : i32
    %dma_start3A_157 = tpu.memref_slice %arg11[%add3A_20, %dma_start3A_156] : memref<10240x128xf32, #tpu.memory_space<vmem_shared>> -> memref<64x128xf32, #tpu.memory_space<vmem_shared>>
    %dma_start3A_158 = tpu.memref_slice %arg12[%dma_start3A_151] : memref<4x!tpu.dma_semaphore, #tpu.memory_space<semaphore_mem>> -> memref<1x!tpu.dma_semaphore, #tpu.memory_space<semaphore_mem>>
    %dma_start3A_159 = tpu.memref_squeeze %dma_start3A_158 : memref<1x!tpu.dma_semaphore, #tpu.memory_space<semaphore_mem>> -> memref<!tpu.dma_semaphore, #tpu.memory_space<semaphore_mem>>
    %dma_start3A_160 = arith.constant 0 : i32
    %dma_start3A_161 = tpu.memref_slice %arg11[%add3A_20, %dma_start3A_160] : memref<10240x128xf32, #tpu.memory_space<vmem_shared>> -> memref<64x128xf32, #tpu.memory_space<vmem_shared>>
    %dma_start3A_162 = arith.constant 0 : i32
    %dma_start3A_163 = arith.constant 0 : i32
    %dma_start3A_164 = tpu.memref_slice %arg10[%dma_start3A_150, %dma_start3A_162, %dma_start3A_163] : memref<4x64x128xf32, #tpu.memory_space<vmem>> -> memref<1x64x128xf32, #tpu.memory_space<vmem>>
    %dma_start3A_165 = tpu.memref_squeeze %dma_start3A_164 : memref<1x64x128xf32, #tpu.memory_space<vmem>> -> memref<64x128xf32, #tpu.memory_space<vmem>>
    tpu.enqueue_dma source(%dma_start3A_165 : memref<64x128xf32, #tpu.memory_space<vmem>>) target(%dma_start3A_161 : memref<64x128xf32, #tpu.memory_space<vmem_shared>>) target_semaphore(%dma_start3A_159 : memref<!tpu.dma_semaphore, #tpu.memory_space<semaphore_mem>>)
    %dma_start3A_166 = arith.constant 0 : i32
    %dma_start3A_167 = arith.constant 0 : i32
    %dma_start3A_168 = arith.constant 0 : i32
    %dma_start3A_169 = arith.constant 0 : i32
    %dma_start3A_170 = tpu.memref_slice %arg10[%dma_start3A_166, %dma_start3A_168, %dma_start3A_169] : memref<4x64x128xf32, #tpu.memory_space<vmem>> -> memref<1x64x128xf32, #tpu.memory_space<vmem>>
    %dma_start3A_171 = tpu.memref_squeeze %dma_start3A_170 : memref<1x64x128xf32, #tpu.memory_space<vmem>> -> memref<64x128xf32, #tpu.memory_space<vmem>>
    %dma_start3A_172 = arith.constant 0 : i32
    %dma_start3A_173 = tpu.memref_slice %arg11[%add3A_22, %dma_start3A_172] : memref<10240x128xf32, #tpu.memory_space<vmem_shared>> -> memref<64x128xf32, #tpu.memory_space<vmem_shared>>
    %dma_start3A_174 = tpu.memref_slice %arg12[%dma_start3A_167] : memref<4x!tpu.dma_semaphore, #tpu.memory_space<semaphore_mem>> -> memref<1x!tpu.dma_semaphore, #tpu.memory_space<semaphore_mem>>
    %dma_start3A_175 = tpu.memref_squeeze %dma_start3A_174 : memref<1x!tpu.dma_semaphore, #tpu.memory_space<semaphore_mem>> -> memref<!tpu.dma_semaphore, #tpu.memory_space<semaphore_mem>>
    %dma_start3A_176 = arith.constant 0 : i32
    %dma_start3A_177 = tpu.memref_slice %arg11[%add3A_22, %dma_start3A_176] : memref<10240x128xf32, #tpu.memory_space<vmem_shared>> -> memref<64x128xf32, #tpu.memory_space<vmem_shared>>
    %dma_start3A_178 = arith.constant 0 : i32
    %dma_start3A_179 = arith.constant 0 : i32
    %dma_start3A_180 = tpu.memref_slice %arg10[%dma_start3A_166, %dma_start3A_178, %dma_start3A_179] : memref<4x64x128xf32, #tpu.memory_space<vmem>> -> memref<1x64x128xf32, #tpu.memory_space<vmem>>
    %dma_start3A_181 = tpu.memref_squeeze %dma_start3A_180 : memref<1x64x128xf32, #tpu.memory_space<vmem>> -> memref<64x128xf32, #tpu.memory_space<vmem>>
    tpu.enqueue_dma source(%dma_start3A_181 : memref<64x128xf32, #tpu.memory_space<vmem>>) target(%dma_start3A_177 : memref<64x128xf32, #tpu.memory_space<vmem_shared>>) target_semaphore(%dma_start3A_175 : memref<!tpu.dma_semaphore, #tpu.memory_space<semaphore_mem>>)
    %mul3A_182 = arith.constant 10000 : i32
    %mul3A_183 = arith.muli %add3A, %mul3A_182 : i32
    "tpu.region"() ({
      %run_scoped3A_1198 = tpu.sem_alloc : memref<!tpu.dma_semaphore, #tpu.memory_space<semaphore_mem>>
      %dma_start3A_1199 = arith.constant 0 : i32
      %dma_start3A_1200 = tpu.memref_slice %arg8[%dma_start3A_1199] : memref<10240xi32, #tpu.memory_space<vmem>> -> memref<10000xi32, #tpu.memory_space<vmem>>
      %dma_start3A_1201 = tpu.memref_slice %arg3[%mul3A_183] : memref<320000xi32, #tpu.memory_space<hbm>> -> memref<10000xi32, #tpu.memory_space<hbm>>
      %dma_start3A_1202 = arith.constant 0 : i32
      %dma_start3A_1203 = tpu.memref_slice %arg8[%dma_start3A_1202] : memref<10240xi32, #tpu.memory_space<vmem>> -> memref<10000xi32, #tpu.memory_space<vmem>>
      %dma_start3A_1204 = tpu.memref_slice %arg3[%mul3A_183] : memref<320000xi32, #tpu.memory_space<hbm>> -> memref<10000xi32, #tpu.memory_space<hbm>>
      tpu.enqueue_dma source(%dma_start3A_1204 : memref<10000xi32, #tpu.memory_space<hbm>>) target(%dma_start3A_1203 : memref<10000xi32, #tpu.memory_space<vmem>>) target_semaphore(%run_scoped3A_1198 : memref<!tpu.dma_semaphore, #tpu.memory_space<semaphore_mem>>)
      %dma_wait3A_1205 = arith.constant 0 : i32
      %dma_wait3A_1206 = tpu.memref_slice %arg8[%dma_wait3A_1205] : memref<10240xi32, #tpu.memory_space<vmem>> -> memref<10000xi32, #tpu.memory_space<vmem>>
      %dma_wait3A_1207 = tpu.memref_slice %arg3[%mul3A_183] : memref<320000xi32, #tpu.memory_space<hbm>> -> memref<10000xi32, #tpu.memory_space<hbm>>
      %dma_wait3A_1208 = arith.constant 0 : i32
      %dma_wait3A_1209 = tpu.memref_slice %arg8[%dma_wait3A_1208] : memref<10240xi32, #tpu.memory_space<vmem>> -> memref<10000xi32, #tpu.memory_space<vmem>>
      %dma_wait3A_1210 = tpu.memref_slice %arg3[%mul3A_183] : memref<320000xi32, #tpu.memory_space<hbm>> -> memref<10000xi32, #tpu.memory_space<hbm>>
      tpu.wait_dma2 semaphore(%run_scoped3A_1198 : memref<!tpu.dma_semaphore, #tpu.memory_space<semaphore_mem>>) src(%dma_wait3A_1210 : memref<10000xi32, #tpu.memory_space<hbm>>) dst(%dma_wait3A_1209 : memref<10000xi32, #tpu.memory_space<vmem>>)
      tpu.yield
    }) : () -> ()
    "tpu.region"() ({
      %run_scoped3A_1198 = tpu.sem_alloc : memref<!tpu.dma_semaphore, #tpu.memory_space<semaphore_mem>>
      %dma_start3A_1199 = arith.constant 10000 : i32
      %dma_start3A_1200 = tpu.memref_slice %arg8[%dma_start3A_1199] : memref<10240xi32, #tpu.memory_space<vmem>> -> memref<240xi32, #tpu.memory_space<vmem>>
      %dma_start3A_1201 = arith.constant 10000 : i32
      %dma_start3A_1202 = tpu.memref_slice %arg8[%dma_start3A_1201] : memref<10240xi32, #tpu.memory_space<vmem>> -> memref<240xi32, #tpu.memory_space<vmem>>
      tpu.enqueue_dma source(%arg5 : memref<240xi32, #tpu.memory_space<hbm>>) target(%dma_start3A_1202 : memref<240xi32, #tpu.memory_space<vmem>>) target_semaphore(%run_scoped3A_1198 : memref<!tpu.dma_semaphore, #tpu.memory_space<semaphore_mem>>)
      %dma_wait3A_1203 = arith.constant 10000 : i32
      %dma_wait3A_1204 = tpu.memref_slice %arg8[%dma_wait3A_1203] : memref<10240xi32, #tpu.memory_space<vmem>> -> memref<240xi32, #tpu.memory_space<vmem>>
      %dma_wait3A_1205 = arith.constant 10000 : i32
      %dma_wait3A_1206 = tpu.memref_slice %arg8[%dma_wait3A_1205] : memref<10240xi32, #tpu.memory_space<vmem>> -> memref<240xi32, #tpu.memory_space<vmem>>
      tpu.wait_dma2 semaphore(%run_scoped3A_1198 : memref<!tpu.dma_semaphore, #tpu.memory_space<semaphore_mem>>) src(%arg5 : memref<240xi32, #tpu.memory_space<hbm>>) dst(%dma_wait3A_1206 : memref<240xi32, #tpu.memory_space<vmem>>)
      tpu.yield
    }) : () -> ()
    %dma_start3A_184 = arith.constant 0 : i32
    %dma_start3A_185 = arith.constant 0 : i32
    %dma_start3A_186 = arith.constant 0 : i32
    %dma_start3A_187 = tpu.memref_slice %arg9[%dma_start3A_184, %dma_start3A_185, %dma_start3A_186] : memref<2x16x64xi32, #tpu.memory_space<vmem>> -> memref<1x16x64xi32, #tpu.memory_space<vmem>>
    %dma_start3A_188 = tpu.memref_squeeze %dma_start3A_187 : memref<1x16x64xi32, #tpu.memory_space<vmem>> -> memref<16x64xi32, #tpu.memory_space<vmem>>
    %dma_start3A_189 = arith.constant 0 : i32
    %dma_start3A_190 = arith.constant 0 : i32
    %dma_start3A_191 = tpu.memref_slice %arg4[%add3A, %dma_start3A_189, %dma_start3A_190] : memref<32x160x64xi32, #tpu.memory_space<hbm>> -> memref<1x16x64xi32, #tpu.memory_space<hbm>>
    %dma_start3A_192 = tpu.memref_squeeze %dma_start3A_191 : memref<1x16x64xi32, #tpu.memory_space<hbm>> -> memref<16x64xi32, #tpu.memory_space<hbm>>
    %dma_start3A_193 = arith.constant 0 : i32
    %dma_start3A_194 = arith.constant 0 : i32
    %dma_start3A_195 = tpu.memref_slice %arg9[%dma_start3A_184, %dma_start3A_193, %dma_start3A_194] : memref<2x16x64xi32, #tpu.memory_space<vmem>> -> memref<1x16x64xi32, #tpu.memory_space<vmem>>
    %dma_start3A_196 = tpu.memref_squeeze %dma_start3A_195 : memref<1x16x64xi32, #tpu.memory_space<vmem>> -> memref<16x64xi32, #tpu.memory_space<vmem>>
    %dma_start3A_197 = arith.constant 0 : i32
    %dma_start3A_198 = arith.constant 0 : i32
    %dma_start3A_199 = tpu.memref_slice %arg4[%add3A, %dma_start3A_197, %dma_start3A_198] : memref<32x160x64xi32, #tpu.memory_space<hbm>> -> memref<1x16x64xi32, #tpu.memory_space<hbm>>
    %dma_start3A_200 = tpu.memref_squeeze %dma_start3A_199 : memref<1x16x64xi32, #tpu.memory_space<hbm>> -> memref<16x64xi32, #tpu.memory_space<hbm>>
    tpu.enqueue_dma source(%dma_start3A_200 : memref<16x64xi32, #tpu.memory_space<hbm>>) target(%dma_start3A_196 : memref<16x64xi32, #tpu.memory_space<vmem>>) target_semaphore(%arg13 : memref<!tpu.dma_semaphore, #tpu.memory_space<semaphore_mem>>)
    %dma_wait3A = arith.constant 0 : i32
    %dma_wait3A_201 = arith.constant 0 : i32
    %dma_wait3A_202 = arith.constant 0 : i32
    %dma_wait3A_203 = arith.constant 0 : i32
    %dma_wait3A_204 = tpu.memref_slice %arg10[%dma_wait3A, %dma_wait3A_202, %dma_wait3A_203] : memref<4x64x128xf32, #tpu.memory_space<vmem>> -> memref<1x64x128xf32, #tpu.memory_space<vmem>>
    %dma_wait3A_205 = tpu.memref_squeeze %dma_wait3A_204 : memref<1x64x128xf32, #tpu.memory_space<vmem>> -> memref<64x128xf32, #tpu.memory_space<vmem>>
    %dma_wait3A_206 = arith.constant 0 : i32
    %dma_wait3A_207 = tpu.memref_slice %arg11[%add3A_4, %dma_wait3A_206] : memref<10240x128xf32, #tpu.memory_space<vmem_shared>> -> memref<64x128xf32, #tpu.memory_space<vmem_shared>>
    %dma_wait3A_208 = tpu.memref_slice %arg12[%dma_wait3A_201] : memref<4x!tpu.dma_semaphore, #tpu.memory_space<semaphore_mem>> -> memref<1x!tpu.dma_semaphore, #tpu.memory_space<semaphore_mem>>
    %dma_wait3A_209 = tpu.memref_squeeze %dma_wait3A_208 : memref<1x!tpu.dma_semaphore, #tpu.memory_space<semaphore_mem>> -> memref<!tpu.dma_semaphore, #tpu.memory_space<semaphore_mem>>
    %dma_wait3A_210 = arith.constant 0 : i32
    %dma_wait3A_211 = tpu.memref_slice %arg11[%add3A_4, %dma_wait3A_210] : memref<10240x128xf32, #tpu.memory_space<vmem_shared>> -> memref<64x128xf32, #tpu.memory_space<vmem_shared>>
    %dma_wait3A_212 = arith.constant 0 : i32
    %dma_wait3A_213 = arith.constant 0 : i32
    %dma_wait3A_214 = tpu.memref_slice %arg10[%dma_wait3A, %dma_wait3A_212, %dma_wait3A_213] : memref<4x64x128xf32, #tpu.memory_space<vmem>> -> memref<1x64x128xf32, #tpu.memory_space<vmem>>
    %dma_wait3A_215 = tpu.memref_squeeze %dma_wait3A_214 : memref<1x64x128xf32, #tpu.memory_space<vmem>> -> memref<64x128xf32, #tpu.memory_space<vmem>>
    tpu.wait_dma2 semaphore(%dma_wait3A_209 : memref<!tpu.dma_semaphore, #tpu.memory_space<semaphore_mem>>) src(%dma_wait3A_215 : memref<64x128xf32, #tpu.memory_space<vmem>>) dst(%dma_wait3A_211 : memref<64x128xf32, #tpu.memory_space<vmem_shared>>)
    %dma_wait3A_216 = arith.constant 0 : i32
    %dma_wait3A_217 = arith.constant 0 : i32
    %dma_wait3A_218 = arith.constant 0 : i32
    %dma_wait3A_219 = arith.constant 0 : i32
    %dma_wait3A_220 = tpu.memref_slice %arg10[%dma_wait3A_216, %dma_wait3A_218, %dma_wait3A_219] : memref<4x64x128xf32, #tpu.memory_space<vmem>> -> memref<1x64x128xf32, #tpu.memory_space<vmem>>
    %dma_wait3A_221 = tpu.memref_squeeze %dma_wait3A_220 : memref<1x64x128xf32, #tpu.memory_space<vmem>> -> memref<64x128xf32, #tpu.memory_space<vmem>>
    %dma_wait3A_222 = arith.constant 0 : i32
    %dma_wait3A_223 = tpu.memref_slice %arg11[%add3A_6, %dma_wait3A_222] : memref<10240x128xf32, #tpu.memory_space<vmem_shared>> -> memref<64x128xf32, #tpu.memory_space<vmem_shared>>
    %dma_wait3A_224 = tpu.memref_slice %arg12[%dma_wait3A_217] : memref<4x!tpu.dma_semaphore, #tpu.memory_space<semaphore_mem>> -> memref<1x!tpu.dma_semaphore, #tpu.memory_space<semaphore_mem>>
    %dma_wait3A_225 = tpu.memref_squeeze %dma_wait3A_224 : memref<1x!tpu.dma_semaphore, #tpu.memory_space<semaphore_mem>> -> memref<!tpu.dma_semaphore, #tpu.memory_space<semaphore_mem>>
    %dma_wait3A_226 = arith.constant 0 : i32
    %dma_wait3A_227 = tpu.memref_slice %arg11[%add3A_6, %dma_wait3A_226] : memref<10240x128xf32, #tpu.memory_space<vmem_shared>> -> memref<64x128xf32, #tpu.memory_space<vmem_shared>>
    %dma_wait3A_228 = arith.constant 0 : i32
    %dma_wait3A_229 = arith.constant 0 : i32
    %dma_wait3A_230 = tpu.memref_slice %arg10[%dma_wait3A_216, %dma_wait3A_228, %dma_wait3A_229] : memref<4x64x128xf32, #tpu.memory_space<vmem>> -> memref<1x64x128xf32, #tpu.memory_space<vmem>>
    %dma_wait3A_231 = tpu.memref_squeeze %dma_wait3A_230 : memref<1x64x128xf32, #tpu.memory_space<vmem>> -> memref<64x128xf32, #tpu.memory_space<vmem>>
    tpu.wait_dma2 semaphore(%dma_wait3A_225 : memref<!tpu.dma_semaphore, #tpu.memory_space<semaphore_mem>>) src(%dma_wait3A_231 : memref<64x128xf32, #tpu.memory_space<vmem>>) dst(%dma_wait3A_227 : memref<64x128xf32, #tpu.memory_space<vmem_shared>>)
    %dma_wait3A_232 = arith.constant 0 : i32
    %dma_wait3A_233 = arith.constant 0 : i32
    %dma_wait3A_234 = arith.constant 0 : i32
    %dma_wait3A_235 = arith.constant 0 : i32
    %dma_wait3A_236 = tpu.memref_slice %arg10[%dma_wait3A_232, %dma_wait3A_234, %dma_wait3A_235] : memref<4x64x128xf32, #tpu.memory_space<vmem>> -> memref<1x64x128xf32, #tpu.memory_space<vmem>>
    %dma_wait3A_237 = tpu.memref_squeeze %dma_wait3A_236 : memref<1x64x128xf32, #tpu.memory_space<vmem>> -> memref<64x128xf32, #tpu.memory_space<vmem>>
    %dma_wait3A_238 = arith.constant 0 : i32
    %dma_wait3A_239 = tpu.memref_slice %arg11[%add3A_8, %dma_wait3A_238] : memref<10240x128xf32, #tpu.memory_space<vmem_shared>> -> memref<64x128xf32, #tpu.memory_space<vmem_shared>>
    %dma_wait3A_240 = tpu.memref_slice %arg12[%dma_wait3A_233] : memref<4x!tpu.dma_semaphore, #tpu.memory_space<semaphore_mem>> -> memref<1x!tpu.dma_semaphore, #tpu.memory_space<semaphore_mem>>
    %dma_wait3A_241 = tpu.memref_squeeze %dma_wait3A_240 : memref<1x!tpu.dma_semaphore, #tpu.memory_space<semaphore_mem>> -> memref<!tpu.dma_semaphore, #tpu.memory_space<semaphore_mem>>
    %dma_wait3A_242 = arith.constant 0 : i32
    %dma_wait3A_243 = tpu.memref_slice %arg11[%add3A_8, %dma_wait3A_242] : memref<10240x128xf32, #tpu.memory_space<vmem_shared>> -> memref<64x128xf32, #tpu.memory_space<vmem_shared>>
    %dma_wait3A_244 = arith.constant 0 : i32
    %dma_wait3A_245 = arith.constant 0 : i32
    %dma_wait3A_246 = tpu.memref_slice %arg10[%dma_wait3A_232, %dma_wait3A_244, %dma_wait3A_245] : memref<4x64x128xf32, #tpu.memory_space<vmem>> -> memref<1x64x128xf32, #tpu.memory_space<vmem>>
    %dma_wait3A_247 = tpu.memref_squeeze %dma_wait3A_246 : memref<1x64x128xf32, #tpu.memory_space<vmem>> -> memref<64x128xf32, #tpu.memory_space<vmem>>
    tpu.wait_dma2 semaphore(%dma_wait3A_241 : memref<!tpu.dma_semaphore, #tpu.memory_space<semaphore_mem>>) src(%dma_wait3A_247 : memref<64x128xf32, #tpu.memory_space<vmem>>) dst(%dma_wait3A_243 : memref<64x128xf32, #tpu.memory_space<vmem_shared>>)
    %dma_wait3A_248 = arith.constant 0 : i32
    %dma_wait3A_249 = arith.constant 0 : i32
    %dma_wait3A_250 = arith.constant 0 : i32
    %dma_wait3A_251 = arith.constant 0 : i32
    %dma_wait3A_252 = tpu.memref_slice %arg10[%dma_wait3A_248, %dma_wait3A_250, %dma_wait3A_251] : memref<4x64x128xf32, #tpu.memory_space<vmem>> -> memref<1x64x128xf32, #tpu.memory_space<vmem>>
    %dma_wait3A_253 = tpu.memref_squeeze %dma_wait3A_252 : memref<1x64x128xf32, #tpu.memory_space<vmem>> -> memref<64x128xf32, #tpu.memory_space<vmem>>
    %dma_wait3A_254 = arith.constant 0 : i32
    %dma_wait3A_255 = tpu.memref_slice %arg11[%add3A_10, %dma_wait3A_254] : memref<10240x128xf32, #tpu.memory_space<vmem_shared>> -> memref<64x128xf32, #tpu.memory_space<vmem_shared>>
    %dma_wait3A_256 = tpu.memref_slice %arg12[%dma_wait3A_249] : memref<4x!tpu.dma_semaphore, #tpu.memory_space<semaphore_mem>> -> memref<1x!tpu.dma_semaphore, #tpu.memory_space<semaphore_mem>>
    %dma_wait3A_257 = tpu.memref_squeeze %dma_wait3A_256 : memref<1x!tpu.dma_semaphore, #tpu.memory_space<semaphore_mem>> -> memref<!tpu.dma_semaphore, #tpu.memory_space<semaphore_mem>>
    %dma_wait3A_258 = arith.constant 0 : i32
    %dma_wait3A_259 = tpu.memref_slice %arg11[%add3A_10, %dma_wait3A_258] : memref<10240x128xf32, #tpu.memory_space<vmem_shared>> -> memref<64x128xf32, #tpu.memory_space<vmem_shared>>
    %dma_wait3A_260 = arith.constant 0 : i32
    %dma_wait3A_261 = arith.constant 0 : i32
    %dma_wait3A_262 = tpu.memref_slice %arg10[%dma_wait3A_248, %dma_wait3A_260, %dma_wait3A_261] : memref<4x64x128xf32, #tpu.memory_space<vmem>> -> memref<1x64x128xf32, #tpu.memory_space<vmem>>
    %dma_wait3A_263 = tpu.memref_squeeze %dma_wait3A_262 : memref<1x64x128xf32, #tpu.memory_space<vmem>> -> memref<64x128xf32, #tpu.memory_space<vmem>>
    tpu.wait_dma2 semaphore(%dma_wait3A_257 : memref<!tpu.dma_semaphore, #tpu.memory_space<semaphore_mem>>) src(%dma_wait3A_263 : memref<64x128xf32, #tpu.memory_space<vmem>>) dst(%dma_wait3A_259 : memref<64x128xf32, #tpu.memory_space<vmem_shared>>)
    %dma_wait3A_264 = arith.constant 0 : i32
    %dma_wait3A_265 = arith.constant 0 : i32
    %dma_wait3A_266 = arith.constant 0 : i32
    %dma_wait3A_267 = arith.constant 0 : i32
    %dma_wait3A_268 = tpu.memref_slice %arg10[%dma_wait3A_264, %dma_wait3A_266, %dma_wait3A_267] : memref<4x64x128xf32, #tpu.memory_space<vmem>> -> memref<1x64x128xf32, #tpu.memory_space<vmem>>
    %dma_wait3A_269 = tpu.memref_squeeze %dma_wait3A_268 : memref<1x64x128xf32, #tpu.memory_space<vmem>> -> memref<64x128xf32, #tpu.memory_space<vmem>>
    %dma_wait3A_270 = arith.constant 0 : i32
    %dma_wait3A_271 = tpu.memref_slice %arg11[%add3A_12, %dma_wait3A_270] : memref<10240x128xf32, #tpu.memory_space<vmem_shared>> -> memref<64x128xf32, #tpu.memory_space<vmem_shared>>
    %dma_wait3A_272 = tpu.memref_slice %arg12[%dma_wait3A_265] : memref<4x!tpu.dma_semaphore, #tpu.memory_space<semaphore_mem>> -> memref<1x!tpu.dma_semaphore, #tpu.memory_space<semaphore_mem>>
    %dma_wait3A_273 = tpu.memref_squeeze %dma_wait3A_272 : memref<1x!tpu.dma_semaphore, #tpu.memory_space<semaphore_mem>> -> memref<!tpu.dma_semaphore, #tpu.memory_space<semaphore_mem>>
    %dma_wait3A_274 = arith.constant 0 : i32
    %dma_wait3A_275 = tpu.memref_slice %arg11[%add3A_12, %dma_wait3A_274] : memref<10240x128xf32, #tpu.memory_space<vmem_shared>> -> memref<64x128xf32, #tpu.memory_space<vmem_shared>>
    %dma_wait3A_276 = arith.constant 0 : i32
    %dma_wait3A_277 = arith.constant 0 : i32
    %dma_wait3A_278 = tpu.memref_slice %arg10[%dma_wait3A_264, %dma_wait3A_276, %dma_wait3A_277] : memref<4x64x128xf32, #tpu.memory_space<vmem>> -> memref<1x64x128xf32, #tpu.memory_space<vmem>>
    %dma_wait3A_279 = tpu.memref_squeeze %dma_wait3A_278 : memref<1x64x128xf32, #tpu.memory_space<vmem>> -> memref<64x128xf32, #tpu.memory_space<vmem>>
    tpu.wait_dma2 semaphore(%dma_wait3A_273 : memref<!tpu.dma_semaphore, #tpu.memory_space<semaphore_mem>>) src(%dma_wait3A_279 : memref<64x128xf32, #tpu.memory_space<vmem>>) dst(%dma_wait3A_275 : memref<64x128xf32, #tpu.memory_space<vmem_shared>>)
    %dma_wait3A_280 = arith.constant 0 : i32
    %dma_wait3A_281 = arith.constant 0 : i32
    %dma_wait3A_282 = arith.constant 0 : i32
    %dma_wait3A_283 = arith.constant 0 : i32
    %dma_wait3A_284 = tpu.memref_slice %arg10[%dma_wait3A_280, %dma_wait3A_282, %dma_wait3A_283] : memref<4x64x128xf32, #tpu.memory_space<vmem>> -> memref<1x64x128xf32, #tpu.memory_space<vmem>>
    %dma_wait3A_285 = tpu.memref_squeeze %dma_wait3A_284 : memref<1x64x128xf32, #tpu.memory_space<vmem>> -> memref<64x128xf32, #tpu.memory_space<vmem>>
    %dma_wait3A_286 = arith.constant 0 : i32
    %dma_wait3A_287 = tpu.memref_slice %arg11[%add3A_14, %dma_wait3A_286] : memref<10240x128xf32, #tpu.memory_space<vmem_shared>> -> memref<64x128xf32, #tpu.memory_space<vmem_shared>>
    %dma_wait3A_288 = tpu.memref_slice %arg12[%dma_wait3A_281] : memref<4x!tpu.dma_semaphore, #tpu.memory_space<semaphore_mem>> -> memref<1x!tpu.dma_semaphore, #tpu.memory_space<semaphore_mem>>
    %dma_wait3A_289 = tpu.memref_squeeze %dma_wait3A_288 : memref<1x!tpu.dma_semaphore, #tpu.memory_space<semaphore_mem>> -> memref<!tpu.dma_semaphore, #tpu.memory_space<semaphore_mem>>
    %dma_wait3A_290 = arith.constant 0 : i32
    %dma_wait3A_291 = tpu.memref_slice %arg11[%add3A_14, %dma_wait3A_290] : memref<10240x128xf32, #tpu.memory_space<vmem_shared>> -> memref<64x128xf32, #tpu.memory_space<vmem_shared>>
    %dma_wait3A_292 = arith.constant 0 : i32
    %dma_wait3A_293 = arith.constant 0 : i32
    %dma_wait3A_294 = tpu.memref_slice %arg10[%dma_wait3A_280, %dma_wait3A_292, %dma_wait3A_293] : memref<4x64x128xf32, #tpu.memory_space<vmem>> -> memref<1x64x128xf32, #tpu.memory_space<vmem>>
    %dma_wait3A_295 = tpu.memref_squeeze %dma_wait3A_294 : memref<1x64x128xf32, #tpu.memory_space<vmem>> -> memref<64x128xf32, #tpu.memory_space<vmem>>
    tpu.wait_dma2 semaphore(%dma_wait3A_289 : memref<!tpu.dma_semaphore, #tpu.memory_space<semaphore_mem>>) src(%dma_wait3A_295 : memref<64x128xf32, #tpu.memory_space<vmem>>) dst(%dma_wait3A_291 : memref<64x128xf32, #tpu.memory_space<vmem_shared>>)
    %dma_wait3A_296 = arith.constant 0 : i32
    %dma_wait3A_297 = arith.constant 0 : i32
    %dma_wait3A_298 = arith.constant 0 : i32
    %dma_wait3A_299 = arith.constant 0 : i32
    %dma_wait3A_300 = tpu.memref_slice %arg10[%dma_wait3A_296, %dma_wait3A_298, %dma_wait3A_299] : memref<4x64x128xf32, #tpu.memory_space<vmem>> -> memref<1x64x128xf32, #tpu.memory_space<vmem>>
    %dma_wait3A_301 = tpu.memref_squeeze %dma_wait3A_300 : memref<1x64x128xf32, #tpu.memory_space<vmem>> -> memref<64x128xf32, #tpu.memory_space<vmem>>
    %dma_wait3A_302 = arith.constant 0 : i32
    %dma_wait3A_303 = tpu.memref_slice %arg11[%add3A_16, %dma_wait3A_302] : memref<10240x128xf32, #tpu.memory_space<vmem_shared>> -> memref<64x128xf32, #tpu.memory_space<vmem_shared>>
    %dma_wait3A_304 = tpu.memref_slice %arg12[%dma_wait3A_297] : memref<4x!tpu.dma_semaphore, #tpu.memory_space<semaphore_mem>> -> memref<1x!tpu.dma_semaphore, #tpu.memory_space<semaphore_mem>>
    %dma_wait3A_305 = tpu.memref_squeeze %dma_wait3A_304 : memref<1x!tpu.dma_semaphore, #tpu.memory_space<semaphore_mem>> -> memref<!tpu.dma_semaphore, #tpu.memory_space<semaphore_mem>>
    %dma_wait3A_306 = arith.constant 0 : i32
    %dma_wait3A_307 = tpu.memref_slice %arg11[%add3A_16, %dma_wait3A_306] : memref<10240x128xf32, #tpu.memory_space<vmem_shared>> -> memref<64x128xf32, #tpu.memory_space<vmem_shared>>
    %dma_wait3A_308 = arith.constant 0 : i32
    %dma_wait3A_309 = arith.constant 0 : i32
    %dma_wait3A_310 = tpu.memref_slice %arg10[%dma_wait3A_296, %dma_wait3A_308, %dma_wait3A_309] : memref<4x64x128xf32, #tpu.memory_space<vmem>> -> memref<1x64x128xf32, #tpu.memory_space<vmem>>
    %dma_wait3A_311 = tpu.memref_squeeze %dma_wait3A_310 : memref<1x64x128xf32, #tpu.memory_space<vmem>> -> memref<64x128xf32, #tpu.memory_space<vmem>>
    tpu.wait_dma2 semaphore(%dma_wait3A_305 : memref<!tpu.dma_semaphore, #tpu.memory_space<semaphore_mem>>) src(%dma_wait3A_311 : memref<64x128xf32, #tpu.memory_space<vmem>>) dst(%dma_wait3A_307 : memref<64x128xf32, #tpu.memory_space<vmem_shared>>)
    %dma_wait3A_312 = arith.constant 0 : i32
    %dma_wait3A_313 = arith.constant 0 : i32
    %dma_wait3A_314 = arith.constant 0 : i32
    %dma_wait3A_315 = arith.constant 0 : i32
    %dma_wait3A_316 = tpu.memref_slice %arg10[%dma_wait3A_312, %dma_wait3A_314, %dma_wait3A_315] : memref<4x64x128xf32, #tpu.memory_space<vmem>> -> memref<1x64x128xf32, #tpu.memory_space<vmem>>
    %dma_wait3A_317 = tpu.memref_squeeze %dma_wait3A_316 : memref<1x64x128xf32, #tpu.memory_space<vmem>> -> memref<64x128xf32, #tpu.memory_space<vmem>>
    %dma_wait3A_318 = arith.constant 0 : i32
    %dma_wait3A_319 = tpu.memref_slice %arg11[%add3A_18, %dma_wait3A_318] : memref<10240x128xf32, #tpu.memory_space<vmem_shared>> -> memref<64x128xf32, #tpu.memory_space<vmem_shared>>
    %dma_wait3A_320 = tpu.memref_slice %arg12[%dma_wait3A_313] : memref<4x!tpu.dma_semaphore, #tpu.memory_space<semaphore_mem>> -> memref<1x!tpu.dma_semaphore, #tpu.memory_space<semaphore_mem>>
    %dma_wait3A_321 = tpu.memref_squeeze %dma_wait3A_320 : memref<1x!tpu.dma_semaphore, #tpu.memory_space<semaphore_mem>> -> memref<!tpu.dma_semaphore, #tpu.memory_space<semaphore_mem>>
    %dma_wait3A_322 = arith.constant 0 : i32
    %dma_wait3A_323 = tpu.memref_slice %arg11[%add3A_18, %dma_wait3A_322] : memref<10240x128xf32, #tpu.memory_space<vmem_shared>> -> memref<64x128xf32, #tpu.memory_space<vmem_shared>>
    %dma_wait3A_324 = arith.constant 0 : i32
    %dma_wait3A_325 = arith.constant 0 : i32
    %dma_wait3A_326 = tpu.memref_slice %arg10[%dma_wait3A_312, %dma_wait3A_324, %dma_wait3A_325] : memref<4x64x128xf32, #tpu.memory_space<vmem>> -> memref<1x64x128xf32, #tpu.memory_space<vmem>>
    %dma_wait3A_327 = tpu.memref_squeeze %dma_wait3A_326 : memref<1x64x128xf32, #tpu.memory_space<vmem>> -> memref<64x128xf32, #tpu.memory_space<vmem>>
    tpu.wait_dma2 semaphore(%dma_wait3A_321 : memref<!tpu.dma_semaphore, #tpu.memory_space<semaphore_mem>>) src(%dma_wait3A_327 : memref<64x128xf32, #tpu.memory_space<vmem>>) dst(%dma_wait3A_323 : memref<64x128xf32, #tpu.memory_space<vmem_shared>>)
    %dma_wait3A_328 = arith.constant 0 : i32
    %dma_wait3A_329 = arith.constant 0 : i32
    %dma_wait3A_330 = arith.constant 0 : i32
    %dma_wait3A_331 = arith.constant 0 : i32
    %dma_wait3A_332 = tpu.memref_slice %arg10[%dma_wait3A_328, %dma_wait3A_330, %dma_wait3A_331] : memref<4x64x128xf32, #tpu.memory_space<vmem>> -> memref<1x64x128xf32, #tpu.memory_space<vmem>>
    %dma_wait3A_333 = tpu.memref_squeeze %dma_wait3A_332 : memref<1x64x128xf32, #tpu.memory_space<vmem>> -> memref<64x128xf32, #tpu.memory_space<vmem>>
    %dma_wait3A_334 = arith.constant 0 : i32
    %dma_wait3A_335 = tpu.memref_slice %arg11[%add3A_20, %dma_wait3A_334] : memref<10240x128xf32, #tpu.memory_space<vmem_shared>> -> memref<64x128xf32, #tpu.memory_space<vmem_shared>>
    %dma_wait3A_336 = tpu.memref_slice %arg12[%dma_wait3A_329] : memref<4x!tpu.dma_semaphore, #tpu.memory_space<semaphore_mem>> -> memref<1x!tpu.dma_semaphore, #tpu.memory_space<semaphore_mem>>
    %dma_wait3A_337 = tpu.memref_squeeze %dma_wait3A_336 : memref<1x!tpu.dma_semaphore, #tpu.memory_space<semaphore_mem>> -> memref<!tpu.dma_semaphore, #tpu.memory_space<semaphore_mem>>
    %dma_wait3A_338 = arith.constant 0 : i32
    %dma_wait3A_339 = tpu.memref_slice %arg11[%add3A_20, %dma_wait3A_338] : memref<10240x128xf32, #tpu.memory_space<vmem_shared>> -> memref<64x128xf32, #tpu.memory_space<vmem_shared>>
    %dma_wait3A_340 = arith.constant 0 : i32
    %dma_wait3A_341 = arith.constant 0 : i32
    %dma_wait3A_342 = tpu.memref_slice %arg10[%dma_wait3A_328, %dma_wait3A_340, %dma_wait3A_341] : memref<4x64x128xf32, #tpu.memory_space<vmem>> -> memref<1x64x128xf32, #tpu.memory_space<vmem>>
    %dma_wait3A_343 = tpu.memref_squeeze %dma_wait3A_342 : memref<1x64x128xf32, #tpu.memory_space<vmem>> -> memref<64x128xf32, #tpu.memory_space<vmem>>
    tpu.wait_dma2 semaphore(%dma_wait3A_337 : memref<!tpu.dma_semaphore, #tpu.memory_space<semaphore_mem>>) src(%dma_wait3A_343 : memref<64x128xf32, #tpu.memory_space<vmem>>) dst(%dma_wait3A_339 : memref<64x128xf32, #tpu.memory_space<vmem_shared>>)
    %dma_wait3A_344 = arith.constant 0 : i32
    %dma_wait3A_345 = arith.constant 0 : i32
    %dma_wait3A_346 = arith.constant 0 : i32
    %dma_wait3A_347 = arith.constant 0 : i32
    %dma_wait3A_348 = tpu.memref_slice %arg10[%dma_wait3A_344, %dma_wait3A_346, %dma_wait3A_347] : memref<4x64x128xf32, #tpu.memory_space<vmem>> -> memref<1x64x128xf32, #tpu.memory_space<vmem>>
    %dma_wait3A_349 = tpu.memref_squeeze %dma_wait3A_348 : memref<1x64x128xf32, #tpu.memory_space<vmem>> -> memref<64x128xf32, #tpu.memory_space<vmem>>
    %dma_wait3A_350 = arith.constant 0 : i32
    %dma_wait3A_351 = tpu.memref_slice %arg11[%add3A_22, %dma_wait3A_350] : memref<10240x128xf32, #tpu.memory_space<vmem_shared>> -> memref<64x128xf32, #tpu.memory_space<vmem_shared>>
    %dma_wait3A_352 = tpu.memref_slice %arg12[%dma_wait3A_345] : memref<4x!tpu.dma_semaphore, #tpu.memory_space<semaphore_mem>> -> memref<1x!tpu.dma_semaphore, #tpu.memory_space<semaphore_mem>>
    %dma_wait3A_353 = tpu.memref_squeeze %dma_wait3A_352 : memref<1x!tpu.dma_semaphore, #tpu.memory_space<semaphore_mem>> -> memref<!tpu.dma_semaphore, #tpu.memory_space<semaphore_mem>>
    %dma_wait3A_354 = arith.constant 0 : i32
    %dma_wait3A_355 = tpu.memref_slice %arg11[%add3A_22, %dma_wait3A_354] : memref<10240x128xf32, #tpu.memory_space<vmem_shared>> -> memref<64x128xf32, #tpu.memory_space<vmem_shared>>
    %dma_wait3A_356 = arith.constant 0 : i32
    %dma_wait3A_357 = arith.constant 0 : i32
    %dma_wait3A_358 = tpu.memref_slice %arg10[%dma_wait3A_344, %dma_wait3A_356, %dma_wait3A_357] : memref<4x64x128xf32, #tpu.memory_space<vmem>> -> memref<1x64x128xf32, #tpu.memory_space<vmem>>
    %dma_wait3A_359 = tpu.memref_squeeze %dma_wait3A_358 : memref<1x64x128xf32, #tpu.memory_space<vmem>> -> memref<64x128xf32, #tpu.memory_space<vmem>>
    tpu.wait_dma2 semaphore(%dma_wait3A_353 : memref<!tpu.dma_semaphore, #tpu.memory_space<semaphore_mem>>) src(%dma_wait3A_359 : memref<64x128xf32, #tpu.memory_space<vmem>>) dst(%dma_wait3A_355 : memref<64x128xf32, #tpu.memory_space<vmem_shared>>)
    %barrier3A = arith.constant 0 : index
    tpu.barrier barrier_id(%barrier3A)
    %dma_start3A_360 = arith.constant 0 : i32
    %dma_start3A_361 = arith.constant 0 : i32
    %dma_start3A_362 = arith.constant 0 : i32
    %dma_start3A_363 = arith.constant 0 : i32
    %dma_start3A_364 = tpu.memref_slice %arg10[%dma_start3A_360, %dma_start3A_362, %dma_start3A_363] : memref<4x64x128xf32, #tpu.memory_space<vmem>> -> memref<1x64x128xf32, #tpu.memory_space<vmem>>
    %dma_start3A_365 = tpu.memref_squeeze %dma_start3A_364 : memref<1x64x128xf32, #tpu.memory_space<vmem>> -> memref<64x128xf32, #tpu.memory_space<vmem>>
    %dma_start3A_366 = arith.constant 0 : i32
    %dma_start3A_367 = tpu.memref_slice %arg8[%dma_start3A_366] : memref<10240xi32, #tpu.memory_space<vmem>> -> memref<64xi32, #tpu.memory_space<vmem>>
    %dma_start3A_368 = arith.constant 0 : i32
    %dma_start3A_369 = arith.constant 0 : i32
    %dma_start3A_370 = tpu.memref_slice %arg2[%dma_start3A_368, %dma_start3A_369] : memref<10240x128xf32, #tpu.memory_space<hbm>> -> memref<10240x128xf32, #tpu.memory_space<hbm>>
    %dma_start3A_371 = tpu.memref_slice %arg12[%dma_start3A_361] : memref<4x!tpu.dma_semaphore, #tpu.memory_space<semaphore_mem>> -> memref<1x!tpu.dma_semaphore, #tpu.memory_space<semaphore_mem>>
    %dma_start3A_372 = tpu.memref_squeeze %dma_start3A_371 : memref<1x!tpu.dma_semaphore, #tpu.memory_space<semaphore_mem>> -> memref<!tpu.dma_semaphore, #tpu.memory_space<semaphore_mem>>
    tpu.enqueue_indirect_dma source(%dma_start3A_370 : memref<10240x128xf32, #tpu.memory_space<hbm>>) target(%dma_start3A_365 : memref<64x128xf32, #tpu.memory_space<vmem>>) offsets(%dma_start3A_367 : memref<64xi32, #tpu.memory_space<vmem>>) semaphore(%dma_start3A_372 : memref<!tpu.dma_semaphore, #tpu.memory_space<semaphore_mem>>)
    %dma_start3A_373 = arith.constant 1 : i32
    %dma_start3A_374 = arith.constant 1 : i32
    %dma_start3A_375 = arith.constant 0 : i32
    %dma_start3A_376 = arith.constant 0 : i32
    %dma_start3A_377 = tpu.memref_slice %arg10[%dma_start3A_373, %dma_start3A_375, %dma_start3A_376] : memref<4x64x128xf32, #tpu.memory_space<vmem>> -> memref<1x64x128xf32, #tpu.memory_space<vmem>>
    %dma_start3A_378 = tpu.memref_squeeze %dma_start3A_377 : memref<1x64x128xf32, #tpu.memory_space<vmem>> -> memref<64x128xf32, #tpu.memory_space<vmem>>
    %dma_start3A_379 = arith.constant 64 : i32
    %dma_start3A_380 = tpu.memref_slice %arg8[%dma_start3A_379] : memref<10240xi32, #tpu.memory_space<vmem>> -> memref<64xi32, #tpu.memory_space<vmem>>
    %dma_start3A_381 = arith.constant 0 : i32
    %dma_start3A_382 = arith.constant 0 : i32
    %dma_start3A_383 = tpu.memref_slice %arg2[%dma_start3A_381, %dma_start3A_382] : memref<10240x128xf32, #tpu.memory_space<hbm>> -> memref<10240x128xf32, #tpu.memory_space<hbm>>
    %dma_start3A_384 = tpu.memref_slice %arg12[%dma_start3A_374] : memref<4x!tpu.dma_semaphore, #tpu.memory_space<semaphore_mem>> -> memref<1x!tpu.dma_semaphore, #tpu.memory_space<semaphore_mem>>
    %dma_start3A_385 = tpu.memref_squeeze %dma_start3A_384 : memref<1x!tpu.dma_semaphore, #tpu.memory_space<semaphore_mem>> -> memref<!tpu.dma_semaphore, #tpu.memory_space<semaphore_mem>>
    tpu.enqueue_indirect_dma source(%dma_start3A_383 : memref<10240x128xf32, #tpu.memory_space<hbm>>) target(%dma_start3A_378 : memref<64x128xf32, #tpu.memory_space<vmem>>) offsets(%dma_start3A_380 : memref<64xi32, #tpu.memory_space<vmem>>) semaphore(%dma_start3A_385 : memref<!tpu.dma_semaphore, #tpu.memory_space<semaphore_mem>>)
    %dma_start3A_386 = arith.constant 2 : i32
    %dma_start3A_387 = arith.constant 2 : i32
    %dma_start3A_388 = arith.constant 0 : i32
    %dma_start3A_389 = arith.constant 0 : i32
    %dma_start3A_390 = tpu.memref_slice %arg10[%dma_start3A_386, %dma_start3A_388, %dma_start3A_389] : memref<4x64x128xf32, #tpu.memory_space<vmem>> -> memref<1x64x128xf32, #tpu.memory_space<vmem>>
    %dma_start3A_391 = tpu.memref_squeeze %dma_start3A_390 : memref<1x64x128xf32, #tpu.memory_space<vmem>> -> memref<64x128xf32, #tpu.memory_space<vmem>>
    %dma_start3A_392 = arith.constant 128 : i32
    %dma_start3A_393 = tpu.memref_slice %arg8[%dma_start3A_392] : memref<10240xi32, #tpu.memory_space<vmem>> -> memref<64xi32, #tpu.memory_space<vmem>>
    %dma_start3A_394 = arith.constant 0 : i32
    %dma_start3A_395 = arith.constant 0 : i32
    %dma_start3A_396 = tpu.memref_slice %arg2[%dma_start3A_394, %dma_start3A_395] : memref<10240x128xf32, #tpu.memory_space<hbm>> -> memref<10240x128xf32, #tpu.memory_space<hbm>>
    %dma_start3A_397 = tpu.memref_slice %arg12[%dma_start3A_387] : memref<4x!tpu.dma_semaphore, #tpu.memory_space<semaphore_mem>> -> memref<1x!tpu.dma_semaphore, #tpu.memory_space<semaphore_mem>>
    %dma_start3A_398 = tpu.memref_squeeze %dma_start3A_397 : memref<1x!tpu.dma_semaphore, #tpu.memory_space<semaphore_mem>> -> memref<!tpu.dma_semaphore, #tpu.memory_space<semaphore_mem>>
    tpu.enqueue_indirect_dma source(%dma_start3A_396 : memref<10240x128xf32, #tpu.memory_space<hbm>>) target(%dma_start3A_391 : memref<64x128xf32, #tpu.memory_space<vmem>>) offsets(%dma_start3A_393 : memref<64xi32, #tpu.memory_space<vmem>>) semaphore(%dma_start3A_398 : memref<!tpu.dma_semaphore, #tpu.memory_space<semaphore_mem>>)
    %dma_wait3A_399 = arith.constant 0 : i32
    %dma_wait3A_400 = arith.constant 0 : i32
    %dma_wait3A_401 = arith.constant 0 : i32
    %dma_wait3A_402 = tpu.memref_slice %arg9[%dma_wait3A_399, %dma_wait3A_400, %dma_wait3A_401] : memref<2x16x64xi32, #tpu.memory_space<vmem>> -> memref<1x16x64xi32, #tpu.memory_space<vmem>>
    %dma_wait3A_403 = tpu.memref_squeeze %dma_wait3A_402 : memref<1x16x64xi32, #tpu.memory_space<vmem>> -> memref<16x64xi32, #tpu.memory_space<vmem>>
    %dma_wait3A_404 = arith.constant 0 : i32
    %dma_wait3A_405 = arith.constant 0 : i32
    %dma_wait3A_406 = tpu.memref_slice %arg4[%add3A, %dma_wait3A_404, %dma_wait3A_405] : memref<32x160x64xi32, #tpu.memory_space<hbm>> -> memref<1x16x64xi32, #tpu.memory_space<hbm>>
    %dma_wait3A_407 = tpu.memref_squeeze %dma_wait3A_406 : memref<1x16x64xi32, #tpu.memory_space<hbm>> -> memref<16x64xi32, #tpu.memory_space<hbm>>
    %dma_wait3A_408 = arith.constant 0 : i32
    %dma_wait3A_409 = arith.constant 0 : i32
    %dma_wait3A_410 = tpu.memref_slice %arg9[%dma_wait3A_399, %dma_wait3A_408, %dma_wait3A_409] : memref<2x16x64xi32, #tpu.memory_space<vmem>> -> memref<1x16x64xi32, #tpu.memory_space<vmem>>
    %dma_wait3A_411 = tpu.memref_squeeze %dma_wait3A_410 : memref<1x16x64xi32, #tpu.memory_space<vmem>> -> memref<16x64xi32, #tpu.memory_space<vmem>>
    %dma_wait3A_412 = arith.constant 0 : i32
    %dma_wait3A_413 = arith.constant 0 : i32
    %dma_wait3A_414 = tpu.memref_slice %arg4[%add3A, %dma_wait3A_412, %dma_wait3A_413] : memref<32x160x64xi32, #tpu.memory_space<hbm>> -> memref<1x16x64xi32, #tpu.memory_space<hbm>>
    %dma_wait3A_415 = tpu.memref_squeeze %dma_wait3A_414 : memref<1x16x64xi32, #tpu.memory_space<hbm>> -> memref<16x64xi32, #tpu.memory_space<hbm>>
    tpu.wait_dma2 semaphore(%arg13 : memref<!tpu.dma_semaphore, #tpu.memory_space<semaphore_mem>>) src(%dma_wait3A_415 : memref<16x64xi32, #tpu.memory_space<hbm>>) dst(%dma_wait3A_411 : memref<16x64xi32, #tpu.memory_space<vmem>>)
    %dma_start3A_416 = arith.constant 1 : i32
    %dma_start3A_417 = arith.constant 0 : i32
    %dma_start3A_418 = arith.constant 0 : i32
    %dma_start3A_419 = tpu.memref_slice %arg9[%dma_start3A_416, %dma_start3A_417, %dma_start3A_418] : memref<2x16x64xi32, #tpu.memory_space<vmem>> -> memref<1x16x64xi32, #tpu.memory_space<vmem>>
    %dma_start3A_420 = tpu.memref_squeeze %dma_start3A_419 : memref<1x16x64xi32, #tpu.memory_space<vmem>> -> memref<16x64xi32, #tpu.memory_space<vmem>>
    %dma_start3A_421 = arith.constant 16 : i32
    %dma_start3A_422 = arith.constant 0 : i32
    %dma_start3A_423 = tpu.memref_slice %arg4[%add3A, %dma_start3A_421, %dma_start3A_422] : memref<32x160x64xi32, #tpu.memory_space<hbm>> -> memref<1x16x64xi32, #tpu.memory_space<hbm>>
    %dma_start3A_424 = tpu.memref_squeeze %dma_start3A_423 : memref<1x16x64xi32, #tpu.memory_space<hbm>> -> memref<16x64xi32, #tpu.memory_space<hbm>>
    %dma_start3A_425 = arith.constant 0 : i32
    %dma_start3A_426 = arith.constant 0 : i32
    %dma_start3A_427 = tpu.memref_slice %arg9[%dma_start3A_416, %dma_start3A_425, %dma_start3A_426] : memref<2x16x64xi32, #tpu.memory_space<vmem>> -> memref<1x16x64xi32, #tpu.memory_space<vmem>>
    %dma_start3A_428 = tpu.memref_squeeze %dma_start3A_427 : memref<1x16x64xi32, #tpu.memory_space<vmem>> -> memref<16x64xi32, #tpu.memory_space<vmem>>
    %dma_start3A_429 = arith.constant 16 : i32
    %dma_start3A_430 = arith.constant 0 : i32
    %dma_start3A_431 = tpu.memref_slice %arg4[%add3A, %dma_start3A_429, %dma_start3A_430] : memref<32x160x64xi32, #tpu.memory_space<hbm>> -> memref<1x16x64xi32, #tpu.memory_space<hbm>>
    %dma_start3A_432 = tpu.memref_squeeze %dma_start3A_431 : memref<1x16x64xi32, #tpu.memory_space<hbm>> -> memref<16x64xi32, #tpu.memory_space<hbm>>
    tpu.enqueue_dma source(%dma_start3A_432 : memref<16x64xi32, #tpu.memory_space<hbm>>) target(%dma_start3A_428 : memref<16x64xi32, #tpu.memory_space<vmem>>) target_semaphore(%arg13 : memref<!tpu.dma_semaphore, #tpu.memory_space<semaphore_mem>>)
    %scan3A = arith.constant 0 : i32
    %scan3A_433 = arith.constant 160 : i32
    %scan3A_434 = arith.addi %scan3A, %scan3A_433 : i32
    %scan3A_435 = arith.constant 1 : i32
    scf.for %scan3A_1198 = %scan3A to %scan3A_434 step %scan3A_435  : i32 {
      %rem3A = arith.constant 4 : i32
      %rem3A_1199 = arith.remsi %scan3A_1198, %rem3A : i32
      %div3A = arith.constant 16 : i32
      %div3A_1200 = arith.divsi %scan3A_1198, %div3A : i32
      %rem3A_1201 = arith.constant 16 : i32
      %rem3A_1202 = arith.remsi %scan3A_1198, %rem3A_1201 : i32
      %rem3A_1203 = arith.constant 2 : i32
      %rem3A_1204 = arith.remsi %div3A_1200, %rem3A_1203 : i32
      %add3A_1205 = arith.constant 4 : i32
      %add3A_1206 = arith.addi %scan3A_1198, %add3A_1205 : i32
      %sub3A = arith.constant 1 : i32
      %sub3A_1207 = arith.subi %add3A_1206, %sub3A : i32
      %lt3A = arith.constant 160 : i32
      %lt3A_1208 = arith.cmpi slt, %sub3A_1207, %lt3A : i32
      %convert_element_type3A = arith.extui %lt3A_1208 : i1 to i32
      %cond3A = arith.constant 0 : i32
      %cond3A_1209 = arith.cmpi ne, %convert_element_type3A, %cond3A : i32
      scf.if %cond3A_1209 {
        %add3A_1227 = arith.constant 4 : i32
        %add3A_1228 = arith.addi %scan3A_1198, %add3A_1227 : i32
        %sub3A_1229 = arith.constant 1 : i32
        %sub3A_1230 = arith.subi %add3A_1228, %sub3A_1229 : i32
        %add3A_1231 = arith.constant 4 : i32
        %add3A_1232 = arith.addi %scan3A_1198, %add3A_1231 : i32
        %sub3A_1233 = arith.constant 1 : i32
        %sub3A_1234 = arith.subi %add3A_1232, %sub3A_1233 : i32
        %rem3A_1235 = arith.constant 4 : i32
        %rem3A_1236 = arith.remsi %sub3A_1234, %rem3A_1235 : i32
        %mul3A_1237 = arith.constant 64 : i32
        %mul3A_1238 = arith.muli %sub3A_1230, %mul3A_1237 : i32
        %dma_start3A_1239 = arith.constant 0 : i32
        %dma_start3A_1240 = arith.constant 0 : i32
        %dma_start3A_1241 = tpu.memref_slice %arg10[%rem3A_1236, %dma_start3A_1239, %dma_start3A_1240] : memref<4x64x128xf32, #tpu.memory_space<vmem>> -> memref<1x64x128xf32, #tpu.memory_space<vmem>>
        %dma_start3A_1242 = tpu.memref_squeeze %dma_start3A_1241 : memref<1x64x128xf32, #tpu.memory_space<vmem>> -> memref<64x128xf32, #tpu.memory_space<vmem>>
        %dma_start3A_1243 = tpu.memref_slice %arg8[%mul3A_1238] : memref<10240xi32, #tpu.memory_space<vmem>> -> memref<64xi32, #tpu.memory_space<vmem>>
        %dma_start3A_1244 = arith.constant 0 : i32
        %dma_start3A_1245 = arith.constant 0 : i32
        %dma_start3A_1246 = tpu.memref_slice %arg2[%dma_start3A_1244, %dma_start3A_1245] : memref<10240x128xf32, #tpu.memory_space<hbm>> -> memref<10240x128xf32, #tpu.memory_space<hbm>>
        %dma_start3A_1247 = tpu.memref_slice %arg12[%rem3A_1236] : memref<4x!tpu.dma_semaphore, #tpu.memory_space<semaphore_mem>> -> memref<1x!tpu.dma_semaphore, #tpu.memory_space<semaphore_mem>>
        %dma_start3A_1248 = tpu.memref_squeeze %dma_start3A_1247 : memref<1x!tpu.dma_semaphore, #tpu.memory_space<semaphore_mem>> -> memref<!tpu.dma_semaphore, #tpu.memory_space<semaphore_mem>>
        tpu.enqueue_indirect_dma source(%dma_start3A_1246 : memref<10240x128xf32, #tpu.memory_space<hbm>>) target(%dma_start3A_1242 : memref<64x128xf32, #tpu.memory_space<vmem>>) offsets(%dma_start3A_1243 : memref<64xi32, #tpu.memory_space<vmem>>) semaphore(%dma_start3A_1248 : memref<!tpu.dma_semaphore, #tpu.memory_space<semaphore_mem>>)
      } else {
      }
      %mul3A_1210 = arith.constant 64 : i32
      %mul3A_1211 = arith.muli %scan3A_1198, %mul3A_1210 : i32
      %dma_wait3A_1212 = arith.constant 0 : i32
      %dma_wait3A_1213 = arith.constant 0 : i32
      %dma_wait3A_1214 = tpu.memref_slice %arg10[%rem3A_1199, %dma_wait3A_1212, %dma_wait3A_1213] : memref<4x64x128xf32, #tpu.memory_space<vmem>> -> memref<1x64x128xf32, #tpu.memory_space<vmem>>
      %dma_wait3A_1215 = tpu.memref_squeeze %dma_wait3A_1214 : memref<1x64x128xf32, #tpu.memory_space<vmem>> -> memref<64x128xf32, #tpu.memory_space<vmem>>
      %dma_wait3A_1216 = tpu.memref_slice %arg8[%mul3A_1211] : memref<10240xi32, #tpu.memory_space<vmem>> -> memref<64xi32, #tpu.memory_space<vmem>>
      %dma_wait3A_1217 = arith.constant 0 : i32
      %dma_wait3A_1218 = arith.constant 0 : i32
      %dma_wait3A_1219 = tpu.memref_slice %arg2[%dma_wait3A_1217, %dma_wait3A_1218] : memref<10240x128xf32, #tpu.memory_space<hbm>> -> memref<10240x128xf32, #tpu.memory_space<hbm>>
      %dma_wait3A_1220 = tpu.memref_slice %arg12[%rem3A_1199] : memref<4x!tpu.dma_semaphore, #tpu.memory_space<semaphore_mem>> -> memref<1x!tpu.dma_semaphore, #tpu.memory_space<semaphore_mem>>
      %dma_wait3A_1221 = tpu.memref_squeeze %dma_wait3A_1220 : memref<1x!tpu.dma_semaphore, #tpu.memory_space<semaphore_mem>> -> memref<!tpu.dma_semaphore, #tpu.memory_space<semaphore_mem>>
      tpu.wait_indirect_dma semaphore(%dma_wait3A_1221 : memref<!tpu.dma_semaphore, #tpu.memory_space<semaphore_mem>>) src(%dma_wait3A_1219 : memref<10240x128xf32, #tpu.memory_space<hbm>>) dst(%dma_wait3A_1215 : memref<64x128xf32, #tpu.memory_space<vmem>>)
      %eq3A = arith.constant 0 : i32
      %eq3A_1222 = arith.cmpi eq, %rem3A_1202, %eq3A : i32
      %ge3A = arith.constant 1 : i32
      %ge3A_1223 = arith.cmpi sge, %div3A_1200, %ge3A : i32
      %and3A = arith.andi %eq3A_1222, %ge3A_1223 : i1
      %convert_element_type3A_1224 = arith.extui %and3A : i1 to i32
      %cond3A_1225 = arith.constant 0 : i32
      %cond3A_1226 = arith.cmpi ne, %convert_element_type3A_1224, %cond3A_1225 : i32
      scf.if %cond3A_1226 {
        %mul3A_1227 = arith.constant 16 : i32
        %mul3A_1228 = arith.muli %div3A_1200, %mul3A_1227 : i32
        %dma_wait3A_1229 = arith.constant 0 : i32
        %dma_wait3A_1230 = arith.constant 0 : i32
        %dma_wait3A_1231 = tpu.memref_slice %arg9[%rem3A_1204, %dma_wait3A_1229, %dma_wait3A_1230] : memref<2x16x64xi32, #tpu.memory_space<vmem>> -> memref<1x16x64xi32, #tpu.memory_space<vmem>>
        %dma_wait3A_1232 = tpu.memref_squeeze %dma_wait3A_1231 : memref<1x16x64xi32, #tpu.memory_space<vmem>> -> memref<16x64xi32, #tpu.memory_space<vmem>>
        %dma_wait3A_1233 = arith.constant 0 : i32
        %dma_wait3A_1234 = tpu.memref_slice %arg4[%add3A, %mul3A_1228, %dma_wait3A_1233] : memref<32x160x64xi32, #tpu.memory_space<hbm>> -> memref<1x16x64xi32, #tpu.memory_space<hbm>>
        %dma_wait3A_1235 = tpu.memref_squeeze %dma_wait3A_1234 : memref<1x16x64xi32, #tpu.memory_space<hbm>> -> memref<16x64xi32, #tpu.memory_space<hbm>>
        %dma_wait3A_1236 = arith.constant 0 : i32
        %dma_wait3A_1237 = arith.constant 0 : i32
        %dma_wait3A_1238 = tpu.memref_slice %arg9[%rem3A_1204, %dma_wait3A_1236, %dma_wait3A_1237] : memref<2x16x64xi32, #tpu.memory_space<vmem>> -> memref<1x16x64xi32, #tpu.memory_space<vmem>>
        %dma_wait3A_1239 = tpu.memref_squeeze %dma_wait3A_1238 : memref<1x16x64xi32, #tpu.memory_space<vmem>> -> memref<16x64xi32, #tpu.memory_space<vmem>>
        %dma_wait3A_1240 = arith.constant 0 : i32
        %dma_wait3A_1241 = tpu.memref_slice %arg4[%add3A, %mul3A_1228, %dma_wait3A_1240] : memref<32x160x64xi32, #tpu.memory_space<hbm>> -> memref<1x16x64xi32, #tpu.memory_space<hbm>>
        %dma_wait3A_1242 = tpu.memref_squeeze %dma_wait3A_1241 : memref<1x16x64xi32, #tpu.memory_space<hbm>> -> memref<16x64xi32, #tpu.memory_space<hbm>>
        tpu.wait_dma2 semaphore(%arg13 : memref<!tpu.dma_semaphore, #tpu.memory_space<semaphore_mem>>) src(%dma_wait3A_1242 : memref<16x64xi32, #tpu.memory_space<hbm>>) dst(%dma_wait3A_1239 : memref<16x64xi32, #tpu.memory_space<vmem>>)
        %add3A_1243 = arith.constant 1 : i32
        %add3A_1244 = arith.addi %div3A_1200, %add3A_1243 : i32
        %lt3A_1245 = arith.constant 10 : i32
        %lt3A_1246 = arith.cmpi slt, %add3A_1244, %lt3A_1245 : i32
        %convert_element_type3A_1247 = arith.extui %lt3A_1246 : i1 to i32
        %cond3A_1248 = arith.constant 0 : i32
        %cond3A_1249 = arith.cmpi ne, %convert_element_type3A_1247, %cond3A_1248 : i32
        scf.if %cond3A_1249 {
          %add3A_1250 = arith.constant 1 : i32
          %add3A_1251 = arith.addi %div3A_1200, %add3A_1250 : i32
          %sub3A_1252 = arith.constant 1 : i32
          %sub3A_1253 = arith.subi %sub3A_1252, %rem3A_1204 : i32
          %mul3A_1254 = arith.constant 16 : i32
          %mul3A_1255 = arith.muli %add3A_1251, %mul3A_1254 : i32
          %dma_start3A_1256 = arith.constant 0 : i32
          %dma_start3A_1257 = arith.constant 0 : i32
          %dma_start3A_1258 = tpu.memref_slice %arg9[%sub3A_1253, %dma_start3A_1256, %dma_start3A_1257] : memref<2x16x64xi32, #tpu.memory_space<vmem>> -> memref<1x16x64xi32, #tpu.memory_space<vmem>>
          %dma_start3A_1259 = tpu.memref_squeeze %dma_start3A_1258 : memref<1x16x64xi32, #tpu.memory_space<vmem>> -> memref<16x64xi32, #tpu.memory_space<vmem>>
          %dma_start3A_1260 = arith.constant 0 : i32
          %dma_start3A_1261 = tpu.memref_slice %arg4[%add3A, %mul3A_1255, %dma_start3A_1260] : memref<32x160x64xi32, #tpu.memory_space<hbm>> -> memref<1x16x64xi32, #tpu.memory_space<hbm>>
          %dma_start3A_1262 = tpu.memref_squeeze %dma_start3A_1261 : memref<1x16x64xi32, #tpu.memory_space<hbm>> -> memref<16x64xi32, #tpu.memory_space<hbm>>
          %dma_start3A_1263 = arith.constant 0 : i32
          %dma_start3A_1264 = arith.constant 0 : i32
          %dma_start3A_1265 = tpu.memref_slice %arg9[%sub3A_1253, %dma_start3A_1263, %dma_start3A_1264] : memref<2x16x64xi32, #tpu.memory_space<vmem>> -> memref<1x16x64xi32, #tpu.memory_space<vmem>>
          %dma_start3A_1266 = tpu.memref_squeeze %dma_start3A_1265 : memref<1x16x64xi32, #tpu.memory_space<vmem>> -> memref<16x64xi32, #tpu.memory_space<vmem>>
          %dma_start3A_1267 = arith.constant 0 : i32
          %dma_start3A_1268 = tpu.memref_slice %arg4[%add3A, %mul3A_1255, %dma_start3A_1267] : memref<32x160x64xi32, #tpu.memory_space<hbm>> -> memref<1x16x64xi32, #tpu.memory_space<hbm>>
          %dma_start3A_1269 = tpu.memref_squeeze %dma_start3A_1268 : memref<1x16x64xi32, #tpu.memory_space<hbm>> -> memref<16x64xi32, #tpu.memory_space<hbm>>
          tpu.enqueue_dma source(%dma_start3A_1269 : memref<16x64xi32, #tpu.memory_space<hbm>>) target(%dma_start3A_1266 : memref<16x64xi32, #tpu.memory_space<vmem>>) target_semaphore(%arg13 : memref<!tpu.dma_semaphore, #tpu.memory_space<semaphore_mem>>)
        } else {
        }
      } else {
      }
      "tpu.region"() ({
        %run_scoped3A_1227 = tpu.sem_alloc : memref<!tpu.dma_semaphore, #tpu.memory_space<semaphore_mem>>
        %dma_start3A_1228 = arith.constant 0 : i32
        %dma_start3A_1229 = arith.constant 0 : i32
        %dma_start3A_1230 = tpu.memref_slice %arg10[%rem3A_1199, %dma_start3A_1228, %dma_start3A_1229] : memref<4x64x128xf32, #tpu.memory_space<vmem>> -> memref<1x64x128xf32, #tpu.memory_space<vmem>>
        %dma_start3A_1231 = tpu.memref_squeeze %dma_start3A_1230 : memref<1x64x128xf32, #tpu.memory_space<vmem>> -> memref<64x128xf32, #tpu.memory_space<vmem>>
        %dma_start3A_1232 = arith.constant 0 : i32
        %dma_start3A_1233 = tpu.memref_slice %arg9[%rem3A_1204, %rem3A_1202, %dma_start3A_1232] : memref<2x16x64xi32, #tpu.memory_space<vmem>> -> memref<1x1x64xi32, #tpu.memory_space<vmem>>
        %dma_start3A_1234 = tpu.memref_squeeze %dma_start3A_1233 : memref<1x1x64xi32, #tpu.memory_space<vmem>> -> memref<64xi32, #tpu.memory_space<vmem>>
        %dma_start3A_1235 = arith.constant 0 : i32
        %dma_start3A_1236 = arith.constant 0 : i32
        %dma_start3A_1237 = tpu.memref_slice %arg11[%dma_start3A_1235, %dma_start3A_1236] : memref<10240x128xf32, #tpu.memory_space<vmem_shared>> -> memref<10240x128xf32, #tpu.memory_space<vmem_shared>>
        tpu.enqueue_indirect_dma source(%dma_start3A_1231 : memref<64x128xf32, #tpu.memory_space<vmem>>) target(%dma_start3A_1237 : memref<10240x128xf32, #tpu.memory_space<vmem_shared>>) offsets(%dma_start3A_1234 : memref<64xi32, #tpu.memory_space<vmem>>) semaphore(%run_scoped3A_1227 : memref<!tpu.dma_semaphore, #tpu.memory_space<semaphore_mem>>) {add = true}
        %dma_wait3A_1238 = arith.constant 0 : i32
        %dma_wait3A_1239 = arith.constant 0 : i32
        %dma_wait3A_1240 = tpu.memref_slice %arg10[%rem3A_1199, %dma_wait3A_1238, %dma_wait3A_1239] : memref<4x64x128xf32, #tpu.memory_space<vmem>> -> memref<1x64x128xf32, #tpu.memory_space<vmem>>
        %dma_wait3A_1241 = tpu.memref_squeeze %dma_wait3A_1240 : memref<1x64x128xf32, #tpu.memory_space<vmem>> -> memref<64x128xf32, #tpu.memory_space<vmem>>
        %dma_wait3A_1242 = arith.constant 0 : i32
        %dma_wait3A_1243 = tpu.memref_slice %arg9[%rem3A_1204, %rem3A_1202, %dma_wait3A_1242] : memref<2x16x64xi32, #tpu.memory_space<vmem>> -> memref<1x1x64xi32, #tpu.memory_space<vmem>>
        %dma_wait3A_1244 = tpu.memref_squeeze %dma_wait3A_1243 : memref<1x1x64xi32, #tpu.memory_space<vmem>> -> memref<64xi32, #tpu.memory_space<vmem>>
        %dma_wait3A_1245 = arith.constant 0 : i32
        %dma_wait3A_1246 = arith.constant 0 : i32
        %dma_wait3A_1247 = tpu.memref_slice %arg11[%dma_wait3A_1245, %dma_wait3A_1246] : memref<10240x128xf32, #tpu.memory_space<vmem_shared>> -> memref<10240x128xf32, #tpu.memory_space<vmem_shared>>
        tpu.wait_indirect_dma semaphore(%run_scoped3A_1227 : memref<!tpu.dma_semaphore, #tpu.memory_space<semaphore_mem>>) src(%dma_wait3A_1241 : memref<64x128xf32, #tpu.memory_space<vmem>>) dst(%dma_wait3A_1247 : memref<10240x128xf32, #tpu.memory_space<vmem_shared>>)
        tpu.yield
      }) : () -> ()
    }
    %scan3A_436 = arith.constant 160 : i32
    %barrier3A_437 = arith.constant 0 : index
    tpu.barrier barrier_id(%barrier3A_437)
    %add3A_438 = arith.constant 0 : i32
    %add3A_439 = arith.addi %mul3A_2, %add3A_438 : i32
    %dma_start3A_440 = arith.constant 0 : i32
    %dma_start3A_441 = arith.constant 0 : i32
    %dma_start3A_442 = arith.constant 0 : i32
    %dma_start3A_443 = arith.constant 0 : i32
    %dma_start3A_444 = tpu.memref_slice %arg10[%dma_start3A_440, %dma_start3A_442, %dma_start3A_443] : memref<4x64x128xf32, #tpu.memory_space<vmem>> -> memref<1x64x128xf32, #tpu.memory_space<vmem>>
    %dma_start3A_445 = tpu.memref_squeeze %dma_start3A_444 : memref<1x64x128xf32, #tpu.memory_space<vmem>> -> memref<64x128xf32, #tpu.memory_space<vmem>>
    %dma_start3A_446 = arith.constant 0 : i32
    %dma_start3A_447 = tpu.memref_slice %arg11[%add3A_439, %dma_start3A_446] : memref<10240x128xf32, #tpu.memory_space<vmem_shared>> -> memref<64x128xf32, #tpu.memory_space<vmem_shared>>
    %dma_start3A_448 = tpu.memref_slice %arg12[%dma_start3A_441] : memref<4x!tpu.dma_semaphore, #tpu.memory_space<semaphore_mem>> -> memref<1x!tpu.dma_semaphore, #tpu.memory_space<semaphore_mem>>
    %dma_start3A_449 = tpu.memref_squeeze %dma_start3A_448 : memref<1x!tpu.dma_semaphore, #tpu.memory_space<semaphore_mem>> -> memref<!tpu.dma_semaphore, #tpu.memory_space<semaphore_mem>>
    %dma_start3A_450 = arith.constant 0 : i32
    %dma_start3A_451 = arith.constant 0 : i32
    %dma_start3A_452 = tpu.memref_slice %arg10[%dma_start3A_440, %dma_start3A_450, %dma_start3A_451] : memref<4x64x128xf32, #tpu.memory_space<vmem>> -> memref<1x64x128xf32, #tpu.memory_space<vmem>>
    %dma_start3A_453 = tpu.memref_squeeze %dma_start3A_452 : memref<1x64x128xf32, #tpu.memory_space<vmem>> -> memref<64x128xf32, #tpu.memory_space<vmem>>
    %dma_start3A_454 = arith.constant 0 : i32
    %dma_start3A_455 = tpu.memref_slice %arg11[%add3A_439, %dma_start3A_454] : memref<10240x128xf32, #tpu.memory_space<vmem_shared>> -> memref<64x128xf32, #tpu.memory_space<vmem_shared>>
    tpu.enqueue_dma source(%dma_start3A_455 : memref<64x128xf32, #tpu.memory_space<vmem_shared>>) target(%dma_start3A_453 : memref<64x128xf32, #tpu.memory_space<vmem>>) target_semaphore(%dma_start3A_449 : memref<!tpu.dma_semaphore, #tpu.memory_space<semaphore_mem>>)
    %add3A_456 = arith.constant 0 : i32
    %add3A_457 = arith.addi %mul3A_2, %add3A_456 : i32
    %dma_wait3A_458 = arith.constant 0 : i32
    %dma_wait3A_459 = arith.constant 0 : i32
    %dma_wait3A_460 = arith.constant 0 : i32
    %dma_wait3A_461 = arith.constant 0 : i32
    %dma_wait3A_462 = tpu.memref_slice %arg10[%dma_wait3A_458, %dma_wait3A_460, %dma_wait3A_461] : memref<4x64x128xf32, #tpu.memory_space<vmem>> -> memref<1x64x128xf32, #tpu.memory_space<vmem>>
    %dma_wait3A_463 = tpu.memref_squeeze %dma_wait3A_462 : memref<1x64x128xf32, #tpu.memory_space<vmem>> -> memref<64x128xf32, #tpu.memory_space<vmem>>
    %dma_wait3A_464 = arith.constant 0 : i32
    %dma_wait3A_465 = tpu.memref_slice %arg11[%add3A_457, %dma_wait3A_464] : memref<10240x128xf32, #tpu.memory_space<vmem_shared>> -> memref<64x128xf32, #tpu.memory_space<vmem_shared>>
    %dma_wait3A_466 = tpu.memref_slice %arg12[%dma_wait3A_459] : memref<4x!tpu.dma_semaphore, #tpu.memory_space<semaphore_mem>> -> memref<1x!tpu.dma_semaphore, #tpu.memory_space<semaphore_mem>>
    %dma_wait3A_467 = tpu.memref_squeeze %dma_wait3A_466 : memref<1x!tpu.dma_semaphore, #tpu.memory_space<semaphore_mem>> -> memref<!tpu.dma_semaphore, #tpu.memory_space<semaphore_mem>>
    %dma_wait3A_468 = arith.constant 0 : i32
    %dma_wait3A_469 = arith.constant 0 : i32
    %dma_wait3A_470 = tpu.memref_slice %arg10[%dma_wait3A_458, %dma_wait3A_468, %dma_wait3A_469] : memref<4x64x128xf32, #tpu.memory_space<vmem>> -> memref<1x64x128xf32, #tpu.memory_space<vmem>>
    %dma_wait3A_471 = tpu.memref_squeeze %dma_wait3A_470 : memref<1x64x128xf32, #tpu.memory_space<vmem>> -> memref<64x128xf32, #tpu.memory_space<vmem>>
    %dma_wait3A_472 = arith.constant 0 : i32
    %dma_wait3A_473 = tpu.memref_slice %arg11[%add3A_457, %dma_wait3A_472] : memref<10240x128xf32, #tpu.memory_space<vmem_shared>> -> memref<64x128xf32, #tpu.memory_space<vmem_shared>>
    tpu.wait_dma2 semaphore(%dma_wait3A_467 : memref<!tpu.dma_semaphore, #tpu.memory_space<semaphore_mem>>) src(%dma_wait3A_473 : memref<64x128xf32, #tpu.memory_space<vmem_shared>>) dst(%dma_wait3A_471 : memref<64x128xf32, #tpu.memory_space<vmem>>)
    %add3A_474 = arith.constant 64 : i32
    %add3A_475 = arith.addi %mul3A_2, %add3A_474 : i32
    %dma_start3A_476 = arith.constant 1 : i32
    %dma_start3A_477 = arith.constant 1 : i32
    %dma_start3A_478 = arith.constant 0 : i32
    %dma_start3A_479 = arith.constant 0 : i32
    %dma_start3A_480 = tpu.memref_slice %arg10[%dma_start3A_476, %dma_start3A_478, %dma_start3A_479] : memref<4x64x128xf32, #tpu.memory_space<vmem>> -> memref<1x64x128xf32, #tpu.memory_space<vmem>>
    %dma_start3A_481 = tpu.memref_squeeze %dma_start3A_480 : memref<1x64x128xf32, #tpu.memory_space<vmem>> -> memref<64x128xf32, #tpu.memory_space<vmem>>
    %dma_start3A_482 = arith.constant 0 : i32
    %dma_start3A_483 = tpu.memref_slice %arg11[%add3A_475, %dma_start3A_482] : memref<10240x128xf32, #tpu.memory_space<vmem_shared>> -> memref<64x128xf32, #tpu.memory_space<vmem_shared>>
    %dma_start3A_484 = tpu.memref_slice %arg12[%dma_start3A_477] : memref<4x!tpu.dma_semaphore, #tpu.memory_space<semaphore_mem>> -> memref<1x!tpu.dma_semaphore, #tpu.memory_space<semaphore_mem>>
    %dma_start3A_485 = tpu.memref_squeeze %dma_start3A_484 : memref<1x!tpu.dma_semaphore, #tpu.memory_space<semaphore_mem>> -> memref<!tpu.dma_semaphore, #tpu.memory_space<semaphore_mem>>
    %dma_start3A_486 = arith.constant 0 : i32
    %dma_start3A_487 = arith.constant 0 : i32
    %dma_start3A_488 = tpu.memref_slice %arg10[%dma_start3A_476, %dma_start3A_486, %dma_start3A_487] : memref<4x64x128xf32, #tpu.memory_space<vmem>> -> memref<1x64x128xf32, #tpu.memory_space<vmem>>
    %dma_start3A_489 = tpu.memref_squeeze %dma_start3A_488 : memref<1x64x128xf32, #tpu.memory_space<vmem>> -> memref<64x128xf32, #tpu.memory_space<vmem>>
    %dma_start3A_490 = arith.constant 0 : i32
    %dma_start3A_491 = tpu.memref_slice %arg11[%add3A_475, %dma_start3A_490] : memref<10240x128xf32, #tpu.memory_space<vmem_shared>> -> memref<64x128xf32, #tpu.memory_space<vmem_shared>>
    tpu.enqueue_dma source(%dma_start3A_491 : memref<64x128xf32, #tpu.memory_space<vmem_shared>>) target(%dma_start3A_489 : memref<64x128xf32, #tpu.memory_space<vmem>>) target_semaphore(%dma_start3A_485 : memref<!tpu.dma_semaphore, #tpu.memory_space<semaphore_mem>>)
    %add3A_492 = arith.constant 0 : i32
    %add3A_493 = arith.addi %mul3A_2, %add3A_492 : i32
    %dma_start3A_494 = arith.constant 0 : i32
    %dma_start3A_495 = arith.constant 2 : i32
    %dma_start3A_496 = arith.constant 0 : i32
    %dma_start3A_497 = arith.constant 0 : i32
    %dma_start3A_498 = tpu.memref_slice %arg10[%dma_start3A_494, %dma_start3A_496, %dma_start3A_497] : memref<4x64x128xf32, #tpu.memory_space<vmem>> -> memref<1x64x128xf32, #tpu.memory_space<vmem>>
    %dma_start3A_499 = tpu.memref_squeeze %dma_start3A_498 : memref<1x64x128xf32, #tpu.memory_space<vmem>> -> memref<64x128xf32, #tpu.memory_space<vmem>>
    %dma_start3A_500 = arith.constant 0 : i32
    %dma_start3A_501 = tpu.memref_slice %arg7[%arg0, %add3A_493, %dma_start3A_500] : memref<2x10240x128xf32, #tpu.memory_space<hbm>> -> memref<1x64x128xf32, #tpu.memory_space<hbm>>
    %dma_start3A_502 = tpu.memref_squeeze %dma_start3A_501 : memref<1x64x128xf32, #tpu.memory_space<hbm>> -> memref<64x128xf32, #tpu.memory_space<hbm>>
    %dma_start3A_503 = tpu.memref_slice %arg12[%dma_start3A_495] : memref<4x!tpu.dma_semaphore, #tpu.memory_space<semaphore_mem>> -> memref<1x!tpu.dma_semaphore, #tpu.memory_space<semaphore_mem>>
    %dma_start3A_504 = tpu.memref_squeeze %dma_start3A_503 : memref<1x!tpu.dma_semaphore, #tpu.memory_space<semaphore_mem>> -> memref<!tpu.dma_semaphore, #tpu.memory_space<semaphore_mem>>
    %dma_start3A_505 = arith.constant 0 : i32
    %dma_start3A_506 = tpu.memref_slice %arg7[%arg0, %add3A_493, %dma_start3A_505] : memref<2x10240x128xf32, #tpu.memory_space<hbm>> -> memref<1x64x128xf32, #tpu.memory_space<hbm>>
    %dma_start3A_507 = tpu.memref_squeeze %dma_start3A_506 : memref<1x64x128xf32, #tpu.memory_space<hbm>> -> memref<64x128xf32, #tpu.memory_space<hbm>>
    %dma_start3A_508 = arith.constant 0 : i32
    %dma_start3A_509 = arith.constant 0 : i32
    %dma_start3A_510 = tpu.memref_slice %arg10[%dma_start3A_494, %dma_start3A_508, %dma_start3A_509] : memref<4x64x128xf32, #tpu.memory_space<vmem>> -> memref<1x64x128xf32, #tpu.memory_space<vmem>>
    %dma_start3A_511 = tpu.memref_squeeze %dma_start3A_510 : memref<1x64x128xf32, #tpu.memory_space<vmem>> -> memref<64x128xf32, #tpu.memory_space<vmem>>
    tpu.enqueue_dma source(%dma_start3A_511 : memref<64x128xf32, #tpu.memory_space<vmem>>) target(%dma_start3A_507 : memref<64x128xf32, #tpu.memory_space<hbm>>) target_semaphore(%dma_start3A_504 : memref<!tpu.dma_semaphore, #tpu.memory_space<semaphore_mem>>)
    %add3A_512 = arith.constant 64 : i32
    %add3A_513 = arith.addi %mul3A_2, %add3A_512 : i32
    %dma_wait3A_514 = arith.constant 1 : i32
    %dma_wait3A_515 = arith.constant 1 : i32
    %dma_wait3A_516 = arith.constant 0 : i32
    %dma_wait3A_517 = arith.constant 0 : i32
    %dma_wait3A_518 = tpu.memref_slice %arg10[%dma_wait3A_514, %dma_wait3A_516, %dma_wait3A_517] : memref<4x64x128xf32, #tpu.memory_space<vmem>> -> memref<1x64x128xf32, #tpu.memory_space<vmem>>
    %dma_wait3A_519 = tpu.memref_squeeze %dma_wait3A_518 : memref<1x64x128xf32, #tpu.memory_space<vmem>> -> memref<64x128xf32, #tpu.memory_space<vmem>>
    %dma_wait3A_520 = arith.constant 0 : i32
    %dma_wait3A_521 = tpu.memref_slice %arg11[%add3A_513, %dma_wait3A_520] : memref<10240x128xf32, #tpu.memory_space<vmem_shared>> -> memref<64x128xf32, #tpu.memory_space<vmem_shared>>
    %dma_wait3A_522 = tpu.memref_slice %arg12[%dma_wait3A_515] : memref<4x!tpu.dma_semaphore, #tpu.memory_space<semaphore_mem>> -> memref<1x!tpu.dma_semaphore, #tpu.memory_space<semaphore_mem>>
    %dma_wait3A_523 = tpu.memref_squeeze %dma_wait3A_522 : memref<1x!tpu.dma_semaphore, #tpu.memory_space<semaphore_mem>> -> memref<!tpu.dma_semaphore, #tpu.memory_space<semaphore_mem>>
    %dma_wait3A_524 = arith.constant 0 : i32
    %dma_wait3A_525 = arith.constant 0 : i32
    %dma_wait3A_526 = tpu.memref_slice %arg10[%dma_wait3A_514, %dma_wait3A_524, %dma_wait3A_525] : memref<4x64x128xf32, #tpu.memory_space<vmem>> -> memref<1x64x128xf32, #tpu.memory_space<vmem>>
    %dma_wait3A_527 = tpu.memref_squeeze %dma_wait3A_526 : memref<1x64x128xf32, #tpu.memory_space<vmem>> -> memref<64x128xf32, #tpu.memory_space<vmem>>
    %dma_wait3A_528 = arith.constant 0 : i32
    %dma_wait3A_529 = tpu.memref_slice %arg11[%add3A_513, %dma_wait3A_528] : memref<10240x128xf32, #tpu.memory_space<vmem_shared>> -> memref<64x128xf32, #tpu.memory_space<vmem_shared>>
    tpu.wait_dma2 semaphore(%dma_wait3A_523 : memref<!tpu.dma_semaphore, #tpu.memory_space<semaphore_mem>>) src(%dma_wait3A_529 : memref<64x128xf32, #tpu.memory_space<vmem_shared>>) dst(%dma_wait3A_527 : memref<64x128xf32, #tpu.memory_space<vmem>>)
    %add3A_530 = arith.constant 0 : i32
    %add3A_531 = arith.addi %mul3A_2, %add3A_530 : i32
    %dma_wait3A_532 = arith.constant 0 : i32
    %dma_wait3A_533 = arith.constant 2 : i32
    %dma_wait3A_534 = arith.constant 0 : i32
    %dma_wait3A_535 = arith.constant 0 : i32
    %dma_wait3A_536 = tpu.memref_slice %arg10[%dma_wait3A_532, %dma_wait3A_534, %dma_wait3A_535] : memref<4x64x128xf32, #tpu.memory_space<vmem>> -> memref<1x64x128xf32, #tpu.memory_space<vmem>>
    %dma_wait3A_537 = tpu.memref_squeeze %dma_wait3A_536 : memref<1x64x128xf32, #tpu.memory_space<vmem>> -> memref<64x128xf32, #tpu.memory_space<vmem>>
    %dma_wait3A_538 = arith.constant 0 : i32
    %dma_wait3A_539 = tpu.memref_slice %arg7[%arg0, %add3A_531, %dma_wait3A_538] : memref<2x10240x128xf32, #tpu.memory_space<hbm>> -> memref<1x64x128xf32, #tpu.memory_space<hbm>>
    %dma_wait3A_540 = tpu.memref_squeeze %dma_wait3A_539 : memref<1x64x128xf32, #tpu.memory_space<hbm>> -> memref<64x128xf32, #tpu.memory_space<hbm>>
    %dma_wait3A_541 = tpu.memref_slice %arg12[%dma_wait3A_533] : memref<4x!tpu.dma_semaphore, #tpu.memory_space<semaphore_mem>> -> memref<1x!tpu.dma_semaphore, #tpu.memory_space<semaphore_mem>>
    %dma_wait3A_542 = tpu.memref_squeeze %dma_wait3A_541 : memref<1x!tpu.dma_semaphore, #tpu.memory_space<semaphore_mem>> -> memref<!tpu.dma_semaphore, #tpu.memory_space<semaphore_mem>>
    %dma_wait3A_543 = arith.constant 0 : i32
    %dma_wait3A_544 = tpu.memref_slice %arg7[%arg0, %add3A_531, %dma_wait3A_543] : memref<2x10240x128xf32, #tpu.memory_space<hbm>> -> memref<1x64x128xf32, #tpu.memory_space<hbm>>
    %dma_wait3A_545 = tpu.memref_squeeze %dma_wait3A_544 : memref<1x64x128xf32, #tpu.memory_space<hbm>> -> memref<64x128xf32, #tpu.memory_space<hbm>>
    %dma_wait3A_546 = arith.constant 0 : i32
    %dma_wait3A_547 = arith.constant 0 : i32
    %dma_wait3A_548 = tpu.memref_slice %arg10[%dma_wait3A_532, %dma_wait3A_546, %dma_wait3A_547] : memref<4x64x128xf32, #tpu.memory_space<vmem>> -> memref<1x64x128xf32, #tpu.memory_space<vmem>>
    %dma_wait3A_549 = tpu.memref_squeeze %dma_wait3A_548 : memref<1x64x128xf32, #tpu.memory_space<vmem>> -> memref<64x128xf32, #tpu.memory_space<vmem>>
    tpu.wait_dma2 semaphore(%dma_wait3A_542 : memref<!tpu.dma_semaphore, #tpu.memory_space<semaphore_mem>>) src(%dma_wait3A_549 : memref<64x128xf32, #tpu.memory_space<vmem>>) dst(%dma_wait3A_545 : memref<64x128xf32, #tpu.memory_space<hbm>>)
    %add3A_550 = arith.constant 128 : i32
    %add3A_551 = arith.addi %mul3A_2, %add3A_550 : i32
    %dma_start3A_552 = arith.constant 0 : i32
    %dma_start3A_553 = arith.constant 0 : i32
    %dma_start3A_554 = arith.constant 0 : i32
    %dma_start3A_555 = arith.constant 0 : i32
    %dma_start3A_556 = tpu.memref_slice %arg10[%dma_start3A_552, %dma_start3A_554, %dma_start3A_555] : memref<4x64x128xf32, #tpu.memory_space<vmem>> -> memref<1x64x128xf32, #tpu.memory_space<vmem>>
    %dma_start3A_557 = tpu.memref_squeeze %dma_start3A_556 : memref<1x64x128xf32, #tpu.memory_space<vmem>> -> memref<64x128xf32, #tpu.memory_space<vmem>>
    %dma_start3A_558 = arith.constant 0 : i32
    %dma_start3A_559 = tpu.memref_slice %arg11[%add3A_551, %dma_start3A_558] : memref<10240x128xf32, #tpu.memory_space<vmem_shared>> -> memref<64x128xf32, #tpu.memory_space<vmem_shared>>
    %dma_start3A_560 = tpu.memref_slice %arg12[%dma_start3A_553] : memref<4x!tpu.dma_semaphore, #tpu.memory_space<semaphore_mem>> -> memref<1x!tpu.dma_semaphore, #tpu.memory_space<semaphore_mem>>
    %dma_start3A_561 = tpu.memref_squeeze %dma_start3A_560 : memref<1x!tpu.dma_semaphore, #tpu.memory_space<semaphore_mem>> -> memref<!tpu.dma_semaphore, #tpu.memory_space<semaphore_mem>>
    %dma_start3A_562 = arith.constant 0 : i32
    %dma_start3A_563 = arith.constant 0 : i32
    %dma_start3A_564 = tpu.memref_slice %arg10[%dma_start3A_552, %dma_start3A_562, %dma_start3A_563] : memref<4x64x128xf32, #tpu.memory_space<vmem>> -> memref<1x64x128xf32, #tpu.memory_space<vmem>>
    %dma_start3A_565 = tpu.memref_squeeze %dma_start3A_564 : memref<1x64x128xf32, #tpu.memory_space<vmem>> -> memref<64x128xf32, #tpu.memory_space<vmem>>
    %dma_start3A_566 = arith.constant 0 : i32
    %dma_start3A_567 = tpu.memref_slice %arg11[%add3A_551, %dma_start3A_566] : memref<10240x128xf32, #tpu.memory_space<vmem_shared>> -> memref<64x128xf32, #tpu.memory_space<vmem_shared>>
    tpu.enqueue_dma source(%dma_start3A_567 : memref<64x128xf32, #tpu.memory_space<vmem_shared>>) target(%dma_start3A_565 : memref<64x128xf32, #tpu.memory_space<vmem>>) target_semaphore(%dma_start3A_561 : memref<!tpu.dma_semaphore, #tpu.memory_space<semaphore_mem>>)
    %add3A_568 = arith.constant 64 : i32
    %add3A_569 = arith.addi %mul3A_2, %add3A_568 : i32
    %dma_start3A_570 = arith.constant 1 : i32
    %dma_start3A_571 = arith.constant 3 : i32
    %dma_start3A_572 = arith.constant 0 : i32
    %dma_start3A_573 = arith.constant 0 : i32
    %dma_start3A_574 = tpu.memref_slice %arg10[%dma_start3A_570, %dma_start3A_572, %dma_start3A_573] : memref<4x64x128xf32, #tpu.memory_space<vmem>> -> memref<1x64x128xf32, #tpu.memory_space<vmem>>
    %dma_start3A_575 = tpu.memref_squeeze %dma_start3A_574 : memref<1x64x128xf32, #tpu.memory_space<vmem>> -> memref<64x128xf32, #tpu.memory_space<vmem>>
    %dma_start3A_576 = arith.constant 0 : i32
    %dma_start3A_577 = tpu.memref_slice %arg7[%arg0, %add3A_569, %dma_start3A_576] : memref<2x10240x128xf32, #tpu.memory_space<hbm>> -> memref<1x64x128xf32, #tpu.memory_space<hbm>>
    %dma_start3A_578 = tpu.memref_squeeze %dma_start3A_577 : memref<1x64x128xf32, #tpu.memory_space<hbm>> -> memref<64x128xf32, #tpu.memory_space<hbm>>
    %dma_start3A_579 = tpu.memref_slice %arg12[%dma_start3A_571] : memref<4x!tpu.dma_semaphore, #tpu.memory_space<semaphore_mem>> -> memref<1x!tpu.dma_semaphore, #tpu.memory_space<semaphore_mem>>
    %dma_start3A_580 = tpu.memref_squeeze %dma_start3A_579 : memref<1x!tpu.dma_semaphore, #tpu.memory_space<semaphore_mem>> -> memref<!tpu.dma_semaphore, #tpu.memory_space<semaphore_mem>>
    %dma_start3A_581 = arith.constant 0 : i32
    %dma_start3A_582 = tpu.memref_slice %arg7[%arg0, %add3A_569, %dma_start3A_581] : memref<2x10240x128xf32, #tpu.memory_space<hbm>> -> memref<1x64x128xf32, #tpu.memory_space<hbm>>
    %dma_start3A_583 = tpu.memref_squeeze %dma_start3A_582 : memref<1x64x128xf32, #tpu.memory_space<hbm>> -> memref<64x128xf32, #tpu.memory_space<hbm>>
    %dma_start3A_584 = arith.constant 0 : i32
    %dma_start3A_585 = arith.constant 0 : i32
    %dma_start3A_586 = tpu.memref_slice %arg10[%dma_start3A_570, %dma_start3A_584, %dma_start3A_585] : memref<4x64x128xf32, #tpu.memory_space<vmem>> -> memref<1x64x128xf32, #tpu.memory_space<vmem>>
    %dma_start3A_587 = tpu.memref_squeeze %dma_start3A_586 : memref<1x64x128xf32, #tpu.memory_space<vmem>> -> memref<64x128xf32, #tpu.memory_space<vmem>>
    tpu.enqueue_dma source(%dma_start3A_587 : memref<64x128xf32, #tpu.memory_space<vmem>>) target(%dma_start3A_583 : memref<64x128xf32, #tpu.memory_space<hbm>>) target_semaphore(%dma_start3A_580 : memref<!tpu.dma_semaphore, #tpu.memory_space<semaphore_mem>>)
    %add3A_588 = arith.constant 128 : i32
    %add3A_589 = arith.addi %mul3A_2, %add3A_588 : i32
    %dma_wait3A_590 = arith.constant 0 : i32
    %dma_wait3A_591 = arith.constant 0 : i32
    %dma_wait3A_592 = arith.constant 0 : i32
    %dma_wait3A_593 = arith.constant 0 : i32
    %dma_wait3A_594 = tpu.memref_slice %arg10[%dma_wait3A_590, %dma_wait3A_592, %dma_wait3A_593] : memref<4x64x128xf32, #tpu.memory_space<vmem>> -> memref<1x64x128xf32, #tpu.memory_space<vmem>>
    %dma_wait3A_595 = tpu.memref_squeeze %dma_wait3A_594 : memref<1x64x128xf32, #tpu.memory_space<vmem>> -> memref<64x128xf32, #tpu.memory_space<vmem>>
    %dma_wait3A_596 = arith.constant 0 : i32
    %dma_wait3A_597 = tpu.memref_slice %arg11[%add3A_589, %dma_wait3A_596] : memref<10240x128xf32, #tpu.memory_space<vmem_shared>> -> memref<64x128xf32, #tpu.memory_space<vmem_shared>>
    %dma_wait3A_598 = tpu.memref_slice %arg12[%dma_wait3A_591] : memref<4x!tpu.dma_semaphore, #tpu.memory_space<semaphore_mem>> -> memref<1x!tpu.dma_semaphore, #tpu.memory_space<semaphore_mem>>
    %dma_wait3A_599 = tpu.memref_squeeze %dma_wait3A_598 : memref<1x!tpu.dma_semaphore, #tpu.memory_space<semaphore_mem>> -> memref<!tpu.dma_semaphore, #tpu.memory_space<semaphore_mem>>
    %dma_wait3A_600 = arith.constant 0 : i32
    %dma_wait3A_601 = arith.constant 0 : i32
    %dma_wait3A_602 = tpu.memref_slice %arg10[%dma_wait3A_590, %dma_wait3A_600, %dma_wait3A_601] : memref<4x64x128xf32, #tpu.memory_space<vmem>> -> memref<1x64x128xf32, #tpu.memory_space<vmem>>
    %dma_wait3A_603 = tpu.memref_squeeze %dma_wait3A_602 : memref<1x64x128xf32, #tpu.memory_space<vmem>> -> memref<64x128xf32, #tpu.memory_space<vmem>>
    %dma_wait3A_604 = arith.constant 0 : i32
    %dma_wait3A_605 = tpu.memref_slice %arg11[%add3A_589, %dma_wait3A_604] : memref<10240x128xf32, #tpu.memory_space<vmem_shared>> -> memref<64x128xf32, #tpu.memory_space<vmem_shared>>
    tpu.wait_dma2 semaphore(%dma_wait3A_599 : memref<!tpu.dma_semaphore, #tpu.memory_space<semaphore_mem>>) src(%dma_wait3A_605 : memref<64x128xf32, #tpu.memory_space<vmem_shared>>) dst(%dma_wait3A_603 : memref<64x128xf32, #tpu.memory_space<vmem>>)
    %add3A_606 = arith.constant 64 : i32
    %add3A_607 = arith.addi %mul3A_2, %add3A_606 : i32
    %dma_wait3A_608 = arith.constant 1 : i32
    %dma_wait3A_609 = arith.constant 3 : i32
    %dma_wait3A_610 = arith.constant 0 : i32
    %dma_wait3A_611 = arith.constant 0 : i32
    %dma_wait3A_612 = tpu.memref_slice %arg10[%dma_wait3A_608, %dma_wait3A_610, %dma_wait3A_611] : memref<4x64x128xf32, #tpu.memory_space<vmem>> -> memref<1x64x128xf32, #tpu.memory_space<vmem>>
    %dma_wait3A_613 = tpu.memref_squeeze %dma_wait3A_612 : memref<1x64x128xf32, #tpu.memory_space<vmem>> -> memref<64x128xf32, #tpu.memory_space<vmem>>
    %dma_wait3A_614 = arith.constant 0 : i32
    %dma_wait3A_615 = tpu.memref_slice %arg7[%arg0, %add3A_607, %dma_wait3A_614] : memref<2x10240x128xf32, #tpu.memory_space<hbm>> -> memref<1x64x128xf32, #tpu.memory_space<hbm>>
    %dma_wait3A_616 = tpu.memref_squeeze %dma_wait3A_615 : memref<1x64x128xf32, #tpu.memory_space<hbm>> -> memref<64x128xf32, #tpu.memory_space<hbm>>
    %dma_wait3A_617 = tpu.memref_slice %arg12[%dma_wait3A_609] : memref<4x!tpu.dma_semaphore, #tpu.memory_space<semaphore_mem>> -> memref<1x!tpu.dma_semaphore, #tpu.memory_space<semaphore_mem>>
    %dma_wait3A_618 = tpu.memref_squeeze %dma_wait3A_617 : memref<1x!tpu.dma_semaphore, #tpu.memory_space<semaphore_mem>> -> memref<!tpu.dma_semaphore, #tpu.memory_space<semaphore_mem>>
    %dma_wait3A_619 = arith.constant 0 : i32
    %dma_wait3A_620 = tpu.memref_slice %arg7[%arg0, %add3A_607, %dma_wait3A_619] : memref<2x10240x128xf32, #tpu.memory_space<hbm>> -> memref<1x64x128xf32, #tpu.memory_space<hbm>>
    %dma_wait3A_621 = tpu.memref_squeeze %dma_wait3A_620 : memref<1x64x128xf32, #tpu.memory_space<hbm>> -> memref<64x128xf32, #tpu.memory_space<hbm>>
    %dma_wait3A_622 = arith.constant 0 : i32
    %dma_wait3A_623 = arith.constant 0 : i32
    %dma_wait3A_624 = tpu.memref_slice %arg10[%dma_wait3A_608, %dma_wait3A_622, %dma_wait3A_623] : memref<4x64x128xf32, #tpu.memory_space<vmem>> -> memref<1x64x128xf32, #tpu.memory_space<vmem>>
    %dma_wait3A_625 = tpu.memref_squeeze %dma_wait3A_624 : memref<1x64x128xf32, #tpu.memory_space<vmem>> -> memref<64x128xf32, #tpu.memory_space<vmem>>
    tpu.wait_dma2 semaphore(%dma_wait3A_618 : memref<!tpu.dma_semaphore, #tpu.memory_space<semaphore_mem>>) src(%dma_wait3A_625 : memref<64x128xf32, #tpu.memory_space<vmem>>) dst(%dma_wait3A_621 : memref<64x128xf32, #tpu.memory_space<hbm>>)
    %add3A_626 = arith.constant 192 : i32
    %add3A_627 = arith.addi %mul3A_2, %add3A_626 : i32
    %dma_start3A_628 = arith.constant 1 : i32
    %dma_start3A_629 = arith.constant 1 : i32
    %dma_start3A_630 = arith.constant 0 : i32
    %dma_start3A_631 = arith.constant 0 : i32
    %dma_start3A_632 = tpu.memref_slice %arg10[%dma_start3A_628, %dma_start3A_630, %dma_start3A_631] : memref<4x64x128xf32, #tpu.memory_space<vmem>> -> memref<1x64x128xf32, #tpu.memory_space<vmem>>
    %dma_start3A_633 = tpu.memref_squeeze %dma_start3A_632 : memref<1x64x128xf32, #tpu.memory_space<vmem>> -> memref<64x128xf32, #tpu.memory_space<vmem>>
    %dma_start3A_634 = arith.constant 0 : i32
    %dma_start3A_635 = tpu.memref_slice %arg11[%add3A_627, %dma_start3A_634] : memref<10240x128xf32, #tpu.memory_space<vmem_shared>> -> memref<64x128xf32, #tpu.memory_space<vmem_shared>>
    %dma_start3A_636 = tpu.memref_slice %arg12[%dma_start3A_629] : memref<4x!tpu.dma_semaphore, #tpu.memory_space<semaphore_mem>> -> memref<1x!tpu.dma_semaphore, #tpu.memory_space<semaphore_mem>>
    %dma_start3A_637 = tpu.memref_squeeze %dma_start3A_636 : memref<1x!tpu.dma_semaphore, #tpu.memory_space<semaphore_mem>> -> memref<!tpu.dma_semaphore, #tpu.memory_space<semaphore_mem>>
    %dma_start3A_638 = arith.constant 0 : i32
    %dma_start3A_639 = arith.constant 0 : i32
    %dma_start3A_640 = tpu.memref_slice %arg10[%dma_start3A_628, %dma_start3A_638, %dma_start3A_639] : memref<4x64x128xf32, #tpu.memory_space<vmem>> -> memref<1x64x128xf32, #tpu.memory_space<vmem>>
    %dma_start3A_641 = tpu.memref_squeeze %dma_start3A_640 : memref<1x64x128xf32, #tpu.memory_space<vmem>> -> memref<64x128xf32, #tpu.memory_space<vmem>>
    %dma_start3A_642 = arith.constant 0 : i32
    %dma_start3A_643 = tpu.memref_slice %arg11[%add3A_627, %dma_start3A_642] : memref<10240x128xf32, #tpu.memory_space<vmem_shared>> -> memref<64x128xf32, #tpu.memory_space<vmem_shared>>
    tpu.enqueue_dma source(%dma_start3A_643 : memref<64x128xf32, #tpu.memory_space<vmem_shared>>) target(%dma_start3A_641 : memref<64x128xf32, #tpu.memory_space<vmem>>) target_semaphore(%dma_start3A_637 : memref<!tpu.dma_semaphore, #tpu.memory_space<semaphore_mem>>)
    %add3A_644 = arith.constant 128 : i32
    %add3A_645 = arith.addi %mul3A_2, %add3A_644 : i32
    %dma_start3A_646 = arith.constant 0 : i32
    %dma_start3A_647 = arith.constant 2 : i32
    %dma_start3A_648 = arith.constant 0 : i32
    %dma_start3A_649 = arith.constant 0 : i32
    %dma_start3A_650 = tpu.memref_slice %arg10[%dma_start3A_646, %dma_start3A_648, %dma_start3A_649] : memref<4x64x128xf32, #tpu.memory_space<vmem>> -> memref<1x64x128xf32, #tpu.memory_space<vmem>>
    %dma_start3A_651 = tpu.memref_squeeze %dma_start3A_650 : memref<1x64x128xf32, #tpu.memory_space<vmem>> -> memref<64x128xf32, #tpu.memory_space<vmem>>
    %dma_start3A_652 = arith.constant 0 : i32
    %dma_start3A_653 = tpu.memref_slice %arg7[%arg0, %add3A_645, %dma_start3A_652] : memref<2x10240x128xf32, #tpu.memory_space<hbm>> -> memref<1x64x128xf32, #tpu.memory_space<hbm>>
    %dma_start3A_654 = tpu.memref_squeeze %dma_start3A_653 : memref<1x64x128xf32, #tpu.memory_space<hbm>> -> memref<64x128xf32, #tpu.memory_space<hbm>>
    %dma_start3A_655 = tpu.memref_slice %arg12[%dma_start3A_647] : memref<4x!tpu.dma_semaphore, #tpu.memory_space<semaphore_mem>> -> memref<1x!tpu.dma_semaphore, #tpu.memory_space<semaphore_mem>>
    %dma_start3A_656 = tpu.memref_squeeze %dma_start3A_655 : memref<1x!tpu.dma_semaphore, #tpu.memory_space<semaphore_mem>> -> memref<!tpu.dma_semaphore, #tpu.memory_space<semaphore_mem>>
    %dma_start3A_657 = arith.constant 0 : i32
    %dma_start3A_658 = tpu.memref_slice %arg7[%arg0, %add3A_645, %dma_start3A_657] : memref<2x10240x128xf32, #tpu.memory_space<hbm>> -> memref<1x64x128xf32, #tpu.memory_space<hbm>>
    %dma_start3A_659 = tpu.memref_squeeze %dma_start3A_658 : memref<1x64x128xf32, #tpu.memory_space<hbm>> -> memref<64x128xf32, #tpu.memory_space<hbm>>
    %dma_start3A_660 = arith.constant 0 : i32
    %dma_start3A_661 = arith.constant 0 : i32
    %dma_start3A_662 = tpu.memref_slice %arg10[%dma_start3A_646, %dma_start3A_660, %dma_start3A_661] : memref<4x64x128xf32, #tpu.memory_space<vmem>> -> memref<1x64x128xf32, #tpu.memory_space<vmem>>
    %dma_start3A_663 = tpu.memref_squeeze %dma_start3A_662 : memref<1x64x128xf32, #tpu.memory_space<vmem>> -> memref<64x128xf32, #tpu.memory_space<vmem>>
    tpu.enqueue_dma source(%dma_start3A_663 : memref<64x128xf32, #tpu.memory_space<vmem>>) target(%dma_start3A_659 : memref<64x128xf32, #tpu.memory_space<hbm>>) target_semaphore(%dma_start3A_656 : memref<!tpu.dma_semaphore, #tpu.memory_space<semaphore_mem>>)
    %add3A_664 = arith.constant 192 : i32
    %add3A_665 = arith.addi %mul3A_2, %add3A_664 : i32
    %dma_wait3A_666 = arith.constant 1 : i32
    %dma_wait3A_667 = arith.constant 1 : i32
    %dma_wait3A_668 = arith.constant 0 : i32
    %dma_wait3A_669 = arith.constant 0 : i32
    %dma_wait3A_670 = tpu.memref_slice %arg10[%dma_wait3A_666, %dma_wait3A_668, %dma_wait3A_669] : memref<4x64x128xf32, #tpu.memory_space<vmem>> -> memref<1x64x128xf32, #tpu.memory_space<vmem>>
    %dma_wait3A_671 = tpu.memref_squeeze %dma_wait3A_670 : memref<1x64x128xf32, #tpu.memory_space<vmem>> -> memref<64x128xf32, #tpu.memory_space<vmem>>
    %dma_wait3A_672 = arith.constant 0 : i32
    %dma_wait3A_673 = tpu.memref_slice %arg11[%add3A_665, %dma_wait3A_672] : memref<10240x128xf32, #tpu.memory_space<vmem_shared>> -> memref<64x128xf32, #tpu.memory_space<vmem_shared>>
    %dma_wait3A_674 = tpu.memref_slice %arg12[%dma_wait3A_667] : memref<4x!tpu.dma_semaphore, #tpu.memory_space<semaphore_mem>> -> memref<1x!tpu.dma_semaphore, #tpu.memory_space<semaphore_mem>>
    %dma_wait3A_675 = tpu.memref_squeeze %dma_wait3A_674 : memref<1x!tpu.dma_semaphore, #tpu.memory_space<semaphore_mem>> -> memref<!tpu.dma_semaphore, #tpu.memory_space<semaphore_mem>>
    %dma_wait3A_676 = arith.constant 0 : i32
    %dma_wait3A_677 = arith.constant 0 : i32
    %dma_wait3A_678 = tpu.memref_slice %arg10[%dma_wait3A_666, %dma_wait3A_676, %dma_wait3A_677] : memref<4x64x128xf32, #tpu.memory_space<vmem>> -> memref<1x64x128xf32, #tpu.memory_space<vmem>>
    %dma_wait3A_679 = tpu.memref_squeeze %dma_wait3A_678 : memref<1x64x128xf32, #tpu.memory_space<vmem>> -> memref<64x128xf32, #tpu.memory_space<vmem>>
    %dma_wait3A_680 = arith.constant 0 : i32
    %dma_wait3A_681 = tpu.memref_slice %arg11[%add3A_665, %dma_wait3A_680] : memref<10240x128xf32, #tpu.memory_space<vmem_shared>> -> memref<64x128xf32, #tpu.memory_space<vmem_shared>>
    tpu.wait_dma2 semaphore(%dma_wait3A_675 : memref<!tpu.dma_semaphore, #tpu.memory_space<semaphore_mem>>) src(%dma_wait3A_681 : memref<64x128xf32, #tpu.memory_space<vmem_shared>>) dst(%dma_wait3A_679 : memref<64x128xf32, #tpu.memory_space<vmem>>)
    %add3A_682 = arith.constant 128 : i32
    %add3A_683 = arith.addi %mul3A_2, %add3A_682 : i32
    %dma_wait3A_684 = arith.constant 0 : i32
    %dma_wait3A_685 = arith.constant 2 : i32
    %dma_wait3A_686 = arith.constant 0 : i32
    %dma_wait3A_687 = arith.constant 0 : i32
    %dma_wait3A_688 = tpu.memref_slice %arg10[%dma_wait3A_684, %dma_wait3A_686, %dma_wait3A_687] : memref<4x64x128xf32, #tpu.memory_space<vmem>> -> memref<1x64x128xf32, #tpu.memory_space<vmem>>
    %dma_wait3A_689 = tpu.memref_squeeze %dma_wait3A_688 : memref<1x64x128xf32, #tpu.memory_space<vmem>> -> memref<64x128xf32, #tpu.memory_space<vmem>>
    %dma_wait3A_690 = arith.constant 0 : i32
    %dma_wait3A_691 = tpu.memref_slice %arg7[%arg0, %add3A_683, %dma_wait3A_690] : memref<2x10240x128xf32, #tpu.memory_space<hbm>> -> memref<1x64x128xf32, #tpu.memory_space<hbm>>
    %dma_wait3A_692 = tpu.memref_squeeze %dma_wait3A_691 : memref<1x64x128xf32, #tpu.memory_space<hbm>> -> memref<64x128xf32, #tpu.memory_space<hbm>>
    %dma_wait3A_693 = tpu.memref_slice %arg12[%dma_wait3A_685] : memref<4x!tpu.dma_semaphore, #tpu.memory_space<semaphore_mem>> -> memref<1x!tpu.dma_semaphore, #tpu.memory_space<semaphore_mem>>
    %dma_wait3A_694 = tpu.memref_squeeze %dma_wait3A_693 : memref<1x!tpu.dma_semaphore, #tpu.memory_space<semaphore_mem>> -> memref<!tpu.dma_semaphore, #tpu.memory_space<semaphore_mem>>
    %dma_wait3A_695 = arith.constant 0 : i32
    %dma_wait3A_696 = tpu.memref_slice %arg7[%arg0, %add3A_683, %dma_wait3A_695] : memref<2x10240x128xf32, #tpu.memory_space<hbm>> -> memref<1x64x128xf32, #tpu.memory_space<hbm>>
    %dma_wait3A_697 = tpu.memref_squeeze %dma_wait3A_696 : memref<1x64x128xf32, #tpu.memory_space<hbm>> -> memref<64x128xf32, #tpu.memory_space<hbm>>
    %dma_wait3A_698 = arith.constant 0 : i32
    %dma_wait3A_699 = arith.constant 0 : i32
    %dma_wait3A_700 = tpu.memref_slice %arg10[%dma_wait3A_684, %dma_wait3A_698, %dma_wait3A_699] : memref<4x64x128xf32, #tpu.memory_space<vmem>> -> memref<1x64x128xf32, #tpu.memory_space<vmem>>
    %dma_wait3A_701 = tpu.memref_squeeze %dma_wait3A_700 : memref<1x64x128xf32, #tpu.memory_space<vmem>> -> memref<64x128xf32, #tpu.memory_space<vmem>>
    tpu.wait_dma2 semaphore(%dma_wait3A_694 : memref<!tpu.dma_semaphore, #tpu.memory_space<semaphore_mem>>) src(%dma_wait3A_701 : memref<64x128xf32, #tpu.memory_space<vmem>>) dst(%dma_wait3A_697 : memref<64x128xf32, #tpu.memory_space<hbm>>)
    %add3A_702 = arith.constant 256 : i32
    %add3A_703 = arith.addi %mul3A_2, %add3A_702 : i32
    %dma_start3A_704 = arith.constant 0 : i32
    %dma_start3A_705 = arith.constant 0 : i32
    %dma_start3A_706 = arith.constant 0 : i32
    %dma_start3A_707 = arith.constant 0 : i32
    %dma_start3A_708 = tpu.memref_slice %arg10[%dma_start3A_704, %dma_start3A_706, %dma_start3A_707] : memref<4x64x128xf32, #tpu.memory_space<vmem>> -> memref<1x64x128xf32, #tpu.memory_space<vmem>>
    %dma_start3A_709 = tpu.memref_squeeze %dma_start3A_708 : memref<1x64x128xf32, #tpu.memory_space<vmem>> -> memref<64x128xf32, #tpu.memory_space<vmem>>
    %dma_start3A_710 = arith.constant 0 : i32
    %dma_start3A_711 = tpu.memref_slice %arg11[%add3A_703, %dma_start3A_710] : memref<10240x128xf32, #tpu.memory_space<vmem_shared>> -> memref<64x128xf32, #tpu.memory_space<vmem_shared>>
    %dma_start3A_712 = tpu.memref_slice %arg12[%dma_start3A_705] : memref<4x!tpu.dma_semaphore, #tpu.memory_space<semaphore_mem>> -> memref<1x!tpu.dma_semaphore, #tpu.memory_space<semaphore_mem>>
    %dma_start3A_713 = tpu.memref_squeeze %dma_start3A_712 : memref<1x!tpu.dma_semaphore, #tpu.memory_space<semaphore_mem>> -> memref<!tpu.dma_semaphore, #tpu.memory_space<semaphore_mem>>
    %dma_start3A_714 = arith.constant 0 : i32
    %dma_start3A_715 = arith.constant 0 : i32
    %dma_start3A_716 = tpu.memref_slice %arg10[%dma_start3A_704, %dma_start3A_714, %dma_start3A_715] : memref<4x64x128xf32, #tpu.memory_space<vmem>> -> memref<1x64x128xf32, #tpu.memory_space<vmem>>
    %dma_start3A_717 = tpu.memref_squeeze %dma_start3A_716 : memref<1x64x128xf32, #tpu.memory_space<vmem>> -> memref<64x128xf32, #tpu.memory_space<vmem>>
    %dma_start3A_718 = arith.constant 0 : i32
    %dma_start3A_719 = tpu.memref_slice %arg11[%add3A_703, %dma_start3A_718] : memref<10240x128xf32, #tpu.memory_space<vmem_shared>> -> memref<64x128xf32, #tpu.memory_space<vmem_shared>>
    tpu.enqueue_dma source(%dma_start3A_719 : memref<64x128xf32, #tpu.memory_space<vmem_shared>>) target(%dma_start3A_717 : memref<64x128xf32, #tpu.memory_space<vmem>>) target_semaphore(%dma_start3A_713 : memref<!tpu.dma_semaphore, #tpu.memory_space<semaphore_mem>>)
    %add3A_720 = arith.constant 192 : i32
    %add3A_721 = arith.addi %mul3A_2, %add3A_720 : i32
    %dma_start3A_722 = arith.constant 1 : i32
    %dma_start3A_723 = arith.constant 3 : i32
    %dma_start3A_724 = arith.constant 0 : i32
    %dma_start3A_725 = arith.constant 0 : i32
    %dma_start3A_726 = tpu.memref_slice %arg10[%dma_start3A_722, %dma_start3A_724, %dma_start3A_725] : memref<4x64x128xf32, #tpu.memory_space<vmem>> -> memref<1x64x128xf32, #tpu.memory_space<vmem>>
    %dma_start3A_727 = tpu.memref_squeeze %dma_start3A_726 : memref<1x64x128xf32, #tpu.memory_space<vmem>> -> memref<64x128xf32, #tpu.memory_space<vmem>>
    %dma_start3A_728 = arith.constant 0 : i32
    %dma_start3A_729 = tpu.memref_slice %arg7[%arg0, %add3A_721, %dma_start3A_728] : memref<2x10240x128xf32, #tpu.memory_space<hbm>> -> memref<1x64x128xf32, #tpu.memory_space<hbm>>
    %dma_start3A_730 = tpu.memref_squeeze %dma_start3A_729 : memref<1x64x128xf32, #tpu.memory_space<hbm>> -> memref<64x128xf32, #tpu.memory_space<hbm>>
    %dma_start3A_731 = tpu.memref_slice %arg12[%dma_start3A_723] : memref<4x!tpu.dma_semaphore, #tpu.memory_space<semaphore_mem>> -> memref<1x!tpu.dma_semaphore, #tpu.memory_space<semaphore_mem>>
    %dma_start3A_732 = tpu.memref_squeeze %dma_start3A_731 : memref<1x!tpu.dma_semaphore, #tpu.memory_space<semaphore_mem>> -> memref<!tpu.dma_semaphore, #tpu.memory_space<semaphore_mem>>
    %dma_start3A_733 = arith.constant 0 : i32
    %dma_start3A_734 = tpu.memref_slice %arg7[%arg0, %add3A_721, %dma_start3A_733] : memref<2x10240x128xf32, #tpu.memory_space<hbm>> -> memref<1x64x128xf32, #tpu.memory_space<hbm>>
    %dma_start3A_735 = tpu.memref_squeeze %dma_start3A_734 : memref<1x64x128xf32, #tpu.memory_space<hbm>> -> memref<64x128xf32, #tpu.memory_space<hbm>>
    %dma_start3A_736 = arith.constant 0 : i32
    %dma_start3A_737 = arith.constant 0 : i32
    %dma_start3A_738 = tpu.memref_slice %arg10[%dma_start3A_722, %dma_start3A_736, %dma_start3A_737] : memref<4x64x128xf32, #tpu.memory_space<vmem>> -> memref<1x64x128xf32, #tpu.memory_space<vmem>>
    %dma_start3A_739 = tpu.memref_squeeze %dma_start3A_738 : memref<1x64x128xf32, #tpu.memory_space<vmem>> -> memref<64x128xf32, #tpu.memory_space<vmem>>
    tpu.enqueue_dma source(%dma_start3A_739 : memref<64x128xf32, #tpu.memory_space<vmem>>) target(%dma_start3A_735 : memref<64x128xf32, #tpu.memory_space<hbm>>) target_semaphore(%dma_start3A_732 : memref<!tpu.dma_semaphore, #tpu.memory_space<semaphore_mem>>)
    %add3A_740 = arith.constant 256 : i32
    %add3A_741 = arith.addi %mul3A_2, %add3A_740 : i32
    %dma_wait3A_742 = arith.constant 0 : i32
    %dma_wait3A_743 = arith.constant 0 : i32
    %dma_wait3A_744 = arith.constant 0 : i32
    %dma_wait3A_745 = arith.constant 0 : i32
    %dma_wait3A_746 = tpu.memref_slice %arg10[%dma_wait3A_742, %dma_wait3A_744, %dma_wait3A_745] : memref<4x64x128xf32, #tpu.memory_space<vmem>> -> memref<1x64x128xf32, #tpu.memory_space<vmem>>
    %dma_wait3A_747 = tpu.memref_squeeze %dma_wait3A_746 : memref<1x64x128xf32, #tpu.memory_space<vmem>> -> memref<64x128xf32, #tpu.memory_space<vmem>>
    %dma_wait3A_748 = arith.constant 0 : i32
    %dma_wait3A_749 = tpu.memref_slice %arg11[%add3A_741, %dma_wait3A_748] : memref<10240x128xf32, #tpu.memory_space<vmem_shared>> -> memref<64x128xf32, #tpu.memory_space<vmem_shared>>
    %dma_wait3A_750 = tpu.memref_slice %arg12[%dma_wait3A_743] : memref<4x!tpu.dma_semaphore, #tpu.memory_space<semaphore_mem>> -> memref<1x!tpu.dma_semaphore, #tpu.memory_space<semaphore_mem>>
    %dma_wait3A_751 = tpu.memref_squeeze %dma_wait3A_750 : memref<1x!tpu.dma_semaphore, #tpu.memory_space<semaphore_mem>> -> memref<!tpu.dma_semaphore, #tpu.memory_space<semaphore_mem>>
    %dma_wait3A_752 = arith.constant 0 : i32
    %dma_wait3A_753 = arith.constant 0 : i32
    %dma_wait3A_754 = tpu.memref_slice %arg10[%dma_wait3A_742, %dma_wait3A_752, %dma_wait3A_753] : memref<4x64x128xf32, #tpu.memory_space<vmem>> -> memref<1x64x128xf32, #tpu.memory_space<vmem>>
    %dma_wait3A_755 = tpu.memref_squeeze %dma_wait3A_754 : memref<1x64x128xf32, #tpu.memory_space<vmem>> -> memref<64x128xf32, #tpu.memory_space<vmem>>
    %dma_wait3A_756 = arith.constant 0 : i32
    %dma_wait3A_757 = tpu.memref_slice %arg11[%add3A_741, %dma_wait3A_756] : memref<10240x128xf32, #tpu.memory_space<vmem_shared>> -> memref<64x128xf32, #tpu.memory_space<vmem_shared>>
    tpu.wait_dma2 semaphore(%dma_wait3A_751 : memref<!tpu.dma_semaphore, #tpu.memory_space<semaphore_mem>>) src(%dma_wait3A_757 : memref<64x128xf32, #tpu.memory_space<vmem_shared>>) dst(%dma_wait3A_755 : memref<64x128xf32, #tpu.memory_space<vmem>>)
    %add3A_758 = arith.constant 192 : i32
    %add3A_759 = arith.addi %mul3A_2, %add3A_758 : i32
    %dma_wait3A_760 = arith.constant 1 : i32
    %dma_wait3A_761 = arith.constant 3 : i32
    %dma_wait3A_762 = arith.constant 0 : i32
    %dma_wait3A_763 = arith.constant 0 : i32
    %dma_wait3A_764 = tpu.memref_slice %arg10[%dma_wait3A_760, %dma_wait3A_762, %dma_wait3A_763] : memref<4x64x128xf32, #tpu.memory_space<vmem>> -> memref<1x64x128xf32, #tpu.memory_space<vmem>>
    %dma_wait3A_765 = tpu.memref_squeeze %dma_wait3A_764 : memref<1x64x128xf32, #tpu.memory_space<vmem>> -> memref<64x128xf32, #tpu.memory_space<vmem>>
    %dma_wait3A_766 = arith.constant 0 : i32
    %dma_wait3A_767 = tpu.memref_slice %arg7[%arg0, %add3A_759, %dma_wait3A_766] : memref<2x10240x128xf32, #tpu.memory_space<hbm>> -> memref<1x64x128xf32, #tpu.memory_space<hbm>>
    %dma_wait3A_768 = tpu.memref_squeeze %dma_wait3A_767 : memref<1x64x128xf32, #tpu.memory_space<hbm>> -> memref<64x128xf32, #tpu.memory_space<hbm>>
    %dma_wait3A_769 = tpu.memref_slice %arg12[%dma_wait3A_761] : memref<4x!tpu.dma_semaphore, #tpu.memory_space<semaphore_mem>> -> memref<1x!tpu.dma_semaphore, #tpu.memory_space<semaphore_mem>>
    %dma_wait3A_770 = tpu.memref_squeeze %dma_wait3A_769 : memref<1x!tpu.dma_semaphore, #tpu.memory_space<semaphore_mem>> -> memref<!tpu.dma_semaphore, #tpu.memory_space<semaphore_mem>>
    %dma_wait3A_771 = arith.constant 0 : i32
    %dma_wait3A_772 = tpu.memref_slice %arg7[%arg0, %add3A_759, %dma_wait3A_771] : memref<2x10240x128xf32, #tpu.memory_space<hbm>> -> memref<1x64x128xf32, #tpu.memory_space<hbm>>
    %dma_wait3A_773 = tpu.memref_squeeze %dma_wait3A_772 : memref<1x64x128xf32, #tpu.memory_space<hbm>> -> memref<64x128xf32, #tpu.memory_space<hbm>>
    %dma_wait3A_774 = arith.constant 0 : i32
    %dma_wait3A_775 = arith.constant 0 : i32
    %dma_wait3A_776 = tpu.memref_slice %arg10[%dma_wait3A_760, %dma_wait3A_774, %dma_wait3A_775] : memref<4x64x128xf32, #tpu.memory_space<vmem>> -> memref<1x64x128xf32, #tpu.memory_space<vmem>>
    %dma_wait3A_777 = tpu.memref_squeeze %dma_wait3A_776 : memref<1x64x128xf32, #tpu.memory_space<vmem>> -> memref<64x128xf32, #tpu.memory_space<vmem>>
    tpu.wait_dma2 semaphore(%dma_wait3A_770 : memref<!tpu.dma_semaphore, #tpu.memory_space<semaphore_mem>>) src(%dma_wait3A_777 : memref<64x128xf32, #tpu.memory_space<vmem>>) dst(%dma_wait3A_773 : memref<64x128xf32, #tpu.memory_space<hbm>>)
    %add3A_778 = arith.constant 320 : i32
    %add3A_779 = arith.addi %mul3A_2, %add3A_778 : i32
    %dma_start3A_780 = arith.constant 1 : i32
    %dma_start3A_781 = arith.constant 1 : i32
    %dma_start3A_782 = arith.constant 0 : i32
    %dma_start3A_783 = arith.constant 0 : i32
    %dma_start3A_784 = tpu.memref_slice %arg10[%dma_start3A_780, %dma_start3A_782, %dma_start3A_783] : memref<4x64x128xf32, #tpu.memory_space<vmem>> -> memref<1x64x128xf32, #tpu.memory_space<vmem>>
    %dma_start3A_785 = tpu.memref_squeeze %dma_start3A_784 : memref<1x64x128xf32, #tpu.memory_space<vmem>> -> memref<64x128xf32, #tpu.memory_space<vmem>>
    %dma_start3A_786 = arith.constant 0 : i32
    %dma_start3A_787 = tpu.memref_slice %arg11[%add3A_779, %dma_start3A_786] : memref<10240x128xf32, #tpu.memory_space<vmem_shared>> -> memref<64x128xf32, #tpu.memory_space<vmem_shared>>
    %dma_start3A_788 = tpu.memref_slice %arg12[%dma_start3A_781] : memref<4x!tpu.dma_semaphore, #tpu.memory_space<semaphore_mem>> -> memref<1x!tpu.dma_semaphore, #tpu.memory_space<semaphore_mem>>
    %dma_start3A_789 = tpu.memref_squeeze %dma_start3A_788 : memref<1x!tpu.dma_semaphore, #tpu.memory_space<semaphore_mem>> -> memref<!tpu.dma_semaphore, #tpu.memory_space<semaphore_mem>>
    %dma_start3A_790 = arith.constant 0 : i32
    %dma_start3A_791 = arith.constant 0 : i32
    %dma_start3A_792 = tpu.memref_slice %arg10[%dma_start3A_780, %dma_start3A_790, %dma_start3A_791] : memref<4x64x128xf32, #tpu.memory_space<vmem>> -> memref<1x64x128xf32, #tpu.memory_space<vmem>>
    %dma_start3A_793 = tpu.memref_squeeze %dma_start3A_792 : memref<1x64x128xf32, #tpu.memory_space<vmem>> -> memref<64x128xf32, #tpu.memory_space<vmem>>
    %dma_start3A_794 = arith.constant 0 : i32
    %dma_start3A_795 = tpu.memref_slice %arg11[%add3A_779, %dma_start3A_794] : memref<10240x128xf32, #tpu.memory_space<vmem_shared>> -> memref<64x128xf32, #tpu.memory_space<vmem_shared>>
    tpu.enqueue_dma source(%dma_start3A_795 : memref<64x128xf32, #tpu.memory_space<vmem_shared>>) target(%dma_start3A_793 : memref<64x128xf32, #tpu.memory_space<vmem>>) target_semaphore(%dma_start3A_789 : memref<!tpu.dma_semaphore, #tpu.memory_space<semaphore_mem>>)
    %add3A_796 = arith.constant 256 : i32
    %add3A_797 = arith.addi %mul3A_2, %add3A_796 : i32
    %dma_start3A_798 = arith.constant 0 : i32
    %dma_start3A_799 = arith.constant 2 : i32
    %dma_start3A_800 = arith.constant 0 : i32
    %dma_start3A_801 = arith.constant 0 : i32
    %dma_start3A_802 = tpu.memref_slice %arg10[%dma_start3A_798, %dma_start3A_800, %dma_start3A_801] : memref<4x64x128xf32, #tpu.memory_space<vmem>> -> memref<1x64x128xf32, #tpu.memory_space<vmem>>
    %dma_start3A_803 = tpu.memref_squeeze %dma_start3A_802 : memref<1x64x128xf32, #tpu.memory_space<vmem>> -> memref<64x128xf32, #tpu.memory_space<vmem>>
    %dma_start3A_804 = arith.constant 0 : i32
    %dma_start3A_805 = tpu.memref_slice %arg7[%arg0, %add3A_797, %dma_start3A_804] : memref<2x10240x128xf32, #tpu.memory_space<hbm>> -> memref<1x64x128xf32, #tpu.memory_space<hbm>>
    %dma_start3A_806 = tpu.memref_squeeze %dma_start3A_805 : memref<1x64x128xf32, #tpu.memory_space<hbm>> -> memref<64x128xf32, #tpu.memory_space<hbm>>
    %dma_start3A_807 = tpu.memref_slice %arg12[%dma_start3A_799] : memref<4x!tpu.dma_semaphore, #tpu.memory_space<semaphore_mem>> -> memref<1x!tpu.dma_semaphore, #tpu.memory_space<semaphore_mem>>
    %dma_start3A_808 = tpu.memref_squeeze %dma_start3A_807 : memref<1x!tpu.dma_semaphore, #tpu.memory_space<semaphore_mem>> -> memref<!tpu.dma_semaphore, #tpu.memory_space<semaphore_mem>>
    %dma_start3A_809 = arith.constant 0 : i32
    %dma_start3A_810 = tpu.memref_slice %arg7[%arg0, %add3A_797, %dma_start3A_809] : memref<2x10240x128xf32, #tpu.memory_space<hbm>> -> memref<1x64x128xf32, #tpu.memory_space<hbm>>
    %dma_start3A_811 = tpu.memref_squeeze %dma_start3A_810 : memref<1x64x128xf32, #tpu.memory_space<hbm>> -> memref<64x128xf32, #tpu.memory_space<hbm>>
    %dma_start3A_812 = arith.constant 0 : i32
    %dma_start3A_813 = arith.constant 0 : i32
    %dma_start3A_814 = tpu.memref_slice %arg10[%dma_start3A_798, %dma_start3A_812, %dma_start3A_813] : memref<4x64x128xf32, #tpu.memory_space<vmem>> -> memref<1x64x128xf32, #tpu.memory_space<vmem>>
    %dma_start3A_815 = tpu.memref_squeeze %dma_start3A_814 : memref<1x64x128xf32, #tpu.memory_space<vmem>> -> memref<64x128xf32, #tpu.memory_space<vmem>>
    tpu.enqueue_dma source(%dma_start3A_815 : memref<64x128xf32, #tpu.memory_space<vmem>>) target(%dma_start3A_811 : memref<64x128xf32, #tpu.memory_space<hbm>>) target_semaphore(%dma_start3A_808 : memref<!tpu.dma_semaphore, #tpu.memory_space<semaphore_mem>>)
    %add3A_816 = arith.constant 320 : i32
    %add3A_817 = arith.addi %mul3A_2, %add3A_816 : i32
    %dma_wait3A_818 = arith.constant 1 : i32
    %dma_wait3A_819 = arith.constant 1 : i32
    %dma_wait3A_820 = arith.constant 0 : i32
    %dma_wait3A_821 = arith.constant 0 : i32
    %dma_wait3A_822 = tpu.memref_slice %arg10[%dma_wait3A_818, %dma_wait3A_820, %dma_wait3A_821] : memref<4x64x128xf32, #tpu.memory_space<vmem>> -> memref<1x64x128xf32, #tpu.memory_space<vmem>>
    %dma_wait3A_823 = tpu.memref_squeeze %dma_wait3A_822 : memref<1x64x128xf32, #tpu.memory_space<vmem>> -> memref<64x128xf32, #tpu.memory_space<vmem>>
    %dma_wait3A_824 = arith.constant 0 : i32
    %dma_wait3A_825 = tpu.memref_slice %arg11[%add3A_817, %dma_wait3A_824] : memref<10240x128xf32, #tpu.memory_space<vmem_shared>> -> memref<64x128xf32, #tpu.memory_space<vmem_shared>>
    %dma_wait3A_826 = tpu.memref_slice %arg12[%dma_wait3A_819] : memref<4x!tpu.dma_semaphore, #tpu.memory_space<semaphore_mem>> -> memref<1x!tpu.dma_semaphore, #tpu.memory_space<semaphore_mem>>
    %dma_wait3A_827 = tpu.memref_squeeze %dma_wait3A_826 : memref<1x!tpu.dma_semaphore, #tpu.memory_space<semaphore_mem>> -> memref<!tpu.dma_semaphore, #tpu.memory_space<semaphore_mem>>
    %dma_wait3A_828 = arith.constant 0 : i32
    %dma_wait3A_829 = arith.constant 0 : i32
    %dma_wait3A_830 = tpu.memref_slice %arg10[%dma_wait3A_818, %dma_wait3A_828, %dma_wait3A_829] : memref<4x64x128xf32, #tpu.memory_space<vmem>> -> memref<1x64x128xf32, #tpu.memory_space<vmem>>
    %dma_wait3A_831 = tpu.memref_squeeze %dma_wait3A_830 : memref<1x64x128xf32, #tpu.memory_space<vmem>> -> memref<64x128xf32, #tpu.memory_space<vmem>>
    %dma_wait3A_832 = arith.constant 0 : i32
    %dma_wait3A_833 = tpu.memref_slice %arg11[%add3A_817, %dma_wait3A_832] : memref<10240x128xf32, #tpu.memory_space<vmem_shared>> -> memref<64x128xf32, #tpu.memory_space<vmem_shared>>
    tpu.wait_dma2 semaphore(%dma_wait3A_827 : memref<!tpu.dma_semaphore, #tpu.memory_space<semaphore_mem>>) src(%dma_wait3A_833 : memref<64x128xf32, #tpu.memory_space<vmem_shared>>) dst(%dma_wait3A_831 : memref<64x128xf32, #tpu.memory_space<vmem>>)
    %add3A_834 = arith.constant 256 : i32
    %add3A_835 = arith.addi %mul3A_2, %add3A_834 : i32
    %dma_wait3A_836 = arith.constant 0 : i32
    %dma_wait3A_837 = arith.constant 2 : i32
    %dma_wait3A_838 = arith.constant 0 : i32
    %dma_wait3A_839 = arith.constant 0 : i32
    %dma_wait3A_840 = tpu.memref_slice %arg10[%dma_wait3A_836, %dma_wait3A_838, %dma_wait3A_839] : memref<4x64x128xf32, #tpu.memory_space<vmem>> -> memref<1x64x128xf32, #tpu.memory_space<vmem>>
    %dma_wait3A_841 = tpu.memref_squeeze %dma_wait3A_840 : memref<1x64x128xf32, #tpu.memory_space<vmem>> -> memref<64x128xf32, #tpu.memory_space<vmem>>
    %dma_wait3A_842 = arith.constant 0 : i32
    %dma_wait3A_843 = tpu.memref_slice %arg7[%arg0, %add3A_835, %dma_wait3A_842] : memref<2x10240x128xf32, #tpu.memory_space<hbm>> -> memref<1x64x128xf32, #tpu.memory_space<hbm>>
    %dma_wait3A_844 = tpu.memref_squeeze %dma_wait3A_843 : memref<1x64x128xf32, #tpu.memory_space<hbm>> -> memref<64x128xf32, #tpu.memory_space<hbm>>
    %dma_wait3A_845 = tpu.memref_slice %arg12[%dma_wait3A_837] : memref<4x!tpu.dma_semaphore, #tpu.memory_space<semaphore_mem>> -> memref<1x!tpu.dma_semaphore, #tpu.memory_space<semaphore_mem>>
    %dma_wait3A_846 = tpu.memref_squeeze %dma_wait3A_845 : memref<1x!tpu.dma_semaphore, #tpu.memory_space<semaphore_mem>> -> memref<!tpu.dma_semaphore, #tpu.memory_space<semaphore_mem>>
    %dma_wait3A_847 = arith.constant 0 : i32
    %dma_wait3A_848 = tpu.memref_slice %arg7[%arg0, %add3A_835, %dma_wait3A_847] : memref<2x10240x128xf32, #tpu.memory_space<hbm>> -> memref<1x64x128xf32, #tpu.memory_space<hbm>>
    %dma_wait3A_849 = tpu.memref_squeeze %dma_wait3A_848 : memref<1x64x128xf32, #tpu.memory_space<hbm>> -> memref<64x128xf32, #tpu.memory_space<hbm>>
    %dma_wait3A_850 = arith.constant 0 : i32
    %dma_wait3A_851 = arith.constant 0 : i32
    %dma_wait3A_852 = tpu.memref_slice %arg10[%dma_wait3A_836, %dma_wait3A_850, %dma_wait3A_851] : memref<4x64x128xf32, #tpu.memory_space<vmem>> -> memref<1x64x128xf32, #tpu.memory_space<vmem>>
    %dma_wait3A_853 = tpu.memref_squeeze %dma_wait3A_852 : memref<1x64x128xf32, #tpu.memory_space<vmem>> -> memref<64x128xf32, #tpu.memory_space<vmem>>
    tpu.wait_dma2 semaphore(%dma_wait3A_846 : memref<!tpu.dma_semaphore, #tpu.memory_space<semaphore_mem>>) src(%dma_wait3A_853 : memref<64x128xf32, #tpu.memory_space<vmem>>) dst(%dma_wait3A_849 : memref<64x128xf32, #tpu.memory_space<hbm>>)
    %add3A_854 = arith.constant 384 : i32
    %add3A_855 = arith.addi %mul3A_2, %add3A_854 : i32
    %dma_start3A_856 = arith.constant 0 : i32
    %dma_start3A_857 = arith.constant 0 : i32
    %dma_start3A_858 = arith.constant 0 : i32
    %dma_start3A_859 = arith.constant 0 : i32
    %dma_start3A_860 = tpu.memref_slice %arg10[%dma_start3A_856, %dma_start3A_858, %dma_start3A_859] : memref<4x64x128xf32, #tpu.memory_space<vmem>> -> memref<1x64x128xf32, #tpu.memory_space<vmem>>
    %dma_start3A_861 = tpu.memref_squeeze %dma_start3A_860 : memref<1x64x128xf32, #tpu.memory_space<vmem>> -> memref<64x128xf32, #tpu.memory_space<vmem>>
    %dma_start3A_862 = arith.constant 0 : i32
    %dma_start3A_863 = tpu.memref_slice %arg11[%add3A_855, %dma_start3A_862] : memref<10240x128xf32, #tpu.memory_space<vmem_shared>> -> memref<64x128xf32, #tpu.memory_space<vmem_shared>>
    %dma_start3A_864 = tpu.memref_slice %arg12[%dma_start3A_857] : memref<4x!tpu.dma_semaphore, #tpu.memory_space<semaphore_mem>> -> memref<1x!tpu.dma_semaphore, #tpu.memory_space<semaphore_mem>>
    %dma_start3A_865 = tpu.memref_squeeze %dma_start3A_864 : memref<1x!tpu.dma_semaphore, #tpu.memory_space<semaphore_mem>> -> memref<!tpu.dma_semaphore, #tpu.memory_space<semaphore_mem>>
    %dma_start3A_866 = arith.constant 0 : i32
    %dma_start3A_867 = arith.constant 0 : i32
    %dma_start3A_868 = tpu.memref_slice %arg10[%dma_start3A_856, %dma_start3A_866, %dma_start3A_867] : memref<4x64x128xf32, #tpu.memory_space<vmem>> -> memref<1x64x128xf32, #tpu.memory_space<vmem>>
    %dma_start3A_869 = tpu.memref_squeeze %dma_start3A_868 : memref<1x64x128xf32, #tpu.memory_space<vmem>> -> memref<64x128xf32, #tpu.memory_space<vmem>>
    %dma_start3A_870 = arith.constant 0 : i32
    %dma_start3A_871 = tpu.memref_slice %arg11[%add3A_855, %dma_start3A_870] : memref<10240x128xf32, #tpu.memory_space<vmem_shared>> -> memref<64x128xf32, #tpu.memory_space<vmem_shared>>
    tpu.enqueue_dma source(%dma_start3A_871 : memref<64x128xf32, #tpu.memory_space<vmem_shared>>) target(%dma_start3A_869 : memref<64x128xf32, #tpu.memory_space<vmem>>) target_semaphore(%dma_start3A_865 : memref<!tpu.dma_semaphore, #tpu.memory_space<semaphore_mem>>)
    %add3A_872 = arith.constant 320 : i32
    %add3A_873 = arith.addi %mul3A_2, %add3A_872 : i32
    %dma_start3A_874 = arith.constant 1 : i32
    %dma_start3A_875 = arith.constant 3 : i32
    %dma_start3A_876 = arith.constant 0 : i32
    %dma_start3A_877 = arith.constant 0 : i32
    %dma_start3A_878 = tpu.memref_slice %arg10[%dma_start3A_874, %dma_start3A_876, %dma_start3A_877] : memref<4x64x128xf32, #tpu.memory_space<vmem>> -> memref<1x64x128xf32, #tpu.memory_space<vmem>>
    %dma_start3A_879 = tpu.memref_squeeze %dma_start3A_878 : memref<1x64x128xf32, #tpu.memory_space<vmem>> -> memref<64x128xf32, #tpu.memory_space<vmem>>
    %dma_start3A_880 = arith.constant 0 : i32
    %dma_start3A_881 = tpu.memref_slice %arg7[%arg0, %add3A_873, %dma_start3A_880] : memref<2x10240x128xf32, #tpu.memory_space<hbm>> -> memref<1x64x128xf32, #tpu.memory_space<hbm>>
    %dma_start3A_882 = tpu.memref_squeeze %dma_start3A_881 : memref<1x64x128xf32, #tpu.memory_space<hbm>> -> memref<64x128xf32, #tpu.memory_space<hbm>>
    %dma_start3A_883 = tpu.memref_slice %arg12[%dma_start3A_875] : memref<4x!tpu.dma_semaphore, #tpu.memory_space<semaphore_mem>> -> memref<1x!tpu.dma_semaphore, #tpu.memory_space<semaphore_mem>>
    %dma_start3A_884 = tpu.memref_squeeze %dma_start3A_883 : memref<1x!tpu.dma_semaphore, #tpu.memory_space<semaphore_mem>> -> memref<!tpu.dma_semaphore, #tpu.memory_space<semaphore_mem>>
    %dma_start3A_885 = arith.constant 0 : i32
    %dma_start3A_886 = tpu.memref_slice %arg7[%arg0, %add3A_873, %dma_start3A_885] : memref<2x10240x128xf32, #tpu.memory_space<hbm>> -> memref<1x64x128xf32, #tpu.memory_space<hbm>>
    %dma_start3A_887 = tpu.memref_squeeze %dma_start3A_886 : memref<1x64x128xf32, #tpu.memory_space<hbm>> -> memref<64x128xf32, #tpu.memory_space<hbm>>
    %dma_start3A_888 = arith.constant 0 : i32
    %dma_start3A_889 = arith.constant 0 : i32
    %dma_start3A_890 = tpu.memref_slice %arg10[%dma_start3A_874, %dma_start3A_888, %dma_start3A_889] : memref<4x64x128xf32, #tpu.memory_space<vmem>> -> memref<1x64x128xf32, #tpu.memory_space<vmem>>
    %dma_start3A_891 = tpu.memref_squeeze %dma_start3A_890 : memref<1x64x128xf32, #tpu.memory_space<vmem>> -> memref<64x128xf32, #tpu.memory_space<vmem>>
    tpu.enqueue_dma source(%dma_start3A_891 : memref<64x128xf32, #tpu.memory_space<vmem>>) target(%dma_start3A_887 : memref<64x128xf32, #tpu.memory_space<hbm>>) target_semaphore(%dma_start3A_884 : memref<!tpu.dma_semaphore, #tpu.memory_space<semaphore_mem>>)
    %add3A_892 = arith.constant 384 : i32
    %add3A_893 = arith.addi %mul3A_2, %add3A_892 : i32
    %dma_wait3A_894 = arith.constant 0 : i32
    %dma_wait3A_895 = arith.constant 0 : i32
    %dma_wait3A_896 = arith.constant 0 : i32
    %dma_wait3A_897 = arith.constant 0 : i32
    %dma_wait3A_898 = tpu.memref_slice %arg10[%dma_wait3A_894, %dma_wait3A_896, %dma_wait3A_897] : memref<4x64x128xf32, #tpu.memory_space<vmem>> -> memref<1x64x128xf32, #tpu.memory_space<vmem>>
    %dma_wait3A_899 = tpu.memref_squeeze %dma_wait3A_898 : memref<1x64x128xf32, #tpu.memory_space<vmem>> -> memref<64x128xf32, #tpu.memory_space<vmem>>
    %dma_wait3A_900 = arith.constant 0 : i32
    %dma_wait3A_901 = tpu.memref_slice %arg11[%add3A_893, %dma_wait3A_900] : memref<10240x128xf32, #tpu.memory_space<vmem_shared>> -> memref<64x128xf32, #tpu.memory_space<vmem_shared>>
    %dma_wait3A_902 = tpu.memref_slice %arg12[%dma_wait3A_895] : memref<4x!tpu.dma_semaphore, #tpu.memory_space<semaphore_mem>> -> memref<1x!tpu.dma_semaphore, #tpu.memory_space<semaphore_mem>>
    %dma_wait3A_903 = tpu.memref_squeeze %dma_wait3A_902 : memref<1x!tpu.dma_semaphore, #tpu.memory_space<semaphore_mem>> -> memref<!tpu.dma_semaphore, #tpu.memory_space<semaphore_mem>>
    %dma_wait3A_904 = arith.constant 0 : i32
    %dma_wait3A_905 = arith.constant 0 : i32
    %dma_wait3A_906 = tpu.memref_slice %arg10[%dma_wait3A_894, %dma_wait3A_904, %dma_wait3A_905] : memref<4x64x128xf32, #tpu.memory_space<vmem>> -> memref<1x64x128xf32, #tpu.memory_space<vmem>>
    %dma_wait3A_907 = tpu.memref_squeeze %dma_wait3A_906 : memref<1x64x128xf32, #tpu.memory_space<vmem>> -> memref<64x128xf32, #tpu.memory_space<vmem>>
    %dma_wait3A_908 = arith.constant 0 : i32
    %dma_wait3A_909 = tpu.memref_slice %arg11[%add3A_893, %dma_wait3A_908] : memref<10240x128xf32, #tpu.memory_space<vmem_shared>> -> memref<64x128xf32, #tpu.memory_space<vmem_shared>>
    tpu.wait_dma2 semaphore(%dma_wait3A_903 : memref<!tpu.dma_semaphore, #tpu.memory_space<semaphore_mem>>) src(%dma_wait3A_909 : memref<64x128xf32, #tpu.memory_space<vmem_shared>>) dst(%dma_wait3A_907 : memref<64x128xf32, #tpu.memory_space<vmem>>)
    %add3A_910 = arith.constant 320 : i32
    %add3A_911 = arith.addi %mul3A_2, %add3A_910 : i32
    %dma_wait3A_912 = arith.constant 1 : i32
    %dma_wait3A_913 = arith.constant 3 : i32
    %dma_wait3A_914 = arith.constant 0 : i32
    %dma_wait3A_915 = arith.constant 0 : i32
    %dma_wait3A_916 = tpu.memref_slice %arg10[%dma_wait3A_912, %dma_wait3A_914, %dma_wait3A_915] : memref<4x64x128xf32, #tpu.memory_space<vmem>> -> memref<1x64x128xf32, #tpu.memory_space<vmem>>
    %dma_wait3A_917 = tpu.memref_squeeze %dma_wait3A_916 : memref<1x64x128xf32, #tpu.memory_space<vmem>> -> memref<64x128xf32, #tpu.memory_space<vmem>>
    %dma_wait3A_918 = arith.constant 0 : i32
    %dma_wait3A_919 = tpu.memref_slice %arg7[%arg0, %add3A_911, %dma_wait3A_918] : memref<2x10240x128xf32, #tpu.memory_space<hbm>> -> memref<1x64x128xf32, #tpu.memory_space<hbm>>
    %dma_wait3A_920 = tpu.memref_squeeze %dma_wait3A_919 : memref<1x64x128xf32, #tpu.memory_space<hbm>> -> memref<64x128xf32, #tpu.memory_space<hbm>>
    %dma_wait3A_921 = tpu.memref_slice %arg12[%dma_wait3A_913] : memref<4x!tpu.dma_semaphore, #tpu.memory_space<semaphore_mem>> -> memref<1x!tpu.dma_semaphore, #tpu.memory_space<semaphore_mem>>
    %dma_wait3A_922 = tpu.memref_squeeze %dma_wait3A_921 : memref<1x!tpu.dma_semaphore, #tpu.memory_space<semaphore_mem>> -> memref<!tpu.dma_semaphore, #tpu.memory_space<semaphore_mem>>
    %dma_wait3A_923 = arith.constant 0 : i32
    %dma_wait3A_924 = tpu.memref_slice %arg7[%arg0, %add3A_911, %dma_wait3A_923] : memref<2x10240x128xf32, #tpu.memory_space<hbm>> -> memref<1x64x128xf32, #tpu.memory_space<hbm>>
    %dma_wait3A_925 = tpu.memref_squeeze %dma_wait3A_924 : memref<1x64x128xf32, #tpu.memory_space<hbm>> -> memref<64x128xf32, #tpu.memory_space<hbm>>
    %dma_wait3A_926 = arith.constant 0 : i32
    %dma_wait3A_927 = arith.constant 0 : i32
    %dma_wait3A_928 = tpu.memref_slice %arg10[%dma_wait3A_912, %dma_wait3A_926, %dma_wait3A_927] : memref<4x64x128xf32, #tpu.memory_space<vmem>> -> memref<1x64x128xf32, #tpu.memory_space<vmem>>
    %dma_wait3A_929 = tpu.memref_squeeze %dma_wait3A_928 : memref<1x64x128xf32, #tpu.memory_space<vmem>> -> memref<64x128xf32, #tpu.memory_space<vmem>>
    tpu.wait_dma2 semaphore(%dma_wait3A_922 : memref<!tpu.dma_semaphore, #tpu.memory_space<semaphore_mem>>) src(%dma_wait3A_929 : memref<64x128xf32, #tpu.memory_space<vmem>>) dst(%dma_wait3A_925 : memref<64x128xf32, #tpu.memory_space<hbm>>)
    %add3A_930 = arith.constant 448 : i32
    %add3A_931 = arith.addi %mul3A_2, %add3A_930 : i32
    %dma_start3A_932 = arith.constant 1 : i32
    %dma_start3A_933 = arith.constant 1 : i32
    %dma_start3A_934 = arith.constant 0 : i32
    %dma_start3A_935 = arith.constant 0 : i32
    %dma_start3A_936 = tpu.memref_slice %arg10[%dma_start3A_932, %dma_start3A_934, %dma_start3A_935] : memref<4x64x128xf32, #tpu.memory_space<vmem>> -> memref<1x64x128xf32, #tpu.memory_space<vmem>>
    %dma_start3A_937 = tpu.memref_squeeze %dma_start3A_936 : memref<1x64x128xf32, #tpu.memory_space<vmem>> -> memref<64x128xf32, #tpu.memory_space<vmem>>
    %dma_start3A_938 = arith.constant 0 : i32
    %dma_start3A_939 = tpu.memref_slice %arg11[%add3A_931, %dma_start3A_938] : memref<10240x128xf32, #tpu.memory_space<vmem_shared>> -> memref<64x128xf32, #tpu.memory_space<vmem_shared>>
    %dma_start3A_940 = tpu.memref_slice %arg12[%dma_start3A_933] : memref<4x!tpu.dma_semaphore, #tpu.memory_space<semaphore_mem>> -> memref<1x!tpu.dma_semaphore, #tpu.memory_space<semaphore_mem>>
    %dma_start3A_941 = tpu.memref_squeeze %dma_start3A_940 : memref<1x!tpu.dma_semaphore, #tpu.memory_space<semaphore_mem>> -> memref<!tpu.dma_semaphore, #tpu.memory_space<semaphore_mem>>
    %dma_start3A_942 = arith.constant 0 : i32
    %dma_start3A_943 = arith.constant 0 : i32
    %dma_start3A_944 = tpu.memref_slice %arg10[%dma_start3A_932, %dma_start3A_942, %dma_start3A_943] : memref<4x64x128xf32, #tpu.memory_space<vmem>> -> memref<1x64x128xf32, #tpu.memory_space<vmem>>
    %dma_start3A_945 = tpu.memref_squeeze %dma_start3A_944 : memref<1x64x128xf32, #tpu.memory_space<vmem>> -> memref<64x128xf32, #tpu.memory_space<vmem>>
    %dma_start3A_946 = arith.constant 0 : i32
    %dma_start3A_947 = tpu.memref_slice %arg11[%add3A_931, %dma_start3A_946] : memref<10240x128xf32, #tpu.memory_space<vmem_shared>> -> memref<64x128xf32, #tpu.memory_space<vmem_shared>>
    tpu.enqueue_dma source(%dma_start3A_947 : memref<64x128xf32, #tpu.memory_space<vmem_shared>>) target(%dma_start3A_945 : memref<64x128xf32, #tpu.memory_space<vmem>>) target_semaphore(%dma_start3A_941 : memref<!tpu.dma_semaphore, #tpu.memory_space<semaphore_mem>>)
    %add3A_948 = arith.constant 384 : i32
    %add3A_949 = arith.addi %mul3A_2, %add3A_948 : i32
    %dma_start3A_950 = arith.constant 0 : i32
    %dma_start3A_951 = arith.constant 2 : i32
    %dma_start3A_952 = arith.constant 0 : i32
    %dma_start3A_953 = arith.constant 0 : i32
    %dma_start3A_954 = tpu.memref_slice %arg10[%dma_start3A_950, %dma_start3A_952, %dma_start3A_953] : memref<4x64x128xf32, #tpu.memory_space<vmem>> -> memref<1x64x128xf32, #tpu.memory_space<vmem>>
    %dma_start3A_955 = tpu.memref_squeeze %dma_start3A_954 : memref<1x64x128xf32, #tpu.memory_space<vmem>> -> memref<64x128xf32, #tpu.memory_space<vmem>>
    %dma_start3A_956 = arith.constant 0 : i32
    %dma_start3A_957 = tpu.memref_slice %arg7[%arg0, %add3A_949, %dma_start3A_956] : memref<2x10240x128xf32, #tpu.memory_space<hbm>> -> memref<1x64x128xf32, #tpu.memory_space<hbm>>
    %dma_start3A_958 = tpu.memref_squeeze %dma_start3A_957 : memref<1x64x128xf32, #tpu.memory_space<hbm>> -> memref<64x128xf32, #tpu.memory_space<hbm>>
    %dma_start3A_959 = tpu.memref_slice %arg12[%dma_start3A_951] : memref<4x!tpu.dma_semaphore, #tpu.memory_space<semaphore_mem>> -> memref<1x!tpu.dma_semaphore, #tpu.memory_space<semaphore_mem>>
    %dma_start3A_960 = tpu.memref_squeeze %dma_start3A_959 : memref<1x!tpu.dma_semaphore, #tpu.memory_space<semaphore_mem>> -> memref<!tpu.dma_semaphore, #tpu.memory_space<semaphore_mem>>
    %dma_start3A_961 = arith.constant 0 : i32
    %dma_start3A_962 = tpu.memref_slice %arg7[%arg0, %add3A_949, %dma_start3A_961] : memref<2x10240x128xf32, #tpu.memory_space<hbm>> -> memref<1x64x128xf32, #tpu.memory_space<hbm>>
    %dma_start3A_963 = tpu.memref_squeeze %dma_start3A_962 : memref<1x64x128xf32, #tpu.memory_space<hbm>> -> memref<64x128xf32, #tpu.memory_space<hbm>>
    %dma_start3A_964 = arith.constant 0 : i32
    %dma_start3A_965 = arith.constant 0 : i32
    %dma_start3A_966 = tpu.memref_slice %arg10[%dma_start3A_950, %dma_start3A_964, %dma_start3A_965] : memref<4x64x128xf32, #tpu.memory_space<vmem>> -> memref<1x64x128xf32, #tpu.memory_space<vmem>>
    %dma_start3A_967 = tpu.memref_squeeze %dma_start3A_966 : memref<1x64x128xf32, #tpu.memory_space<vmem>> -> memref<64x128xf32, #tpu.memory_space<vmem>>
    tpu.enqueue_dma source(%dma_start3A_967 : memref<64x128xf32, #tpu.memory_space<vmem>>) target(%dma_start3A_963 : memref<64x128xf32, #tpu.memory_space<hbm>>) target_semaphore(%dma_start3A_960 : memref<!tpu.dma_semaphore, #tpu.memory_space<semaphore_mem>>)
    %add3A_968 = arith.constant 448 : i32
    %add3A_969 = arith.addi %mul3A_2, %add3A_968 : i32
    %dma_wait3A_970 = arith.constant 1 : i32
    %dma_wait3A_971 = arith.constant 1 : i32
    %dma_wait3A_972 = arith.constant 0 : i32
    %dma_wait3A_973 = arith.constant 0 : i32
    %dma_wait3A_974 = tpu.memref_slice %arg10[%dma_wait3A_970, %dma_wait3A_972, %dma_wait3A_973] : memref<4x64x128xf32, #tpu.memory_space<vmem>> -> memref<1x64x128xf32, #tpu.memory_space<vmem>>
    %dma_wait3A_975 = tpu.memref_squeeze %dma_wait3A_974 : memref<1x64x128xf32, #tpu.memory_space<vmem>> -> memref<64x128xf32, #tpu.memory_space<vmem>>
    %dma_wait3A_976 = arith.constant 0 : i32
    %dma_wait3A_977 = tpu.memref_slice %arg11[%add3A_969, %dma_wait3A_976] : memref<10240x128xf32, #tpu.memory_space<vmem_shared>> -> memref<64x128xf32, #tpu.memory_space<vmem_shared>>
    %dma_wait3A_978 = tpu.memref_slice %arg12[%dma_wait3A_971] : memref<4x!tpu.dma_semaphore, #tpu.memory_space<semaphore_mem>> -> memref<1x!tpu.dma_semaphore, #tpu.memory_space<semaphore_mem>>
    %dma_wait3A_979 = tpu.memref_squeeze %dma_wait3A_978 : memref<1x!tpu.dma_semaphore, #tpu.memory_space<semaphore_mem>> -> memref<!tpu.dma_semaphore, #tpu.memory_space<semaphore_mem>>
    %dma_wait3A_980 = arith.constant 0 : i32
    %dma_wait3A_981 = arith.constant 0 : i32
    %dma_wait3A_982 = tpu.memref_slice %arg10[%dma_wait3A_970, %dma_wait3A_980, %dma_wait3A_981] : memref<4x64x128xf32, #tpu.memory_space<vmem>> -> memref<1x64x128xf32, #tpu.memory_space<vmem>>
    %dma_wait3A_983 = tpu.memref_squeeze %dma_wait3A_982 : memref<1x64x128xf32, #tpu.memory_space<vmem>> -> memref<64x128xf32, #tpu.memory_space<vmem>>
    %dma_wait3A_984 = arith.constant 0 : i32
    %dma_wait3A_985 = tpu.memref_slice %arg11[%add3A_969, %dma_wait3A_984] : memref<10240x128xf32, #tpu.memory_space<vmem_shared>> -> memref<64x128xf32, #tpu.memory_space<vmem_shared>>
    tpu.wait_dma2 semaphore(%dma_wait3A_979 : memref<!tpu.dma_semaphore, #tpu.memory_space<semaphore_mem>>) src(%dma_wait3A_985 : memref<64x128xf32, #tpu.memory_space<vmem_shared>>) dst(%dma_wait3A_983 : memref<64x128xf32, #tpu.memory_space<vmem>>)
    %add3A_986 = arith.constant 384 : i32
    %add3A_987 = arith.addi %mul3A_2, %add3A_986 : i32
    %dma_wait3A_988 = arith.constant 0 : i32
    %dma_wait3A_989 = arith.constant 2 : i32
    %dma_wait3A_990 = arith.constant 0 : i32
    %dma_wait3A_991 = arith.constant 0 : i32
    %dma_wait3A_992 = tpu.memref_slice %arg10[%dma_wait3A_988, %dma_wait3A_990, %dma_wait3A_991] : memref<4x64x128xf32, #tpu.memory_space<vmem>> -> memref<1x64x128xf32, #tpu.memory_space<vmem>>
    %dma_wait3A_993 = tpu.memref_squeeze %dma_wait3A_992 : memref<1x64x128xf32, #tpu.memory_space<vmem>> -> memref<64x128xf32, #tpu.memory_space<vmem>>
    %dma_wait3A_994 = arith.constant 0 : i32
    %dma_wait3A_995 = tpu.memref_slice %arg7[%arg0, %add3A_987, %dma_wait3A_994] : memref<2x10240x128xf32, #tpu.memory_space<hbm>> -> memref<1x64x128xf32, #tpu.memory_space<hbm>>
    %dma_wait3A_996 = tpu.memref_squeeze %dma_wait3A_995 : memref<1x64x128xf32, #tpu.memory_space<hbm>> -> memref<64x128xf32, #tpu.memory_space<hbm>>
    %dma_wait3A_997 = tpu.memref_slice %arg12[%dma_wait3A_989] : memref<4x!tpu.dma_semaphore, #tpu.memory_space<semaphore_mem>> -> memref<1x!tpu.dma_semaphore, #tpu.memory_space<semaphore_mem>>
    %dma_wait3A_998 = tpu.memref_squeeze %dma_wait3A_997 : memref<1x!tpu.dma_semaphore, #tpu.memory_space<semaphore_mem>> -> memref<!tpu.dma_semaphore, #tpu.memory_space<semaphore_mem>>
    %dma_wait3A_999 = arith.constant 0 : i32
    %dma_wait3A_1000 = tpu.memref_slice %arg7[%arg0, %add3A_987, %dma_wait3A_999] : memref<2x10240x128xf32, #tpu.memory_space<hbm>> -> memref<1x64x128xf32, #tpu.memory_space<hbm>>
    %dma_wait3A_1001 = tpu.memref_squeeze %dma_wait3A_1000 : memref<1x64x128xf32, #tpu.memory_space<hbm>> -> memref<64x128xf32, #tpu.memory_space<hbm>>
    %dma_wait3A_1002 = arith.constant 0 : i32
    %dma_wait3A_1003 = arith.constant 0 : i32
    %dma_wait3A_1004 = tpu.memref_slice %arg10[%dma_wait3A_988, %dma_wait3A_1002, %dma_wait3A_1003] : memref<4x64x128xf32, #tpu.memory_space<vmem>> -> memref<1x64x128xf32, #tpu.memory_space<vmem>>
    %dma_wait3A_1005 = tpu.memref_squeeze %dma_wait3A_1004 : memref<1x64x128xf32, #tpu.memory_space<vmem>> -> memref<64x128xf32, #tpu.memory_space<vmem>>
    tpu.wait_dma2 semaphore(%dma_wait3A_998 : memref<!tpu.dma_semaphore, #tpu.memory_space<semaphore_mem>>) src(%dma_wait3A_1005 : memref<64x128xf32, #tpu.memory_space<vmem>>) dst(%dma_wait3A_1001 : memref<64x128xf32, #tpu.memory_space<hbm>>)
    %add3A_1006 = arith.constant 512 : i32
    %add3A_1007 = arith.addi %mul3A_2, %add3A_1006 : i32
    %dma_start3A_1008 = arith.constant 0 : i32
    %dma_start3A_1009 = arith.constant 0 : i32
    %dma_start3A_1010 = arith.constant 0 : i32
    %dma_start3A_1011 = arith.constant 0 : i32
    %dma_start3A_1012 = tpu.memref_slice %arg10[%dma_start3A_1008, %dma_start3A_1010, %dma_start3A_1011] : memref<4x64x128xf32, #tpu.memory_space<vmem>> -> memref<1x64x128xf32, #tpu.memory_space<vmem>>
    %dma_start3A_1013 = tpu.memref_squeeze %dma_start3A_1012 : memref<1x64x128xf32, #tpu.memory_space<vmem>> -> memref<64x128xf32, #tpu.memory_space<vmem>>
    %dma_start3A_1014 = arith.constant 0 : i32
    %dma_start3A_1015 = tpu.memref_slice %arg11[%add3A_1007, %dma_start3A_1014] : memref<10240x128xf32, #tpu.memory_space<vmem_shared>> -> memref<64x128xf32, #tpu.memory_space<vmem_shared>>
    %dma_start3A_1016 = tpu.memref_slice %arg12[%dma_start3A_1009] : memref<4x!tpu.dma_semaphore, #tpu.memory_space<semaphore_mem>> -> memref<1x!tpu.dma_semaphore, #tpu.memory_space<semaphore_mem>>
    %dma_start3A_1017 = tpu.memref_squeeze %dma_start3A_1016 : memref<1x!tpu.dma_semaphore, #tpu.memory_space<semaphore_mem>> -> memref<!tpu.dma_semaphore, #tpu.memory_space<semaphore_mem>>
    %dma_start3A_1018 = arith.constant 0 : i32
    %dma_start3A_1019 = arith.constant 0 : i32
    %dma_start3A_1020 = tpu.memref_slice %arg10[%dma_start3A_1008, %dma_start3A_1018, %dma_start3A_1019] : memref<4x64x128xf32, #tpu.memory_space<vmem>> -> memref<1x64x128xf32, #tpu.memory_space<vmem>>
    %dma_start3A_1021 = tpu.memref_squeeze %dma_start3A_1020 : memref<1x64x128xf32, #tpu.memory_space<vmem>> -> memref<64x128xf32, #tpu.memory_space<vmem>>
    %dma_start3A_1022 = arith.constant 0 : i32
    %dma_start3A_1023 = tpu.memref_slice %arg11[%add3A_1007, %dma_start3A_1022] : memref<10240x128xf32, #tpu.memory_space<vmem_shared>> -> memref<64x128xf32, #tpu.memory_space<vmem_shared>>
    tpu.enqueue_dma source(%dma_start3A_1023 : memref<64x128xf32, #tpu.memory_space<vmem_shared>>) target(%dma_start3A_1021 : memref<64x128xf32, #tpu.memory_space<vmem>>) target_semaphore(%dma_start3A_1017 : memref<!tpu.dma_semaphore, #tpu.memory_space<semaphore_mem>>)
    %add3A_1024 = arith.constant 448 : i32
    %add3A_1025 = arith.addi %mul3A_2, %add3A_1024 : i32
    %dma_start3A_1026 = arith.constant 1 : i32
    %dma_start3A_1027 = arith.constant 3 : i32
    %dma_start3A_1028 = arith.constant 0 : i32
    %dma_start3A_1029 = arith.constant 0 : i32
    %dma_start3A_1030 = tpu.memref_slice %arg10[%dma_start3A_1026, %dma_start3A_1028, %dma_start3A_1029] : memref<4x64x128xf32, #tpu.memory_space<vmem>> -> memref<1x64x128xf32, #tpu.memory_space<vmem>>
    %dma_start3A_1031 = tpu.memref_squeeze %dma_start3A_1030 : memref<1x64x128xf32, #tpu.memory_space<vmem>> -> memref<64x128xf32, #tpu.memory_space<vmem>>
    %dma_start3A_1032 = arith.constant 0 : i32
    %dma_start3A_1033 = tpu.memref_slice %arg7[%arg0, %add3A_1025, %dma_start3A_1032] : memref<2x10240x128xf32, #tpu.memory_space<hbm>> -> memref<1x64x128xf32, #tpu.memory_space<hbm>>
    %dma_start3A_1034 = tpu.memref_squeeze %dma_start3A_1033 : memref<1x64x128xf32, #tpu.memory_space<hbm>> -> memref<64x128xf32, #tpu.memory_space<hbm>>
    %dma_start3A_1035 = tpu.memref_slice %arg12[%dma_start3A_1027] : memref<4x!tpu.dma_semaphore, #tpu.memory_space<semaphore_mem>> -> memref<1x!tpu.dma_semaphore, #tpu.memory_space<semaphore_mem>>
    %dma_start3A_1036 = tpu.memref_squeeze %dma_start3A_1035 : memref<1x!tpu.dma_semaphore, #tpu.memory_space<semaphore_mem>> -> memref<!tpu.dma_semaphore, #tpu.memory_space<semaphore_mem>>
    %dma_start3A_1037 = arith.constant 0 : i32
    %dma_start3A_1038 = tpu.memref_slice %arg7[%arg0, %add3A_1025, %dma_start3A_1037] : memref<2x10240x128xf32, #tpu.memory_space<hbm>> -> memref<1x64x128xf32, #tpu.memory_space<hbm>>
    %dma_start3A_1039 = tpu.memref_squeeze %dma_start3A_1038 : memref<1x64x128xf32, #tpu.memory_space<hbm>> -> memref<64x128xf32, #tpu.memory_space<hbm>>
    %dma_start3A_1040 = arith.constant 0 : i32
    %dma_start3A_1041 = arith.constant 0 : i32
    %dma_start3A_1042 = tpu.memref_slice %arg10[%dma_start3A_1026, %dma_start3A_1040, %dma_start3A_1041] : memref<4x64x128xf32, #tpu.memory_space<vmem>> -> memref<1x64x128xf32, #tpu.memory_space<vmem>>
    %dma_start3A_1043 = tpu.memref_squeeze %dma_start3A_1042 : memref<1x64x128xf32, #tpu.memory_space<vmem>> -> memref<64x128xf32, #tpu.memory_space<vmem>>
    tpu.enqueue_dma source(%dma_start3A_1043 : memref<64x128xf32, #tpu.memory_space<vmem>>) target(%dma_start3A_1039 : memref<64x128xf32, #tpu.memory_space<hbm>>) target_semaphore(%dma_start3A_1036 : memref<!tpu.dma_semaphore, #tpu.memory_space<semaphore_mem>>)
    %add3A_1044 = arith.constant 512 : i32
    %add3A_1045 = arith.addi %mul3A_2, %add3A_1044 : i32
    %dma_wait3A_1046 = arith.constant 0 : i32
    %dma_wait3A_1047 = arith.constant 0 : i32
    %dma_wait3A_1048 = arith.constant 0 : i32
    %dma_wait3A_1049 = arith.constant 0 : i32
    %dma_wait3A_1050 = tpu.memref_slice %arg10[%dma_wait3A_1046, %dma_wait3A_1048, %dma_wait3A_1049] : memref<4x64x128xf32, #tpu.memory_space<vmem>> -> memref<1x64x128xf32, #tpu.memory_space<vmem>>
    %dma_wait3A_1051 = tpu.memref_squeeze %dma_wait3A_1050 : memref<1x64x128xf32, #tpu.memory_space<vmem>> -> memref<64x128xf32, #tpu.memory_space<vmem>>
    %dma_wait3A_1052 = arith.constant 0 : i32
    %dma_wait3A_1053 = tpu.memref_slice %arg11[%add3A_1045, %dma_wait3A_1052] : memref<10240x128xf32, #tpu.memory_space<vmem_shared>> -> memref<64x128xf32, #tpu.memory_space<vmem_shared>>
    %dma_wait3A_1054 = tpu.memref_slice %arg12[%dma_wait3A_1047] : memref<4x!tpu.dma_semaphore, #tpu.memory_space<semaphore_mem>> -> memref<1x!tpu.dma_semaphore, #tpu.memory_space<semaphore_mem>>
    %dma_wait3A_1055 = tpu.memref_squeeze %dma_wait3A_1054 : memref<1x!tpu.dma_semaphore, #tpu.memory_space<semaphore_mem>> -> memref<!tpu.dma_semaphore, #tpu.memory_space<semaphore_mem>>
    %dma_wait3A_1056 = arith.constant 0 : i32
    %dma_wait3A_1057 = arith.constant 0 : i32
    %dma_wait3A_1058 = tpu.memref_slice %arg10[%dma_wait3A_1046, %dma_wait3A_1056, %dma_wait3A_1057] : memref<4x64x128xf32, #tpu.memory_space<vmem>> -> memref<1x64x128xf32, #tpu.memory_space<vmem>>
    %dma_wait3A_1059 = tpu.memref_squeeze %dma_wait3A_1058 : memref<1x64x128xf32, #tpu.memory_space<vmem>> -> memref<64x128xf32, #tpu.memory_space<vmem>>
    %dma_wait3A_1060 = arith.constant 0 : i32
    %dma_wait3A_1061 = tpu.memref_slice %arg11[%add3A_1045, %dma_wait3A_1060] : memref<10240x128xf32, #tpu.memory_space<vmem_shared>> -> memref<64x128xf32, #tpu.memory_space<vmem_shared>>
    tpu.wait_dma2 semaphore(%dma_wait3A_1055 : memref<!tpu.dma_semaphore, #tpu.memory_space<semaphore_mem>>) src(%dma_wait3A_1061 : memref<64x128xf32, #tpu.memory_space<vmem_shared>>) dst(%dma_wait3A_1059 : memref<64x128xf32, #tpu.memory_space<vmem>>)
    %add3A_1062 = arith.constant 448 : i32
    %add3A_1063 = arith.addi %mul3A_2, %add3A_1062 : i32
    %dma_wait3A_1064 = arith.constant 1 : i32
    %dma_wait3A_1065 = arith.constant 3 : i32
    %dma_wait3A_1066 = arith.constant 0 : i32
    %dma_wait3A_1067 = arith.constant 0 : i32
    %dma_wait3A_1068 = tpu.memref_slice %arg10[%dma_wait3A_1064, %dma_wait3A_1066, %dma_wait3A_1067] : memref<4x64x128xf32, #tpu.memory_space<vmem>> -> memref<1x64x128xf32, #tpu.memory_space<vmem>>
    %dma_wait3A_1069 = tpu.memref_squeeze %dma_wait3A_1068 : memref<1x64x128xf32, #tpu.memory_space<vmem>> -> memref<64x128xf32, #tpu.memory_space<vmem>>
    %dma_wait3A_1070 = arith.constant 0 : i32
    %dma_wait3A_1071 = tpu.memref_slice %arg7[%arg0, %add3A_1063, %dma_wait3A_1070] : memref<2x10240x128xf32, #tpu.memory_space<hbm>> -> memref<1x64x128xf32, #tpu.memory_space<hbm>>
    %dma_wait3A_1072 = tpu.memref_squeeze %dma_wait3A_1071 : memref<1x64x128xf32, #tpu.memory_space<hbm>> -> memref<64x128xf32, #tpu.memory_space<hbm>>
    %dma_wait3A_1073 = tpu.memref_slice %arg12[%dma_wait3A_1065] : memref<4x!tpu.dma_semaphore, #tpu.memory_space<semaphore_mem>> -> memref<1x!tpu.dma_semaphore, #tpu.memory_space<semaphore_mem>>
    %dma_wait3A_1074 = tpu.memref_squeeze %dma_wait3A_1073 : memref<1x!tpu.dma_semaphore, #tpu.memory_space<semaphore_mem>> -> memref<!tpu.dma_semaphore, #tpu.memory_space<semaphore_mem>>
    %dma_wait3A_1075 = arith.constant 0 : i32
    %dma_wait3A_1076 = tpu.memref_slice %arg7[%arg0, %add3A_1063, %dma_wait3A_1075] : memref<2x10240x128xf32, #tpu.memory_space<hbm>> -> memref<1x64x128xf32, #tpu.memory_space<hbm>>
    %dma_wait3A_1077 = tpu.memref_squeeze %dma_wait3A_1076 : memref<1x64x128xf32, #tpu.memory_space<hbm>> -> memref<64x128xf32, #tpu.memory_space<hbm>>
    %dma_wait3A_1078 = arith.constant 0 : i32
    %dma_wait3A_1079 = arith.constant 0 : i32
    %dma_wait3A_1080 = tpu.memref_slice %arg10[%dma_wait3A_1064, %dma_wait3A_1078, %dma_wait3A_1079] : memref<4x64x128xf32, #tpu.memory_space<vmem>> -> memref<1x64x128xf32, #tpu.memory_space<vmem>>
    %dma_wait3A_1081 = tpu.memref_squeeze %dma_wait3A_1080 : memref<1x64x128xf32, #tpu.memory_space<vmem>> -> memref<64x128xf32, #tpu.memory_space<vmem>>
    tpu.wait_dma2 semaphore(%dma_wait3A_1074 : memref<!tpu.dma_semaphore, #tpu.memory_space<semaphore_mem>>) src(%dma_wait3A_1081 : memref<64x128xf32, #tpu.memory_space<vmem>>) dst(%dma_wait3A_1077 : memref<64x128xf32, #tpu.memory_space<hbm>>)
    %add3A_1082 = arith.constant 576 : i32
    %add3A_1083 = arith.addi %mul3A_2, %add3A_1082 : i32
    %dma_start3A_1084 = arith.constant 1 : i32
    %dma_start3A_1085 = arith.constant 1 : i32
    %dma_start3A_1086 = arith.constant 0 : i32
    %dma_start3A_1087 = arith.constant 0 : i32
    %dma_start3A_1088 = tpu.memref_slice %arg10[%dma_start3A_1084, %dma_start3A_1086, %dma_start3A_1087] : memref<4x64x128xf32, #tpu.memory_space<vmem>> -> memref<1x64x128xf32, #tpu.memory_space<vmem>>
    %dma_start3A_1089 = tpu.memref_squeeze %dma_start3A_1088 : memref<1x64x128xf32, #tpu.memory_space<vmem>> -> memref<64x128xf32, #tpu.memory_space<vmem>>
    %dma_start3A_1090 = arith.constant 0 : i32
    %dma_start3A_1091 = tpu.memref_slice %arg11[%add3A_1083, %dma_start3A_1090] : memref<10240x128xf32, #tpu.memory_space<vmem_shared>> -> memref<64x128xf32, #tpu.memory_space<vmem_shared>>
    %dma_start3A_1092 = tpu.memref_slice %arg12[%dma_start3A_1085] : memref<4x!tpu.dma_semaphore, #tpu.memory_space<semaphore_mem>> -> memref<1x!tpu.dma_semaphore, #tpu.memory_space<semaphore_mem>>
    %dma_start3A_1093 = tpu.memref_squeeze %dma_start3A_1092 : memref<1x!tpu.dma_semaphore, #tpu.memory_space<semaphore_mem>> -> memref<!tpu.dma_semaphore, #tpu.memory_space<semaphore_mem>>
    %dma_start3A_1094 = arith.constant 0 : i32
    %dma_start3A_1095 = arith.constant 0 : i32
    %dma_start3A_1096 = tpu.memref_slice %arg10[%dma_start3A_1084, %dma_start3A_1094, %dma_start3A_1095] : memref<4x64x128xf32, #tpu.memory_space<vmem>> -> memref<1x64x128xf32, #tpu.memory_space<vmem>>
    %dma_start3A_1097 = tpu.memref_squeeze %dma_start3A_1096 : memref<1x64x128xf32, #tpu.memory_space<vmem>> -> memref<64x128xf32, #tpu.memory_space<vmem>>
    %dma_start3A_1098 = arith.constant 0 : i32
    %dma_start3A_1099 = tpu.memref_slice %arg11[%add3A_1083, %dma_start3A_1098] : memref<10240x128xf32, #tpu.memory_space<vmem_shared>> -> memref<64x128xf32, #tpu.memory_space<vmem_shared>>
    tpu.enqueue_dma source(%dma_start3A_1099 : memref<64x128xf32, #tpu.memory_space<vmem_shared>>) target(%dma_start3A_1097 : memref<64x128xf32, #tpu.memory_space<vmem>>) target_semaphore(%dma_start3A_1093 : memref<!tpu.dma_semaphore, #tpu.memory_space<semaphore_mem>>)
    %add3A_1100 = arith.constant 512 : i32
    %add3A_1101 = arith.addi %mul3A_2, %add3A_1100 : i32
    %dma_start3A_1102 = arith.constant 0 : i32
    %dma_start3A_1103 = arith.constant 2 : i32
    %dma_start3A_1104 = arith.constant 0 : i32
    %dma_start3A_1105 = arith.constant 0 : i32
    %dma_start3A_1106 = tpu.memref_slice %arg10[%dma_start3A_1102, %dma_start3A_1104, %dma_start3A_1105] : memref<4x64x128xf32, #tpu.memory_space<vmem>> -> memref<1x64x128xf32, #tpu.memory_space<vmem>>
    %dma_start3A_1107 = tpu.memref_squeeze %dma_start3A_1106 : memref<1x64x128xf32, #tpu.memory_space<vmem>> -> memref<64x128xf32, #tpu.memory_space<vmem>>
    %dma_start3A_1108 = arith.constant 0 : i32
    %dma_start3A_1109 = tpu.memref_slice %arg7[%arg0, %add3A_1101, %dma_start3A_1108] : memref<2x10240x128xf32, #tpu.memory_space<hbm>> -> memref<1x64x128xf32, #tpu.memory_space<hbm>>
    %dma_start3A_1110 = tpu.memref_squeeze %dma_start3A_1109 : memref<1x64x128xf32, #tpu.memory_space<hbm>> -> memref<64x128xf32, #tpu.memory_space<hbm>>
    %dma_start3A_1111 = tpu.memref_slice %arg12[%dma_start3A_1103] : memref<4x!tpu.dma_semaphore, #tpu.memory_space<semaphore_mem>> -> memref<1x!tpu.dma_semaphore, #tpu.memory_space<semaphore_mem>>
    %dma_start3A_1112 = tpu.memref_squeeze %dma_start3A_1111 : memref<1x!tpu.dma_semaphore, #tpu.memory_space<semaphore_mem>> -> memref<!tpu.dma_semaphore, #tpu.memory_space<semaphore_mem>>
    %dma_start3A_1113 = arith.constant 0 : i32
    %dma_start3A_1114 = tpu.memref_slice %arg7[%arg0, %add3A_1101, %dma_start3A_1113] : memref<2x10240x128xf32, #tpu.memory_space<hbm>> -> memref<1x64x128xf32, #tpu.memory_space<hbm>>
    %dma_start3A_1115 = tpu.memref_squeeze %dma_start3A_1114 : memref<1x64x128xf32, #tpu.memory_space<hbm>> -> memref<64x128xf32, #tpu.memory_space<hbm>>
    %dma_start3A_1116 = arith.constant 0 : i32
    %dma_start3A_1117 = arith.constant 0 : i32
    %dma_start3A_1118 = tpu.memref_slice %arg10[%dma_start3A_1102, %dma_start3A_1116, %dma_start3A_1117] : memref<4x64x128xf32, #tpu.memory_space<vmem>> -> memref<1x64x128xf32, #tpu.memory_space<vmem>>
    %dma_start3A_1119 = tpu.memref_squeeze %dma_start3A_1118 : memref<1x64x128xf32, #tpu.memory_space<vmem>> -> memref<64x128xf32, #tpu.memory_space<vmem>>
    tpu.enqueue_dma source(%dma_start3A_1119 : memref<64x128xf32, #tpu.memory_space<vmem>>) target(%dma_start3A_1115 : memref<64x128xf32, #tpu.memory_space<hbm>>) target_semaphore(%dma_start3A_1112 : memref<!tpu.dma_semaphore, #tpu.memory_space<semaphore_mem>>)
    %add3A_1120 = arith.constant 576 : i32
    %add3A_1121 = arith.addi %mul3A_2, %add3A_1120 : i32
    %dma_wait3A_1122 = arith.constant 1 : i32
    %dma_wait3A_1123 = arith.constant 1 : i32
    %dma_wait3A_1124 = arith.constant 0 : i32
    %dma_wait3A_1125 = arith.constant 0 : i32
    %dma_wait3A_1126 = tpu.memref_slice %arg10[%dma_wait3A_1122, %dma_wait3A_1124, %dma_wait3A_1125] : memref<4x64x128xf32, #tpu.memory_space<vmem>> -> memref<1x64x128xf32, #tpu.memory_space<vmem>>
    %dma_wait3A_1127 = tpu.memref_squeeze %dma_wait3A_1126 : memref<1x64x128xf32, #tpu.memory_space<vmem>> -> memref<64x128xf32, #tpu.memory_space<vmem>>
    %dma_wait3A_1128 = arith.constant 0 : i32
    %dma_wait3A_1129 = tpu.memref_slice %arg11[%add3A_1121, %dma_wait3A_1128] : memref<10240x128xf32, #tpu.memory_space<vmem_shared>> -> memref<64x128xf32, #tpu.memory_space<vmem_shared>>
    %dma_wait3A_1130 = tpu.memref_slice %arg12[%dma_wait3A_1123] : memref<4x!tpu.dma_semaphore, #tpu.memory_space<semaphore_mem>> -> memref<1x!tpu.dma_semaphore, #tpu.memory_space<semaphore_mem>>
    %dma_wait3A_1131 = tpu.memref_squeeze %dma_wait3A_1130 : memref<1x!tpu.dma_semaphore, #tpu.memory_space<semaphore_mem>> -> memref<!tpu.dma_semaphore, #tpu.memory_space<semaphore_mem>>
    %dma_wait3A_1132 = arith.constant 0 : i32
    %dma_wait3A_1133 = arith.constant 0 : i32
    %dma_wait3A_1134 = tpu.memref_slice %arg10[%dma_wait3A_1122, %dma_wait3A_1132, %dma_wait3A_1133] : memref<4x64x128xf32, #tpu.memory_space<vmem>> -> memref<1x64x128xf32, #tpu.memory_space<vmem>>
    %dma_wait3A_1135 = tpu.memref_squeeze %dma_wait3A_1134 : memref<1x64x128xf32, #tpu.memory_space<vmem>> -> memref<64x128xf32, #tpu.memory_space<vmem>>
    %dma_wait3A_1136 = arith.constant 0 : i32
    %dma_wait3A_1137 = tpu.memref_slice %arg11[%add3A_1121, %dma_wait3A_1136] : memref<10240x128xf32, #tpu.memory_space<vmem_shared>> -> memref<64x128xf32, #tpu.memory_space<vmem_shared>>
    tpu.wait_dma2 semaphore(%dma_wait3A_1131 : memref<!tpu.dma_semaphore, #tpu.memory_space<semaphore_mem>>) src(%dma_wait3A_1137 : memref<64x128xf32, #tpu.memory_space<vmem_shared>>) dst(%dma_wait3A_1135 : memref<64x128xf32, #tpu.memory_space<vmem>>)
    %add3A_1138 = arith.constant 576 : i32
    %add3A_1139 = arith.addi %mul3A_2, %add3A_1138 : i32
    %dma_start3A_1140 = arith.constant 1 : i32
    %dma_start3A_1141 = arith.constant 3 : i32
    %dma_start3A_1142 = arith.constant 0 : i32
    %dma_start3A_1143 = arith.constant 0 : i32
    %dma_start3A_1144 = tpu.memref_slice %arg10[%dma_start3A_1140, %dma_start3A_1142, %dma_start3A_1143] : memref<4x64x128xf32, #tpu.memory_space<vmem>> -> memref<1x64x128xf32, #tpu.memory_space<vmem>>
    %dma_start3A_1145 = tpu.memref_squeeze %dma_start3A_1144 : memref<1x64x128xf32, #tpu.memory_space<vmem>> -> memref<64x128xf32, #tpu.memory_space<vmem>>
    %dma_start3A_1146 = arith.constant 0 : i32
    %dma_start3A_1147 = tpu.memref_slice %arg7[%arg0, %add3A_1139, %dma_start3A_1146] : memref<2x10240x128xf32, #tpu.memory_space<hbm>> -> memref<1x64x128xf32, #tpu.memory_space<hbm>>
    %dma_start3A_1148 = tpu.memref_squeeze %dma_start3A_1147 : memref<1x64x128xf32, #tpu.memory_space<hbm>> -> memref<64x128xf32, #tpu.memory_space<hbm>>
    %dma_start3A_1149 = tpu.memref_slice %arg12[%dma_start3A_1141] : memref<4x!tpu.dma_semaphore, #tpu.memory_space<semaphore_mem>> -> memref<1x!tpu.dma_semaphore, #tpu.memory_space<semaphore_mem>>
    %dma_start3A_1150 = tpu.memref_squeeze %dma_start3A_1149 : memref<1x!tpu.dma_semaphore, #tpu.memory_space<semaphore_mem>> -> memref<!tpu.dma_semaphore, #tpu.memory_space<semaphore_mem>>
    %dma_start3A_1151 = arith.constant 0 : i32
    %dma_start3A_1152 = tpu.memref_slice %arg7[%arg0, %add3A_1139, %dma_start3A_1151] : memref<2x10240x128xf32, #tpu.memory_space<hbm>> -> memref<1x64x128xf32, #tpu.memory_space<hbm>>
    %dma_start3A_1153 = tpu.memref_squeeze %dma_start3A_1152 : memref<1x64x128xf32, #tpu.memory_space<hbm>> -> memref<64x128xf32, #tpu.memory_space<hbm>>
    %dma_start3A_1154 = arith.constant 0 : i32
    %dma_start3A_1155 = arith.constant 0 : i32
    %dma_start3A_1156 = tpu.memref_slice %arg10[%dma_start3A_1140, %dma_start3A_1154, %dma_start3A_1155] : memref<4x64x128xf32, #tpu.memory_space<vmem>> -> memref<1x64x128xf32, #tpu.memory_space<vmem>>
    %dma_start3A_1157 = tpu.memref_squeeze %dma_start3A_1156 : memref<1x64x128xf32, #tpu.memory_space<vmem>> -> memref<64x128xf32, #tpu.memory_space<vmem>>
    tpu.enqueue_dma source(%dma_start3A_1157 : memref<64x128xf32, #tpu.memory_space<vmem>>) target(%dma_start3A_1153 : memref<64x128xf32, #tpu.memory_space<hbm>>) target_semaphore(%dma_start3A_1150 : memref<!tpu.dma_semaphore, #tpu.memory_space<semaphore_mem>>)
    %add3A_1158 = arith.constant 512 : i32
    %add3A_1159 = arith.addi %mul3A_2, %add3A_1158 : i32
    %dma_wait3A_1160 = arith.constant 0 : i32
    %dma_wait3A_1161 = arith.constant 2 : i32
    %dma_wait3A_1162 = arith.constant 0 : i32
    %dma_wait3A_1163 = arith.constant 0 : i32
    %dma_wait3A_1164 = tpu.memref_slice %arg10[%dma_wait3A_1160, %dma_wait3A_1162, %dma_wait3A_1163] : memref<4x64x128xf32, #tpu.memory_space<vmem>> -> memref<1x64x128xf32, #tpu.memory_space<vmem>>
    %dma_wait3A_1165 = tpu.memref_squeeze %dma_wait3A_1164 : memref<1x64x128xf32, #tpu.memory_space<vmem>> -> memref<64x128xf32, #tpu.memory_space<vmem>>
    %dma_wait3A_1166 = arith.constant 0 : i32
    %dma_wait3A_1167 = tpu.memref_slice %arg7[%arg0, %add3A_1159, %dma_wait3A_1166] : memref<2x10240x128xf32, #tpu.memory_space<hbm>> -> memref<1x64x128xf32, #tpu.memory_space<hbm>>
    %dma_wait3A_1168 = tpu.memref_squeeze %dma_wait3A_1167 : memref<1x64x128xf32, #tpu.memory_space<hbm>> -> memref<64x128xf32, #tpu.memory_space<hbm>>
    %dma_wait3A_1169 = tpu.memref_slice %arg12[%dma_wait3A_1161] : memref<4x!tpu.dma_semaphore, #tpu.memory_space<semaphore_mem>> -> memref<1x!tpu.dma_semaphore, #tpu.memory_space<semaphore_mem>>
    %dma_wait3A_1170 = tpu.memref_squeeze %dma_wait3A_1169 : memref<1x!tpu.dma_semaphore, #tpu.memory_space<semaphore_mem>> -> memref<!tpu.dma_semaphore, #tpu.memory_space<semaphore_mem>>
    %dma_wait3A_1171 = arith.constant 0 : i32
    %dma_wait3A_1172 = tpu.memref_slice %arg7[%arg0, %add3A_1159, %dma_wait3A_1171] : memref<2x10240x128xf32, #tpu.memory_space<hbm>> -> memref<1x64x128xf32, #tpu.memory_space<hbm>>
    %dma_wait3A_1173 = tpu.memref_squeeze %dma_wait3A_1172 : memref<1x64x128xf32, #tpu.memory_space<hbm>> -> memref<64x128xf32, #tpu.memory_space<hbm>>
    %dma_wait3A_1174 = arith.constant 0 : i32
    %dma_wait3A_1175 = arith.constant 0 : i32
    %dma_wait3A_1176 = tpu.memref_slice %arg10[%dma_wait3A_1160, %dma_wait3A_1174, %dma_wait3A_1175] : memref<4x64x128xf32, #tpu.memory_space<vmem>> -> memref<1x64x128xf32, #tpu.memory_space<vmem>>
    %dma_wait3A_1177 = tpu.memref_squeeze %dma_wait3A_1176 : memref<1x64x128xf32, #tpu.memory_space<vmem>> -> memref<64x128xf32, #tpu.memory_space<vmem>>
    tpu.wait_dma2 semaphore(%dma_wait3A_1170 : memref<!tpu.dma_semaphore, #tpu.memory_space<semaphore_mem>>) src(%dma_wait3A_1177 : memref<64x128xf32, #tpu.memory_space<vmem>>) dst(%dma_wait3A_1173 : memref<64x128xf32, #tpu.memory_space<hbm>>)
    %add3A_1178 = arith.constant 576 : i32
    %add3A_1179 = arith.addi %mul3A_2, %add3A_1178 : i32
    %dma_wait3A_1180 = arith.constant 1 : i32
    %dma_wait3A_1181 = arith.constant 3 : i32
    %dma_wait3A_1182 = arith.constant 0 : i32
    %dma_wait3A_1183 = arith.constant 0 : i32
    %dma_wait3A_1184 = tpu.memref_slice %arg10[%dma_wait3A_1180, %dma_wait3A_1182, %dma_wait3A_1183] : memref<4x64x128xf32, #tpu.memory_space<vmem>> -> memref<1x64x128xf32, #tpu.memory_space<vmem>>
    %dma_wait3A_1185 = tpu.memref_squeeze %dma_wait3A_1184 : memref<1x64x128xf32, #tpu.memory_space<vmem>> -> memref<64x128xf32, #tpu.memory_space<vmem>>
    %dma_wait3A_1186 = arith.constant 0 : i32
    %dma_wait3A_1187 = tpu.memref_slice %arg7[%arg0, %add3A_1179, %dma_wait3A_1186] : memref<2x10240x128xf32, #tpu.memory_space<hbm>> -> memref<1x64x128xf32, #tpu.memory_space<hbm>>
    %dma_wait3A_1188 = tpu.memref_squeeze %dma_wait3A_1187 : memref<1x64x128xf32, #tpu.memory_space<hbm>> -> memref<64x128xf32, #tpu.memory_space<hbm>>
    %dma_wait3A_1189 = tpu.memref_slice %arg12[%dma_wait3A_1181] : memref<4x!tpu.dma_semaphore, #tpu.memory_space<semaphore_mem>> -> memref<1x!tpu.dma_semaphore, #tpu.memory_space<semaphore_mem>>
    %dma_wait3A_1190 = tpu.memref_squeeze %dma_wait3A_1189 : memref<1x!tpu.dma_semaphore, #tpu.memory_space<semaphore_mem>> -> memref<!tpu.dma_semaphore, #tpu.memory_space<semaphore_mem>>
    %dma_wait3A_1191 = arith.constant 0 : i32
    %dma_wait3A_1192 = tpu.memref_slice %arg7[%arg0, %add3A_1179, %dma_wait3A_1191] : memref<2x10240x128xf32, #tpu.memory_space<hbm>> -> memref<1x64x128xf32, #tpu.memory_space<hbm>>
    %dma_wait3A_1193 = tpu.memref_squeeze %dma_wait3A_1192 : memref<1x64x128xf32, #tpu.memory_space<hbm>> -> memref<64x128xf32, #tpu.memory_space<hbm>>
    %dma_wait3A_1194 = arith.constant 0 : i32
    %dma_wait3A_1195 = arith.constant 0 : i32
    %dma_wait3A_1196 = tpu.memref_slice %arg10[%dma_wait3A_1180, %dma_wait3A_1194, %dma_wait3A_1195] : memref<4x64x128xf32, #tpu.memory_space<vmem>> -> memref<1x64x128xf32, #tpu.memory_space<vmem>>
    %dma_wait3A_1197 = tpu.memref_squeeze %dma_wait3A_1196 : memref<1x64x128xf32, #tpu.memory_space<vmem>> -> memref<64x128xf32, #tpu.memory_space<vmem>>
    tpu.wait_dma2 semaphore(%dma_wait3A_1190 : memref<!tpu.dma_semaphore, #tpu.memory_space<semaphore_mem>>) src(%dma_wait3A_1197 : memref<64x128xf32, #tpu.memory_space<vmem>>) dst(%dma_wait3A_1193 : memref<64x128xf32, #tpu.memory_space<hbm>>)
    return
  }
}

module attributes {stable_mosaic.version = 14 : i64} {
  func.func @_tc_mm_body(%arg0: i32, %arg1: memref<2048x128xf32, #tpu.memory_space<vmem>>, %arg2: memref<128x128xf32, #tpu.memory_space<vmem>>, %arg3: memref<2048x128xf32, #tpu.memory_space<vmem>>) attributes {dimension_semantics = [#tpu.dimension_semantics<arbitrary>], iteration_bounds = array<i64: 5>, scalar_prefetch = 0 : i64, scratch_operands = 0 : i64, tpu.core_type = #tpu.core_type<tc>, window_params = [{transform_indices = @transform_0, window_bounds = array<i64: 2048, 128>}, {pipeline_mode = #tpu.pipeline_mode<synchronous>, transform_indices = @transform_1, window_bounds = array<i64: 128, 128>}, {transform_indices = @transform_2, window_bounds = array<i64: 2048, 128>}]} {
    %get3A = arith.constant 0 : index
    %get3A_0 = arith.constant 0 : index
    %get3A_1 = vector.load %arg1[%get3A, %get3A_0] : memref<2048x128xf32, #tpu.memory_space<vmem>>, vector<2048x128xf32>
    %get3A_2 = arith.constant 0 : index
    %get3A_3 = arith.constant 0 : index
    %get3A_4 = vector.load %arg2[%get3A_2, %get3A_3] : memref<128x128xf32, #tpu.memory_space<vmem>>, vector<128x128xf32>
    %dot_general3A = arith.constant dense<0.000000e+00> : vector<2048x128xf32>
    %dot_general3A_5 = tpu.matmul %get3A_1, %get3A_4, %dot_general3A {dimension_numbers = #tpu.dot_dimension_numbers<[1], [0], [0], [1], [0, 0, 1, 1], [], []>, transpose_lhs_hint = false} : vector<2048x128xf32>, vector<128x128xf32>, vector<2048x128xf32> -> vector<2048x128xf32>
    %swap3A = arith.constant 0 : index
    %swap3A_6 = arith.constant 0 : index
    %swap3A_7 = vector.load %arg3[%swap3A, %swap3A_6] : memref<2048x128xf32, #tpu.memory_space<vmem>>, vector<2048x128xf32>
    tpu.vector_store %arg3[%swap3A, %swap3A_6], %dot_general3A_5 {strides = array<i32>} : memref<2048x128xf32, #tpu.memory_space<vmem>>, vector<2048x128xf32>,
    return
  }
  func.func @transform_0(%arg0: i32) -> (i32, i32) {
    %c0_i32 = arith.constant 0 : i32
    %c0_i32_0 = arith.constant 0 : i32
    return %arg0, %c0_i32 : i32, i32
  }
  func.func @transform_1(%arg0: i32) -> (i32, i32) {
    %c0_i32 = arith.constant 0 : i32
    %c0_i32_0 = arith.constant 0 : i32
    %c0_i32_1 = arith.constant 0 : i32
    return %c0_i32, %c0_i32_0 : i32, i32
  }
  func.func @transform_2(%arg0: i32) -> (i32, i32) {
    %c0_i32 = arith.constant 0 : i32
    %c0_i32_0 = arith.constant 0 : i32
    return %arg0, %c0_i32 : i32, i32
  }
}

module attributes {stable_mosaic.version = 14 : i64} {
  func.func @_tc1_body(%arg0: i32, %arg1: memref<2048x128xf32, #tpu.memory_space<vmem>>, %arg2: memref<2x2048xf32, #tpu.memory_space<vmem>>, %arg3: memref<2048x128xf32, #tpu.memory_space<vmem>>, %arg4: memref<2048x1xf32, #tpu.memory_space<vmem>>) attributes {dimension_semantics = [#tpu.dimension_semantics<arbitrary>], iteration_bounds = array<i64: 5>, scalar_prefetch = 0 : i64, scratch_operands = 0 : i64, tpu.core_type = #tpu.core_type<tc>, window_params = [{transform_indices = @transform_0, window_bounds = array<i64: 2048, 128>}, {transform_indices = @transform_1, window_bounds = array<i64: 2, 2048>}, {transform_indices = @transform_2, window_bounds = array<i64: 2048, 128>}, {transform_indices = @transform_3, window_bounds = array<i64: 2048, 1>}]} {
    %get3A = arith.constant 0 : index
    %get3A_0 = arith.constant 0 : index
    %get3A_1 = vector.load %arg2[%get3A, %get3A_0] : memref<2x2048xf32, #tpu.memory_space<vmem>>, vector<1x2048xf32>
    %get3A_2 = vector.shape_cast %get3A_1 : vector<1x2048xf32> to vector<2048xf32>
    %get3A_3 = arith.constant 1 : index
    %get3A_4 = arith.constant 0 : index
    %get3A_5 = vector.load %arg2[%get3A_3, %get3A_4] : memref<2x2048xf32, #tpu.memory_space<vmem>>, vector<1x2048xf32>
    %get3A_6 = vector.shape_cast %get3A_5 : vector<1x2048xf32> to vector<2048xf32>
    %add3A = arith.addf %get3A_2, %get3A_6 : vector<2048xf32>
    %add3A_7 = arith.constant 1.000000e+00 : f32
    %add3A_8 = vector.broadcast %add3A_7 : f32 to vector<2048xf32>
    %add3A_9 = arith.addf %add3A, %add3A_8 : vector<2048xf32>
    %sqrt3A = math.sqrt %add3A_9 : vector<2048xf32>
    %div3A = arith.constant 1.000000e+00 : f32
    %div3A_10 = vector.broadcast %div3A : f32 to vector<2048xf32>
    %div3A_11 = arith.divf %div3A_10, %sqrt3A : vector<2048xf32>
    %broadcast_in_dim3A = vector.shape_cast %div3A_11 : vector<2048xf32> to vector<2048x1xf32>
    %get3A_12 = arith.constant 0 : index
    %get3A_13 = arith.constant 0 : index
    %get3A_14 = vector.load %arg1[%get3A_12, %get3A_13] : memref<2048x128xf32, #tpu.memory_space<vmem>>, vector<2048x128xf32>
    %mul3A = vector.broadcast %broadcast_in_dim3A : vector<2048x1xf32> to vector<2048x128xf32>
    %mul3A_15 = arith.mulf %get3A_14, %mul3A : vector<2048x128xf32>
    %swap3A = arith.constant 0 : index
    %swap3A_16 = arith.constant 0 : index
    %swap3A_17 = vector.load %arg3[%swap3A, %swap3A_16] : memref<2048x128xf32, #tpu.memory_space<vmem>>, vector<2048x128xf32>
    tpu.vector_store %arg3[%swap3A, %swap3A_16], %mul3A_15 {strides = array<i32>} : memref<2048x128xf32, #tpu.memory_space<vmem>>, vector<2048x128xf32>,
    %swap3A_18 = arith.constant 0 : index
    %swap3A_19 = arith.constant 0 : index
    %swap3A_20 = vector.load %arg4[%swap3A_18, %swap3A_19] : memref<2048x1xf32, #tpu.memory_space<vmem>>, vector<2048x1xf32>
    tpu.vector_store %arg4[%swap3A_18, %swap3A_19], %broadcast_in_dim3A {strides = array<i32>} : memref<2048x1xf32, #tpu.memory_space<vmem>>, vector<2048x1xf32>,
    return
  }
  func.func @transform_0(%arg0: i32) -> (i32, i32) {
    %c0_i32 = arith.constant 0 : i32
    %c0_i32_0 = arith.constant 0 : i32
    return %arg0, %c0_i32 : i32, i32
  }
  func.func @transform_1(%arg0: i32) -> (i32, i32) {
    %c0_i32 = arith.constant 0 : i32
    %c0_i32_0 = arith.constant 0 : i32
    return %c0_i32, %arg0 : i32, i32
  }
  func.func @transform_2(%arg0: i32) -> (i32, i32) {
    %c0_i32 = arith.constant 0 : i32
    %c0_i32_0 = arith.constant 0 : i32
    return %arg0, %c0_i32 : i32, i32
  }
  func.func @transform_3(%arg0: i32) -> (i32, i32) {
    %c0_i32 = arith.constant 0 : i32
    %c0_i32_0 = arith.constant 0 : i32
    return %arg0, %c0_i32 : i32, i32
  }
}

module attributes {stable_mosaic.version = 14 : i64} {
  func.func @_tc2_body(%arg0: i32, %arg1: memref<2x2048x128xf32, #tpu.memory_space<vmem>>, %arg2: memref<2048x128xf32, #tpu.memory_space<vmem>>, %arg3: memref<2048x1xf32, #tpu.memory_space<vmem>>, %arg4: memref<1x128xf32, #tpu.memory_space<vmem>>, %arg5: memref<128x128xf32, #tpu.memory_space<vmem>>, %arg6: memref<2048x128xf32, #tpu.memory_space<vmem>>) attributes {dimension_semantics = [#tpu.dimension_semantics<arbitrary>], iteration_bounds = array<i64: 5>, scalar_prefetch = 0 : i64, scratch_operands = 0 : i64, tpu.core_type = #tpu.core_type<tc>, window_params = [{transform_indices = @transform_0, window_bounds = array<i64: 2, 2048, 128>}, {transform_indices = @transform_1, window_bounds = array<i64: 2048, 128>}, {transform_indices = @transform_2, window_bounds = array<i64: 2048, 1>}, {pipeline_mode = #tpu.pipeline_mode<synchronous>, transform_indices = @transform_3, window_bounds = array<i64: 1, 128>}, {pipeline_mode = #tpu.pipeline_mode<synchronous>, transform_indices = @transform_4, window_bounds = array<i64: 128, 128>}, {transform_indices = @transform_5, window_bounds = array<i64: 2048, 128>}]} {
    %get3A = arith.constant 0 : index
    %get3A_0 = arith.constant 0 : index
    %get3A_1 = arith.constant 0 : index
    %get3A_2 = vector.load %arg1[%get3A, %get3A_0, %get3A_1] : memref<2x2048x128xf32, #tpu.memory_space<vmem>>, vector<1x2048x128xf32>
    %get3A_3 = vector.shape_cast %get3A_2 : vector<1x2048x128xf32> to vector<2048x128xf32>
    %get3A_4 = arith.constant 1 : index
    %get3A_5 = arith.constant 0 : index
    %get3A_6 = arith.constant 0 : index
    %get3A_7 = vector.load %arg1[%get3A_4, %get3A_5, %get3A_6] : memref<2x2048x128xf32, #tpu.memory_space<vmem>>, vector<1x2048x128xf32>
    %get3A_8 = vector.shape_cast %get3A_7 : vector<1x2048x128xf32> to vector<2048x128xf32>
    %add3A = arith.addf %get3A_3, %get3A_8 : vector<2048x128xf32>
    %get3A_9 = arith.constant 0 : index
    %get3A_10 = arith.constant 0 : index
    %get3A_11 = vector.load %arg2[%get3A_9, %get3A_10] : memref<2048x128xf32, #tpu.memory_space<vmem>>, vector<2048x128xf32>
    %add3A_12 = arith.addf %add3A, %get3A_11 : vector<2048x128xf32>
    %get3A_13 = arith.constant 0 : index
    %get3A_14 = arith.constant 0 : index
    %get3A_15 = vector.load %arg3[%get3A_13, %get3A_14] : memref<2048x1xf32, #tpu.memory_space<vmem>>, vector<2048x1xf32>
    %mul3A = vector.broadcast %get3A_15 : vector<2048x1xf32> to vector<2048x128xf32>
    %mul3A_16 = arith.mulf %add3A_12, %mul3A : vector<2048x128xf32>
    %get3A_17 = arith.constant 0 : index
    %get3A_18 = arith.constant 0 : index
    %get3A_19 = vector.load %arg4[%get3A_17, %get3A_18] : memref<1x128xf32, #tpu.memory_space<vmem>>, vector<1x128xf32>
    %add3A_20 = vector.broadcast %get3A_19 : vector<1x128xf32> to vector<2048x128xf32>
    %add3A_21 = arith.addf %mul3A_16, %add3A_20 : vector<2048x128xf32>
    %max3A = arith.constant 0.000000e+00 : f32
    %max3A_22 = vector.broadcast %max3A : f32 to vector<2048x128xf32>
    %max3A_23 = arith.maximumf %add3A_21, %max3A_22 : vector<2048x128xf32>
    %get3A_24 = arith.constant 0 : index
    %get3A_25 = arith.constant 0 : index
    %get3A_26 = vector.load %arg5[%get3A_24, %get3A_25] : memref<128x128xf32, #tpu.memory_space<vmem>>, vector<128x128xf32>
    %dot_general3A = arith.constant dense<0.000000e+00> : vector<2048x128xf32>
    %dot_general3A_27 = tpu.matmul %max3A_23, %get3A_26, %dot_general3A {dimension_numbers = #tpu.dot_dimension_numbers<[1], [0], [0], [1], [0, 0, 1, 1], [], []>, transpose_lhs_hint = false} : vector<2048x128xf32>, vector<128x128xf32>, vector<2048x128xf32> -> vector<2048x128xf32>
    %get3A_28 = arith.constant 0 : index
    %get3A_29 = arith.constant 0 : index
    %get3A_30 = vector.load %arg3[%get3A_28, %get3A_29] : memref<2048x1xf32, #tpu.memory_space<vmem>>, vector<2048x1xf32>
    %mul3A_31 = vector.broadcast %get3A_30 : vector<2048x1xf32> to vector<2048x128xf32>
    %mul3A_32 = arith.mulf %dot_general3A_27, %mul3A_31 : vector<2048x128xf32>
    %swap3A = arith.constant 0 : index
    %swap3A_33 = arith.constant 0 : index
    %swap3A_34 = vector.load %arg6[%swap3A, %swap3A_33] : memref<2048x128xf32, #tpu.memory_space<vmem>>, vector<2048x128xf32>
    tpu.vector_store %arg6[%swap3A, %swap3A_33], %mul3A_32 {strides = array<i32>} : memref<2048x128xf32, #tpu.memory_space<vmem>>, vector<2048x128xf32>,
    return
  }
  func.func @transform_0(%arg0: i32) -> (i32, i32, i32) {
    %c0_i32 = arith.constant 0 : i32
    %c0_i32_0 = arith.constant 0 : i32
    %c0_i32_1 = arith.constant 0 : i32
    return %c0_i32, %arg0, %c0_i32_0 : i32, i32, i32
  }
  func.func @transform_1(%arg0: i32) -> (i32, i32) {
    %c0_i32 = arith.constant 0 : i32
    %c0_i32_0 = arith.constant 0 : i32
    return %arg0, %c0_i32 : i32, i32
  }
  func.func @transform_2(%arg0: i32) -> (i32, i32) {
    %c0_i32 = arith.constant 0 : i32
    %c0_i32_0 = arith.constant 0 : i32
    return %arg0, %c0_i32 : i32, i32
  }
  func.func @transform_3(%arg0: i32) -> (i32, i32) {
    %c0_i32 = arith.constant 0 : i32
    %c0_i32_0 = arith.constant 0 : i32
    %c0_i32_1 = arith.constant 0 : i32
    return %c0_i32, %c0_i32_0 : i32, i32
  }
  func.func @transform_4(%arg0: i32) -> (i32, i32) {
    %c0_i32 = arith.constant 0 : i32
    %c0_i32_0 = arith.constant 0 : i32
    %c0_i32_1 = arith.constant 0 : i32
    return %c0_i32, %c0_i32_0 : i32, i32
  }
  func.func @transform_5(%arg0: i32) -> (i32, i32) {
    %c0_i32 = arith.constant 0 : i32
    %c0_i32_0 = arith.constant 0 : i32
    return %arg0, %c0_i32 : i32, i32
  }
}

module attributes {stable_mosaic.version = 14 : i64} {
  func.func @_tc_ques_body(%arg0: memref<8x128xf32, #tpu.memory_space<vmem>>, %arg1: memref<128x128xf32, #tpu.memory_space<vmem>>, %arg2: memref<1x128xf32, #tpu.memory_space<vmem>>, %arg3: memref<8x128xf32, #tpu.memory_space<vmem>>) attributes {dimension_semantics = [], scalar_prefetch = 0 : i64, scratch_operands = 0 : i64, tpu.core_type = #tpu.core_type<tc>} {
    %get3A = arith.constant 0 : index
    %get3A_0 = arith.constant 0 : index
    %get3A_1 = vector.load %arg0[%get3A, %get3A_0] : memref<8x128xf32, #tpu.memory_space<vmem>>, vector<8x128xf32>
    %get3A_2 = arith.constant 0 : index
    %get3A_3 = arith.constant 0 : index
    %get3A_4 = vector.load %arg1[%get3A_2, %get3A_3] : memref<128x128xf32, #tpu.memory_space<vmem>>, vector<128x128xf32>
    %dot_general3A = arith.constant dense<0.000000e+00> : vector<8x128xf32>
    %dot_general3A_5 = tpu.matmul %get3A_1, %get3A_4, %dot_general3A {dimension_numbers = #tpu.dot_dimension_numbers<[1], [0], [0], [1], [0, 0, 1, 1], [], []>, transpose_lhs_hint = false} : vector<8x128xf32>, vector<128x128xf32>, vector<8x128xf32> -> vector<8x128xf32>
    %get3A_6 = arith.constant 0 : index
    %get3A_7 = arith.constant 0 : index
    %get3A_8 = vector.load %arg2[%get3A_6, %get3A_7] : memref<1x128xf32, #tpu.memory_space<vmem>>, vector<1x128xf32>
    %add3A = vector.broadcast %get3A_8 : vector<1x128xf32> to vector<8x128xf32>
    %add3A_9 = arith.addf %dot_general3A_5, %add3A : vector<8x128xf32>
    %swap3A = arith.constant 0 : index
    %swap3A_10 = arith.constant 0 : index
    %swap3A_11 = vector.load %arg3[%swap3A, %swap3A_10] : memref<8x128xf32, #tpu.memory_space<vmem>>, vector<8x128xf32>
    tpu.vector_store %arg3[%swap3A, %swap3A_10], %add3A_9 {strides = array<i32>} : memref<8x128xf32, #tpu.memory_space<vmem>>, vector<8x128xf32>,
    return
  }
}

module attributes {stable_mosaic.version = 14 : i64} {
  func.func @_tc3_body(%arg0: i32, %arg1: memref<2x1000x128xf32, #tpu.memory_space<vmem>>, %arg2: memref<1000x128xf32, #tpu.memory_space<vmem>>, %arg3: memref<1000x1xf32, #tpu.memory_space<vmem>>, %arg4: memref<1x128xf32, #tpu.memory_space<vmem>>, %arg5: memref<1000x128xf32, #tpu.memory_space<vmem>>) attributes {dimension_semantics = [#tpu.dimension_semantics<arbitrary>], iteration_bounds = array<i64: 10>, scalar_prefetch = 0 : i64, scratch_operands = 0 : i64, tpu.core_type = #tpu.core_type<tc>, window_params = [{transform_indices = @transform_0, window_bounds = array<i64: 2, 1000, 128>}, {transform_indices = @transform_1, window_bounds = array<i64: 1000, 128>}, {transform_indices = @transform_2, window_bounds = array<i64: 1000, 1>}, {pipeline_mode = #tpu.pipeline_mode<synchronous>, transform_indices = @transform_3, window_bounds = array<i64: 1, 128>}, {transform_indices = @transform_4, window_bounds = array<i64: 1000, 128>}]} {
    %get3A = arith.constant 0 : index
    %get3A_0 = arith.constant 0 : index
    %get3A_1 = arith.constant 0 : index
    %get3A_2 = vector.load %arg1[%get3A, %get3A_0, %get3A_1] : memref<2x1000x128xf32, #tpu.memory_space<vmem>>, vector<1x1000x128xf32>
    %get3A_3 = vector.shape_cast %get3A_2 : vector<1x1000x128xf32> to vector<1000x128xf32>
    %get3A_4 = arith.constant 1 : index
    %get3A_5 = arith.constant 0 : index
    %get3A_6 = arith.constant 0 : index
    %get3A_7 = vector.load %arg1[%get3A_4, %get3A_5, %get3A_6] : memref<2x1000x128xf32, #tpu.memory_space<vmem>>, vector<1x1000x128xf32>
    %get3A_8 = vector.shape_cast %get3A_7 : vector<1x1000x128xf32> to vector<1000x128xf32>
    %add3A = arith.addf %get3A_3, %get3A_8 : vector<1000x128xf32>
    %get3A_9 = arith.constant 0 : index
    %get3A_10 = arith.constant 0 : index
    %get3A_11 = vector.load %arg2[%get3A_9, %get3A_10] : memref<1000x128xf32, #tpu.memory_space<vmem>>, vector<1000x128xf32>
    %add3A_12 = arith.addf %add3A, %get3A_11 : vector<1000x128xf32>
    %get3A_13 = arith.constant 0 : index
    %get3A_14 = arith.constant 0 : index
    %get3A_15 = vector.load %arg3[%get3A_13, %get3A_14] : memref<1000x1xf32, #tpu.memory_space<vmem>>, vector<1000x1xf32>
    %mul3A = vector.broadcast %get3A_15 : vector<1000x1xf32> to vector<1000x128xf32>
    %mul3A_16 = arith.mulf %add3A_12, %mul3A : vector<1000x128xf32>
    %get3A_17 = arith.constant 0 : index
    %get3A_18 = arith.constant 0 : index
    %get3A_19 = vector.load %arg4[%get3A_17, %get3A_18] : memref<1x128xf32, #tpu.memory_space<vmem>>, vector<1x128xf32>
    %add3A_20 = vector.broadcast %get3A_19 : vector<1x128xf32> to vector<1000x128xf32>
    %add3A_21 = arith.addf %mul3A_16, %add3A_20 : vector<1000x128xf32>
    %swap3A = arith.constant 0 : index
    %swap3A_22 = arith.constant 0 : index
    %swap3A_23 = vector.load %arg5[%swap3A, %swap3A_22] : memref<1000x128xf32, #tpu.memory_space<vmem>>, vector<1000x128xf32>
    tpu.vector_store %arg5[%swap3A, %swap3A_22], %add3A_21 {strides = array<i32>} : memref<1000x128xf32, #tpu.memory_space<vmem>>, vector<1000x128xf32>,
    return
  }
  func.func @transform_0(%arg0: i32) -> (i32, i32, i32) {
    %c0_i32 = arith.constant 0 : i32
    %c0_i32_0 = arith.constant 0 : i32
    %c0_i32_1 = arith.constant 0 : i32
    return %c0_i32, %arg0, %c0_i32_0 : i32, i32, i32
  }
  func.func @transform_1(%arg0: i32) -> (i32, i32) {
    %c0_i32 = arith.constant 0 : i32
    %c0_i32_0 = arith.constant 0 : i32
    return %arg0, %c0_i32 : i32, i32
  }
  func.func @transform_2(%arg0: i32) -> (i32, i32) {
    %c0_i32 = arith.constant 0 : i32
    %c0_i32_0 = arith.constant 0 : i32
    return %arg0, %c0_i32 : i32, i32
  }
  func.func @transform_3(%arg0: i32) -> (i32, i32) {
    %c0_i32 = arith.constant 0 : i32
    %c0_i32_0 = arith.constant 0 : i32
    %c0_i32_1 = arith.constant 0 : i32
    return %c0_i32, %c0_i32_0 : i32, i32
  }
  func.func @transform_4(%arg0: i32) -> (i32, i32) {
    %c0_i32 = arith.constant 0 : i32
    %c0_i32_0 = arith.constant 0 : i32
    return %arg0, %c0_i32 : i32, i32
  }
}

</mosaic_0001>

<sc_bundles>
// kernel: kernel.10.cloned.1.call-start
scs
__scs_entry_jumppad:
0x0: {  	(pc) =	sbr.rel $0x88, $3  }
0x1: {  	(tag) =	ssettag $0x0;
	lr =	simm.s32 $0x1  }
0x2: {  	[smem:$0x3F98] =	sst lr;
	_ =	strace $0xD0000000  }
0x3: {  	_ = 	snop  }
0x4: {  	_ = 	snop  }
0x5: {  	_ = 	snop  }
0x6: {  	_ = 	snop  }
0x7: {  	_ = 	snop  }
__scs_overlays_trampoline_lowered:
0x8: {  	[smem:$0x3FA7] =	sst s0  }
0x9: {  	[smem:$0x3FA8] =	sst s1  }
0xa: {  	[smem:$0x3FA9] =	sst s2  }
0xb: {  	[smem:$0x3FAA] =	sst s3  }
0xc: {  	[smem:$0x3FAB] =	sst s4  }
0xd: {  	[smem:$0x3FAC] =	sst s5  }
0xe: {  	[smem:$0x3FAD] =	sst s6  }
0xf: {  	[smem:$0x3FAE] =	sst s7  }
0x10: {  	[smem:$0x3FAF] =	sst s8  }
0x11: {  	[smem:$0x3FB0] =	sst s9;
	s0 =	simm.s32 @!p0 $0x0  }
0x12: {  	s1 =	sld [smem:$0x3F96];
	s0 =	simm.s32 @p0 $0x1  }
0x13: {  	[smem:$0x3FB1] =	sst s0;
	s0 =	simm.s32 @!p1 $0x0  }
0x14: {  	s2 =	sld [smem:$0x3F95];
	s0 =	simm.s32 @p1 $0x1  }
0x15: {  	[smem:$0x3FB2] =	sst s0;
	s0 =	simm.s32 @!p2 $0x0  }
0x16: {  	s3 =	sld [smem:$0x3FDB];
	s0 =	simm.s32 @p2 $0x1  }
0x17: {  	s4 =	simm.s32 $0x1BF5;
	[smem:$0x3FB4] =	sst s0  }
0x18: {  	s0 =	sld [smem:$0x3F97];
	_ =	swait.ge [sflag:s4], $0x0  }
0x19: {  	s7 =	sld [smem:$0x3F98]  }
0x1a: {  	s8 =	sadd.s32 $0xFFFFE003, lr  }
0x1b: {  	s9 =	sadd.s32 $0xFFFFFEF7, lr;
	s5 =	simm.s32 $0xFFFFFFFF;
	p2 =	slt.u32 s8, $0xFFFFF086  }
0x1c: {  	p1 =	slt.u32 s9, $0xF7A;
	s5 =	simm.s32 @!p2 $0x0  }
0x1d: {  	s5 =	simm.s32 @p1 $0x1;
	p0 =	seq.s32 s7, s2  }
0x1e: {  	s7 =	smul.u32 @!p0 $0xF7A, s2;
	p2 =	seq.s32 @!p0 s5, $0x0  }
0x1f: {  	s9 =	smul.u32 $0xF7A, s1;
	s8 =	simm.s32 @!p0 $0x1BF5;
	p2 =	por !p2, p0  }
0x20: {  	[sflag:s8] =	ssyncset.s32 @!p0 $0xFFFFF086;
	s6 =	sadd.s32 @!p0 s3, s7;
	s7 =	simm.s32 @!p0 $0x108  }
0x21: {  	s3 =	sadd.s32 s3, s9;
	s6 =	sadd.s32 @!p0 $0x88, s6;
	s7 =	simm.s32 @p2 $0x1082  }
0x22: {  	[simem:s7], [sflag:s8] =	dma.local @!p0 [hbm:s6], $0xF7A  }
0x23: {  	s9 =	sor.u32 $0xD0000000, s2;
	s6 =	simm.s32 $0x108;
	_ =	swait.ge @!p0 [sflag:s8], $0x0  }
0x24: {  	s3 =	sadd.s32 $0x88, s3;
	s6 =	simm.s32 @!p1 $0x1082;
	[sflag:s4] =	ssyncset.s32 $0xFFFFF086  }
0x25: {  	[simem:s6], [sflag:s4] =	dma.local [hbm:s3], $0xF7A  }
0x26: {  	[smem:$0x3F98] =	sst s1;
	(tag) =	ssettag s2;
	_ =	strace s9  }
0x27: {  	s1 =	sld [smem:$0x3FA8]  }
0x28: {  	s2 =	sld [smem:$0x3FA9]  }
0x29: {  	s4 =	sld [smem:$0x3FAB]  }
0x2a: {  	p0 =	seq.s32 s5, $0x0;
	s5 =	sld [smem:$0x3FAC]  }
0x2b: {  	s6 =	sld [smem:$0x3FAD]  }
0x2c: {  	s7 =	sld [smem:$0x3FAE]  }
0x2d: {  	s3 =	simm.s32 $0x108;
	s8 =	sld [smem:$0x3FAF]  }
0x2e: {  	s3 =	simm.s32 @!p0 $0x1082;
	s9 =	sld [smem:$0x3FB0]  }
0x2f: {  	lr =	sadd.s32 s0, s3;
	s0 =	sld [smem:$0x3FA7]  }
0x30: {  	s3 =	sld [smem:$0x3FAA]  }
0x31: {  	[smem:$0x3FB3] =	sst s10  }
0x32: {  	s10 =	sld [smem:$0x3FB1];
	_ =	sdelay $0x3  }
0x33: {  	p0 =	seq.s32 s10, $0x1;
	s10 =	sld [smem:$0x3FB3];
	_ =	sdelay $0x3  }
0x34: {  	[smem:$0x3FB3] =	sst s10  }
0x35: {  	s10 =	sld [smem:$0x3FB2];
	_ =	sdelay $0x3  }
0x36: {  	p1 =	seq.s32 s10, $0x1;
	s10 =	sld [smem:$0x3FB3];
	_ =	sdelay $0x3  }
0x37: {  	[smem:$0x3FB3] =	sst s10  }
0x38: {  	s10 =	sld [smem:$0x3FB4]  }
0x39: {  	_ = 	snop;
	(pc) =	sbr.ind lr, $3  }
0x3a: {  	_ = 	snop  }
0x3b: {  	_ = 	snop  }
0x3c: {  	p2 =	seq.s32 s10, $0x1;
	s10 =	sld [smem:$0x3FB3]  }
0x3d: {  	_ =	shalt  }
0x3e: {  	_ =	shalt  }
0x3f: {  	_ =	shalt  }
0x40: {  	_ =	shalt  }
0x41: {  	_ =	shalt  }
0x42: {  	_ =	shalt  }
0x43: {  	_ =	shalt  }
0x44: {  	_ =	shalt  }
0x45: {  	_ =	shalt  }
0x46: {  	_ =	shalt  }
0x47: {  	_ =	shalt  }
0x48: {  	_ =	shalt  }
0x49: {  	_ =	shalt  }
0x4a: {  	_ =	shalt  }
0x4b: {  	_ =	shalt  }
0x4c: {  	_ =	shalt  }
0x4d: {  	_ =	shalt  }
0x4e: {  	_ =	shalt  }
0x4f: {  	_ =	shalt  }
0x50: {  	_ =	shalt  }
0x51: {  	_ =	shalt  }
0x52: {  	_ =	shalt  }
0x53: {  	_ =	shalt  }
0x54: {  	_ =	shalt  }
0x55: {  	_ =	shalt  }
0x56: {  	_ =	shalt  }
0x57: {  	_ =	shalt  }
0x58: {  	_ =	shalt  }
0x59: {  	_ =	shalt  }
0x5a: {  	_ =	shalt  }
0x5b: {  	_ =	shalt  }
0x5c: {  	_ =	shalt  }
0x5d: {  	_ =	shalt  }
0x5e: {  	_ =	shalt  }
0x5f: {  	_ =	shalt  }
0x60: {  	_ =	shalt  }
0x61: {  	_ =	shalt  }
0x62: {  	_ =	shalt  }
0x63: {  	_ =	shalt  }
0x64: {  	_ =	shalt  }
0x65: {  	_ =	shalt  }
0x66: {  	_ =	shalt  }
0x67: {  	_ =	shalt  }
0x68: {  	_ =	shalt  }
0x69: {  	_ =	shalt  }
0x6a: {  	_ =	shalt  }
0x6b: {  	_ =	shalt  }
0x6c: {  	_ =	shalt  }
0x6d: {  	_ =	shalt  }
0x6e: {  	_ =	shalt  }
0x6f: {  	_ =	shalt  }
0x70: {  	_ =	shalt  }
0x71: {  	_ =	shalt  }
0x72: {  	_ =	shalt  }
0x73: {  	_ =	shalt  }
0x74: {  	_ =	shalt  }
0x75: {  	_ =	shalt  }
0x76: {  	_ =	shalt  }
0x77: {  	_ =	shalt  }
0x78: {  	_ =	shalt  }
0x79: {  	_ =	shalt  }
0x7a: {  	_ =	shalt  }
0x7b: {  	_ =	shalt  }
0x7c: {  	_ =	shalt  }
0x7d: {  	_ =	shalt  }
0x7e: {  	_ =	shalt  }
0x7f: {  	_ =	shalt  }
0x80: {  	_ =	shalt  }
0x81: {  	_ =	shalt  }
0x82: {  	_ =	shalt  }
0x83: {  	_ =	shalt  }
0x84: {  	_ =	shalt  }
0x85: {  	_ =	shalt  }
0x86: {  	_ =	shalt  }
0x87: {  	_ =	shalt  }
.Lfunc_end0:
.L_simem_size_0:
called_computation_lowered:
.L_overlay_start_0:
0x88: {  	s2 =	sld [smem:$0x3FD9]  }
0x89: {  	s3 =	sld [smem:$0x3FFE];
	_ =	sdelay $0x1  }
0x8a: {  	s1 =	srdreg.scid  }
0x8b: {  	s0 =	sand.u32 $0x1, s1  }
0x8c: {  	s14 =	sshll.u32 s0, $0xA;
	s2 =	sadd.s32 s3, s2  }
0x8d: {  	s2 =	sadd.s32 s2, s14  }
0x8e: {  	[smem:$0x3FBF] =	sst s2  }
0x8f: {  	_ = 	snop  }
0x90: {  	s2 =	sld [smem:$0x3FD0];
	_ =	sdelay $0x2  }
0x91: {  	s15 =	simm.s32 $0xA;
	s4 =	simm.s32 $0x10  }
0x92: {  	[smem:s4], [sflag:s15] =	dma.local [hbm:s2], $0x1  }
0x93: {  	_ =	swait.eq [sflag:s15], $0x1  }
0x94: {  	[sflag:s15] =	ssyncset.done $0x0  }
0x95: {  	[sflag:s15] =	ssyncadd.s32 $0xFFFFFFFF  }
0x96: {  	s16 =	sld [smem:$0x10];
	(tm) =	ssettm $0x1  }
0x97: {  	s17 =	sld [smem:$0x3FFB];
	_ =	sdelay $0x3  }
0x98: {  	_ =	strace s17  }
0x99: {  	s3 =	sld [smem:$0x3FFC];
	_ =	sdelay $0x3  }
0x9a: {  	_ =	strace s3  }
0x9b: {  	s3 =	sld [smem:$0x3FFD];
	_ =	sdelay $0x3  }
0x9c: {  	_ =	strace s3  }
0x9d: {  	_ =	strace $0x8FFFFFFF  }
0x9e: {  	s18 =	sld [smem:$0x3FDB];
	_ =	sdelay $0x1  }
0x9f: {  	s19 =	simm.s32 $_scs_section_size  }
0xa0: {  	s5 =	simm.s32 $_size__tile_overlayer_lowered;
	s6 =	simm.s32 $_tile_overlayer_lowered  }
0xa1: {  	s22 =	simm.s32 $0x1BFF;
	s21 =	sshll.u32 s6, $0x1;
	s3 =	sadd.s32 s19, s18  }
0xa2: {  	s7 =	simm.s32 $0x0;
	s20 =	sshll.u32 s5, $0x1;
	s5 =	sadd.s32 s21, s3  }
0xa3: {  	[timem:s7], [sflag:s22] =	dma.local [hbm:s5], s20  }
0xa4: {  	_ =	swait.ge [sflag:s22], s20  }
0xa5: {  	s4 =	ssub.s32 $0x0, s20;
	[sflag:s22] =	ssyncset.done $0x0  }
0xa6: {  	[sflag:s22] =	ssyncadd.s32 s4;
	_ =	sdelay $0x1  }
0xa7: {  	s23 =	simm.s32 $0x1B8B  }
0xa8: {  	_ =	swait.ge [sflag:s23], $0x1  }
0xa9: {  	[sflag:s23] =	ssyncset.done $0x0  }
0xaa: {  	s25 =	simm.s32 $0x1B8E;
	s24 =	sld [smem:$0x3FFE];
	[sflag:s23] =	ssyncadd.s32 $0xFFFFFFFF  }
0xab: {  	s26 =	simm.s32 $execute0_lowered;
	[smem:$0x3FD2] =	sst s25  }
0xac: {  	s5 =	sshll.u32 s26, $0x1;
	_ =	strace $0x80000046;
	[dreg:$0x1] =	wrdreg $0xFFFFFFFF  }
0xad: {  	s28 =	simm.s32 $_size_execute0_lowered;
	s3 =	sadd.s32 s3, s5;
	[dreg:$0x0] =	wrdreg $0x0  }
0xae: {  	s5 =	sshll.u32 s28, $0x1;
	[dreg:$0x2] =	wrdreg s3  }
0xaf: {  	[dreg:$0x3] =	wrdreg s5  }
0xb0: {  	[dreg:$0x4] =	wrdreg $0xC0  }
0xb1: {  	_ =	task [dreg:s7], $0x5FFFF  }
0xb2: {  	[dreg:$0x1] =	wrdreg $0xFFFFFFFF  }
0xb3: {  	[dreg:$0x0] =	wrdreg $0x60  }
0xb4: {  	[dreg:$0x2] =	wrdreg s24  }
0xb5: {  	[dreg:$0x3] =	wrdreg s16  }
0xb6: {  	[dreg:$0x4] =	wrdreg $0x2B800  }
0xb7: {  	[dreg:$0x5] =	wrdreg $0x9  }
0xb8: {  	_ =	task.clear_ibuf [dreg:s7], $0x6FFFF;
	_ =	strace $0x90000046  }
0xb9: {  	s29 =	simm.s32 $0x9;
	_ =	strace $0x80000048  }
0xba: {  	_ =	swait.ge [sflag:s29], $0x1  }
0xbb: {  	[sflag:s29] =	ssyncadd.s32 $0xFFFFFFFF  }
0xbc: {  	_ =	strace $0x90000048  }
0xbd: {  	_ =	sfence  }
0xbe: {  	s30 =	sld [smem:$0x0];
	_ =	sdelay $0x2  }
0xbf: {  	s31 =	sshll.u32 s1, $0xD;
	s1 =	sshrl.u32 s1, $0x2  }
0xc0: {  	s3 =	sand.u32 $0x4000, s31;
	s1 =	sadd.s32 s1, s30  }
0xc1: {  	s0 =	sor.u32 s3, s0;
	s1 =	sshll.u32 s1, $0x11  }
0xc2: {  	s0 =	sor.u32 s1, s0  }
0xc3: {  	s0 =	sadd.s32 $0x8F2B, s0  }
0xc4: {  	[sflag:s0] =	ssyncadd.remote.s32 $0x1  }
0xc5: {  	_ =	sfence.sel $0xFFFF  }
0xc6: {  	[dreg:$0x0] =	wrdreg $0xFFFFFFFF;
	(pc) =	sbr.abs _section_cstart, $3  }
0xc7: {  	[dreg:$0x1] =	wrdreg $0xFFFFFFFF  }
0xc8: {  	_ =	task.clear_ibuf [dreg:s7], $0x2FFFF;
	_ =	strace $0x9FFFFFFF  }
0xc9: {  	(tm) =	ssettm $0x7FFFFFFF  }
tec
execute0_lowered:
.L_overlay_start_1:
0x0: {  	(tag) =	ssettag $0x1  }
0x1: {  	s6 =	rddreg [dreg:$0x0];
	s1 =	srdreg.scid  }
0x2: {  	s0 =	stileid.u32;
	s2 =	rddreg [dreg:$0x1]  }
0x3: {  	s3 =	rddreg [dreg:$0x2];
	s4 =	simm.s32 $0x0;
	s14 =	simm.s32 $0x2800  }
0x4: {  	s15 =	simm.s32 $0x1;
	s16 =	simm.s32 $0x2880;
	s17 =	simm.s32 $0x80  }
0x5: {  	s18 =	simm.s32 $0x2900;
	s19 =	simm.s32 $0x100;
	s20 =	simm.s32 $0x0  }
0x6: {  	s7 =	sand.u32 $0x1, s1;
	s1 =	rddreg [dreg:$0x3];
	s8 =	smul.u32 $0x500, s0  }
0x7: {  	s29 =	sshll.u32 s0, $0x1;
	[smem:$0x7FF] =	sst s4;
	s10 =	smul.u32 $0xA00, s0  }
0x8: {  	s5 =	sor.u32 s7, s29;
	_ =	strace $0x80000047;
	s9 =	sshll.u32 s7, $0x7  }
0x9: {  	s7 =	ssub.s32 $0x2, s7;
	s5 =	smul.u32 $0x500, s5;
	s8 =	sor.u32 s9, s8  }
0xa: {  	s30 =	sshrl.u32 s10, $0x2;
	s31 =	sshrl.u32 s7, $0x1;
	s8 =	sshrl.u32 s8, $0x3  }
0xb: {  	s13 =	ssub.s32 s7, s31;
	s11 =	sadd.s32 s5, s6;
	s5 =	sadd.s32 $0x17000, s6  }
0xc: {  	s12 =	sadd.s32 s8, s6;
	s6 =	sadd.s32 s30, s3;
	s13 =	smax.u32 s13, $0x1  }
0xd: {  	s7 =	sadd.s32 $0x80, s6;
	s8 =	sadd.s32 $0x100, s6;
	s9 =	sadd.s32 $0x180, s6  }
0xe: {  	s10 =	sadd.s32 $0x200, s6;
	s11 =	sadd.s32 $0xD000, s11;
	s12 =	sadd.s32 $0x17200, s12  }
.LBB2_1:
0xf: {  	[tilespmem:s14], [sflag:$0x1] =	stream.linear.gather [hbm4b:s2+s4], $0x80, $0x38;
	[tilespmem:$0x2E00] =	vst v63  }
0x10: {  	_ =	swait.ge [sflag:s15], $0x80  }
0x11: {  	[sflag:s15] =	ssyncset.done $0x0  }
0x12: {  	[sflag:s15] =	ssyncadd.s32 $0xFFFFFF80  }
0x13: {  	[tilespmem:s16], [sflag:$0x1] =	stream.linear.gather [hbm4b:s5+s4], $0x80, $0x38;
	[tilespmem:$0x2E00] =	vst v63  }
0x14: {  	_ =	swait.ge [sflag:s15], $0x80  }
0x15: {  	[sflag:s15] =	ssyncset.done $0x0  }
0x16: {  	[sflag:s15] =	ssyncadd.s32 $0xFFFFFF80  }
0x17: {  	[spmem:s6] =	stream.linear.scatter [tilespmem:s16], [sflag:$0x1], $0x80, $0x38;
	[tilespmem:$0x2E00] =	vst v63  }
0x18: {  	_ =	swait.ge [sflag:s15], $0x80  }
0x19: {  	[sflag:s15] =	ssyncset.done $0x0  }
0x1a: {  	[sflag:s15] =	ssyncadd.s32 $0xFFFFFF80  }
0x1b: {  	[spmem:s7] =	stream.linear.scatter [tilespmem:s16], [sflag:$0x1], $0x80, $0x38;
	[tilespmem:$0x2E00] =	vst v63  }
0x1c: {  	_ =	swait.ge [sflag:s15], $0x80  }
0x1d: {  	[sflag:s15] =	ssyncset.done $0x0  }
0x1e: {  	[sflag:s15] =	ssyncadd.s32 $0xFFFFFF80  }
0x1f: {  	[spmem:s8] =	stream.linear.scatter [tilespmem:s16], [sflag:$0x1], $0x80, $0x38;
	[tilespmem:$0x2E00] =	vst v63  }
0x20: {  	_ =	swait.ge [sflag:s15], $0x80  }
0x21: {  	[sflag:s15] =	ssyncset.done $0x0  }
0x22: {  	[sflag:s15] =	ssyncadd.s32 $0xFFFFFF80  }
0x23: {  	[spmem:s9] =	stream.linear.scatter [tilespmem:s16], [sflag:$0x1], $0x80, $0x38;
	[tilespmem:$0x2E00] =	vst v63  }
0x24: {  	_ =	swait.ge [sflag:s15], $0x80  }
0x25: {  	[sflag:s15] =	ssyncset.done $0x0  }
0x26: {  	[sflag:s15] =	ssyncadd.s32 $0xFFFFFF80  }
0x27: {  	[spmem:s10] =	stream.linear.scatter [tilespmem:s16], [sflag:$0x1], $0x80, $0x38;
	[tilespmem:$0x2E00] =	vst v63  }
0x28: {  	_ =	swait.ge [sflag:s15], $0x80  }
0x29: {  	[sflag:s15] =	ssyncset.done $0x0  }
0x2a: {  	[sflag:s15] =	ssyncadd.s32 $0xFFFFFF80  }
0x2b: {  	[tilespmem:s4], [sflag:$0x1] =	stream.linear.gather [hbm4b:s11+s4], $0x2800, $0x38;
	[tilespmem:$0x2E00] =	vst v63  }
0x2c: {  	_ =	swait.ge [sflag:s15], $0x2800  }
0x2d: {  	[sflag:s15] =	ssyncset.done $0x0  }
0x2e: {  	[sflag:s15] =	ssyncadd.s32 $0xFFFFD800  }
0x2f: {  	s21 =	simm.s32 $0x0;
	[bflag:$0x0] =	sbarrier.arrive $0xFFFF  }
0x30: {  	[spmem:s3] =	stream.indirect.scatter.add.f32 [tilespmem:s14], [sflag:$0x1], $0x1, s21, s17, $0xb8;
	[tilespmem:$0x2E00] =	vst v63  }
0x31: {  	_ =	swait.ge [sflag:s15], $0x80  }
0x32: {  	s21 =	simm.s32 $0x200;
	[sflag:s15] =	ssyncset.done $0x0  }
.LBB2_2:
0x33: {  	s22 =	sshra.s32 s21, $0x2;
	[sflag:s15] =	ssyncadd.s32 $0xFFFFFF80;
	p0 =	sne.s32 s21, $0x9E00  }
0x34: {  	[spmem:s3] =	stream.indirect.scatter.add.f32 [tilespmem:s14], [sflag:$0x1], $0x1, s22, s17, $0xb8;
	[tilespmem:$0x2E00] =	vst v63  }
.Ltmp0:
0x35: {  	_ = 	snop;
	(pc) =	sbr.rel @p0 .LBB2_2-.Ltmp0, $4  }
0x36: {  	_ = 	snop  }
0x37: {  	s21 =	sadd.s32 $0x200, s21  }
0x38: {  	_ =	swait.ge [sflag:s15], $0x80  }
0x39: {  	[sflag:s15] =	ssyncset.done $0x0  }
0x3a: {  	[sflag:s15] =	ssyncadd.s32 $0xFFFFFF80  }
0x3b: {  	[bflag:$0x0] =	sbarrier.arrive $0xFFFF  }
0x3c: {  	[tilespmem:s18], [sflag:$0x1] =	stream.linear.gather [spmem:s6], $0x280, $0x38;
	[tilespmem:$0x2E00] =	vst v63  }
0x3d: {  	s20 =	sadd.s32 $0x1, s20;
	_ =	swait.ge [sflag:s15], $0x280  }
0x3e: {  	p0 =	sne.s32 s20, s13;
	[sflag:s15] =	ssyncset.done $0x0  }
.Ltmp1:
0x3f: {  	[sflag:s15] =	ssyncadd.s32 $0xFFFFFD80;
	(pc) =	sbr.rel @p0 .LBB2_1-.Ltmp1, $4  }
0x40: {  	[hbm4b:s12+s17] =	stream.strided.scatter [tilespmem:s18], [sflag:$0x1], $0x280, s19, s17, $0x38;
	[tilespmem:$0x2E00] =	vst v63  }
0x41: {  	_ =	swait.ge [sflag:s15], $0x280  }
0x42: {  	[sflag:s15] =	ssyncset.done $0x0  }
0x43: {  	[sflag:s15] =	ssyncadd.s32 $0xFFFFFD80  }
0x44: {  	_ =	sfence.sel $0x180000  }
0x45: {  	[bflag:$0x0] =	sbarrier.arrive $0xFFFF  }
0x46: {  	p0 =	sne.s32 s0, $0x0;
	_ =	strace $0x90000047  }
0x47: {  	s0 =	sadd.s32 @!p0 $0x100000, s1;
	[bflag:$0x2] =	sbarrier.arrive $0xFFFF  }
0x48: {  	[sflag:s0] =	ssyncadd.tile.s32 @!p0 $0x1;
	_ =	shalt  }
.Lfunc_end2:
_tile_overlayer_lowered:
.L_overlay_start_2:
0x49: {  	(tag) =	ssettag $0x2  }
0x4a: {  	s0 =	rddreg [dreg:$0x0];
	s2 =	stileid.u32  }
0x4b: {  	s1 =	rddreg [dreg:$0x1];
	p0 =	sne.s32 s2, $0x0  }
0x4c: {  	s3 =	rddreg [dreg:$0x2];
	[bflag:$0x3] =	sbarrier.arrive $0xFFFF;
	s2 =	simm.s32 @!p0 $0x1C01  }
0x4d: {  	[timem:s3], [sflag:s2] =	dma.local @!p0 [hbm:s0], s1  }
0x4e: {  	s0 =	simm.s32 @!p0 $0x1  }
0x4f: {  	_ =	swait.ge @!p0 [sflag:s0], s1  }
0x50: {  	s1 =	ssub.s32 @!p0 $0x0, s1;
	[sflag:s0] =	ssyncset.done @!p0 $0x0  }
0x51: {  	[sflag:s0] =	ssyncadd.s32 @!p0 s1  }
0x52: {  	[bflag:$0x3] =	sbarrier.arrive $0xFFFF  }
0x53: {  	_ =	shalt  }

// kernel: kernel.13.cloned.1.call-start
scs
__scs_entry_jumppad:
0x0: {  	(pc) =	sbr.rel $0x88, $3  }
0x1: {  	(tag) =	ssettag $0x0;
	lr =	simm.s32 $0x1  }
0x2: {  	[smem:$0x3F98] =	sst lr;
	_ =	strace $0xD0000000  }
0x3: {  	_ = 	snop  }
0x4: {  	_ = 	snop  }
0x5: {  	_ = 	snop  }
0x6: {  	_ = 	snop  }
0x7: {  	_ = 	snop  }
__scs_overlays_trampoline_lowered:
0x8: {  	[smem:$0x3FA7] =	sst s0  }
0x9: {  	[smem:$0x3FA8] =	sst s1  }
0xa: {  	[smem:$0x3FA9] =	sst s2  }
0xb: {  	[smem:$0x3FAA] =	sst s3  }
0xc: {  	[smem:$0x3FAB] =	sst s4  }
0xd: {  	[smem:$0x3FAC] =	sst s5  }
0xe: {  	[smem:$0x3FAD] =	sst s6  }
0xf: {  	[smem:$0x3FAE] =	sst s7  }
0x10: {  	[smem:$0x3FAF] =	sst s8  }
0x11: {  	[smem:$0x3FB0] =	sst s9;
	s0 =	simm.s32 @!p0 $0x0  }
0x12: {  	s1 =	sld [smem:$0x3F96];
	s0 =	simm.s32 @p0 $0x1  }
0x13: {  	[smem:$0x3FB1] =	sst s0;
	s0 =	simm.s32 @!p1 $0x0  }
0x14: {  	s2 =	sld [smem:$0x3F95];
	s0 =	simm.s32 @p1 $0x1  }
0x15: {  	[smem:$0x3FB2] =	sst s0;
	s0 =	simm.s32 @!p2 $0x0  }
0x16: {  	s3 =	sld [smem:$0x3FDB];
	s0 =	simm.s32 @p2 $0x1  }
0x17: {  	s4 =	simm.s32 $0x1BF5;
	[smem:$0x3FB4] =	sst s0  }
0x18: {  	s0 =	sld [smem:$0x3F97];
	_ =	swait.ge [sflag:s4], $0x0  }
0x19: {  	s7 =	sld [smem:$0x3F98]  }
0x1a: {  	s8 =	sadd.s32 $0xFFFFE003, lr  }
0x1b: {  	s9 =	sadd.s32 $0xFFFFFEF7, lr;
	s5 =	simm.s32 $0xFFFFFFFF;
	p2 =	slt.u32 s8, $0xFFFFF086  }
0x1c: {  	p1 =	slt.u32 s9, $0xF7A;
	s5 =	simm.s32 @!p2 $0x0  }
0x1d: {  	s5 =	simm.s32 @p1 $0x1;
	p0 =	seq.s32 s7, s2  }
0x1e: {  	s7 =	smul.u32 @!p0 $0xF7A, s2;
	p2 =	seq.s32 @!p0 s5, $0x0  }
0x1f: {  	s9 =	smul.u32 $0xF7A, s1;
	s8 =	simm.s32 @!p0 $0x1BF5;
	p2 =	por !p2, p0  }
0x20: {  	[sflag:s8] =	ssyncset.s32 @!p0 $0xFFFFF086;
	s6 =	sadd.s32 @!p0 s3, s7;
	s7 =	simm.s32 @!p0 $0x108  }
0x21: {  	s3 =	sadd.s32 s3, s9;
	s6 =	sadd.s32 @!p0 $0x88, s6;
	s7 =	simm.s32 @p2 $0x1082  }
0x22: {  	[simem:s7], [sflag:s8] =	dma.local @!p0 [hbm:s6], $0xF7A  }
0x23: {  	s9 =	sor.u32 $0xD0000000, s2;
	s6 =	simm.s32 $0x108;
	_ =	swait.ge @!p0 [sflag:s8], $0x0  }
0x24: {  	s3 =	sadd.s32 $0x88, s3;
	s6 =	simm.s32 @!p1 $0x1082;
	[sflag:s4] =	ssyncset.s32 $0xFFFFF086  }
0x25: {  	[simem:s6], [sflag:s4] =	dma.local [hbm:s3], $0xF7A  }
0x26: {  	[smem:$0x3F98] =	sst s1;
	(tag) =	ssettag s2;
	_ =	strace s9  }
0x27: {  	s1 =	sld [smem:$0x3FA8]  }
0x28: {  	s2 =	sld [smem:$0x3FA9]  }
0x29: {  	s4 =	sld [smem:$0x3FAB]  }
0x2a: {  	p0 =	seq.s32 s5, $0x0;
	s5 =	sld [smem:$0x3FAC]  }
0x2b: {  	s6 =	sld [smem:$0x3FAD]  }
0x2c: {  	s7 =	sld [smem:$0x3FAE]  }
0x2d: {  	s3 =	simm.s32 $0x108;
	s8 =	sld [smem:$0x3FAF]  }
0x2e: {  	s3 =	simm.s32 @!p0 $0x1082;
	s9 =	sld [smem:$0x3FB0]  }
0x2f: {  	lr =	sadd.s32 s0, s3;
	s0 =	sld [smem:$0x3FA7]  }
0x30: {  	s3 =	sld [smem:$0x3FAA]  }
0x31: {  	[smem:$0x3FB3] =	sst s10  }
0x32: {  	s10 =	sld [smem:$0x3FB1];
	_ =	sdelay $0x3  }
0x33: {  	p0 =	seq.s32 s10, $0x1;
	s10 =	sld [smem:$0x3FB3];
	_ =	sdelay $0x3  }
0x34: {  	[smem:$0x3FB3] =	sst s10  }
0x35: {  	s10 =	sld [smem:$0x3FB2];
	_ =	sdelay $0x3  }
0x36: {  	p1 =	seq.s32 s10, $0x1;
	s10 =	sld [smem:$0x3FB3];
	_ =	sdelay $0x3  }
0x37: {  	[smem:$0x3FB3] =	sst s10  }
0x38: {  	s10 =	sld [smem:$0x3FB4]  }
0x39: {  	_ = 	snop;
	(pc) =	sbr.ind lr, $3  }
0x3a: {  	_ = 	snop  }
0x3b: {  	_ = 	snop  }
0x3c: {  	p2 =	seq.s32 s10, $0x1;
	s10 =	sld [smem:$0x3FB3]  }
0x3d: {  	_ =	shalt  }
0x3e: {  	_ =	shalt  }
0x3f: {  	_ =	shalt  }
0x40: {  	_ =	shalt  }
0x41: {  	_ =	shalt  }
0x42: {  	_ =	shalt  }
0x43: {  	_ =	shalt  }
0x44: {  	_ =	shalt  }
0x45: {  	_ =	shalt  }
0x46: {  	_ =	shalt  }
0x47: {  	_ =	shalt  }
0x48: {  	_ =	shalt  }
0x49: {  	_ =	shalt  }
0x4a: {  	_ =	shalt  }
0x4b: {  	_ =	shalt  }
0x4c: {  	_ =	shalt  }
0x4d: {  	_ =	shalt  }
0x4e: {  	_ =	shalt  }
0x4f: {  	_ =	shalt  }
0x50: {  	_ =	shalt  }
0x51: {  	_ =	shalt  }
0x52: {  	_ =	shalt  }
0x53: {  	_ =	shalt  }
0x54: {  	_ =	shalt  }
0x55: {  	_ =	shalt  }
0x56: {  	_ =	shalt  }
0x57: {  	_ =	shalt  }
0x58: {  	_ =	shalt  }
0x59: {  	_ =	shalt  }
0x5a: {  	_ =	shalt  }
0x5b: {  	_ =	shalt  }
0x5c: {  	_ =	shalt  }
0x5d: {  	_ =	shalt  }
0x5e: {  	_ =	shalt  }
0x5f: {  	_ =	shalt  }
0x60: {  	_ =	shalt  }
0x61: {  	_ =	shalt  }
0x62: {  	_ =	shalt  }
0x63: {  	_ =	shalt  }
0x64: {  	_ =	shalt  }
0x65: {  	_ =	shalt  }
0x66: {  	_ =	shalt  }
0x67: {  	_ =	shalt  }
0x68: {  	_ =	shalt  }
0x69: {  	_ =	shalt  }
0x6a: {  	_ =	shalt  }
0x6b: {  	_ =	shalt  }
0x6c: {  	_ =	shalt  }
0x6d: {  	_ =	shalt  }
0x6e: {  	_ =	shalt  }
0x6f: {  	_ =	shalt  }
0x70: {  	_ =	shalt  }
0x71: {  	_ =	shalt  }
0x72: {  	_ =	shalt  }
0x73: {  	_ =	shalt  }
0x74: {  	_ =	shalt  }
0x75: {  	_ =	shalt  }
0x76: {  	_ =	shalt  }
0x77: {  	_ =	shalt  }
0x78: {  	_ =	shalt  }
0x79: {  	_ =	shalt  }
0x7a: {  	_ =	shalt  }
0x7b: {  	_ =	shalt  }
0x7c: {  	_ =	shalt  }
0x7d: {  	_ =	shalt  }
0x7e: {  	_ =	shalt  }
0x7f: {  	_ =	shalt  }
0x80: {  	_ =	shalt  }
0x81: {  	_ =	shalt  }
0x82: {  	_ =	shalt  }
0x83: {  	_ =	shalt  }
0x84: {  	_ =	shalt  }
0x85: {  	_ =	shalt  }
0x86: {  	_ =	shalt  }
0x87: {  	_ =	shalt  }
.Lfunc_end0:
.L_simem_size_0:
called_computation.1_lowered:
.L_overlay_start_0:
0x88: {  	s2 =	sld [smem:$0x3FD9]  }
0x89: {  	s3 =	sld [smem:$0x3FFE];
	_ =	sdelay $0x1  }
0x8a: {  	s1 =	srdreg.scid  }
0x8b: {  	s0 =	sand.u32 $0x1, s1  }
0x8c: {  	s14 =	sshll.u32 s0, $0xA;
	s2 =	sadd.s32 s3, s2  }
0x8d: {  	s2 =	sadd.s32 s2, s14  }
0x8e: {  	[smem:$0x3FBF] =	sst s2  }
0x8f: {  	_ = 	snop  }
0x90: {  	s2 =	sld [smem:$0x3FD0];
	_ =	sdelay $0x2  }
0x91: {  	s15 =	simm.s32 $0xA;
	s4 =	simm.s32 $0x10  }
0x92: {  	[smem:s4], [sflag:s15] =	dma.local [hbm:s2], $0x1  }
0x93: {  	_ =	swait.eq [sflag:s15], $0x1  }
0x94: {  	[sflag:s15] =	ssyncset.done $0x0  }
0x95: {  	[sflag:s15] =	ssyncadd.s32 $0xFFFFFFFF  }
0x96: {  	s16 =	sld [smem:$0x11];
	(tm) =	ssettm $0x1  }
0x97: {  	s17 =	sld [smem:$0x3FFB];
	_ =	sdelay $0x3  }
0x98: {  	_ =	strace s17  }
0x99: {  	s3 =	sld [smem:$0x3FFC];
	_ =	sdelay $0x3  }
0x9a: {  	_ =	strace s3  }
0x9b: {  	s3 =	sld [smem:$0x3FFD];
	_ =	sdelay $0x3  }
0x9c: {  	_ =	strace s3  }
0x9d: {  	_ =	strace $0x8FFFFFFF  }
0x9e: {  	s18 =	sld [smem:$0x3FDB];
	_ =	sdelay $0x1  }
0x9f: {  	s19 =	simm.s32 $_scs_section_size  }
0xa0: {  	s5 =	simm.s32 $_size__tile_overlayer_lowered;
	s6 =	simm.s32 $_tile_overlayer_lowered  }
0xa1: {  	s22 =	simm.s32 $0x1BFF;
	s21 =	sshll.u32 s6, $0x1;
	s3 =	sadd.s32 s19, s18  }
0xa2: {  	s7 =	simm.s32 $0x0;
	s20 =	sshll.u32 s5, $0x1;
	s5 =	sadd.s32 s21, s3  }
0xa3: {  	[timem:s7], [sflag:s22] =	dma.local [hbm:s5], s20  }
0xa4: {  	_ =	swait.ge [sflag:s22], s20  }
0xa5: {  	s4 =	ssub.s32 $0x0, s20;
	[sflag:s22] =	ssyncset.done $0x0  }
0xa6: {  	[sflag:s22] =	ssyncadd.s32 s4;
	_ =	sdelay $0x1  }
0xa7: {  	s23 =	simm.s32 $0x1B8B  }
0xa8: {  	_ =	swait.ge [sflag:s23], $0x1  }
0xa9: {  	[sflag:s23] =	ssyncset.done $0x0  }
0xaa: {  	s25 =	simm.s32 $0x1B8E;
	s24 =	sld [smem:$0x3FFE];
	[sflag:s23] =	ssyncadd.s32 $0xFFFFFFFF  }
0xab: {  	s26 =	simm.s32 $execute0_lowered;
	[smem:$0x3FD2] =	sst s25  }
0xac: {  	s5 =	sshll.u32 s26, $0x1;
	_ =	strace $0x80000049;
	[dreg:$0x1] =	wrdreg $0xFFFFFFFF  }
0xad: {  	s28 =	simm.s32 $_size_execute0_lowered;
	s3 =	sadd.s32 s3, s5;
	[dreg:$0x0] =	wrdreg $0x0  }
0xae: {  	s5 =	sshll.u32 s28, $0x1;
	[dreg:$0x2] =	wrdreg s3  }
0xaf: {  	[dreg:$0x3] =	wrdreg s5  }
0xb0: {  	[dreg:$0x4] =	wrdreg $0xC0  }
0xb1: {  	_ =	task [dreg:s7], $0x5FFFF  }
0xb2: {  	[dreg:$0x1] =	wrdreg $0xFFFFFFFF  }
0xb3: {  	[dreg:$0x0] =	wrdreg $0x60  }
0xb4: {  	[dreg:$0x2] =	wrdreg s24  }
0xb5: {  	[dreg:$0x3] =	wrdreg s16  }
0xb6: {  	[dreg:$0x4] =	wrdreg $0xB8000  }
0xb7: {  	[dreg:$0x5] =	wrdreg $0x9  }
0xb8: {  	_ =	task.clear_ibuf [dreg:s7], $0x6FFFF;
	_ =	strace $0x90000049  }
0xb9: {  	s29 =	simm.s32 $0x9;
	_ =	strace $0x8000004B  }
0xba: {  	_ =	swait.ge [sflag:s29], $0x1  }
0xbb: {  	[sflag:s29] =	ssyncadd.s32 $0xFFFFFFFF  }
0xbc: {  	_ =	strace $0x9000004B  }
0xbd: {  	_ =	sfence  }
0xbe: {  	s30 =	sld [smem:$0x0];
	_ =	sdelay $0x2  }
0xbf: {  	s31 =	sshll.u32 s1, $0xD;
	s1 =	sshrl.u32 s1, $0x2  }
0xc0: {  	s3 =	sand.u32 $0x4000, s31;
	s1 =	sadd.s32 s1, s30  }
0xc1: {  	s0 =	sor.u32 s3, s0;
	s1 =	sshll.u32 s1, $0x11  }
0xc2: {  	s0 =	sor.u32 s1, s0  }
0xc3: {  	s0 =	sadd.s32 $0x8F2B, s0  }
0xc4: {  	[sflag:s0] =	ssyncadd.remote.s32 $0x1  }
0xc5: {  	_ =	sfence.sel $0xFFFF  }
0xc6: {  	[dreg:$0x0] =	wrdreg $0xFFFFFFFF;
	(pc) =	sbr.abs _section_cstart, $3  }
0xc7: {  	[dreg:$0x1] =	wrdreg $0xFFFFFFFF  }
0xc8: {  	_ =	task.clear_ibuf [dreg:s7], $0x2FFFF;
	_ =	strace $0x9FFFFFFF  }
0xc9: {  	(tm) =	ssettm $0x7FFFFFFF  }
tec
execute0_lowered:
.L_overlay_start_1:
0x0: {  	(tag) =	ssettag $0x1  }
0x1: {  	s3 =	rddreg [dreg:$0x0]  }
0x2: {  	s1 =	rddreg [dreg:$0x1];
	s0 =	srdreg.scid  }
0x3: {  	s2 =	simm.s32 $0x0;
	s18 =	stileid.u32;
	s4 =	sand.u32 $0x1, s0  }
0x4: {  	s20 =	sshll.u32 s18, $0x1;
	s6 =	smul.u32 $0x14000, s18;
	[smem:$0x7FF] =	sst s2  }
0x5: {  	s8 =	sadd.s32 $0x35400, s3;
	s5 =	ssub.s32 $0x2, s4;
	s7 =	sor.u32 s4, s20  }
0x6: {  	s4 =	smul.u32 $0x140000, s4;
	s21 =	sshrl.u32 s5, $0x1;
	s9 =	sadd.s32 $0x4000, s6  }
0x7: {  	s10 =	sadd.s32 $0x6000, s6;
	s11 =	sadd.s32 $0x8000, s6;
	s12 =	sadd.s32 $0xA000, s6  }
0x8: {  	s14 =	sadd.s32 $0xC000, s6;
	s16 =	sadd.s32 $0xE000, s6;
	s17 =	sadd.s32 $0x10000, s6  }
0x9: {  	s28 =	sadd.s32 $0x12000, s6;
	s0 =	ssub.s32 s5, s21;
	s5 =	sor.u32 $0x2000, s6  }
0xa: {  	s6 =	sadd.s32 s6, s4;
	s15 =	sadd.s32 s4, s9;
	s24 =	sadd.s32 s4, s10  }
0xb: {  	s25 =	sadd.s32 s4, s11;
	s26 =	sadd.s32 s4, s12;
	s19 =	sadd.s32 s4, s14  }
0xc: {  	s20 =	sadd.s32 s4, s16;
	s21 =	sadd.s32 s4, s17;
	s13 =	sadd.s32 s4, s5  }
0xd: {  	s6 =	sshrl.u32 s6, $0x3;
	s15 =	sshrl.u32 s15, $0x3;
	s4 =	sadd.s32 s4, s28  }
0xe: {  	s0 =	smax.u32 s0, $0x1;
	s13 =	sshrl.u32 s13, $0x3;
	s6 =	sadd.s32 s8, s6  }
0xf: {  	s23 =	sadd.s32 s8, s15;
	s15 =	sshrl.u32 s26, $0x3;
	[dreg:$0x4] =	wrdreg s6  }
0x10: {  	s4 =	sshrl.u32 s4, $0x3;
	s22 =	sadd.s32 s8, s13;
	[dreg:$0x6] =	wrdreg s23  }
0x11: {  	s6 =	sshrl.u32 s24, $0x3;
	s15 =	sadd.s32 s8, s15;
	[dreg:$0x5] =	wrdreg s22  }
0x12: {  	s13 =	sshrl.u32 s25, $0x3;
	s4 =	sadd.s32 s8, s4;
	[dreg:$0x9] =	wrdreg s15  }
0x13: {  	s24 =	smul.u32 $0x4E2, s7;
	s6 =	sadd.s32 s8, s6;
	[dreg:$0xd] =	wrdreg s4  }
0x14: {  	s25 =	smul.u32 $0x50000, s18;
	s13 =	sadd.s32 s8, s13;
	[dreg:$0x7] =	wrdreg s6  }
0x15: {  	s15 =	sshrl.u32 s21, $0x3;
	[dreg:$0x8] =	wrdreg s13;
	s6 =	sshrl.u32 s19, $0x3  }
0x16: {  	s13 =	sshrl.u32 s20, $0x3;
	s23 =	sadd.s32 s8, s15;
	s26 =	sadd.s32 s24, s3  }
0x17: {  	s15 =	sadd.s32 $0xD000, s3;
	s24 =	smul.u32 $0x5000, s7;
	[dreg:$0xc] =	wrdreg s23  }
0x18: {  	s6 =	sadd.s32 s8, s6;
	s22 =	sadd.s32 s8, s13;
	s13 =	rddreg [dreg:$0x2]  }
0x19: {  	s7 =	simm.s32 $0x5800;
	s23 =	sadd.s32 $0x3000, s3;
	[dreg:$0xa] =	wrdreg s6  }
0x1a: {  	s3 =	sadd.s32 $0x35000, s3;
	s4 =	sadd.s32 $0x3200, s26;
	[dreg:$0xb] =	wrdreg s22  }
0x1b: {  	s22 =	sshrl.u32 s25, $0x2;
	s18 =	sadd.s32 s5, s13;
	s19 =	sadd.s32 s9, s13  }
0x1c: {  	s10 =	sadd.s32 s10, s13;
	s20 =	sadd.s32 s11, s13;
	s29 =	sadd.s32 s12, s13  }
0x1d: {  	s30 =	sadd.s32 s14, s13;
	_ =	strace $0x8000004A;
	[dreg:$0xe] =	wrdreg s23  }
0x1e: {  	s16 =	sadd.s32 s16, s13;
	s17 =	sadd.s32 s17, s13;
	[dreg:$0xf] =	wrdreg s3  }
0x1f: {  	s25 =	sshrl.u32 s24, $0x3;
	s21 =	sadd.s32 s28, s13;
	[dreg:$0x13] =	wrdreg s4  }
0x20: {  	s31 =	sor.u32 $0x800, s24;
	s5 =	simm.s32 $0x1;
	[dreg:$0x15] =	wrdreg s0  }
0x21: {  	s6 =	simm.s32 $0x40;
	s9 =	simm.s32 $0x2;
	[dreg:$0x10] =	wrdreg s16  }
0x22: {  	s11 =	simm.s32 $0x3;
	s12 =	simm.s32 $0x4;
	[dreg:$0x11] =	wrdreg s17  }
0x23: {  	s14 =	simm.s32 $0x0;
	s26 =	sadd.s32 s1, s25;
	[dreg:$0x12] =	wrdreg s21  }
0x24: {  	s8 =	sadd.s32 s22, s13;
	[dreg:$0x14] =	wrdreg s26;
	s28 =	sadd.s32 $0x100, s26  }
0x25: {  	s3 =	simm.s32 $0x3800;
	s4 =	simm.s32 $0x6;
	[dreg:$0x16] =	wrdreg s28  }
.LBB2_1:
0x26: {  	s0 =	rddreg [dreg:$0xf]  }
0x27: {  	[tilespmem:s3], [sflag:$0x6] =	stream.linear.gather [hbm4b:s0+s2], $0x2000, $0x38;
	[tilespmem:$0x1F800] =	vst v63  }
0x28: {  	_ =	swait.ge [sflag:s4], $0x2000  }
0x29: {  	[sflag:s4] =	ssyncset.done $0x0  }
0x2a: {  	[sflag:s4] =	ssyncadd.s32 $0xFFFFE000  }
0x2b: {  	[spmem:s8] =	stream.linear.scatter [tilespmem:s3], [sflag:$0x1], $0x2000, $0x38;
	[tilespmem:$0x1F800] =	vst v63  }
0x2c: {  	_ = 	snop  }
0x2d: {  	[spmem:s18] =	stream.linear.scatter [tilespmem:s3], [sflag:$0x1], $0x2000, $0x38;
	[tilespmem:$0x1F800] =	vst v63  }
0x2e: {  	_ = 	snop  }
0x2f: {  	[spmem:s19] =	stream.linear.scatter [tilespmem:s3], [sflag:$0x1], $0x2000, $0x38;
	[tilespmem:$0x1F800] =	vst v63  }
0x30: {  	_ = 	snop  }
0x31: {  	[spmem:s10] =	stream.linear.scatter [tilespmem:s3], [sflag:$0x1], $0x2000, $0x38;
	[tilespmem:$0x1F800] =	vst v63  }
0x32: {  	_ = 	snop  }
0x33: {  	[spmem:s20] =	stream.linear.scatter [tilespmem:s3], [sflag:$0x1], $0x2000, $0x38;
	[tilespmem:$0x1F800] =	vst v63  }
0x34: {  	_ = 	snop  }
0x35: {  	[spmem:s29] =	stream.linear.scatter [tilespmem:s3], [sflag:$0x1], $0x2000, $0x38;
	[tilespmem:$0x1F800] =	vst v63  }
0x36: {  	_ = 	snop  }
0x37: {  	[spmem:s30] =	stream.linear.scatter [tilespmem:s3], [sflag:$0x1], $0x2000, $0x38;
	[tilespmem:$0x1F800] =	vst v63  }
0x38: {  	_ = 	snop  }
0x39: {  	[spmem:s16] =	stream.linear.scatter [tilespmem:s3], [sflag:$0x1], $0x2000, $0x38;
	[tilespmem:$0x1F800] =	vst v63  }
0x3a: {  	_ = 	snop  }
0x3b: {  	[spmem:s17] =	stream.linear.scatter [tilespmem:s3], [sflag:$0x1], $0x2000, $0x38;
	[tilespmem:$0x1F800] =	vst v63  }
0x3c: {  	s0 =	smov.u32 s21  }
0x3d: {  	[spmem:s0] =	stream.linear.scatter [tilespmem:s3], [sflag:$0x1], $0x2000, $0x38;
	[tilespmem:$0x1F800] =	vst v63  }
0x3e: {  	s22 =	smov.u32 s18;
	s18 =	rddreg [dreg:$0x13]  }
0x3f: {  	[tilespmem:s2], [sflag:$0x6] =	stream.linear.gather [hbm4b:s18+s2], $0x2710, $0x38;
	[tilespmem:$0x1F800] =	vst v63  }
0x40: {  	_ =	swait.ge [sflag:s4], $0x2710  }
0x41: {  	s23 =	smov.u32 s19;
	s25 =	smov.u32 s20;
	[sflag:s4] =	ssyncset.done $0x0  }
0x42: {  	s20 =	simm.s32 $0x2710;
	s19 =	rddreg [dreg:$0xe];
	[sflag:s4] =	ssyncadd.s32 $0xFFFFD8F0  }
0x43: {  	[tilespmem:s20], [sflag:$0x6] =	stream.linear.gather [hbm4b:s19+s2], $0xF0, $0x38;
	[tilespmem:$0x1F800] =	vst v63  }
0x44: {  	_ =	swait.ge [sflag:s4], $0xF0  }
0x45: {  	s26 =	smov.u32 s29;
	s28 =	smov.u32 s30;
	[sflag:s4] =	ssyncset.done $0x0  }
0x46: {  	s30 =	simm.s32 $0x2800;
	s29 =	rddreg [dreg:$0x14];
	[sflag:s4] =	ssyncadd.s32 $0xFFFFFF10  }
0x47: {  	[tilespmem:s30], [sflag:$0x5] =	stream.linear.gather [hbm4b:s29+s2], $0x800, $0x38;
	[tilespmem:$0x1F800] =	vst v63  }
0x48: {  	_ =	swait.ge [sflag:s5], $0x2000  }
0x49: {  	[sflag:s5] =	ssyncset.done $0x0  }
0x4a: {  	[sflag:s5] =	ssyncadd.s32 $0xFFFFE000  }
0x4b: {  	_ =	swait.ge [sflag:s5], $0x2000  }
0x4c: {  	[sflag:s5] =	ssyncset.done $0x0  }
0x4d: {  	[sflag:s5] =	ssyncadd.s32 $0xFFFFE000  }
0x4e: {  	_ =	swait.ge [sflag:s5], $0x2000  }
0x4f: {  	[sflag:s5] =	ssyncset.done $0x0  }
0x50: {  	[sflag:s5] =	ssyncadd.s32 $0xFFFFE000  }
0x51: {  	_ =	swait.ge [sflag:s5], $0x2000  }
0x52: {  	[sflag:s5] =	ssyncset.done $0x0  }
0x53: {  	[sflag:s5] =	ssyncadd.s32 $0xFFFFE000  }
0x54: {  	_ =	swait.ge [sflag:s5], $0x2000  }
0x55: {  	[sflag:s5] =	ssyncset.done $0x0  }
0x56: {  	[sflag:s5] =	ssyncadd.s32 $0xFFFFE000  }
0x57: {  	_ =	swait.ge [sflag:s5], $0x2000  }
0x58: {  	[sflag:s5] =	ssyncset.done $0x0  }
0x59: {  	[sflag:s5] =	ssyncadd.s32 $0xFFFFE000  }
0x5a: {  	_ =	swait.ge [sflag:s5], $0x2000  }
0x5b: {  	[sflag:s5] =	ssyncset.done $0x0  }
0x5c: {  	[sflag:s5] =	ssyncadd.s32 $0xFFFFE000  }
0x5d: {  	_ =	swait.ge [sflag:s5], $0x2000  }
0x5e: {  	[sflag:s5] =	ssyncset.done $0x0  }
0x5f: {  	[sflag:s5] =	ssyncadd.s32 $0xFFFFE000  }
0x60: {  	_ =	swait.ge [sflag:s5], $0x2000  }
0x61: {  	[sflag:s5] =	ssyncset.done $0x0  }
0x62: {  	[sflag:s5] =	ssyncadd.s32 $0xFFFFE000  }
0x63: {  	_ =	swait.ge [sflag:s5], $0x2000  }
0x64: {  	[sflag:s5] =	ssyncset.done $0x0  }
0x65: {  	[sflag:s5] =	ssyncadd.s32 $0xFFFFE000  }
0x66: {  	[bflag:$0x0] =	sbarrier.arrive $0xFFFF  }
0x67: {  	[tilespmem:s3], [sflag:$0x1] =	stream.indirect.gather [hbm4b:s15+s6], $0x80, s2, s6, $0xb8;
	[tilespmem:$0x1F800] =	vst v63  }
0x68: {  	s24 =	smov.u32 s10;
	p2 =	por $0x0, $0x0  }
0x69: {  	[tilespmem:s7], [sflag:$0x2] =	stream.indirect.gather [hbm4b:s15+s6], $0x80, s6, s6, $0xb8;
	[tilespmem:$0x1F800] =	vst v63  }
0x6a: {  	s10 =	simm.s32 $0x80;
	s16 =	simm.s32 $0x7800;
	s17 =	simm.s32 $0x5  }
0x6b: {  	[tilespmem:s16], [sflag:$0x3] =	stream.indirect.gather [hbm4b:s15+s6], $0x80, s10, s6, $0xb8;
	[tilespmem:$0x1F800] =	vst v63  }
0x6c: {  	p1 =	por $0x1, $0x1;
	s21 =	smov.u32 s8;
	_ =	swait.ge [sflag:s17], $0x800  }
0x6d: {  	s19 =	simm.s32 $0x3000;
	s29 =	sand.u32 $0x3, s2;
	[sflag:s17] =	ssyncset.done $0x0  }
0x6e: {  	s18 =	rddreg [dreg:$0x16];
	[sflag:s17] =	ssyncadd.s32 $0xFFFFF800;
	s17 =	simm.s32 @!p2 $0xFFFFFFFF  }
0x6f: {  	[tilespmem:s19], [sflag:$0x5] =	stream.linear.gather [hbm4b:s18+s2], $0x800, $0x38;
	[tilespmem:$0x1F800] =	vst v63  }
0x70: {  	s30 =	simm.s32 @!p2 $0x40;
	s10 =	sand.u32 $0xF, s2;
	s17 =	sand.u32 @!p2 $0x3, s17  }
0x71: {  	s16 =	simm.s32 $0xC0;
	p3 =	sne.s32 @!p1 s10, $0x0;
	s0 =	sshll.u32 @!p2 s17, $0xD  }
0x72: {  	p0 =	por p3, p1;
	s17 =	sadd.s32 @!p2 $0x1, s17;
	s0 =	sadd.s32 @!p2 $0x3800, s0  }
0x73: {  	[tilespmem:s0], [sflag:s17] =	stream.indirect.gather @!p2 [hbm4b:s15+s30], $0x80, s16, s30, $0xb8;
	[tilespmem:$0x1F800] =	vst v63  }
0x74: {  	s20 =	sadd.s32 $0x1, s29;
	s18 =	simm.s32 $0x0;
	p2 =	por @!p0 $0x0, $0x0  }
0x75: {  	s0 =	simm.s32 @!p0 $0x5;
	_ =	swait.ge [sflag:s20], $0x2000;
	p2 =	por @!p1 p2, p3  }
0x76: {  	s17 =	sand.u32 $0x1, s18;
	[sflag:s20] =	ssyncset.done $0x0;
	p1 =	por p2, p1  }
0x77: {  	s19 =	sshll.u32 s17, $0xB;
	[sflag:s20] =	ssyncadd.s32 $0xFFFFE000;
	s8 =	sshll.u32 @!p1 s17, $0xB  }
0x78: {  	s30 =	sadd.s32 @!p1 $0x0, s31;
	s20 =	sshll.u32 s10, $0x7;
	_ =	swait.ge @!p0 [sflag:s0], $0x800  }
0x79: {  	s8 =	ssub.s32 @!p1 $0x3000, s8;
	s30 =	sshrl.u32 @!p1 s30, $0x3;
	[sflag:s0] =	ssyncset.done @!p0 $0x0  }
0x7a: {  	s30 =	sadd.s32 @!p1 s1, s30;
	[sflag:s0] =	ssyncadd.s32 @!p0 $0xFFFFF800;
	s0 =	simm.s32 @!p1 $0x0  }
0x7b: {  	[tilespmem:s8], [sflag:$0x5] =	stream.linear.gather @!p1 [hbm4b:s30+s0], $0x800, $0x38;
	[tilespmem:$0x1F800] =	vst v63  }
0x7c: {  	s0 =	sor.u32 s20, s19;
	s30 =	sshll.u32 s29, $0xD  }
0x7d: {  	s17 =	simm.s32 $0x1;
	s8 =	sadd.s32 $0x3800, s30;
	s0 =	sadd.s32 $0x2800, s0  }
0x7e: {  	[spmem:s13] =	stream.indirect.scatter.add.f32 [tilespmem:s8], [sflag:$0x6], $0x80, s0, s6, $0xb8;
	[tilespmem:$0x1F800] =	vst v63  }
.LBB2_2:
0x7f: {  	_ =	swait.ge [sflag:s4], $0x2000  }
0x80: {  	s16 =	sadd.s32 $0x40, s16;
	s0 =	smov.u32 s17;
	s17 =	sadd.s32 $0x1, s17  }
0x81: {  	p0 =	sne.s32 s17, $0xA0;
	[sflag:s4] =	ssyncset.done $0x0  }
0x82: {  	p3 =	sgt.u32 s0, $0x9C;
	s8 =	sand.u32 $0x3, s0;
	[sflag:s4] =	ssyncadd.s32 $0xFFFFE000  }
0x83: {  	p2 =	slt.u32 s0, $0x10;
	s29 =	sand.u32 $0xF, s0;
	s10 =	sadd.s32 @!p3 $0xFFFFFFFF, s0  }
0x84: {  	s30 =	sshll.u32 s8, $0xD;
	p4 =	sne.s32 @!p2 s29, $0x0;
	s10 =	sand.u32 @!p3 $0x3, s10  }
0x85: {  	s19 =	simm.s32 @!p3 $0x40;
	s18 =	sshll.u32 @!p3 s10, $0xD;
	s10 =	sadd.s32 @!p3 $0x1, s10  }
0x86: {  	s8 =	sadd.s32 $0x1, s8;
	p1 =	por p4, p2;
	s18 =	sadd.s32 @!p3 $0x3800, s18  }
0x87: {  	s20 =	simm.s32 @!p1 $0x5;
	p5 =	sgt.u32 @!p1 s0, $0x8F;
	s0 =	sshrl.u32 s0, $0x4  }
0x88: {  	[tilespmem:s18], [sflag:s10] =	stream.indirect.gather @!p3 [hbm4b:s15+s19], $0x80, s16, s19, $0xb8;
	[tilespmem:$0x1F800] =	vst v63  }
0x89: {  	p3 =	por @!p2 p5, p4;
	s10 =	sand.u32 $0x1, s0;
	_ =	swait.ge [sflag:s8], $0x2000  }
0x8a: {  	s19 =	sshll.u32 s29, $0x7;
	p2 =	por p3, p2;
	[sflag:s8] =	ssyncset.done $0x0  }
0x8b: {  	s0 =	sshll.u32 @!p2 s0, $0xB;
	[sflag:s8] =	ssyncadd.s32 $0xFFFFE000;
	s8 =	sshll.u32 @!p2 s10, $0xB  }
0x8c: {  	s0 =	sadd.s32 @!p2 s0, s31;
	_ =	swait.ge @!p1 [sflag:s20], $0x800;
	s8 =	ssub.s32 @!p2 $0x3000, s8  }
0x8d: {  	s18 =	simm.s32 @!p2 $0x0;
	s0 =	sshrl.u32 @!p2 s0, $0x3;
	[sflag:s20] =	ssyncset.done @!p1 $0x0  }
.Ltmp0:
0x8e: {  	s10 =	sshll.u32 s10, $0xB;
	s0 =	sadd.s32 @!p2 s1, s0;
	(pc) =	sbr.rel @p0 .LBB2_2-.Ltmp0, $4  }
0x8f: {  	s10 =	sor.u32 s19, s10;
	[sflag:s20] =	ssyncadd.s32 @!p1 $0xFFFFF800  }
0x90: {  	[tilespmem:s8], [sflag:$0x5] =	stream.linear.gather @!p2 [hbm4b:s0+s18], $0x800, $0x38;
	[tilespmem:$0x1F800] =	vst v63  }
0x91: {  	s0 =	sadd.s32 $0x3800, s30;
	s8 =	sadd.s32 $0x2800, s10  }
0x92: {  	[spmem:s13] =	stream.indirect.scatter.add.f32 [tilespmem:s0], [sflag:$0x6], $0x80, s8, s6, $0xb8;
	[tilespmem:$0x1F800] =	vst v63  }
0x93: {  	_ =	swait.ge [sflag:s4], $0x2000  }
0x94: {  	[sflag:s4] =	ssyncset.done $0x0  }
0x95: {  	[sflag:s4] =	ssyncadd.s32 $0xFFFFE000  }
0x96: {  	[bflag:$0x0] =	sbarrier.arrive $0xFFFF  }
0x97: {  	[tilespmem:s3], [sflag:$0x1] =	stream.linear.gather [spmem:s21], $0x2000, $0x38;
	[tilespmem:$0x1F800] =	vst v63  }
0x98: {  	_ =	swait.ge [sflag:s5], $0x2000  }
0x99: {  	[sflag:s5] =	ssyncset.done $0x0  }
0x9a: {  	[sflag:s5] =	ssyncadd.s32 $0xFFFFE000  }
0x9b: {  	[tilespmem:s7], [sflag:$0x2] =	stream.linear.gather [spmem:s22], $0x2000, $0x38;
	[tilespmem:$0x1F800] =	vst v63  }
0x9c: {  	s0 =	rddreg [dreg:$0x4]  }
0x9d: {  	[hbm4b:s0+s2] =	stream.linear.scatter [tilespmem:s3], [sflag:$0x3], $0x2000, $0x38;
	[tilespmem:$0x1F800] =	vst v63  }
0x9e: {  	_ =	swait.ge [sflag:s9], $0x2000  }
0x9f: {  	[sflag:s9] =	ssyncset.done $0x0  }
0xa0: {  	[sflag:s9] =	ssyncadd.s32 $0xFFFFE000  }
0xa1: {  	_ =	swait.ge [sflag:s11], $0x2000  }
0xa2: {  	[sflag:s11] =	ssyncset.done $0x0  }
0xa3: {  	[sflag:s11] =	ssyncadd.s32 $0xFFFFE000  }
0xa4: {  	[tilespmem:s3], [sflag:$0x1] =	stream.linear.gather [spmem:s23], $0x2000, $0x38;
	[tilespmem:$0x1F800] =	vst v63  }
0xa5: {  	s10 =	rddreg [dreg:$0x5]  }
0xa6: {  	[hbm4b:s10+s2] =	stream.linear.scatter [tilespmem:s7], [sflag:$0x4], $0x2000, $0x38;
	[tilespmem:$0x1F800] =	vst v63  }
0xa7: {  	_ =	swait.ge [sflag:s5], $0x2000  }
0xa8: {  	[sflag:s5] =	ssyncset.done $0x0  }
0xa9: {  	[sflag:s5] =	ssyncadd.s32 $0xFFFFE000  }
0xaa: {  	_ =	swait.ge [sflag:s12], $0x2000  }
0xab: {  	[sflag:s12] =	ssyncset.done $0x0  }
0xac: {  	[sflag:s12] =	ssyncadd.s32 $0xFFFFE000  }
0xad: {  	[tilespmem:s7], [sflag:$0x2] =	stream.linear.gather [spmem:s24], $0x2000, $0x38;
	[tilespmem:$0x1F800] =	vst v63  }
0xae: {  	s16 =	rddreg [dreg:$0x6]  }
0xaf: {  	[hbm4b:s16+s2] =	stream.linear.scatter [tilespmem:s3], [sflag:$0x3], $0x2000, $0x38;
	[tilespmem:$0x1F800] =	vst v63  }
0xb0: {  	_ =	swait.ge [sflag:s9], $0x2000  }
0xb1: {  	[sflag:s9] =	ssyncset.done $0x0  }
0xb2: {  	[sflag:s9] =	ssyncadd.s32 $0xFFFFE000  }
0xb3: {  	_ =	swait.ge [sflag:s11], $0x2000  }
0xb4: {  	[sflag:s11] =	ssyncset.done $0x0  }
0xb5: {  	[sflag:s11] =	ssyncadd.s32 $0xFFFFE000  }
0xb6: {  	[tilespmem:s3], [sflag:$0x1] =	stream.linear.gather [spmem:s25], $0x2000, $0x38;
	[tilespmem:$0x1F800] =	vst v63  }
0xb7: {  	s17 =	rddreg [dreg:$0x7]  }
0xb8: {  	[hbm4b:s17+s2] =	stream.linear.scatter [tilespmem:s7], [sflag:$0x4], $0x2000, $0x38;
	[tilespmem:$0x1F800] =	vst v63  }
0xb9: {  	_ =	swait.ge [sflag:s5], $0x2000  }
0xba: {  	[sflag:s5] =	ssyncset.done $0x0  }
0xbb: {  	[sflag:s5] =	ssyncadd.s32 $0xFFFFE000  }
0xbc: {  	_ =	swait.ge [sflag:s12], $0x2000  }
0xbd: {  	[sflag:s12] =	ssyncset.done $0x0  }
0xbe: {  	[sflag:s12] =	ssyncadd.s32 $0xFFFFE000  }
0xbf: {  	[tilespmem:s7], [sflag:$0x2] =	stream.linear.gather [spmem:s26], $0x2000, $0x38;
	[tilespmem:$0x1F800] =	vst v63  }
0xc0: {  	s8 =	smov.u32 s21;
	s21 =	rddreg [dreg:$0x8]  }
0xc1: {  	[hbm4b:s21+s2] =	stream.linear.scatter [tilespmem:s3], [sflag:$0x3], $0x2000, $0x38;
	[tilespmem:$0x1F800] =	vst v63  }
0xc2: {  	_ =	swait.ge [sflag:s9], $0x2000  }
0xc3: {  	[sflag:s9] =	ssyncset.done $0x0  }
0xc4: {  	[sflag:s9] =	ssyncadd.s32 $0xFFFFE000  }
0xc5: {  	_ =	swait.ge [sflag:s11], $0x2000  }
0xc6: {  	[sflag:s11] =	ssyncset.done $0x0  }
0xc7: {  	[sflag:s11] =	ssyncadd.s32 $0xFFFFE000  }
0xc8: {  	[tilespmem:s3], [sflag:$0x1] =	stream.linear.gather [spmem:s28], $0x2000, $0x38;
	[tilespmem:$0x1F800] =	vst v63  }
0xc9: {  	s18 =	smov.u32 s22;
	s22 =	rddreg [dreg:$0x9]  }
0xca: {  	[hbm4b:s22+s2] =	stream.linear.scatter [tilespmem:s7], [sflag:$0x4], $0x2000, $0x38;
	[tilespmem:$0x1F800] =	vst v63  }
0xcb: {  	_ =	swait.ge [sflag:s5], $0x2000  }
0xcc: {  	[sflag:s5] =	ssyncset.done $0x0  }
0xcd: {  	[sflag:s5] =	ssyncadd.s32 $0xFFFFE000  }
0xce: {  	_ =	swait.ge [sflag:s12], $0x2000  }
0xcf: {  	[sflag:s12] =	ssyncset.done $0x0  }
0xd0: {  	s16 =	rddreg [dreg:$0x10];
	[sflag:s12] =	ssyncadd.s32 $0xFFFFE000  }
0xd1: {  	[tilespmem:s7], [sflag:$0x2] =	stream.linear.gather [spmem:s16], $0x2000, $0x38;
	[tilespmem:$0x1F800] =	vst v63  }
0xd2: {  	s19 =	smov.u32 s23;
	s23 =	rddreg [dreg:$0xa]  }
0xd3: {  	[hbm4b:s23+s2] =	stream.linear.scatter [tilespmem:s3], [sflag:$0x3], $0x2000, $0x38;
	[tilespmem:$0x1F800] =	vst v63  }
0xd4: {  	_ =	swait.ge [sflag:s9], $0x2000  }
0xd5: {  	[sflag:s9] =	ssyncset.done $0x0  }
0xd6: {  	[sflag:s9] =	ssyncadd.s32 $0xFFFFE000  }
0xd7: {  	_ =	swait.ge [sflag:s11], $0x2000  }
0xd8: {  	[sflag:s11] =	ssyncset.done $0x0  }
0xd9: {  	s17 =	rddreg [dreg:$0x11];
	[sflag:s11] =	ssyncadd.s32 $0xFFFFE000  }
0xda: {  	[tilespmem:s3], [sflag:$0x1] =	stream.linear.gather [spmem:s17], $0x2000, $0x38;
	[tilespmem:$0x1F800] =	vst v63  }
0xdb: {  	s10 =	smov.u32 s24;
	s24 =	rddreg [dreg:$0xb]  }
0xdc: {  	[hbm4b:s24+s2] =	stream.linear.scatter [tilespmem:s7], [sflag:$0x4], $0x2000, $0x38;
	[tilespmem:$0x1F800] =	vst v63  }
0xdd: {  	_ =	swait.ge [sflag:s5], $0x2000  }
0xde: {  	[sflag:s5] =	ssyncset.done $0x0  }
0xdf: {  	[sflag:s5] =	ssyncadd.s32 $0xFFFFE000  }
0xe0: {  	_ =	swait.ge [sflag:s12], $0x2000  }
0xe1: {  	[sflag:s12] =	ssyncset.done $0x0  }
0xe2: {  	s21 =	rddreg [dreg:$0x12];
	[sflag:s12] =	ssyncadd.s32 $0xFFFFE000  }
0xe3: {  	[tilespmem:s7], [sflag:$0x2] =	stream.linear.gather [spmem:s21], $0x2000, $0x38;
	[tilespmem:$0x1F800] =	vst v63  }
0xe4: {  	s20 =	smov.u32 s25;
	s25 =	rddreg [dreg:$0xc]  }
0xe5: {  	[hbm4b:s25+s2] =	stream.linear.scatter [tilespmem:s3], [sflag:$0x3], $0x2000, $0x38;
	[tilespmem:$0x1F800] =	vst v63  }
0xe6: {  	_ =	swait.ge [sflag:s9], $0x2000  }
0xe7: {  	[sflag:s9] =	ssyncset.done $0x0  }
0xe8: {  	s29 =	smov.u32 s26;
	s26 =	rddreg [dreg:$0xd];
	[sflag:s9] =	ssyncadd.s32 $0xFFFFE000  }
0xe9: {  	[hbm4b:s26+s2] =	stream.linear.scatter [tilespmem:s7], [sflag:$0x4], $0x2000, $0x38;
	[tilespmem:$0x1F800] =	vst v63  }
0xea: {  	_ =	swait.ge [sflag:s11], $0x2000  }
0xeb: {  	[sflag:s11] =	ssyncset.done $0x0  }
0xec: {  	[sflag:s11] =	ssyncadd.s32 $0xFFFFE000  }
0xed: {  	_ =	swait.ge [sflag:s12], $0x2000  }
0xee: {  	s30 =	smov.u32 s28;
	s14 =	sadd.s32 $0x1, s14;
	s28 =	rddreg [dreg:$0x15]  }
0xef: {  	p0 =	sne.s32 s14, s28  }
.Ltmp1:
0xf0: {  	_ = 	snop;
	(pc) =	sbr.rel @p0 .LBB2_1-.Ltmp1, $3  }
0xf1: {  	_ =	sdelay $0x1  }
0xf2: {  	[sflag:s12] =	ssyncset.done $0x0  }
0xf3: {  	[sflag:s12] =	ssyncadd.s32 $0xFFFFE000  }
0xf4: {  	_ =	sfence.sel $0x180000  }
0xf5: {  	[bflag:$0x0] =	sbarrier.arrive $0xFFFF  }
0xf6: {  	_ =	strace $0x9000004A  }
0xf7: {  	s0 =	stileid.u32;
	[bflag:$0x2] =	sbarrier.arrive $0xFFFF  }
0xf8: {  	p0 =	sne.s32 s0, $0x0;
	s0 =	rddreg [dreg:$0x3]  }
0xf9: {  	s0 =	sadd.s32 @!p0 $0x100000, s0  }
0xfa: {  	[sflag:s0] =	ssyncadd.tile.s32 @!p0 $0x1;
	_ =	shalt  }
.Lfunc_end2:
_tile_overlayer_lowered:
.L_overlay_start_2:
0xfb: {  	(tag) =	ssettag $0x2  }
0xfc: {  	s0 =	rddreg [dreg:$0x0];
	s2 =	stileid.u32  }
0xfd: {  	s1 =	rddreg [dreg:$0x1];
	p0 =	sne.s32 s2, $0x0  }
0xfe: {  	s3 =	rddreg [dreg:$0x2];
	[bflag:$0x3] =	sbarrier.arrive $0xFFFF;
	s2 =	simm.s32 @!p0 $0x1C06  }
0xff: {  	[timem:s3], [sflag:s2] =	dma.local @!p0 [hbm:s0], s1  }
0x100: {  	s0 =	simm.s32 @!p0 $0x6  }
0x101: {  	_ =	swait.ge @!p0 [sflag:s0], s1  }
0x102: {  	s1 =	ssub.s32 @!p0 $0x0, s1;
	[sflag:s0] =	ssyncset.done @!p0 $0x0  }
0x103: {  	[sflag:s0] =	ssyncadd.s32 @!p0 s1  }
0x104: {  	[bflag:$0x3] =	sbarrier.arrive $0xFFFF  }
0x105: {  	_ =	shalt  }

// kernel: kernel.16.cloned.1.call-start
scs
__scs_entry_jumppad:
0x0: {  	(pc) =	sbr.rel $0x88, $3  }
0x1: {  	(tag) =	ssettag $0x0;
	lr =	simm.s32 $0x1  }
0x2: {  	[smem:$0x3F98] =	sst lr;
	_ =	strace $0xD0000000  }
0x3: {  	_ = 	snop  }
0x4: {  	_ = 	snop  }
0x5: {  	_ = 	snop  }
0x6: {  	_ = 	snop  }
0x7: {  	_ = 	snop  }
__scs_overlays_trampoline_lowered:
0x8: {  	[smem:$0x3FA7] =	sst s0  }
0x9: {  	[smem:$0x3FA8] =	sst s1  }
0xa: {  	[smem:$0x3FA9] =	sst s2  }
0xb: {  	[smem:$0x3FAA] =	sst s3  }
0xc: {  	[smem:$0x3FAB] =	sst s4  }
0xd: {  	[smem:$0x3FAC] =	sst s5  }
0xe: {  	[smem:$0x3FAD] =	sst s6  }
0xf: {  	[smem:$0x3FAE] =	sst s7  }
0x10: {  	[smem:$0x3FAF] =	sst s8  }
0x11: {  	[smem:$0x3FB0] =	sst s9;
	s0 =	simm.s32 @!p0 $0x0  }
0x12: {  	s1 =	sld [smem:$0x3F96];
	s0 =	simm.s32 @p0 $0x1  }
0x13: {  	[smem:$0x3FB1] =	sst s0;
	s0 =	simm.s32 @!p1 $0x0  }
0x14: {  	s2 =	sld [smem:$0x3F95];
	s0 =	simm.s32 @p1 $0x1  }
0x15: {  	[smem:$0x3FB2] =	sst s0;
	s0 =	simm.s32 @!p2 $0x0  }
0x16: {  	s3 =	sld [smem:$0x3FDB];
	s0 =	simm.s32 @p2 $0x1  }
0x17: {  	s4 =	simm.s32 $0x1BF5;
	[smem:$0x3FB4] =	sst s0  }
0x18: {  	s0 =	sld [smem:$0x3F97];
	_ =	swait.ge [sflag:s4], $0x0  }
0x19: {  	s7 =	sld [smem:$0x3F98]  }
0x1a: {  	s8 =	sadd.s32 $0xFFFFE003, lr  }
0x1b: {  	s9 =	sadd.s32 $0xFFFFFEF7, lr;
	s5 =	simm.s32 $0xFFFFFFFF;
	p2 =	slt.u32 s8, $0xFFFFF086  }
0x1c: {  	p1 =	slt.u32 s9, $0xF7A;
	s5 =	simm.s32 @!p2 $0x0  }
0x1d: {  	s5 =	simm.s32 @p1 $0x1;
	p0 =	seq.s32 s7, s2  }
0x1e: {  	s7 =	smul.u32 @!p0 $0xF7A, s2;
	p2 =	seq.s32 @!p0 s5, $0x0  }
0x1f: {  	s9 =	smul.u32 $0xF7A, s1;
	s8 =	simm.s32 @!p0 $0x1BF5;
	p2 =	por !p2, p0  }
0x20: {  	[sflag:s8] =	ssyncset.s32 @!p0 $0xFFFFF086;
	s6 =	sadd.s32 @!p0 s3, s7;
	s7 =	simm.s32 @!p0 $0x108  }
0x21: {  	s3 =	sadd.s32 s3, s9;
	s6 =	sadd.s32 @!p0 $0x88, s6;
	s7 =	simm.s32 @p2 $0x1082  }
0x22: {  	[simem:s7], [sflag:s8] =	dma.local @!p0 [hbm:s6], $0xF7A  }
0x23: {  	s9 =	sor.u32 $0xD0000000, s2;
	s6 =	simm.s32 $0x108;
	_ =	swait.ge @!p0 [sflag:s8], $0x0  }
0x24: {  	s3 =	sadd.s32 $0x88, s3;
	s6 =	simm.s32 @!p1 $0x1082;
	[sflag:s4] =	ssyncset.s32 $0xFFFFF086  }
0x25: {  	[simem:s6], [sflag:s4] =	dma.local [hbm:s3], $0xF7A  }
0x26: {  	[smem:$0x3F98] =	sst s1;
	(tag) =	ssettag s2;
	_ =	strace s9  }
0x27: {  	s1 =	sld [smem:$0x3FA8]  }
0x28: {  	s2 =	sld [smem:$0x3FA9]  }
0x29: {  	s4 =	sld [smem:$0x3FAB]  }
0x2a: {  	p0 =	seq.s32 s5, $0x0;
	s5 =	sld [smem:$0x3FAC]  }
0x2b: {  	s6 =	sld [smem:$0x3FAD]  }
0x2c: {  	s7 =	sld [smem:$0x3FAE]  }
0x2d: {  	s3 =	simm.s32 $0x108;
	s8 =	sld [smem:$0x3FAF]  }
0x2e: {  	s3 =	simm.s32 @!p0 $0x1082;
	s9 =	sld [smem:$0x3FB0]  }
0x2f: {  	lr =	sadd.s32 s0, s3;
	s0 =	sld [smem:$0x3FA7]  }
0x30: {  	s3 =	sld [smem:$0x3FAA]  }
0x31: {  	[smem:$0x3FB3] =	sst s10  }
0x32: {  	s10 =	sld [smem:$0x3FB1];
	_ =	sdelay $0x3  }
0x33: {  	p0 =	seq.s32 s10, $0x1;
	s10 =	sld [smem:$0x3FB3];
	_ =	sdelay $0x3  }
0x34: {  	[smem:$0x3FB3] =	sst s10  }
0x35: {  	s10 =	sld [smem:$0x3FB2];
	_ =	sdelay $0x3  }
0x36: {  	p1 =	seq.s32 s10, $0x1;
	s10 =	sld [smem:$0x3FB3];
	_ =	sdelay $0x3  }
0x37: {  	[smem:$0x3FB3] =	sst s10  }
0x38: {  	s10 =	sld [smem:$0x3FB4]  }
0x39: {  	_ = 	snop;
	(pc) =	sbr.ind lr, $3  }
0x3a: {  	_ = 	snop  }
0x3b: {  	_ = 	snop  }
0x3c: {  	p2 =	seq.s32 s10, $0x1;
	s10 =	sld [smem:$0x3FB3]  }
0x3d: {  	_ =	shalt  }
0x3e: {  	_ =	shalt  }
0x3f: {  	_ =	shalt  }
0x40: {  	_ =	shalt  }
0x41: {  	_ =	shalt  }
0x42: {  	_ =	shalt  }
0x43: {  	_ =	shalt  }
0x44: {  	_ =	shalt  }
0x45: {  	_ =	shalt  }
0x46: {  	_ =	shalt  }
0x47: {  	_ =	shalt  }
0x48: {  	_ =	shalt  }
0x49: {  	_ =	shalt  }
0x4a: {  	_ =	shalt  }
0x4b: {  	_ =	shalt  }
0x4c: {  	_ =	shalt  }
0x4d: {  	_ =	shalt  }
0x4e: {  	_ =	shalt  }
0x4f: {  	_ =	shalt  }
0x50: {  	_ =	shalt  }
0x51: {  	_ =	shalt  }
0x52: {  	_ =	shalt  }
0x53: {  	_ =	shalt  }
0x54: {  	_ =	shalt  }
0x55: {  	_ =	shalt  }
0x56: {  	_ =	shalt  }
0x57: {  	_ =	shalt  }
0x58: {  	_ =	shalt  }
0x59: {  	_ =	shalt  }
0x5a: {  	_ =	shalt  }
0x5b: {  	_ =	shalt  }
0x5c: {  	_ =	shalt  }
0x5d: {  	_ =	shalt  }
0x5e: {  	_ =	shalt  }
0x5f: {  	_ =	shalt  }
0x60: {  	_ =	shalt  }
0x61: {  	_ =	shalt  }
0x62: {  	_ =	shalt  }
0x63: {  	_ =	shalt  }
0x64: {  	_ =	shalt  }
0x65: {  	_ =	shalt  }
0x66: {  	_ =	shalt  }
0x67: {  	_ =	shalt  }
0x68: {  	_ =	shalt  }
0x69: {  	_ =	shalt  }
0x6a: {  	_ =	shalt  }
0x6b: {  	_ =	shalt  }
0x6c: {  	_ =	shalt  }
0x6d: {  	_ =	shalt  }
0x6e: {  	_ =	shalt  }
0x6f: {  	_ =	shalt  }
0x70: {  	_ =	shalt  }
0x71: {  	_ =	shalt  }
0x72: {  	_ =	shalt  }
0x73: {  	_ =	shalt  }
0x74: {  	_ =	shalt  }
0x75: {  	_ =	shalt  }
0x76: {  	_ =	shalt  }
0x77: {  	_ =	shalt  }
0x78: {  	_ =	shalt  }
0x79: {  	_ =	shalt  }
0x7a: {  	_ =	shalt  }
0x7b: {  	_ =	shalt  }
0x7c: {  	_ =	shalt  }
0x7d: {  	_ =	shalt  }
0x7e: {  	_ =	shalt  }
0x7f: {  	_ =	shalt  }
0x80: {  	_ =	shalt  }
0x81: {  	_ =	shalt  }
0x82: {  	_ =	shalt  }
0x83: {  	_ =	shalt  }
0x84: {  	_ =	shalt  }
0x85: {  	_ =	shalt  }
0x86: {  	_ =	shalt  }
0x87: {  	_ =	shalt  }
.Lfunc_end0:
.L_simem_size_0:
called_computation.2_lowered:
.L_overlay_start_0:
0x88: {  	s2 =	sld [smem:$0x3FD9]  }
0x89: {  	s3 =	sld [smem:$0x3FFE];
	_ =	sdelay $0x1  }
0x8a: {  	s1 =	srdreg.scid  }
0x8b: {  	s0 =	sand.u32 $0x1, s1  }
0x8c: {  	s14 =	sshll.u32 s0, $0xA;
	s2 =	sadd.s32 s3, s2  }
0x8d: {  	s2 =	sadd.s32 s2, s14  }
0x8e: {  	[smem:$0x3FBF] =	sst s2  }
0x8f: {  	_ = 	snop  }
0x90: {  	s2 =	sld [smem:$0x3FD0];
	_ =	sdelay $0x2  }
0x91: {  	s15 =	simm.s32 $0xA;
	s4 =	simm.s32 $0x10  }
0x92: {  	[smem:s4], [sflag:s15] =	dma.local [hbm:s2], $0x1  }
0x93: {  	_ =	swait.eq [sflag:s15], $0x1  }
0x94: {  	[sflag:s15] =	ssyncset.done $0x0  }
0x95: {  	[sflag:s15] =	ssyncadd.s32 $0xFFFFFFFF  }
0x96: {  	s16 =	sld [smem:$0x11];
	(tm) =	ssettm $0x1  }
0x97: {  	s17 =	sld [smem:$0x3FFB];
	_ =	sdelay $0x3  }
0x98: {  	_ =	strace s17  }
0x99: {  	s3 =	sld [smem:$0x3FFC];
	_ =	sdelay $0x3  }
0x9a: {  	_ =	strace s3  }
0x9b: {  	s3 =	sld [smem:$0x3FFD];
	_ =	sdelay $0x3  }
0x9c: {  	_ =	strace s3  }
0x9d: {  	_ =	strace $0x8FFFFFFF  }
0x9e: {  	s18 =	sld [smem:$0x3FDB];
	_ =	sdelay $0x1  }
0x9f: {  	s19 =	simm.s32 $_scs_section_size  }
0xa0: {  	s5 =	simm.s32 $_size__tile_overlayer_lowered;
	s6 =	simm.s32 $_tile_overlayer_lowered  }
0xa1: {  	s22 =	simm.s32 $0x1BFF;
	s21 =	sshll.u32 s6, $0x1;
	s3 =	sadd.s32 s19, s18  }
0xa2: {  	s7 =	simm.s32 $0x0;
	s20 =	sshll.u32 s5, $0x1;
	s5 =	sadd.s32 s21, s3  }
0xa3: {  	[timem:s7], [sflag:s22] =	dma.local [hbm:s5], s20  }
0xa4: {  	_ =	swait.ge [sflag:s22], s20  }
0xa5: {  	s4 =	ssub.s32 $0x0, s20;
	[sflag:s22] =	ssyncset.done $0x0  }
0xa6: {  	[sflag:s22] =	ssyncadd.s32 s4;
	_ =	sdelay $0x1  }
0xa7: {  	s23 =	simm.s32 $0x1B8B  }
0xa8: {  	_ =	swait.ge [sflag:s23], $0x1  }
0xa9: {  	[sflag:s23] =	ssyncset.done $0x0  }
0xaa: {  	s25 =	simm.s32 $0x1B8E;
	s24 =	sld [smem:$0x3FFE];
	[sflag:s23] =	ssyncadd.s32 $0xFFFFFFFF  }
0xab: {  	s26 =	simm.s32 $execute0_lowered;
	[smem:$0x3FD2] =	sst s25  }
0xac: {  	s5 =	sshll.u32 s26, $0x1;
	_ =	strace $0x8000004C;
	[dreg:$0x1] =	wrdreg $0xFFFFFFFF  }
0xad: {  	s28 =	simm.s32 $_size_execute0_lowered;
	s3 =	sadd.s32 s3, s5;
	[dreg:$0x0] =	wrdreg $0x0  }
0xae: {  	s5 =	sshll.u32 s28, $0x1;
	[dreg:$0x2] =	wrdreg s3  }
0xaf: {  	[dreg:$0x3] =	wrdreg s5  }
0xb0: {  	[dreg:$0x4] =	wrdreg $0xC0  }
0xb1: {  	_ =	task [dreg:s7], $0x5FFFF  }
0xb2: {  	[dreg:$0x1] =	wrdreg $0xFFFFFFFF  }
0xb3: {  	[dreg:$0x0] =	wrdreg $0x60  }
0xb4: {  	[dreg:$0x2] =	wrdreg s24  }
0xb5: {  	[dreg:$0x3] =	wrdreg s16  }
0xb6: {  	[dreg:$0x4] =	wrdreg $0xB8000  }
0xb7: {  	[dreg:$0x5] =	wrdreg $0x9  }
0xb8: {  	_ =	task.clear_ibuf [dreg:s7], $0x6FFFF;
	_ =	strace $0x9000004C  }
0xb9: {  	s29 =	simm.s32 $0x9;
	_ =	strace $0x8000004E  }
0xba: {  	_ =	swait.ge [sflag:s29], $0x1  }
0xbb: {  	[sflag:s29] =	ssyncadd.s32 $0xFFFFFFFF  }
0xbc: {  	_ =	strace $0x9000004E  }
0xbd: {  	_ =	sfence  }
0xbe: {  	s30 =	sld [smem:$0x0];
	_ =	sdelay $0x2  }
0xbf: {  	s31 =	sshll.u32 s1, $0xD;
	s1 =	sshrl.u32 s1, $0x2  }
0xc0: {  	s3 =	sand.u32 $0x4000, s31;
	s1 =	sadd.s32 s1, s30  }
0xc1: {  	s0 =	sor.u32 s3, s0;
	s1 =	sshll.u32 s1, $0x11  }
0xc2: {  	s0 =	sor.u32 s1, s0  }
0xc3: {  	s0 =	sadd.s32 $0x8F2B, s0  }
0xc4: {  	[sflag:s0] =	ssyncadd.remote.s32 $0x1  }
0xc5: {  	_ =	sfence.sel $0xFFFF  }
0xc6: {  	[dreg:$0x0] =	wrdreg $0xFFFFFFFF;
	(pc) =	sbr.abs _section_cstart, $3  }
0xc7: {  	[dreg:$0x1] =	wrdreg $0xFFFFFFFF  }
0xc8: {  	_ =	task.clear_ibuf [dreg:s7], $0x2FFFF;
	_ =	strace $0x9FFFFFFF  }
0xc9: {  	(tm) =	ssettm $0x7FFFFFFF  }
tec
execute0_lowered:
.L_overlay_start_1:
0x0: {  	(tag) =	ssettag $0x1  }
0x1: {  	s3 =	rddreg [dreg:$0x0]  }
0x2: {  	s1 =	rddreg [dreg:$0x1];
	s0 =	srdreg.scid  }
0x3: {  	s2 =	simm.s32 $0x0;
	s18 =	stileid.u32;
	s4 =	sand.u32 $0x1, s0  }
0x4: {  	s20 =	sshll.u32 s18, $0x1;
	s6 =	smul.u32 $0x14000, s18;
	[smem:$0x7FF] =	sst s2  }
0x5: {  	s8 =	sadd.s32 $0x35400, s3;
	s5 =	ssub.s32 $0x2, s4;
	s7 =	sor.u32 s4, s20  }
0x6: {  	s4 =	smul.u32 $0x140000, s4;
	s21 =	sshrl.u32 s5, $0x1;
	s9 =	sadd.s32 $0x4000, s6  }
0x7: {  	s10 =	sadd.s32 $0x6000, s6;
	s11 =	sadd.s32 $0x8000, s6;
	s12 =	sadd.s32 $0xA000, s6  }
0x8: {  	s14 =	sadd.s32 $0xC000, s6;
	s16 =	sadd.s32 $0xE000, s6;
	s17 =	sadd.s32 $0x10000, s6  }
0x9: {  	s28 =	sadd.s32 $0x12000, s6;
	s0 =	ssub.s32 s5, s21;
	s5 =	sor.u32 $0x2000, s6  }
0xa: {  	s6 =	sadd.s32 s6, s4;
	s15 =	sadd.s32 s4, s9;
	s24 =	sadd.s32 s4, s10  }
0xb: {  	s25 =	sadd.s32 s4, s11;
	s26 =	sadd.s32 s4, s12;
	s19 =	sadd.s32 s4, s14  }
0xc: {  	s20 =	sadd.s32 s4, s16;
	s21 =	sadd.s32 s4, s17;
	s13 =	sadd.s32 s4, s5  }
0xd: {  	s6 =	sshrl.u32 s6, $0x3;
	s15 =	sshrl.u32 s15, $0x3;
	s4 =	sadd.s32 s4, s28  }
0xe: {  	s0 =	smax.u32 s0, $0x1;
	s13 =	sshrl.u32 s13, $0x3;
	s6 =	sadd.s32 s8, s6  }
0xf: {  	s23 =	sadd.s32 s8, s15;
	s15 =	sshrl.u32 s26, $0x3;
	[dreg:$0x4] =	wrdreg s6  }
0x10: {  	s4 =	sshrl.u32 s4, $0x3;
	s22 =	sadd.s32 s8, s13;
	[dreg:$0x6] =	wrdreg s23  }
0x11: {  	s6 =	sshrl.u32 s24, $0x3;
	s15 =	sadd.s32 s8, s15;
	[dreg:$0x5] =	wrdreg s22  }
0x12: {  	s13 =	sshrl.u32 s25, $0x3;
	s4 =	sadd.s32 s8, s4;
	[dreg:$0x9] =	wrdreg s15  }
0x13: {  	s24 =	smul.u32 $0x4E2, s7;
	s6 =	sadd.s32 s8, s6;
	[dreg:$0xd] =	wrdreg s4  }
0x14: {  	s25 =	smul.u32 $0x50000, s18;
	s13 =	sadd.s32 s8, s13;
	[dreg:$0x7] =	wrdreg s6  }
0x15: {  	s15 =	sshrl.u32 s21, $0x3;
	[dreg:$0x8] =	wrdreg s13;
	s6 =	sshrl.u32 s19, $0x3  }
0x16: {  	s13 =	sshrl.u32 s20, $0x3;
	s23 =	sadd.s32 s8, s15;
	s26 =	sadd.s32 s24, s3  }
0x17: {  	s15 =	sadd.s32 $0xD000, s3;
	s24 =	smul.u32 $0x5000, s7;
	[dreg:$0xc] =	wrdreg s23  }
0x18: {  	s6 =	sadd.s32 s8, s6;
	s22 =	sadd.s32 s8, s13;
	s13 =	rddreg [dreg:$0x2]  }
0x19: {  	s7 =	simm.s32 $0x5800;
	s23 =	sadd.s32 $0x3000, s3;
	[dreg:$0xa] =	wrdreg s6  }
0x1a: {  	s3 =	sadd.s32 $0x35000, s3;
	s4 =	sadd.s32 $0x3200, s26;
	[dreg:$0xb] =	wrdreg s22  }
0x1b: {  	s22 =	sshrl.u32 s25, $0x2;
	s18 =	sadd.s32 s5, s13;
	s19 =	sadd.s32 s9, s13  }
0x1c: {  	s10 =	sadd.s32 s10, s13;
	s20 =	sadd.s32 s11, s13;
	s29 =	sadd.s32 s12, s13  }
0x1d: {  	s30 =	sadd.s32 s14, s13;
	_ =	strace $0x8000004D;
	[dreg:$0xe] =	wrdreg s23  }
0x1e: {  	s16 =	sadd.s32 s16, s13;
	s17 =	sadd.s32 s17, s13;
	[dreg:$0xf] =	wrdreg s3  }
0x1f: {  	s25 =	sshrl.u32 s24, $0x3;
	s21 =	sadd.s32 s28, s13;
	[dreg:$0x13] =	wrdreg s4  }
0x20: {  	s31 =	sor.u32 $0x800, s24;
	s5 =	simm.s32 $0x1;
	[dreg:$0x15] =	wrdreg s0  }
0x21: {  	s6 =	simm.s32 $0x40;
	s9 =	simm.s32 $0x2;
	[dreg:$0x10] =	wrdreg s16  }
0x22: {  	s11 =	simm.s32 $0x3;
	s12 =	simm.s32 $0x4;
	[dreg:$0x11] =	wrdreg s17  }
0x23: {  	s14 =	simm.s32 $0x0;
	s26 =	sadd.s32 s1, s25;
	[dreg:$0x12] =	wrdreg s21  }
0x24: {  	s8 =	sadd.s32 s22, s13;
	[dreg:$0x14] =	wrdreg s26;
	s28 =	sadd.s32 $0x100, s26  }
0x25: {  	s3 =	simm.s32 $0x3800;
	s4 =	simm.s32 $0x6;
	[dreg:$0x16] =	wrdreg s28  }
.LBB2_1:
0x26: {  	s0 =	rddreg [dreg:$0xf]  }
0x27: {  	[tilespmem:s3], [sflag:$0x6] =	stream.linear.gather [hbm4b:s0+s2], $0x2000, $0x38;
	[tilespmem:$0x1F800] =	vst v63  }
0x28: {  	_ =	swait.ge [sflag:s4], $0x2000  }
0x29: {  	[sflag:s4] =	ssyncset.done $0x0  }
0x2a: {  	[sflag:s4] =	ssyncadd.s32 $0xFFFFE000  }
0x2b: {  	[spmem:s8] =	stream.linear.scatter [tilespmem:s3], [sflag:$0x1], $0x2000, $0x38;
	[tilespmem:$0x1F800] =	vst v63  }
0x2c: {  	_ = 	snop  }
0x2d: {  	[spmem:s18] =	stream.linear.scatter [tilespmem:s3], [sflag:$0x1], $0x2000, $0x38;
	[tilespmem:$0x1F800] =	vst v63  }
0x2e: {  	_ = 	snop  }
0x2f: {  	[spmem:s19] =	stream.linear.scatter [tilespmem:s3], [sflag:$0x1], $0x2000, $0x38;
	[tilespmem:$0x1F800] =	vst v63  }
0x30: {  	_ = 	snop  }
0x31: {  	[spmem:s10] =	stream.linear.scatter [tilespmem:s3], [sflag:$0x1], $0x2000, $0x38;
	[tilespmem:$0x1F800] =	vst v63  }
0x32: {  	_ = 	snop  }
0x33: {  	[spmem:s20] =	stream.linear.scatter [tilespmem:s3], [sflag:$0x1], $0x2000, $0x38;
	[tilespmem:$0x1F800] =	vst v63  }
0x34: {  	_ = 	snop  }
0x35: {  	[spmem:s29] =	stream.linear.scatter [tilespmem:s3], [sflag:$0x1], $0x2000, $0x38;
	[tilespmem:$0x1F800] =	vst v63  }
0x36: {  	_ = 	snop  }
0x37: {  	[spmem:s30] =	stream.linear.scatter [tilespmem:s3], [sflag:$0x1], $0x2000, $0x38;
	[tilespmem:$0x1F800] =	vst v63  }
0x38: {  	_ = 	snop  }
0x39: {  	[spmem:s16] =	stream.linear.scatter [tilespmem:s3], [sflag:$0x1], $0x2000, $0x38;
	[tilespmem:$0x1F800] =	vst v63  }
0x3a: {  	_ = 	snop  }
0x3b: {  	[spmem:s17] =	stream.linear.scatter [tilespmem:s3], [sflag:$0x1], $0x2000, $0x38;
	[tilespmem:$0x1F800] =	vst v63  }
0x3c: {  	s0 =	smov.u32 s21  }
0x3d: {  	[spmem:s0] =	stream.linear.scatter [tilespmem:s3], [sflag:$0x1], $0x2000, $0x38;
	[tilespmem:$0x1F800] =	vst v63  }
0x3e: {  	s22 =	smov.u32 s18;
	s18 =	rddreg [dreg:$0x13]  }
0x3f: {  	[tilespmem:s2], [sflag:$0x6] =	stream.linear.gather [hbm4b:s18+s2], $0x2710, $0x38;
	[tilespmem:$0x1F800] =	vst v63  }
0x40: {  	_ =	swait.ge [sflag:s4], $0x2710  }
0x41: {  	s23 =	smov.u32 s19;
	s25 =	smov.u32 s20;
	[sflag:s4] =	ssyncset.done $0x0  }
0x42: {  	s20 =	simm.s32 $0x2710;
	s19 =	rddreg [dreg:$0xe];
	[sflag:s4] =	ssyncadd.s32 $0xFFFFD8F0  }
0x43: {  	[tilespmem:s20], [sflag:$0x6] =	stream.linear.gather [hbm4b:s19+s2], $0xF0, $0x38;
	[tilespmem:$0x1F800] =	vst v63  }
0x44: {  	_ =	swait.ge [sflag:s4], $0xF0  }
0x45: {  	s26 =	smov.u32 s29;
	s28 =	smov.u32 s30;
	[sflag:s4] =	ssyncset.done $0x0  }
0x46: {  	s30 =	simm.s32 $0x2800;
	s29 =	rddreg [dreg:$0x14];
	[sflag:s4] =	ssyncadd.s32 $0xFFFFFF10  }
0x47: {  	[tilespmem:s30], [sflag:$0x5] =	stream.linear.gather [hbm4b:s29+s2], $0x800, $0x38;
	[tilespmem:$0x1F800] =	vst v63  }
0x48: {  	_ =	swait.ge [sflag:s5], $0x2000  }
0x49: {  	[sflag:s5] =	ssyncset.done $0x0  }
0x4a: {  	[sflag:s5] =	ssyncadd.s32 $0xFFFFE000  }
0x4b: {  	_ =	swait.ge [sflag:s5], $0x2000  }
0x4c: {  	[sflag:s5] =	ssyncset.done $0x0  }
0x4d: {  	[sflag:s5] =	ssyncadd.s32 $0xFFFFE000  }
0x4e: {  	_ =	swait.ge [sflag:s5], $0x2000  }
0x4f: {  	[sflag:s5] =	ssyncset.done $0x0  }
0x50: {  	[sflag:s5] =	ssyncadd.s32 $0xFFFFE000  }
0x51: {  	_ =	swait.ge [sflag:s5], $0x2000  }
0x52: {  	[sflag:s5] =	ssyncset.done $0x0  }
0x53: {  	[sflag:s5] =	ssyncadd.s32 $0xFFFFE000  }
0x54: {  	_ =	swait.ge [sflag:s5], $0x2000  }
0x55: {  	[sflag:s5] =	ssyncset.done $0x0  }
0x56: {  	[sflag:s5] =	ssyncadd.s32 $0xFFFFE000  }
0x57: {  	_ =	swait.ge [sflag:s5], $0x2000  }
0x58: {  	[sflag:s5] =	ssyncset.done $0x0  }
0x59: {  	[sflag:s5] =	ssyncadd.s32 $0xFFFFE000  }
0x5a: {  	_ =	swait.ge [sflag:s5], $0x2000  }
0x5b: {  	[sflag:s5] =	ssyncset.done $0x0  }
0x5c: {  	[sflag:s5] =	ssyncadd.s32 $0xFFFFE000  }
0x5d: {  	_ =	swait.ge [sflag:s5], $0x2000  }
0x5e: {  	[sflag:s5] =	ssyncset.done $0x0  }
0x5f: {  	[sflag:s5] =	ssyncadd.s32 $0xFFFFE000  }
0x60: {  	_ =	swait.ge [sflag:s5], $0x2000  }
0x61: {  	[sflag:s5] =	ssyncset.done $0x0  }
0x62: {  	[sflag:s5] =	ssyncadd.s32 $0xFFFFE000  }
0x63: {  	_ =	swait.ge [sflag:s5], $0x2000  }
0x64: {  	[sflag:s5] =	ssyncset.done $0x0  }
0x65: {  	[sflag:s5] =	ssyncadd.s32 $0xFFFFE000  }
0x66: {  	[bflag:$0x0] =	sbarrier.arrive $0xFFFF  }
0x67: {  	[tilespmem:s3], [sflag:$0x1] =	stream.indirect.gather [hbm4b:s15+s6], $0x80, s2, s6, $0xb8;
	[tilespmem:$0x1F800] =	vst v63  }
0x68: {  	s24 =	smov.u32 s10;
	p2 =	por $0x0, $0x0  }
0x69: {  	[tilespmem:s7], [sflag:$0x2] =	stream.indirect.gather [hbm4b:s15+s6], $0x80, s6, s6, $0xb8;
	[tilespmem:$0x1F800] =	vst v63  }
0x6a: {  	s10 =	simm.s32 $0x80;
	s16 =	simm.s32 $0x7800;
	s17 =	simm.s32 $0x5  }
0x6b: {  	[tilespmem:s16], [sflag:$0x3] =	stream.indirect.gather [hbm4b:s15+s6], $0x80, s10, s6, $0xb8;
	[tilespmem:$0x1F800] =	vst v63  }
0x6c: {  	p1 =	por $0x1, $0x1;
	s21 =	smov.u32 s8;
	_ =	swait.ge [sflag:s17], $0x800  }
0x6d: {  	s19 =	simm.s32 $0x3000;
	s29 =	sand.u32 $0x3, s2;
	[sflag:s17] =	ssyncset.done $0x0  }
0x6e: {  	s18 =	rddreg [dreg:$0x16];
	[sflag:s17] =	ssyncadd.s32 $0xFFFFF800;
	s17 =	simm.s32 @!p2 $0xFFFFFFFF  }
0x6f: {  	[tilespmem:s19], [sflag:$0x5] =	stream.linear.gather [hbm4b:s18+s2], $0x800, $0x38;
	[tilespmem:$0x1F800] =	vst v63  }
0x70: {  	s30 =	simm.s32 @!p2 $0x40;
	s10 =	sand.u32 $0xF, s2;
	s17 =	sand.u32 @!p2 $0x3, s17  }
0x71: {  	s16 =	simm.s32 $0xC0;
	p3 =	sne.s32 @!p1 s10, $0x0;
	s0 =	sshll.u32 @!p2 s17, $0xD  }
0x72: {  	p0 =	por p3, p1;
	s17 =	sadd.s32 @!p2 $0x1, s17;
	s0 =	sadd.s32 @!p2 $0x3800, s0  }
0x73: {  	[tilespmem:s0], [sflag:s17] =	stream.indirect.gather @!p2 [hbm4b:s15+s30], $0x80, s16, s30, $0xb8;
	[tilespmem:$0x1F800] =	vst v63  }
0x74: {  	s20 =	sadd.s32 $0x1, s29;
	s18 =	simm.s32 $0x0;
	p2 =	por @!p0 $0x0, $0x0  }
0x75: {  	s0 =	simm.s32 @!p0 $0x5;
	_ =	swait.ge [sflag:s20], $0x2000;
	p2 =	por @!p1 p2, p3  }
0x76: {  	s17 =	sand.u32 $0x1, s18;
	[sflag:s20] =	ssyncset.done $0x0;
	p1 =	por p2, p1  }
0x77: {  	s19 =	sshll.u32 s17, $0xB;
	[sflag:s20] =	ssyncadd.s32 $0xFFFFE000;
	s8 =	sshll.u32 @!p1 s17, $0xB  }
0x78: {  	s30 =	sadd.s32 @!p1 $0x0, s31;
	s20 =	sshll.u32 s10, $0x7;
	_ =	swait.ge @!p0 [sflag:s0], $0x800  }
0x79: {  	s8 =	ssub.s32 @!p1 $0x3000, s8;
	s30 =	sshrl.u32 @!p1 s30, $0x3;
	[sflag:s0] =	ssyncset.done @!p0 $0x0  }
0x7a: {  	s30 =	sadd.s32 @!p1 s1, s30;
	[sflag:s0] =	ssyncadd.s32 @!p0 $0xFFFFF800;
	s0 =	simm.s32 @!p1 $0x0  }
0x7b: {  	[tilespmem:s8], [sflag:$0x5] =	stream.linear.gather @!p1 [hbm4b:s30+s0], $0x800, $0x38;
	[tilespmem:$0x1F800] =	vst v63  }
0x7c: {  	s0 =	sor.u32 s20, s19;
	s30 =	sshll.u32 s29, $0xD  }
0x7d: {  	s17 =	simm.s32 $0x1;
	s8 =	sadd.s32 $0x3800, s30;
	s0 =	sadd.s32 $0x2800, s0  }
0x7e: {  	[spmem:s13] =	stream.indirect.scatter.add.f32 [tilespmem:s8], [sflag:$0x6], $0x80, s0, s6, $0xb8;
	[tilespmem:$0x1F800] =	vst v63  }
.LBB2_2:
0x7f: {  	_ =	swait.ge [sflag:s4], $0x2000  }
0x80: {  	s16 =	sadd.s32 $0x40, s16;
	s0 =	smov.u32 s17;
	s17 =	sadd.s32 $0x1, s17  }
0x81: {  	p0 =	sne.s32 s17, $0xA0;
	[sflag:s4] =	ssyncset.done $0x0  }
0x82: {  	p3 =	sgt.u32 s0, $0x9C;
	s8 =	sand.u32 $0x3, s0;
	[sflag:s4] =	ssyncadd.s32 $0xFFFFE000  }
0x83: {  	p2 =	slt.u32 s0, $0x10;
	s29 =	sand.u32 $0xF, s0;
	s10 =	sadd.s32 @!p3 $0xFFFFFFFF, s0  }
0x84: {  	s30 =	sshll.u32 s8, $0xD;
	p4 =	sne.s32 @!p2 s29, $0x0;
	s10 =	sand.u32 @!p3 $0x3, s10  }
0x85: {  	s19 =	simm.s32 @!p3 $0x40;
	s18 =	sshll.u32 @!p3 s10, $0xD;
	s10 =	sadd.s32 @!p3 $0x1, s10  }
0x86: {  	s8 =	sadd.s32 $0x1, s8;
	p1 =	por p4, p2;
	s18 =	sadd.s32 @!p3 $0x3800, s18  }
0x87: {  	s20 =	simm.s32 @!p1 $0x5;
	p5 =	sgt.u32 @!p1 s0, $0x8F;
	s0 =	sshrl.u32 s0, $0x4  }
0x88: {  	[tilespmem:s18], [sflag:s10] =	stream.indirect.gather @!p3 [hbm4b:s15+s19], $0x80, s16, s19, $0xb8;
	[tilespmem:$0x1F800] =	vst v63  }
0x89: {  	p3 =	por @!p2 p5, p4;
	s10 =	sand.u32 $0x1, s0;
	_ =	swait.ge [sflag:s8], $0x2000  }
0x8a: {  	s19 =	sshll.u32 s29, $0x7;
	p2 =	por p3, p2;
	[sflag:s8] =	ssyncset.done $0x0  }
0x8b: {  	s0 =	sshll.u32 @!p2 s0, $0xB;
	[sflag:s8] =	ssyncadd.s32 $0xFFFFE000;
	s8 =	sshll.u32 @!p2 s10, $0xB  }
0x8c: {  	s0 =	sadd.s32 @!p2 s0, s31;
	_ =	swait.ge @!p1 [sflag:s20], $0x800;
	s8 =	ssub.s32 @!p2 $0x3000, s8  }
0x8d: {  	s18 =	simm.s32 @!p2 $0x0;
	s0 =	sshrl.u32 @!p2 s0, $0x3;
	[sflag:s20] =	ssyncset.done @!p1 $0x0  }
.Ltmp0:
0x8e: {  	s10 =	sshll.u32 s10, $0xB;
	s0 =	sadd.s32 @!p2 s1, s0;
	(pc) =	sbr.rel @p0 .LBB2_2-.Ltmp0, $4  }
0x8f: {  	s10 =	sor.u32 s19, s10;
	[sflag:s20] =	ssyncadd.s32 @!p1 $0xFFFFF800  }
0x90: {  	[tilespmem:s8], [sflag:$0x5] =	stream.linear.gather @!p2 [hbm4b:s0+s18], $0x800, $0x38;
	[tilespmem:$0x1F800] =	vst v63  }
0x91: {  	s0 =	sadd.s32 $0x3800, s30;
	s8 =	sadd.s32 $0x2800, s10  }
0x92: {  	[spmem:s13] =	stream.indirect.scatter.add.f32 [tilespmem:s0], [sflag:$0x6], $0x80, s8, s6, $0xb8;
	[tilespmem:$0x1F800] =	vst v63  }
0x93: {  	_ =	swait.ge [sflag:s4], $0x2000  }
0x94: {  	[sflag:s4] =	ssyncset.done $0x0  }
0x95: {  	[sflag:s4] =	ssyncadd.s32 $0xFFFFE000  }
0x96: {  	[bflag:$0x0] =	sbarrier.arrive $0xFFFF  }
0x97: {  	[tilespmem:s3], [sflag:$0x1] =	stream.linear.gather [spmem:s21], $0x2000, $0x38;
	[tilespmem:$0x1F800] =	vst v63  }
0x98: {  	_ =	swait.ge [sflag:s5], $0x2000  }
0x99: {  	[sflag:s5] =	ssyncset.done $0x0  }
0x9a: {  	[sflag:s5] =	ssyncadd.s32 $0xFFFFE000  }
0x9b: {  	[tilespmem:s7], [sflag:$0x2] =	stream.linear.gather [spmem:s22], $0x2000, $0x38;
	[tilespmem:$0x1F800] =	vst v63  }
0x9c: {  	s0 =	rddreg [dreg:$0x4]  }
0x9d: {  	[hbm4b:s0+s2] =	stream.linear.scatter [tilespmem:s3], [sflag:$0x3], $0x2000, $0x38;
	[tilespmem:$0x1F800] =	vst v63  }
0x9e: {  	_ =	swait.ge [sflag:s9], $0x2000  }
0x9f: {  	[sflag:s9] =	ssyncset.done $0x0  }
0xa0: {  	[sflag:s9] =	ssyncadd.s32 $0xFFFFE000  }
0xa1: {  	_ =	swait.ge [sflag:s11], $0x2000  }
0xa2: {  	[sflag:s11] =	ssyncset.done $0x0  }
0xa3: {  	[sflag:s11] =	ssyncadd.s32 $0xFFFFE000  }
0xa4: {  	[tilespmem:s3], [sflag:$0x1] =	stream.linear.gather [spmem:s23], $0x2000, $0x38;
	[tilespmem:$0x1F800] =	vst v63  }
0xa5: {  	s10 =	rddreg [dreg:$0x5]  }
0xa6: {  	[hbm4b:s10+s2] =	stream.linear.scatter [tilespmem:s7], [sflag:$0x4], $0x2000, $0x38;
	[tilespmem:$0x1F800] =	vst v63  }
0xa7: {  	_ =	swait.ge [sflag:s5], $0x2000  }
0xa8: {  	[sflag:s5] =	ssyncset.done $0x0  }
0xa9: {  	[sflag:s5] =	ssyncadd.s32 $0xFFFFE000  }
0xaa: {  	_ =	swait.ge [sflag:s12], $0x2000  }
0xab: {  	[sflag:s12] =	ssyncset.done $0x0  }
0xac: {  	[sflag:s12] =	ssyncadd.s32 $0xFFFFE000  }
0xad: {  	[tilespmem:s7], [sflag:$0x2] =	stream.linear.gather [spmem:s24], $0x2000, $0x38;
	[tilespmem:$0x1F800] =	vst v63  }
0xae: {  	s16 =	rddreg [dreg:$0x6]  }
0xaf: {  	[hbm4b:s16+s2] =	stream.linear.scatter [tilespmem:s3], [sflag:$0x3], $0x2000, $0x38;
	[tilespmem:$0x1F800] =	vst v63  }
0xb0: {  	_ =	swait.ge [sflag:s9], $0x2000  }
0xb1: {  	[sflag:s9] =	ssyncset.done $0x0  }
0xb2: {  	[sflag:s9] =	ssyncadd.s32 $0xFFFFE000  }
0xb3: {  	_ =	swait.ge [sflag:s11], $0x2000  }
0xb4: {  	[sflag:s11] =	ssyncset.done $0x0  }
0xb5: {  	[sflag:s11] =	ssyncadd.s32 $0xFFFFE000  }
0xb6: {  	[tilespmem:s3], [sflag:$0x1] =	stream.linear.gather [spmem:s25], $0x2000, $0x38;
	[tilespmem:$0x1F800] =	vst v63  }
0xb7: {  	s17 =	rddreg [dreg:$0x7]  }
0xb8: {  	[hbm4b:s17+s2] =	stream.linear.scatter [tilespmem:s7], [sflag:$0x4], $0x2000, $0x38;
	[tilespmem:$0x1F800] =	vst v63  }
0xb9: {  	_ =	swait.ge [sflag:s5], $0x2000  }
0xba: {  	[sflag:s5] =	ssyncset.done $0x0  }
0xbb: {  	[sflag:s5] =	ssyncadd.s32 $0xFFFFE000  }
0xbc: {  	_ =	swait.ge [sflag:s12], $0x2000  }
0xbd: {  	[sflag:s12] =	ssyncset.done $0x0  }
0xbe: {  	[sflag:s12] =	ssyncadd.s32 $0xFFFFE000  }
0xbf: {  	[tilespmem:s7], [sflag:$0x2] =	stream.linear.gather [spmem:s26], $0x2000, $0x38;
	[tilespmem:$0x1F800] =	vst v63  }
0xc0: {  	s8 =	smov.u32 s21;
	s21 =	rddreg [dreg:$0x8]  }
0xc1: {  	[hbm4b:s21+s2] =	stream.linear.scatter [tilespmem:s3], [sflag:$0x3], $0x2000, $0x38;
	[tilespmem:$0x1F800] =	vst v63  }
0xc2: {  	_ =	swait.ge [sflag:s9], $0x2000  }
0xc3: {  	[sflag:s9] =	ssyncset.done $0x0  }
0xc4: {  	[sflag:s9] =	ssyncadd.s32 $0xFFFFE000  }
0xc5: {  	_ =	swait.ge [sflag:s11], $0x2000  }
0xc6: {  	[sflag:s11] =	ssyncset.done $0x0  }
0xc7: {  	[sflag:s11] =	ssyncadd.s32 $0xFFFFE000  }
0xc8: {  	[tilespmem:s3], [sflag:$0x1] =	stream.linear.gather [spmem:s28], $0x2000, $0x38;
	[tilespmem:$0x1F800] =	vst v63  }
0xc9: {  	s18 =	smov.u32 s22;
	s22 =	rddreg [dreg:$0x9]  }
0xca: {  	[hbm4b:s22+s2] =	stream.linear.scatter [tilespmem:s7], [sflag:$0x4], $0x2000, $0x38;
	[tilespmem:$0x1F800] =	vst v63  }
0xcb: {  	_ =	swait.ge [sflag:s5], $0x2000  }
0xcc: {  	[sflag:s5] =	ssyncset.done $0x0  }
0xcd: {  	[sflag:s5] =	ssyncadd.s32 $0xFFFFE000  }
0xce: {  	_ =	swait.ge [sflag:s12], $0x2000  }
0xcf: {  	[sflag:s12] =	ssyncset.done $0x0  }
0xd0: {  	s16 =	rddreg [dreg:$0x10];
	[sflag:s12] =	ssyncadd.s32 $0xFFFFE000  }
0xd1: {  	[tilespmem:s7], [sflag:$0x2] =	stream.linear.gather [spmem:s16], $0x2000, $0x38;
	[tilespmem:$0x1F800] =	vst v63  }
0xd2: {  	s19 =	smov.u32 s23;
	s23 =	rddreg [dreg:$0xa]  }
0xd3: {  	[hbm4b:s23+s2] =	stream.linear.scatter [tilespmem:s3], [sflag:$0x3], $0x2000, $0x38;
	[tilespmem:$0x1F800] =	vst v63  }
0xd4: {  	_ =	swait.ge [sflag:s9], $0x2000  }
0xd5: {  	[sflag:s9] =	ssyncset.done $0x0  }
0xd6: {  	[sflag:s9] =	ssyncadd.s32 $0xFFFFE000  }
0xd7: {  	_ =	swait.ge [sflag:s11], $0x2000  }
0xd8: {  	[sflag:s11] =	ssyncset.done $0x0  }
0xd9: {  	s17 =	rddreg [dreg:$0x11];
	[sflag:s11] =	ssyncadd.s32 $0xFFFFE000  }
0xda: {  	[tilespmem:s3], [sflag:$0x1] =	stream.linear.gather [spmem:s17], $0x2000, $0x38;
	[tilespmem:$0x1F800] =	vst v63  }
0xdb: {  	s10 =	smov.u32 s24;
	s24 =	rddreg [dreg:$0xb]  }
0xdc: {  	[hbm4b:s24+s2] =	stream.linear.scatter [tilespmem:s7], [sflag:$0x4], $0x2000, $0x38;
	[tilespmem:$0x1F800] =	vst v63  }
0xdd: {  	_ =	swait.ge [sflag:s5], $0x2000  }
0xde: {  	[sflag:s5] =	ssyncset.done $0x0  }
0xdf: {  	[sflag:s5] =	ssyncadd.s32 $0xFFFFE000  }
0xe0: {  	_ =	swait.ge [sflag:s12], $0x2000  }
0xe1: {  	[sflag:s12] =	ssyncset.done $0x0  }
0xe2: {  	s21 =	rddreg [dreg:$0x12];
	[sflag:s12] =	ssyncadd.s32 $0xFFFFE000  }
0xe3: {  	[tilespmem:s7], [sflag:$0x2] =	stream.linear.gather [spmem:s21], $0x2000, $0x38;
	[tilespmem:$0x1F800] =	vst v63  }
0xe4: {  	s20 =	smov.u32 s25;
	s25 =	rddreg [dreg:$0xc]  }
0xe5: {  	[hbm4b:s25+s2] =	stream.linear.scatter [tilespmem:s3], [sflag:$0x3], $0x2000, $0x38;
	[tilespmem:$0x1F800] =	vst v63  }
0xe6: {  	_ =	swait.ge [sflag:s9], $0x2000  }
0xe7: {  	[sflag:s9] =	ssyncset.done $0x0  }
0xe8: {  	s29 =	smov.u32 s26;
	s26 =	rddreg [dreg:$0xd];
	[sflag:s9] =	ssyncadd.s32 $0xFFFFE000  }
0xe9: {  	[hbm4b:s26+s2] =	stream.linear.scatter [tilespmem:s7], [sflag:$0x4], $0x2000, $0x38;
	[tilespmem:$0x1F800] =	vst v63  }
0xea: {  	_ =	swait.ge [sflag:s11], $0x2000  }
0xeb: {  	[sflag:s11] =	ssyncset.done $0x0  }
0xec: {  	[sflag:s11] =	ssyncadd.s32 $0xFFFFE000  }
0xed: {  	_ =	swait.ge [sflag:s12], $0x2000  }
0xee: {  	s30 =	smov.u32 s28;
	s14 =	sadd.s32 $0x1, s14;
	s28 =	rddreg [dreg:$0x15]  }
0xef: {  	p0 =	sne.s32 s14, s28  }
.Ltmp1:
0xf0: {  	_ = 	snop;
	(pc) =	sbr.rel @p0 .LBB2_1-.Ltmp1, $3  }
0xf1: {  	_ =	sdelay $0x1  }
0xf2: {  	[sflag:s12] =	ssyncset.done $0x0  }
0xf3: {  	[sflag:s12] =	ssyncadd.s32 $0xFFFFE000  }
0xf4: {  	_ =	sfence.sel $0x180000  }
0xf5: {  	[bflag:$0x0] =	sbarrier.arrive $0xFFFF  }
0xf6: {  	_ =	strace $0x9000004D  }
0xf7: {  	s0 =	stileid.u32;
	[bflag:$0x2] =	sbarrier.arrive $0xFFFF  }
0xf8: {  	p0 =	sne.s32 s0, $0x0;
	s0 =	rddreg [dreg:$0x3]  }
0xf9: {  	s0 =	sadd.s32 @!p0 $0x100000, s0  }
0xfa: {  	[sflag:s0] =	ssyncadd.tile.s32 @!p0 $0x1;
	_ =	shalt  }
.Lfunc_end2:
_tile_overlayer_lowered:
.L_overlay_start_2:
0xfb: {  	(tag) =	ssettag $0x2  }
0xfc: {  	s0 =	rddreg [dreg:$0x0];
	s2 =	stileid.u32  }
0xfd: {  	s1 =	rddreg [dreg:$0x1];
	p0 =	sne.s32 s2, $0x0  }
0xfe: {  	s3 =	rddreg [dreg:$0x2];
	[bflag:$0x3] =	sbarrier.arrive $0xFFFF;
	s2 =	simm.s32 @!p0 $0x1C06  }
0xff: {  	[timem:s3], [sflag:s2] =	dma.local @!p0 [hbm:s0], s1  }
0x100: {  	s0 =	simm.s32 @!p0 $0x6  }
0x101: {  	_ =	swait.ge @!p0 [sflag:s0], s1  }
0x102: {  	s1 =	ssub.s32 @!p0 $0x0, s1;
	[sflag:s0] =	ssyncset.done @!p0 $0x0  }
0x103: {  	[sflag:s0] =	ssyncadd.s32 @!p0 s1  }
0x104: {  	[bflag:$0x3] =	sbarrier.arrive $0xFFFF  }
0x105: {  	_ =	shalt  }

</sc_bundles>
